<compile_context>
chip_gen: v7x
topology: tpu7x:2x2x1
jax: 0.10.2.dev20260603
libtpu: 0.0.44.dev20260713+nightly
codegen_flags: <defaults>
</compile_context>

<pallas_src>
import functools

import jax
import jax.numpy as jnp
from jax import lax
from jax.experimental import pallas as pl
from jax.experimental.pallas import tpu as pltpu
from jax.experimental.pallas import tpu_sc as plsc

F32 = jnp.float32
BF16 = jnp.bfloat16

N = 10000
E = 160000
M = 160000
FD = 128

NSPLIT = 5
MC = M // NSPLIT


NC, NS = 2, 16
NW = NC * NS
CH = 128
NCHUNK = MC // CH
ITERS = (NCHUNK + NW - 1) // NW
NP = 10112


def _sc_gather(nidx, eidx, feat, hu):
    mesh = plsc.VectorSubcoreMesh(core_axis_name="c", subcore_axis_name="s")

    @functools.partial(
        pl.kernel,
        mesh=mesh,
        out_type=(
            jax.ShapeDtypeStruct((MC, 128), F32),
            jax.ShapeDtypeStruct((MC, 128), jnp.int32),
        ),
        scratch_types=[
            pltpu.VMEM((CH,), jnp.int32),
            pltpu.VMEM((CH,), jnp.int32),
            pltpu.VMEM((CH, 128), F32),
            pltpu.VMEM((CH, 128), jnp.int32),
            pltpu.VMEM((CH,), jnp.int32),
            pltpu.VMEM((CH,), jnp.int32),
            pltpu.VMEM((CH, 128), F32),
            pltpu.VMEM((CH, 128), jnp.int32),
            pltpu.SemaphoreType.DMA,
            pltpu.SemaphoreType.DMA,
            pltpu.SemaphoreType.DMA,
            pltpu.SemaphoreType.DMA,
            pltpu.SemaphoreType.DMA,
            pltpu.SemaphoreType.DMA,
            pltpu.SemaphoreType.DMA,
            pltpu.SemaphoreType.DMA,
        ],
    )
    def gather_k(nidx_hbm, eidx_hbm, feat_hbm, hu_hbm,
                 fe_out, hu_out,
                 nv0, ev0, fv0, uv0, nv1, ev1, fv1, uv1,
                 sf0, sh0, wf0, wh0, sf1, sh1, wf1, wh1):
        wid = lax.axis_index("s") * NC + lax.axis_index("c")
        bufs = [(nv0, ev0, fv0, uv0, sf0, sh0, wf0, wh0),
                (nv1, ev1, fv1, uv1, sf1, sh1, wf1, wh1)]

        def load_and_fire(k, b):
            nv, ev, fv, uv, sf, sh, _, _ = bufs[b]
            c = wid + k * NW

            @pl.when(c < NCHUNK)
            def _():
                off = c * CH
                pltpu.sync_copy(nidx_hbm.at[pl.ds(off, CH)], nv)
                pltpu.sync_copy(eidx_hbm.at[pl.ds(off, CH)], ev)
                pltpu.async_copy(feat_hbm.at[ev], fv, sf)
                pltpu.async_copy(hu_hbm.at[nv], uv, sh)

        def wait_wb(k, b):
            _, _, fv, uv, _, _, wf, wh = bufs[b]
            c = wid + k * NW

            @pl.when(jnp.logical_and(c >= 0, c < NCHUNK))
            def _():
                off = c * CH
                pltpu.make_async_copy(
                    fv, fe_out.at[pl.ds(off, CH)], wf).wait()
                pltpu.make_async_copy(
                    uv, hu_out.at[pl.ds(off, CH)], wh).wait()

        def drain_and_store(k, b):
            nv, ev, fv, uv, sf, sh, wf, wh = bufs[b]
            c = wid + k * NW

            @pl.when(c < NCHUNK)
            def _():
                off = c * CH
                pltpu.make_async_copy(feat_hbm.at[ev], fv, sf).wait()
                pltpu.make_async_copy(hu_hbm.at[nv], uv, sh).wait()
                pltpu.async_copy(fv, fe_out.at[pl.ds(off, CH)], wf)
                pltpu.async_copy(uv, hu_out.at[pl.ds(off, CH)], wh)

        load_and_fire(0, 0)

        def outer(k2, carry):
            for b in (0, 1):
                k = k2 * 2 + b
                wait_wb(k - 1, 1 - b)
                load_and_fire(k + 1, 1 - b)
                drain_and_store(k, b)
            return carry

        lax.fori_loop(0, (ITERS + 1) // 2, outer, 0)

        wait_wb(ITERS - 1, (ITERS - 1) % 2)

    return gather_k(nidx, eidx, feat, hu)



MB = 2000
NBLK = MC // MB


def _mlp_body(fe_ref, hu_ref,
              wpt_ref, bphi_ref,
              w1a_ref, w1b_ref, w1cl_ref, w1ch_ref, b1_ref,
              w2_ref, b2_ref, w3_ref, b3_ref,
              av_out, psum_out, acc_ref):
    i = pl.program_id(0)

    @pl.when(i == 0)
    def _():
        acc_ref[...] = jnp.zeros_like(acc_ref)

    ae = (jnp.dot(fe_ref[...], wpt_ref[...], preferred_element_type=F32)
          + bphi_ref[...])
    hu32 = hu_ref[...]
    hg = jax.lax.bitcast_convert_type(hu32, F32)[:, 0:64]
    up = hu32[:, 64:128]
    ul = jax.lax.bitcast_convert_type(up << 16, F32)
    uh = jax.lax.bitcast_convert_type(up & jnp.int32(-65536), F32)
    re = jnp.maximum(ae, 0.0)
    ah = ae * hg
    n2 = jnp.sum(ah * ah, axis=1, keepdims=True)
    ah = ah / jnp.maximum(jnp.sqrt(n2), 1e-12)

    acc_ref[...] += jnp.concatenate(
        [re.sum(axis=0, keepdims=True),
         ah.sum(axis=0, keepdims=True),
         ul.sum(axis=0, keepdims=True),
         uh.sum(axis=0, keepdims=True)], axis=1)

    x = (jnp.dot(re, w1a_ref[...], preferred_element_type=F32)
         + jnp.dot(ah, w1b_ref[...], preferred_element_type=F32)
         + jnp.dot(ul, w1cl_ref[...], preferred_element_type=F32)
         + jnp.dot(uh, w1ch_ref[...], preferred_element_type=F32)
         + b1_ref[...])
    x = jnp.maximum(x, 0.0)
    x = jnp.maximum(
        jnp.dot(x, w2_ref[...], preferred_element_type=F32) + b2_ref[...], 0.0)
    av_out[...] = (jnp.dot(x, w3_ref[...], preferred_element_type=F32)
                   + b3_ref[...])

    @pl.when(i == NBLK - 1)
    def _():
        psum_out[...] = acc_ref[...]


def _mlp(fe, hu, wpt, bphi_row, w1a, w1b, w1cl, w1ch, b1_row, w2t, b2_row,
         w3t, b3_11):
    return pl.pallas_call(
        _mlp_body,
        grid=(NBLK,),
        in_specs=[
            pl.BlockSpec((MB, 128), lambda i: (i, 0)),
            pl.BlockSpec((MB, 128), lambda i: (i, 0)),
            pl.BlockSpec((128, 64), lambda i: (0, 0)),
            pl.BlockSpec((1, 64), lambda i: (0, 0)),
            pl.BlockSpec((64, 64), lambda i: (0, 0)),
            pl.BlockSpec((64, 64), lambda i: (0, 0)),
            pl.BlockSpec((64, 64), lambda i: (0, 0)),
            pl.BlockSpec((64, 64), lambda i: (0, 0)),
            pl.BlockSpec((1, 64), lambda i: (0, 0)),
            pl.BlockSpec((64, 64), lambda i: (0, 0)),
            pl.BlockSpec((1, 64), lambda i: (0, 0)),
            pl.BlockSpec((64, 1), lambda i: (0, 0)),
            pl.BlockSpec((1, 1), lambda i: (0, 0)),
        ],
        out_specs=[
            pl.BlockSpec((MB, 1), lambda i: (i, 0)),
            pl.BlockSpec((1, 256), lambda i: (0, 0)),
        ],
        out_shape=[
            jax.ShapeDtypeStruct((MC, 1), F32),
            jax.ShapeDtypeStruct((1, 256), F32),
        ],
        scratch_shapes=[pltpu.VMEM((1, 256), F32)],
    )(fe, hu, wpt, bphi_row, w1a, w1b, w1cl, w1ch, b1_row, w2t, b2_row, w3t,
      b3_11)




def _value_body(ps_ref, wv_ref, bv_ref, val_out):
    mean = jnp.sum(ps_ref[...], axis=0, keepdims=True) * (1.0 / M)
    val_out[...] = (jnp.dot(mean, wv_ref[...], preferred_element_type=F32)
                    + bv_ref[...])


def _value(psums, wvt, bv_11):
    return pl.pallas_call(
        _value_body,
        in_specs=[
            pl.BlockSpec((NSPLIT, 256), lambda: (0, 0)),
            pl.BlockSpec((256, 1), lambda: (0, 0)),
            pl.BlockSpec((1, 1), lambda: (0, 0)),
        ],
        out_specs=pl.BlockSpec((1, 1), lambda: (0, 0)),
        out_shape=jax.ShapeDtypeStruct((1, 1), F32),
    )(psums, wvt, bv_11)


def kernel(h, cand_edge_feat, u_1, c_adj, j,
           W_phi, b_phi, W1, b1, W2, b2, W3, b3, Wv, bv):
    nidx = c_adj[0]
    eidx = c_adj[1] - j

    h_bits = jax.lax.bitcast_convert_type(h, jnp.int32)
    lo_bits = jax.lax.bitcast_convert_type(
        u_1[:, 0:64].astype(BF16), jnp.uint16).astype(jnp.uint32)
    hi_bits = jax.lax.bitcast_convert_type(
        u_1[:, 64:128].astype(BF16), jnp.uint16).astype(jnp.uint32)
    u_pack = jax.lax.bitcast_convert_type(
        lo_bits | (hi_bits << 16), jnp.int32)
    hu = jnp.concatenate([h_bits, u_pack], axis=1)

    w1t = W1.T
    wpt = W_phi.T
    w2t = W2.T
    w3t = W3.T

    av_parts = []
    ps_parts = []
    for s in range(NSPLIT):
        fe, hug = _sc_gather(
            lax.slice(nidx, (s * MC,), ((s + 1) * MC,)),
            lax.slice(eidx, (s * MC,), ((s + 1) * MC,)),
            cand_edge_feat, hu)
        av, ps = _mlp(
            fe, hug, wpt, b_phi.reshape(1, 64),
            w1t[0:64], w1t[64:128], w1t[128:192], w1t[192:256],
            b1.reshape(1, 64),
            w2t, b2.reshape(1, 64), w3t, b3.reshape(1, 1))
        av_parts.append(av)
        ps_parts.append(ps)

    value = _value(jnp.concatenate(ps_parts, axis=0), Wv.T,
                   bv.reshape(1, 1))
    a_values = jnp.concatenate(av_parts, axis=0).reshape(1, M)

    return (value, a_values)

# --- scband reference (transcript-rebuilt; emitter-appended) ---
"""Pipeline reference for scband-worker-70746701300061 (READ-ONLY COPY).

The authoritative reference and input builder live on the scoring server;
editing this copy changes nothing except your own understanding.
"""

import jax, jax.numpy as jnp
import numpy as np


def _normalize_rows(x, eps=1e-12):
    # torch F.normalize(v, dim=0) on each 1-D row vector == row-wise L2 normalize
    n = jnp.linalg.norm(x, axis=1, keepdims=True)
    return x / jnp.maximum(n, eps)


def setup_inputs(seed: int = 0) -> dict:
    key = jax.random.key(seed)
    ks = jax.random.split(key, 12)
    N, E, M, FD = 10000, 160000, 160000, 128
    h = jax.random.normal(ks[0], (N, 64), dtype=jnp.float32)
    cand_edge_feat = jax.random.normal(ks[1], (E, FD), dtype=jnp.float32)
    u_1 = jax.random.normal(ks[2], (N, 128), dtype=jnp.float32)
    node_idx = jax.random.randint(ks[3], (M,), 0, N, dtype=jnp.int32)
    edge_idx = jax.random.randint(ks[4], (M,), 0, E, dtype=jnp.int32)
    c_adj = jnp.stack([node_idx, edge_idx], axis=0)

    def lin(k, fan_in, fan_out):
        bound = 1.0 / np.sqrt(fan_in)
        kw, kb = jax.random.split(k)
        W = jax.random.uniform(kw, (fan_out, fan_in), minval=-bound, maxval=bound, dtype=jnp.float32)
        b = jax.random.uniform(kb, (fan_out,), minval=-bound, maxval=bound, dtype=jnp.float32)
        return W, b

    W_phi, b_phi = lin(ks[5], FD, 64)
    W1, b1 = lin(ks[6], 256, 64)
    W2, b2 = lin(ks[7], 64, 64)
    W3, b3 = lin(ks[8], 64, 1)
    Wv, bv = lin(ks[9], 256, 1)
    return {"h": h, "cand_edge_feat": cand_edge_feat, "u_1": u_1, "c_adj": c_adj, "j": 0,
            "W_phi": W_phi, "b_phi": b_phi, "W1": W1, "b1": b1, "W2": W2, "b2": b2,
            "W3": W3, "b3": b3, "Wv": Wv, "bv": bv}


def reference(h, cand_edge_feat, u_1, c_adj, j, W_phi, b_phi, W1, b1, W2, b2, W3, b3, Wv, bv):
    cand_edge_embed = cand_edge_feat @ W_phi.T + b_phi
    node_index = c_adj[0]
    edge_index = c_adj[1]
    a_e = jnp.take(cand_edge_embed, edge_index - j, axis=0)          # gather edges [M,64]
    a_h = a_e * jnp.take(h, node_index, axis=0)                      # gather nodes [M,64]
    a_h = _normalize_rows(a_h)
    U = jnp.concatenate([jax.nn.relu(a_e), a_h, jnp.take(u_1, node_index, axis=0)], axis=1)  # [M,256]
    x = jax.nn.relu(U @ W1.T + b1)
    x = jax.nn.relu(x @ W2.T + b2)
    a_values = (x @ W3.T + b3).T                                      # [1, M]  (permute(1,0))
    a_flat = U.mean(axis=0)[None, :]                                  # [1, 256]
    value = a_flat @ Wv.T + bv                                        # [1, 1]
    return (value, a_values)

if __name__ == "__main__":
    import jax
    _d = setup_inputs()
    print(jax.jit(kernel)(*tuple(_d.values())))

</pallas_src>

<mosaic_0001>
#map = affine_map<(d0, d1) -> (0)>
#map1 = affine_map<(d0, d1) -> (0, 0)>
module attributes {stable_mosaic.version = 14 : i64} {
  func.func @gather_k(%arg0: i32, %arg1: i32, %arg2: memref<32000xi32, #tpu.memory_space<hbm>>, %arg3: memref<32000xi32, #tpu.memory_space<hbm>>, %arg4: memref<160000x128xf32, #tpu.memory_space<hbm>>, %arg5: memref<10000x128xi32, #tpu.memory_space<hbm>>, %arg6: memref<32000x128xf32, #tpu.memory_space<hbm>>, %arg7: memref<32000x128xi32, #tpu.memory_space<hbm>>, %arg8: memref<128xi32, #tpu.memory_space<vmem>>, %arg9: memref<128xi32, #tpu.memory_space<vmem>>, %arg10: memref<128x128xf32, #tpu.memory_space<vmem>>, %arg11: memref<128x128xi32, #tpu.memory_space<vmem>>, %arg12: memref<128xi32, #tpu.memory_space<vmem>>, %arg13: memref<128xi32, #tpu.memory_space<vmem>>, %arg14: memref<128x128xf32, #tpu.memory_space<vmem>>, %arg15: memref<128x128xi32, #tpu.memory_space<vmem>>, %arg16: memref<!tpu.dma_semaphore, #tpu.memory_space<semaphore_mem>>, %arg17: memref<!tpu.dma_semaphore, #tpu.memory_space<semaphore_mem>>, %arg18: memref<!tpu.dma_semaphore, #tpu.memory_space<semaphore_mem>>, %arg19: memref<!tpu.dma_semaphore, #tpu.memory_space<semaphore_mem>>, %arg20: memref<!tpu.dma_semaphore, #tpu.memory_space<semaphore_mem>>, %arg21: memref<!tpu.dma_semaphore, #tpu.memory_space<semaphore_mem>>, %arg22: memref<!tpu.dma_semaphore, #tpu.memory_space<semaphore_mem>>, %arg23: memref<!tpu.dma_semaphore, #tpu.memory_space<semaphore_mem>>) attributes {dimension_semantics = [#tpu.dimension_semantics<core_parallel>, #tpu.dimension_semantics<subcore_parallel>], iteration_bounds = array<i64: 2, 16>, scalar_prefetch = 0 : i64, scratch_operands = 16 : i64, tpu.core_type = #tpu.core_type<sc_vector_subcore>, window_params = [{transform_indices = #map}, {transform_indices = #map}, {transform_indices = #map1}, {transform_indices = #map1}, {transform_indices = #map1}, {transform_indices = #map1}]} {
    %mul3A = arith.constant 2 : i32
    %mul3A_0 = arith.muli %arg1, %mul3A : i32
    %add3A = arith.addi %mul3A_0, %arg0 : i32
    %add3A_1 = arith.constant 0 : i32
    %add3A_2 = arith.addi %add3A, %add3A_1 : i32
    %lt3A = arith.constant 250 : i32
    %lt3A_3 = arith.cmpi slt, %add3A_2, %lt3A : i32
    %convert_element_type3A = arith.extui %lt3A_3 : i1 to i32
    %cond3A = arith.constant 0 : i32
    %cond3A_4 = arith.cmpi ne, %convert_element_type3A, %cond3A : i32
    scf.if %cond3A_4 {
      %mul3A_18 = arith.constant 128 : i32
      %mul3A_19 = arith.muli %add3A_2, %mul3A_18 : i32
      "tpu.region"() ({
        %run_scoped3A = tpu.sem_alloc : memref<!tpu.dma_semaphore, #tpu.memory_space<semaphore_mem>>
        %dma_start3A_25 = tpu.memref_slice %arg2[%mul3A_19] : memref<32000xi32, #tpu.memory_space<hbm>> -> memref<128xi32, #tpu.memory_space<hbm>>
        %dma_start3A_26 = tpu.memref_slice %arg2[%mul3A_19] : memref<32000xi32, #tpu.memory_space<hbm>> -> memref<128xi32, #tpu.memory_space<hbm>>
        tpu.enqueue_dma source(%dma_start3A_26 : memref<128xi32, #tpu.memory_space<hbm>>) target(%arg8 : memref<128xi32, #tpu.memory_space<vmem>>) target_semaphore(%run_scoped3A : memref<!tpu.dma_semaphore, #tpu.memory_space<semaphore_mem>>)
        %dma_wait3A = tpu.memref_slice %arg2[%mul3A_19] : memref<32000xi32, #tpu.memory_space<hbm>> -> memref<128xi32, #tpu.memory_space<hbm>>
        %dma_wait3A_27 = tpu.memref_slice %arg2[%mul3A_19] : memref<32000xi32, #tpu.memory_space<hbm>> -> memref<128xi32, #tpu.memory_space<hbm>>
        tpu.wait_dma2 semaphore(%run_scoped3A : memref<!tpu.dma_semaphore, #tpu.memory_space<semaphore_mem>>) src(%dma_wait3A_27 : memref<128xi32, #tpu.memory_space<hbm>>) dst(%arg8 : memref<128xi32, #tpu.memory_space<vmem>>)
        tpu.yield
      }) : () -> ()
      "tpu.region"() ({
        %run_scoped3A = tpu.sem_alloc : memref<!tpu.dma_semaphore, #tpu.memory_space<semaphore_mem>>
        %dma_start3A_25 = tpu.memref_slice %arg3[%mul3A_19] : memref<32000xi32, #tpu.memory_space<hbm>> -> memref<128xi32, #tpu.memory_space<hbm>>
        %dma_start3A_26 = tpu.memref_slice %arg3[%mul3A_19] : memref<32000xi32, #tpu.memory_space<hbm>> -> memref<128xi32, #tpu.memory_space<hbm>>
        tpu.enqueue_dma source(%dma_start3A_26 : memref<128xi32, #tpu.memory_space<hbm>>) target(%arg9 : memref<128xi32, #tpu.memory_space<vmem>>) target_semaphore(%run_scoped3A : memref<!tpu.dma_semaphore, #tpu.memory_space<semaphore_mem>>)
        %dma_wait3A = tpu.memref_slice %arg3[%mul3A_19] : memref<32000xi32, #tpu.memory_space<hbm>> -> memref<128xi32, #tpu.memory_space<hbm>>
        %dma_wait3A_27 = tpu.memref_slice %arg3[%mul3A_19] : memref<32000xi32, #tpu.memory_space<hbm>> -> memref<128xi32, #tpu.memory_space<hbm>>
        tpu.wait_dma2 semaphore(%run_scoped3A : memref<!tpu.dma_semaphore, #tpu.memory_space<semaphore_mem>>) src(%dma_wait3A_27 : memref<128xi32, #tpu.memory_space<hbm>>) dst(%arg9 : memref<128xi32, #tpu.memory_space<vmem>>)
        tpu.yield
      }) : () -> ()
      %dma_start3A = arith.constant 0 : i32
      %dma_start3A_20 = arith.constant 0 : i32
      %dma_start3A_21 = tpu.memref_slice %arg4[%dma_start3A, %dma_start3A_20] : memref<160000x128xf32, #tpu.memory_space<hbm>> -> memref<160000x128xf32, #tpu.memory_space<hbm>>
      tpu.enqueue_indirect_dma source(%dma_start3A_21 : memref<160000x128xf32, #tpu.memory_space<hbm>>) target(%arg10 : memref<128x128xf32, #tpu.memory_space<vmem>>) offsets(%arg9 : memref<128xi32, #tpu.memory_space<vmem>>) semaphore(%arg16 : memref<!tpu.dma_semaphore, #tpu.memory_space<semaphore_mem>>)
      %dma_start3A_22 = arith.constant 0 : i32
      %dma_start3A_23 = arith.constant 0 : i32
      %dma_start3A_24 = tpu.memref_slice %arg5[%dma_start3A_22, %dma_start3A_23] : memref<10000x128xi32, #tpu.memory_space<hbm>> -> memref<10000x128xi32, #tpu.memory_space<hbm>>
      tpu.enqueue_indirect_dma source(%dma_start3A_24 : memref<10000x128xi32, #tpu.memory_space<hbm>>) target(%arg11 : memref<128x128xi32, #tpu.memory_space<vmem>>) offsets(%arg8 : memref<128xi32, #tpu.memory_space<vmem>>) semaphore(%arg17 : memref<!tpu.dma_semaphore, #tpu.memory_space<semaphore_mem>>)
    } else {
    }
    %scan3A = arith.constant 0 : i32
    %scan3A_5 = arith.constant 0 : i32
    %scan3A_6 = arith.constant 4 : i32
    %scan3A_7 = arith.addi %scan3A_5, %scan3A_6 : i32
    %scan3A_8 = arith.constant 1 : i32
    scf.for %scan3A_18 = %scan3A_5 to %scan3A_7 step %scan3A_8  : i32 {
      %mul3A_19 = arith.constant 2 : i32
      %mul3A_20 = arith.muli %scan3A_18, %mul3A_19 : i32
      %add3A_21 = arith.constant 0 : i32
      %add3A_22 = arith.addi %mul3A_20, %add3A_21 : i32
      %sub3A = arith.constant 1 : i32
      %sub3A_23 = arith.subi %add3A_22, %sub3A : i32
      %mul3A_24 = arith.constant 32 : i32
      %mul3A_25 = arith.muli %sub3A_23, %mul3A_24 : i32
      %add3A_26 = arith.addi %add3A, %mul3A_25 : i32
      %ge3A_27 = arith.constant 0 : i32
      %ge3A_28 = arith.cmpi sge, %add3A_26, %ge3A_27 : i32
      %lt3A_29 = arith.constant 250 : i32
      %lt3A_30 = arith.cmpi slt, %add3A_26, %lt3A_29 : i32
      %and3A_31 = arith.andi %ge3A_28, %lt3A_30 : i1
      %convert_element_type3A_32 = arith.extui %and3A_31 : i1 to i32
      %cond3A_33 = arith.constant 0 : i32
      %cond3A_34 = arith.cmpi ne, %convert_element_type3A_32, %cond3A_33 : i32
      scf.if %cond3A_34 {
        %mul3A_88 = arith.constant 128 : i32
        %mul3A_89 = arith.muli %add3A_26, %mul3A_88 : i32
        %dma_wait3A = arith.constant 0 : i32
        %dma_wait3A_90 = tpu.memref_slice %arg6[%mul3A_89, %dma_wait3A] : memref<32000x128xf32, #tpu.memory_space<hbm>> -> memref<128x128xf32, #tpu.memory_space<hbm>>
        %dma_wait3A_91 = arith.constant 0 : i32
        %dma_wait3A_92 = tpu.memref_slice %arg6[%mul3A_89, %dma_wait3A_91] : memref<32000x128xf32, #tpu.memory_space<hbm>> -> memref<128x128xf32, #tpu.memory_space<hbm>>
        tpu.wait_dma2 semaphore(%arg22 : memref<!tpu.dma_semaphore, #tpu.memory_space<semaphore_mem>>) src(%arg14 : memref<128x128xf32, #tpu.memory_space<vmem>>) dst(%dma_wait3A_92 : memref<128x128xf32, #tpu.memory_space<hbm>>)
        %dma_wait3A_93 = arith.constant 0 : i32
        %dma_wait3A_94 = tpu.memref_slice %arg7[%mul3A_89, %dma_wait3A_93] : memref<32000x128xi32, #tpu.memory_space<hbm>> -> memref<128x128xi32, #tpu.memory_space<hbm>>
        %dma_wait3A_95 = arith.constant 0 : i32
        %dma_wait3A_96 = tpu.memref_slice %arg7[%mul3A_89, %dma_wait3A_95] : memref<32000x128xi32, #tpu.memory_space<hbm>> -> memref<128x128xi32, #tpu.memory_space<hbm>>
        tpu.wait_dma2 semaphore(%arg23 : memref<!tpu.dma_semaphore, #tpu.memory_space<semaphore_mem>>) src(%arg15 : memref<128x128xi32, #tpu.memory_space<vmem>>) dst(%dma_wait3A_96 : memref<128x128xi32, #tpu.memory_space<hbm>>)
      } else {
      }
      %add3A_35 = arith.constant 1 : i32
      %add3A_36 = arith.addi %add3A_22, %add3A_35 : i32
      %mul3A_37 = arith.constant 32 : i32
      %mul3A_38 = arith.muli %add3A_36, %mul3A_37 : i32
      %add3A_39 = arith.addi %add3A, %mul3A_38 : i32
      %lt3A_40 = arith.constant 250 : i32
      %lt3A_41 = arith.cmpi slt, %add3A_39, %lt3A_40 : i32
      %convert_element_type3A_42 = arith.extui %lt3A_41 : i1 to i32
      %cond3A_43 = arith.constant 0 : i32
      %cond3A_44 = arith.cmpi ne, %convert_element_type3A_42, %cond3A_43 : i32
      scf.if %cond3A_44 {
        %mul3A_88 = arith.constant 128 : i32
        %mul3A_89 = arith.muli %add3A_39, %mul3A_88 : i32
        "tpu.region"() ({
          %run_scoped3A = tpu.sem_alloc : memref<!tpu.dma_semaphore, #tpu.memory_space<semaphore_mem>>
          %dma_start3A_95 = tpu.memref_slice %arg2[%mul3A_89] : memref<32000xi32, #tpu.memory_space<hbm>> -> memref<128xi32, #tpu.memory_space<hbm>>
          %dma_start3A_96 = tpu.memref_slice %arg2[%mul3A_89] : memref<32000xi32, #tpu.memory_space<hbm>> -> memref<128xi32, #tpu.memory_space<hbm>>
          tpu.enqueue_dma source(%dma_start3A_96 : memref<128xi32, #tpu.memory_space<hbm>>) target(%arg12 : memref<128xi32, #tpu.memory_space<vmem>>) target_semaphore(%run_scoped3A : memref<!tpu.dma_semaphore, #tpu.memory_space<semaphore_mem>>)
          %dma_wait3A = tpu.memref_slice %arg2[%mul3A_89] : memref<32000xi32, #tpu.memory_space<hbm>> -> memref<128xi32, #tpu.memory_space<hbm>>
          %dma_wait3A_97 = tpu.memref_slice %arg2[%mul3A_89] : memref<32000xi32, #tpu.memory_space<hbm>> -> memref<128xi32, #tpu.memory_space<hbm>>
          tpu.wait_dma2 semaphore(%run_scoped3A : memref<!tpu.dma_semaphore, #tpu.memory_space<semaphore_mem>>) src(%dma_wait3A_97 : memref<128xi32, #tpu.memory_space<hbm>>) dst(%arg12 : memref<128xi32, #tpu.memory_space<vmem>>)
          tpu.yield
        }) : () -> ()
        "tpu.region"() ({
          %run_scoped3A = tpu.sem_alloc : memref<!tpu.dma_semaphore, #tpu.memory_space<semaphore_mem>>
          %dma_start3A_95 = tpu.memref_slice %arg3[%mul3A_89] : memref<32000xi32, #tpu.memory_space<hbm>> -> memref<128xi32, #tpu.memory_space<hbm>>
          %dma_start3A_96 = tpu.memref_slice %arg3[%mul3A_89] : memref<32000xi32, #tpu.memory_space<hbm>> -> memref<128xi32, #tpu.memory_space<hbm>>
          tpu.enqueue_dma source(%dma_start3A_96 : memref<128xi32, #tpu.memory_space<hbm>>) target(%arg13 : memref<128xi32, #tpu.memory_space<vmem>>) target_semaphore(%run_scoped3A : memref<!tpu.dma_semaphore, #tpu.memory_space<semaphore_mem>>)
          %dma_wait3A = tpu.memref_slice %arg3[%mul3A_89] : memref<32000xi32, #tpu.memory_space<hbm>> -> memref<128xi32, #tpu.memory_space<hbm>>
          %dma_wait3A_97 = tpu.memref_slice %arg3[%mul3A_89] : memref<32000xi32, #tpu.memory_space<hbm>> -> memref<128xi32, #tpu.memory_space<hbm>>
          tpu.wait_dma2 semaphore(%run_scoped3A : memref<!tpu.dma_semaphore, #tpu.memory_space<semaphore_mem>>) src(%dma_wait3A_97 : memref<128xi32, #tpu.memory_space<hbm>>) dst(%arg13 : memref<128xi32, #tpu.memory_space<vmem>>)
          tpu.yield
        }) : () -> ()
        %dma_start3A = arith.constant 0 : i32
        %dma_start3A_90 = arith.constant 0 : i32
        %dma_start3A_91 = tpu.memref_slice %arg4[%dma_start3A, %dma_start3A_90] : memref<160000x128xf32, #tpu.memory_space<hbm>> -> memref<160000x128xf32, #tpu.memory_space<hbm>>
        tpu.enqueue_indirect_dma source(%dma_start3A_91 : memref<160000x128xf32, #tpu.memory_space<hbm>>) target(%arg14 : memref<128x128xf32, #tpu.memory_space<vmem>>) offsets(%arg13 : memref<128xi32, #tpu.memory_space<vmem>>) semaphore(%arg20 : memref<!tpu.dma_semaphore, #tpu.memory_space<semaphore_mem>>)
        %dma_start3A_92 = arith.constant 0 : i32
        %dma_start3A_93 = arith.constant 0 : i32
        %dma_start3A_94 = tpu.memref_slice %arg5[%dma_start3A_92, %dma_start3A_93] : memref<10000x128xi32, #tpu.memory_space<hbm>> -> memref<10000x128xi32, #tpu.memory_space<hbm>>
        tpu.enqueue_indirect_dma source(%dma_start3A_94 : memref<10000x128xi32, #tpu.memory_space<hbm>>) target(%arg15 : memref<128x128xi32, #tpu.memory_space<vmem>>) offsets(%arg12 : memref<128xi32, #tpu.memory_space<vmem>>) semaphore(%arg21 : memref<!tpu.dma_semaphore, #tpu.memory_space<semaphore_mem>>)
      } else {
      }
      %mul3A_45 = arith.constant 32 : i32
      %mul3A_46 = arith.muli %add3A_22, %mul3A_45 : i32
      %add3A_47 = arith.addi %add3A, %mul3A_46 : i32
      %lt3A_48 = arith.constant 250 : i32
      %lt3A_49 = arith.cmpi slt, %add3A_47, %lt3A_48 : i32
      %convert_element_type3A_50 = arith.extui %lt3A_49 : i1 to i32
      %cond3A_51 = arith.constant 0 : i32
      %cond3A_52 = arith.cmpi ne, %convert_element_type3A_50, %cond3A_51 : i32
      scf.if %cond3A_52 {
        %mul3A_88 = arith.constant 128 : i32
        %mul3A_89 = arith.muli %add3A_47, %mul3A_88 : i32
        %dma_wait3A = arith.constant 0 : i32
        %dma_wait3A_90 = arith.constant 0 : i32
        %dma_wait3A_91 = tpu.memref_slice %arg4[%dma_wait3A, %dma_wait3A_90] : memref<160000x128xf32, #tpu.memory_space<hbm>> -> memref<160000x128xf32, #tpu.memory_space<hbm>>
        tpu.wait_indirect_dma semaphore(%arg16 : memref<!tpu.dma_semaphore, #tpu.memory_space<semaphore_mem>>) src(%dma_wait3A_91 : memref<160000x128xf32, #tpu.memory_space<hbm>>) dst(%arg10 : memref<128x128xf32, #tpu.memory_space<vmem>>)
        %dma_wait3A_92 = arith.constant 0 : i32
        %dma_wait3A_93 = arith.constant 0 : i32
        %dma_wait3A_94 = tpu.memref_slice %arg5[%dma_wait3A_92, %dma_wait3A_93] : memref<10000x128xi32, #tpu.memory_space<hbm>> -> memref<10000x128xi32, #tpu.memory_space<hbm>>
        tpu.wait_indirect_dma semaphore(%arg17 : memref<!tpu.dma_semaphore, #tpu.memory_space<semaphore_mem>>) src(%dma_wait3A_94 : memref<10000x128xi32, #tpu.memory_space<hbm>>) dst(%arg11 : memref<128x128xi32, #tpu.memory_space<vmem>>)
        %dma_start3A = arith.constant 0 : i32
        %dma_start3A_95 = tpu.memref_slice %arg6[%mul3A_89, %dma_start3A] : memref<32000x128xf32, #tpu.memory_space<hbm>> -> memref<128x128xf32, #tpu.memory_space<hbm>>
        %dma_start3A_96 = arith.constant 0 : i32
        %dma_start3A_97 = tpu.memref_slice %arg6[%mul3A_89, %dma_start3A_96] : memref<32000x128xf32, #tpu.memory_space<hbm>> -> memref<128x128xf32, #tpu.memory_space<hbm>>
        tpu.enqueue_dma source(%arg10 : memref<128x128xf32, #tpu.memory_space<vmem>>) target(%dma_start3A_97 : memref<128x128xf32, #tpu.memory_space<hbm>>) target_semaphore(%arg18 : memref<!tpu.dma_semaphore, #tpu.memory_space<semaphore_mem>>)
        %dma_start3A_98 = arith.constant 0 : i32
        %dma_start3A_99 = tpu.memref_slice %arg7[%mul3A_89, %dma_start3A_98] : memref<32000x128xi32, #tpu.memory_space<hbm>> -> memref<128x128xi32, #tpu.memory_space<hbm>>
        %dma_start3A_100 = arith.constant 0 : i32
        %dma_start3A_101 = tpu.memref_slice %arg7[%mul3A_89, %dma_start3A_100] : memref<32000x128xi32, #tpu.memory_space<hbm>> -> memref<128x128xi32, #tpu.memory_space<hbm>>
        tpu.enqueue_dma source(%arg11 : memref<128x128xi32, #tpu.memory_space<vmem>>) target(%dma_start3A_101 : memref<128x128xi32, #tpu.memory_space<hbm>>) target_semaphore(%arg19 : memref<!tpu.dma_semaphore, #tpu.memory_space<semaphore_mem>>)
      } else {
      }
      %mul3A_53 = arith.constant 2 : i32
      %mul3A_54 = arith.muli %scan3A_18, %mul3A_53 : i32
      %add3A_55 = arith.constant 1 : i32
      %add3A_56 = arith.addi %mul3A_54, %add3A_55 : i32
      %sub3A_57 = arith.constant 1 : i32
      %sub3A_58 = arith.subi %add3A_56, %sub3A_57 : i32
      %mul3A_59 = arith.constant 32 : i32
      %mul3A_60 = arith.muli %sub3A_58, %mul3A_59 : i32
      %add3A_61 = arith.addi %add3A, %mul3A_60 : i32
      %ge3A_62 = arith.constant 0 : i32
      %ge3A_63 = arith.cmpi sge, %add3A_61, %ge3A_62 : i32
      %lt3A_64 = arith.constant 250 : i32
      %lt3A_65 = arith.cmpi slt, %add3A_61, %lt3A_64 : i32
      %and3A_66 = arith.andi %ge3A_63, %lt3A_65 : i1
      %convert_element_type3A_67 = arith.extui %and3A_66 : i1 to i32
      %cond3A_68 = arith.constant 0 : i32
      %cond3A_69 = arith.cmpi ne, %convert_element_type3A_67, %cond3A_68 : i32
      scf.if %cond3A_69 {
        %mul3A_88 = arith.constant 128 : i32
        %mul3A_89 = arith.muli %add3A_61, %mul3A_88 : i32
        %dma_wait3A = arith.constant 0 : i32
        %dma_wait3A_90 = tpu.memref_slice %arg6[%mul3A_89, %dma_wait3A] : memref<32000x128xf32, #tpu.memory_space<hbm>> -> memref<128x128xf32, #tpu.memory_space<hbm>>
        %dma_wait3A_91 = arith.constant 0 : i32
        %dma_wait3A_92 = tpu.memref_slice %arg6[%mul3A_89, %dma_wait3A_91] : memref<32000x128xf32, #tpu.memory_space<hbm>> -> memref<128x128xf32, #tpu.memory_space<hbm>>
        tpu.wait_dma2 semaphore(%arg18 : memref<!tpu.dma_semaphore, #tpu.memory_space<semaphore_mem>>) src(%arg10 : memref<128x128xf32, #tpu.memory_space<vmem>>) dst(%dma_wait3A_92 : memref<128x128xf32, #tpu.memory_space<hbm>>)
        %dma_wait3A_93 = arith.constant 0 : i32
        %dma_wait3A_94 = tpu.memref_slice %arg7[%mul3A_89, %dma_wait3A_93] : memref<32000x128xi32, #tpu.memory_space<hbm>> -> memref<128x128xi32, #tpu.memory_space<hbm>>
        %dma_wait3A_95 = arith.constant 0 : i32
        %dma_wait3A_96 = tpu.memref_slice %arg7[%mul3A_89, %dma_wait3A_95] : memref<32000x128xi32, #tpu.memory_space<hbm>> -> memref<128x128xi32, #tpu.memory_space<hbm>>
        tpu.wait_dma2 semaphore(%arg19 : memref<!tpu.dma_semaphore, #tpu.memory_space<semaphore_mem>>) src(%arg11 : memref<128x128xi32, #tpu.memory_space<vmem>>) dst(%dma_wait3A_96 : memref<128x128xi32, #tpu.memory_space<hbm>>)
      } else {
      }
      %add3A_70 = arith.constant 1 : i32
      %add3A_71 = arith.addi %add3A_56, %add3A_70 : i32
      %mul3A_72 = arith.constant 32 : i32
      %mul3A_73 = arith.muli %add3A_71, %mul3A_72 : i32
      %add3A_74 = arith.addi %add3A, %mul3A_73 : i32
      %lt3A_75 = arith.constant 250 : i32
      %lt3A_76 = arith.cmpi slt, %add3A_74, %lt3A_75 : i32
      %convert_element_type3A_77 = arith.extui %lt3A_76 : i1 to i32
      %cond3A_78 = arith.constant 0 : i32
      %cond3A_79 = arith.cmpi ne, %convert_element_type3A_77, %cond3A_78 : i32
      scf.if %cond3A_79 {
        %mul3A_88 = arith.constant 128 : i32
        %mul3A_89 = arith.muli %add3A_74, %mul3A_88 : i32
        "tpu.region"() ({
          %run_scoped3A = tpu.sem_alloc : memref<!tpu.dma_semaphore, #tpu.memory_space<semaphore_mem>>
          %dma_start3A_95 = tpu.memref_slice %arg2[%mul3A_89] : memref<32000xi32, #tpu.memory_space<hbm>> -> memref<128xi32, #tpu.memory_space<hbm>>
          %dma_start3A_96 = tpu.memref_slice %arg2[%mul3A_89] : memref<32000xi32, #tpu.memory_space<hbm>> -> memref<128xi32, #tpu.memory_space<hbm>>
          tpu.enqueue_dma source(%dma_start3A_96 : memref<128xi32, #tpu.memory_space<hbm>>) target(%arg8 : memref<128xi32, #tpu.memory_space<vmem>>) target_semaphore(%run_scoped3A : memref<!tpu.dma_semaphore, #tpu.memory_space<semaphore_mem>>)
          %dma_wait3A = tpu.memref_slice %arg2[%mul3A_89] : memref<32000xi32, #tpu.memory_space<hbm>> -> memref<128xi32, #tpu.memory_space<hbm>>
          %dma_wait3A_97 = tpu.memref_slice %arg2[%mul3A_89] : memref<32000xi32, #tpu.memory_space<hbm>> -> memref<128xi32, #tpu.memory_space<hbm>>
          tpu.wait_dma2 semaphore(%run_scoped3A : memref<!tpu.dma_semaphore, #tpu.memory_space<semaphore_mem>>) src(%dma_wait3A_97 : memref<128xi32, #tpu.memory_space<hbm>>) dst(%arg8 : memref<128xi32, #tpu.memory_space<vmem>>)
          tpu.yield
        }) : () -> ()
        "tpu.region"() ({
          %run_scoped3A = tpu.sem_alloc : memref<!tpu.dma_semaphore, #tpu.memory_space<semaphore_mem>>
          %dma_start3A_95 = tpu.memref_slice %arg3[%mul3A_89] : memref<32000xi32, #tpu.memory_space<hbm>> -> memref<128xi32, #tpu.memory_space<hbm>>
          %dma_start3A_96 = tpu.memref_slice %arg3[%mul3A_89] : memref<32000xi32, #tpu.memory_space<hbm>> -> memref<128xi32, #tpu.memory_space<hbm>>
          tpu.enqueue_dma source(%dma_start3A_96 : memref<128xi32, #tpu.memory_space<hbm>>) target(%arg9 : memref<128xi32, #tpu.memory_space<vmem>>) target_semaphore(%run_scoped3A : memref<!tpu.dma_semaphore, #tpu.memory_space<semaphore_mem>>)
          %dma_wait3A = tpu.memref_slice %arg3[%mul3A_89] : memref<32000xi32, #tpu.memory_space<hbm>> -> memref<128xi32, #tpu.memory_space<hbm>>
          %dma_wait3A_97 = tpu.memref_slice %arg3[%mul3A_89] : memref<32000xi32, #tpu.memory_space<hbm>> -> memref<128xi32, #tpu.memory_space<hbm>>
          tpu.wait_dma2 semaphore(%run_scoped3A : memref<!tpu.dma_semaphore, #tpu.memory_space<semaphore_mem>>) src(%dma_wait3A_97 : memref<128xi32, #tpu.memory_space<hbm>>) dst(%arg9 : memref<128xi32, #tpu.memory_space<vmem>>)
          tpu.yield
        }) : () -> ()
        %dma_start3A = arith.constant 0 : i32
        %dma_start3A_90 = arith.constant 0 : i32
        %dma_start3A_91 = tpu.memref_slice %arg4[%dma_start3A, %dma_start3A_90] : memref<160000x128xf32, #tpu.memory_space<hbm>> -> memref<160000x128xf32, #tpu.memory_space<hbm>>
        tpu.enqueue_indirect_dma source(%dma_start3A_91 : memref<160000x128xf32, #tpu.memory_space<hbm>>) target(%arg10 : memref<128x128xf32, #tpu.memory_space<vmem>>) offsets(%arg9 : memref<128xi32, #tpu.memory_space<vmem>>) semaphore(%arg16 : memref<!tpu.dma_semaphore, #tpu.memory_space<semaphore_mem>>)
        %dma_start3A_92 = arith.constant 0 : i32
        %dma_start3A_93 = arith.constant 0 : i32
        %dma_start3A_94 = tpu.memref_slice %arg5[%dma_start3A_92, %dma_start3A_93] : memref<10000x128xi32, #tpu.memory_space<hbm>> -> memref<10000x128xi32, #tpu.memory_space<hbm>>
        tpu.enqueue_indirect_dma source(%dma_start3A_94 : memref<10000x128xi32, #tpu.memory_space<hbm>>) target(%arg11 : memref<128x128xi32, #tpu.memory_space<vmem>>) offsets(%arg8 : memref<128xi32, #tpu.memory_space<vmem>>) semaphore(%arg17 : memref<!tpu.dma_semaphore, #tpu.memory_space<semaphore_mem>>)
      } else {
      }
      %mul3A_80 = arith.constant 32 : i32
      %mul3A_81 = arith.muli %add3A_56, %mul3A_80 : i32
      %add3A_82 = arith.addi %add3A, %mul3A_81 : i32
      %lt3A_83 = arith.constant 250 : i32
      %lt3A_84 = arith.cmpi slt, %add3A_82, %lt3A_83 : i32
      %convert_element_type3A_85 = arith.extui %lt3A_84 : i1 to i32
      %cond3A_86 = arith.constant 0 : i32
      %cond3A_87 = arith.cmpi ne, %convert_element_type3A_85, %cond3A_86 : i32
      scf.if %cond3A_87 {
        %mul3A_88 = arith.constant 128 : i32
        %mul3A_89 = arith.muli %add3A_82, %mul3A_88 : i32
        %dma_wait3A = arith.constant 0 : i32
        %dma_wait3A_90 = arith.constant 0 : i32
        %dma_wait3A_91 = tpu.memref_slice %arg4[%dma_wait3A, %dma_wait3A_90] : memref<160000x128xf32, #tpu.memory_space<hbm>> -> memref<160000x128xf32, #tpu.memory_space<hbm>>
        tpu.wait_indirect_dma semaphore(%arg20 : memref<!tpu.dma_semaphore, #tpu.memory_space<semaphore_mem>>) src(%dma_wait3A_91 : memref<160000x128xf32, #tpu.memory_space<hbm>>) dst(%arg14 : memref<128x128xf32, #tpu.memory_space<vmem>>)
        %dma_wait3A_92 = arith.constant 0 : i32
        %dma_wait3A_93 = arith.constant 0 : i32
        %dma_wait3A_94 = tpu.memref_slice %arg5[%dma_wait3A_92, %dma_wait3A_93] : memref<10000x128xi32, #tpu.memory_space<hbm>> -> memref<10000x128xi32, #tpu.memory_space<hbm>>
        tpu.wait_indirect_dma semaphore(%arg21 : memref<!tpu.dma_semaphore, #tpu.memory_space<semaphore_mem>>) src(%dma_wait3A_94 : memref<10000x128xi32, #tpu.memory_space<hbm>>) dst(%arg15 : memref<128x128xi32, #tpu.memory_space<vmem>>)
        %dma_start3A = arith.constant 0 : i32
        %dma_start3A_95 = tpu.memref_slice %arg6[%mul3A_89, %dma_start3A] : memref<32000x128xf32, #tpu.memory_space<hbm>> -> memref<128x128xf32, #tpu.memory_space<hbm>>
        %dma_start3A_96 = arith.constant 0 : i32
        %dma_start3A_97 = tpu.memref_slice %arg6[%mul3A_89, %dma_start3A_96] : memref<32000x128xf32, #tpu.memory_space<hbm>> -> memref<128x128xf32, #tpu.memory_space<hbm>>
        tpu.enqueue_dma source(%arg14 : memref<128x128xf32, #tpu.memory_space<vmem>>) target(%dma_start3A_97 : memref<128x128xf32, #tpu.memory_space<hbm>>) target_semaphore(%arg22 : memref<!tpu.dma_semaphore, #tpu.memory_space<semaphore_mem>>)
        %dma_start3A_98 = arith.constant 0 : i32
        %dma_start3A_99 = tpu.memref_slice %arg7[%mul3A_89, %dma_start3A_98] : memref<32000x128xi32, #tpu.memory_space<hbm>> -> memref<128x128xi32, #tpu.memory_space<hbm>>
        %dma_start3A_100 = arith.constant 0 : i32
        %dma_start3A_101 = tpu.memref_slice %arg7[%mul3A_89, %dma_start3A_100] : memref<32000x128xi32, #tpu.memory_space<hbm>> -> memref<128x128xi32, #tpu.memory_space<hbm>>
        tpu.enqueue_dma source(%arg15 : memref<128x128xi32, #tpu.memory_space<vmem>>) target(%dma_start3A_101 : memref<128x128xi32, #tpu.memory_space<hbm>>) target_semaphore(%arg23 : memref<!tpu.dma_semaphore, #tpu.memory_space<semaphore_mem>>)
      } else {
      }
    }
    %scan3A_9 = arith.constant 4 : i32
    %add3A_10 = arith.constant 224 : i32
    %add3A_11 = arith.addi %add3A, %add3A_10 : i32
    %ge3A = arith.constant 0 : i32
    %ge3A_12 = arith.cmpi sge, %add3A_11, %ge3A : i32
    %lt3A_13 = arith.constant 250 : i32
    %lt3A_14 = arith.cmpi slt, %add3A_11, %lt3A_13 : i32
    %and3A = arith.andi %ge3A_12, %lt3A_14 : i1
    %convert_element_type3A_15 = arith.extui %and3A : i1 to i32
    %cond3A_16 = arith.constant 0 : i32
    %cond3A_17 = arith.cmpi ne, %convert_element_type3A_15, %cond3A_16 : i32
    scf.if %cond3A_17 {
      %mul3A_18 = arith.constant 128 : i32
      %mul3A_19 = arith.muli %add3A_11, %mul3A_18 : i32
      %dma_wait3A = arith.constant 0 : i32
      %dma_wait3A_20 = tpu.memref_slice %arg6[%mul3A_19, %dma_wait3A] : memref<32000x128xf32, #tpu.memory_space<hbm>> -> memref<128x128xf32, #tpu.memory_space<hbm>>
      %dma_wait3A_21 = arith.constant 0 : i32
      %dma_wait3A_22 = tpu.memref_slice %arg6[%mul3A_19, %dma_wait3A_21] : memref<32000x128xf32, #tpu.memory_space<hbm>> -> memref<128x128xf32, #tpu.memory_space<hbm>>
      tpu.wait_dma2 semaphore(%arg22 : memref<!tpu.dma_semaphore, #tpu.memory_space<semaphore_mem>>) src(%arg14 : memref<128x128xf32, #tpu.memory_space<vmem>>) dst(%dma_wait3A_22 : memref<128x128xf32, #tpu.memory_space<hbm>>)
      %dma_wait3A_23 = arith.constant 0 : i32
      %dma_wait3A_24 = tpu.memref_slice %arg7[%mul3A_19, %dma_wait3A_23] : memref<32000x128xi32, #tpu.memory_space<hbm>> -> memref<128x128xi32, #tpu.memory_space<hbm>>
      %dma_wait3A_25 = arith.constant 0 : i32
      %dma_wait3A_26 = tpu.memref_slice %arg7[%mul3A_19, %dma_wait3A_25] : memref<32000x128xi32, #tpu.memory_space<hbm>> -> memref<128x128xi32, #tpu.memory_space<hbm>>
      tpu.wait_dma2 semaphore(%arg23 : memref<!tpu.dma_semaphore, #tpu.memory_space<semaphore_mem>>) src(%arg15 : memref<128x128xi32, #tpu.memory_space<vmem>>) dst(%dma_wait3A_26 : memref<128x128xi32, #tpu.memory_space<hbm>>)
    } else {
    }
    return
  }
}

#map = affine_map<(d0, d1) -> (0)>
#map1 = affine_map<(d0, d1) -> (0, 0)>
module attributes {stable_mosaic.version = 14 : i64} {
  func.func @gather_k(%arg0: i32, %arg1: i32, %arg2: memref<32000xi32, #tpu.memory_space<hbm>>, %arg3: memref<32000xi32, #tpu.memory_space<hbm>>, %arg4: memref<160000x128xf32, #tpu.memory_space<hbm>>, %arg5: memref<10000x128xi32, #tpu.memory_space<hbm>>, %arg6: memref<32000x128xf32, #tpu.memory_space<hbm>>, %arg7: memref<32000x128xi32, #tpu.memory_space<hbm>>, %arg8: memref<128xi32, #tpu.memory_space<vmem>>, %arg9: memref<128xi32, #tpu.memory_space<vmem>>, %arg10: memref<128x128xf32, #tpu.memory_space<vmem>>, %arg11: memref<128x128xi32, #tpu.memory_space<vmem>>, %arg12: memref<128xi32, #tpu.memory_space<vmem>>, %arg13: memref<128xi32, #tpu.memory_space<vmem>>, %arg14: memref<128x128xf32, #tpu.memory_space<vmem>>, %arg15: memref<128x128xi32, #tpu.memory_space<vmem>>, %arg16: memref<!tpu.dma_semaphore, #tpu.memory_space<semaphore_mem>>, %arg17: memref<!tpu.dma_semaphore, #tpu.memory_space<semaphore_mem>>, %arg18: memref<!tpu.dma_semaphore, #tpu.memory_space<semaphore_mem>>, %arg19: memref<!tpu.dma_semaphore, #tpu.memory_space<semaphore_mem>>, %arg20: memref<!tpu.dma_semaphore, #tpu.memory_space<semaphore_mem>>, %arg21: memref<!tpu.dma_semaphore, #tpu.memory_space<semaphore_mem>>, %arg22: memref<!tpu.dma_semaphore, #tpu.memory_space<semaphore_mem>>, %arg23: memref<!tpu.dma_semaphore, #tpu.memory_space<semaphore_mem>>) attributes {dimension_semantics = [#tpu.dimension_semantics<core_parallel>, #tpu.dimension_semantics<subcore_parallel>], iteration_bounds = array<i64: 2, 16>, scalar_prefetch = 0 : i64, scratch_operands = 16 : i64, tpu.core_type = #tpu.core_type<sc_vector_subcore>, window_params = [{transform_indices = #map}, {transform_indices = #map}, {transform_indices = #map1}, {transform_indices = #map1}, {transform_indices = #map1}, {transform_indices = #map1}]} {
    %mul3A = arith.constant 2 : i32
    %mul3A_0 = arith.muli %arg1, %mul3A : i32
    %add3A = arith.addi %mul3A_0, %arg0 : i32
    %add3A_1 = arith.constant 0 : i32
    %add3A_2 = arith.addi %add3A, %add3A_1 : i32
    %lt3A = arith.constant 250 : i32
    %lt3A_3 = arith.cmpi slt, %add3A_2, %lt3A : i32
    %convert_element_type3A = arith.extui %lt3A_3 : i1 to i32
    %cond3A = arith.constant 0 : i32
    %cond3A_4 = arith.cmpi ne, %convert_element_type3A, %cond3A : i32
    scf.if %cond3A_4 {
      %mul3A_18 = arith.constant 128 : i32
      %mul3A_19 = arith.muli %add3A_2, %mul3A_18 : i32
      "tpu.region"() ({
        %run_scoped3A = tpu.sem_alloc : memref<!tpu.dma_semaphore, #tpu.memory_space<semaphore_mem>>
        %dma_start3A_25 = tpu.memref_slice %arg2[%mul3A_19] : memref<32000xi32, #tpu.memory_space<hbm>> -> memref<128xi32, #tpu.memory_space<hbm>>
        %dma_start3A_26 = tpu.memref_slice %arg2[%mul3A_19] : memref<32000xi32, #tpu.memory_space<hbm>> -> memref<128xi32, #tpu.memory_space<hbm>>
        tpu.enqueue_dma source(%dma_start3A_26 : memref<128xi32, #tpu.memory_space<hbm>>) target(%arg8 : memref<128xi32, #tpu.memory_space<vmem>>) target_semaphore(%run_scoped3A : memref<!tpu.dma_semaphore, #tpu.memory_space<semaphore_mem>>)
        %dma_wait3A = tpu.memref_slice %arg2[%mul3A_19] : memref<32000xi32, #tpu.memory_space<hbm>> -> memref<128xi32, #tpu.memory_space<hbm>>
        %dma_wait3A_27 = tpu.memref_slice %arg2[%mul3A_19] : memref<32000xi32, #tpu.memory_space<hbm>> -> memref<128xi32, #tpu.memory_space<hbm>>
        tpu.wait_dma2 semaphore(%run_scoped3A : memref<!tpu.dma_semaphore, #tpu.memory_space<semaphore_mem>>) src(%dma_wait3A_27 : memref<128xi32, #tpu.memory_space<hbm>>) dst(%arg8 : memref<128xi32, #tpu.memory_space<vmem>>)
        tpu.yield
      }) : () -> ()
      "tpu.region"() ({
        %run_scoped3A = tpu.sem_alloc : memref<!tpu.dma_semaphore, #tpu.memory_space<semaphore_mem>>
        %dma_start3A_25 = tpu.memref_slice %arg3[%mul3A_19] : memref<32000xi32, #tpu.memory_space<hbm>> -> memref<128xi32, #tpu.memory_space<hbm>>
        %dma_start3A_26 = tpu.memref_slice %arg3[%mul3A_19] : memref<32000xi32, #tpu.memory_space<hbm>> -> memref<128xi32, #tpu.memory_space<hbm>>
        tpu.enqueue_dma source(%dma_start3A_26 : memref<128xi32, #tpu.memory_space<hbm>>) target(%arg9 : memref<128xi32, #tpu.memory_space<vmem>>) target_semaphore(%run_scoped3A : memref<!tpu.dma_semaphore, #tpu.memory_space<semaphore_mem>>)
        %dma_wait3A = tpu.memref_slice %arg3[%mul3A_19] : memref<32000xi32, #tpu.memory_space<hbm>> -> memref<128xi32, #tpu.memory_space<hbm>>
        %dma_wait3A_27 = tpu.memref_slice %arg3[%mul3A_19] : memref<32000xi32, #tpu.memory_space<hbm>> -> memref<128xi32, #tpu.memory_space<hbm>>
        tpu.wait_dma2 semaphore(%run_scoped3A : memref<!tpu.dma_semaphore, #tpu.memory_space<semaphore_mem>>) src(%dma_wait3A_27 : memref<128xi32, #tpu.memory_space<hbm>>) dst(%arg9 : memref<128xi32, #tpu.memory_space<vmem>>)
        tpu.yield
      }) : () -> ()
      %dma_start3A = arith.constant 0 : i32
      %dma_start3A_20 = arith.constant 0 : i32
      %dma_start3A_21 = tpu.memref_slice %arg4[%dma_start3A, %dma_start3A_20] : memref<160000x128xf32, #tpu.memory_space<hbm>> -> memref<160000x128xf32, #tpu.memory_space<hbm>>
      tpu.enqueue_indirect_dma source(%dma_start3A_21 : memref<160000x128xf32, #tpu.memory_space<hbm>>) target(%arg10 : memref<128x128xf32, #tpu.memory_space<vmem>>) offsets(%arg9 : memref<128xi32, #tpu.memory_space<vmem>>) semaphore(%arg16 : memref<!tpu.dma_semaphore, #tpu.memory_space<semaphore_mem>>)
      %dma_start3A_22 = arith.constant 0 : i32
      %dma_start3A_23 = arith.constant 0 : i32
      %dma_start3A_24 = tpu.memref_slice %arg5[%dma_start3A_22, %dma_start3A_23] : memref<10000x128xi32, #tpu.memory_space<hbm>> -> memref<10000x128xi32, #tpu.memory_space<hbm>>
      tpu.enqueue_indirect_dma source(%dma_start3A_24 : memref<10000x128xi32, #tpu.memory_space<hbm>>) target(%arg11 : memref<128x128xi32, #tpu.memory_space<vmem>>) offsets(%arg8 : memref<128xi32, #tpu.memory_space<vmem>>) semaphore(%arg17 : memref<!tpu.dma_semaphore, #tpu.memory_space<semaphore_mem>>)
    } else {
    }
    %scan3A = arith.constant 0 : i32
    %scan3A_5 = arith.constant 0 : i32
    %scan3A_6 = arith.constant 4 : i32
    %scan3A_7 = arith.addi %scan3A_5, %scan3A_6 : i32
    %scan3A_8 = arith.constant 1 : i32
    scf.for %scan3A_18 = %scan3A_5 to %scan3A_7 step %scan3A_8  : i32 {
      %mul3A_19 = arith.constant 2 : i32
      %mul3A_20 = arith.muli %scan3A_18, %mul3A_19 : i32
      %add3A_21 = arith.constant 0 : i32
      %add3A_22 = arith.addi %mul3A_20, %add3A_21 : i32
      %sub3A = arith.constant 1 : i32
      %sub3A_23 = arith.subi %add3A_22, %sub3A : i32
      %mul3A_24 = arith.constant 32 : i32
      %mul3A_25 = arith.muli %sub3A_23, %mul3A_24 : i32
      %add3A_26 = arith.addi %add3A, %mul3A_25 : i32
      %ge3A_27 = arith.constant 0 : i32
      %ge3A_28 = arith.cmpi sge, %add3A_26, %ge3A_27 : i32
      %lt3A_29 = arith.constant 250 : i32
      %lt3A_30 = arith.cmpi slt, %add3A_26, %lt3A_29 : i32
      %and3A_31 = arith.andi %ge3A_28, %lt3A_30 : i1
      %convert_element_type3A_32 = arith.extui %and3A_31 : i1 to i32
      %cond3A_33 = arith.constant 0 : i32
      %cond3A_34 = arith.cmpi ne, %convert_element_type3A_32, %cond3A_33 : i32
      scf.if %cond3A_34 {
        %mul3A_88 = arith.constant 128 : i32
        %mul3A_89 = arith.muli %add3A_26, %mul3A_88 : i32
        %dma_wait3A = arith.constant 0 : i32
        %dma_wait3A_90 = tpu.memref_slice %arg6[%mul3A_89, %dma_wait3A] : memref<32000x128xf32, #tpu.memory_space<hbm>> -> memref<128x128xf32, #tpu.memory_space<hbm>>
        %dma_wait3A_91 = arith.constant 0 : i32
        %dma_wait3A_92 = tpu.memref_slice %arg6[%mul3A_89, %dma_wait3A_91] : memref<32000x128xf32, #tpu.memory_space<hbm>> -> memref<128x128xf32, #tpu.memory_space<hbm>>
        tpu.wait_dma2 semaphore(%arg22 : memref<!tpu.dma_semaphore, #tpu.memory_space<semaphore_mem>>) src(%arg14 : memref<128x128xf32, #tpu.memory_space<vmem>>) dst(%dma_wait3A_92 : memref<128x128xf32, #tpu.memory_space<hbm>>)
        %dma_wait3A_93 = arith.constant 0 : i32
        %dma_wait3A_94 = tpu.memref_slice %arg7[%mul3A_89, %dma_wait3A_93] : memref<32000x128xi32, #tpu.memory_space<hbm>> -> memref<128x128xi32, #tpu.memory_space<hbm>>
        %dma_wait3A_95 = arith.constant 0 : i32
        %dma_wait3A_96 = tpu.memref_slice %arg7[%mul3A_89, %dma_wait3A_95] : memref<32000x128xi32, #tpu.memory_space<hbm>> -> memref<128x128xi32, #tpu.memory_space<hbm>>
        tpu.wait_dma2 semaphore(%arg23 : memref<!tpu.dma_semaphore, #tpu.memory_space<semaphore_mem>>) src(%arg15 : memref<128x128xi32, #tpu.memory_space<vmem>>) dst(%dma_wait3A_96 : memref<128x128xi32, #tpu.memory_space<hbm>>)
      } else {
      }
      %add3A_35 = arith.constant 1 : i32
      %add3A_36 = arith.addi %add3A_22, %add3A_35 : i32
      %mul3A_37 = arith.constant 32 : i32
      %mul3A_38 = arith.muli %add3A_36, %mul3A_37 : i32
      %add3A_39 = arith.addi %add3A, %mul3A_38 : i32
      %lt3A_40 = arith.constant 250 : i32
      %lt3A_41 = arith.cmpi slt, %add3A_39, %lt3A_40 : i32
      %convert_element_type3A_42 = arith.extui %lt3A_41 : i1 to i32
      %cond3A_43 = arith.constant 0 : i32
      %cond3A_44 = arith.cmpi ne, %convert_element_type3A_42, %cond3A_43 : i32
      scf.if %cond3A_44 {
        %mul3A_88 = arith.constant 128 : i32
        %mul3A_89 = arith.muli %add3A_39, %mul3A_88 : i32
        "tpu.region"() ({
          %run_scoped3A = tpu.sem_alloc : memref<!tpu.dma_semaphore, #tpu.memory_space<semaphore_mem>>
          %dma_start3A_95 = tpu.memref_slice %arg2[%mul3A_89] : memref<32000xi32, #tpu.memory_space<hbm>> -> memref<128xi32, #tpu.memory_space<hbm>>
          %dma_start3A_96 = tpu.memref_slice %arg2[%mul3A_89] : memref<32000xi32, #tpu.memory_space<hbm>> -> memref<128xi32, #tpu.memory_space<hbm>>
          tpu.enqueue_dma source(%dma_start3A_96 : memref<128xi32, #tpu.memory_space<hbm>>) target(%arg12 : memref<128xi32, #tpu.memory_space<vmem>>) target_semaphore(%run_scoped3A : memref<!tpu.dma_semaphore, #tpu.memory_space<semaphore_mem>>)
          %dma_wait3A = tpu.memref_slice %arg2[%mul3A_89] : memref<32000xi32, #tpu.memory_space<hbm>> -> memref<128xi32, #tpu.memory_space<hbm>>
          %dma_wait3A_97 = tpu.memref_slice %arg2[%mul3A_89] : memref<32000xi32, #tpu.memory_space<hbm>> -> memref<128xi32, #tpu.memory_space<hbm>>
          tpu.wait_dma2 semaphore(%run_scoped3A : memref<!tpu.dma_semaphore, #tpu.memory_space<semaphore_mem>>) src(%dma_wait3A_97 : memref<128xi32, #tpu.memory_space<hbm>>) dst(%arg12 : memref<128xi32, #tpu.memory_space<vmem>>)
          tpu.yield
        }) : () -> ()
        "tpu.region"() ({
          %run_scoped3A = tpu.sem_alloc : memref<!tpu.dma_semaphore, #tpu.memory_space<semaphore_mem>>
          %dma_start3A_95 = tpu.memref_slice %arg3[%mul3A_89] : memref<32000xi32, #tpu.memory_space<hbm>> -> memref<128xi32, #tpu.memory_space<hbm>>
          %dma_start3A_96 = tpu.memref_slice %arg3[%mul3A_89] : memref<32000xi32, #tpu.memory_space<hbm>> -> memref<128xi32, #tpu.memory_space<hbm>>
          tpu.enqueue_dma source(%dma_start3A_96 : memref<128xi32, #tpu.memory_space<hbm>>) target(%arg13 : memref<128xi32, #tpu.memory_space<vmem>>) target_semaphore(%run_scoped3A : memref<!tpu.dma_semaphore, #tpu.memory_space<semaphore_mem>>)
          %dma_wait3A = tpu.memref_slice %arg3[%mul3A_89] : memref<32000xi32, #tpu.memory_space<hbm>> -> memref<128xi32, #tpu.memory_space<hbm>>
          %dma_wait3A_97 = tpu.memref_slice %arg3[%mul3A_89] : memref<32000xi32, #tpu.memory_space<hbm>> -> memref<128xi32, #tpu.memory_space<hbm>>
          tpu.wait_dma2 semaphore(%run_scoped3A : memref<!tpu.dma_semaphore, #tpu.memory_space<semaphore_mem>>) src(%dma_wait3A_97 : memref<128xi32, #tpu.memory_space<hbm>>) dst(%arg13 : memref<128xi32, #tpu.memory_space<vmem>>)
          tpu.yield
        }) : () -> ()
        %dma_start3A = arith.constant 0 : i32
        %dma_start3A_90 = arith.constant 0 : i32
        %dma_start3A_91 = tpu.memref_slice %arg4[%dma_start3A, %dma_start3A_90] : memref<160000x128xf32, #tpu.memory_space<hbm>> -> memref<160000x128xf32, #tpu.memory_space<hbm>>
        tpu.enqueue_indirect_dma source(%dma_start3A_91 : memref<160000x128xf32, #tpu.memory_space<hbm>>) target(%arg14 : memref<128x128xf32, #tpu.memory_space<vmem>>) offsets(%arg13 : memref<128xi32, #tpu.memory_space<vmem>>) semaphore(%arg20 : memref<!tpu.dma_semaphore, #tpu.memory_space<semaphore_mem>>)
        %dma_start3A_92 = arith.constant 0 : i32
        %dma_start3A_93 = arith.constant 0 : i32
        %dma_start3A_94 = tpu.memref_slice %arg5[%dma_start3A_92, %dma_start3A_93] : memref<10000x128xi32, #tpu.memory_space<hbm>> -> memref<10000x128xi32, #tpu.memory_space<hbm>>
        tpu.enqueue_indirect_dma source(%dma_start3A_94 : memref<10000x128xi32, #tpu.memory_space<hbm>>) target(%arg15 : memref<128x128xi32, #tpu.memory_space<vmem>>) offsets(%arg12 : memref<128xi32, #tpu.memory_space<vmem>>) semaphore(%arg21 : memref<!tpu.dma_semaphore, #tpu.memory_space<semaphore_mem>>)
      } else {
      }
      %mul3A_45 = arith.constant 32 : i32
      %mul3A_46 = arith.muli %add3A_22, %mul3A_45 : i32
      %add3A_47 = arith.addi %add3A, %mul3A_46 : i32
      %lt3A_48 = arith.constant 250 : i32
      %lt3A_49 = arith.cmpi slt, %add3A_47, %lt3A_48 : i32
      %convert_element_type3A_50 = arith.extui %lt3A_49 : i1 to i32
      %cond3A_51 = arith.constant 0 : i32
      %cond3A_52 = arith.cmpi ne, %convert_element_type3A_50, %cond3A_51 : i32
      scf.if %cond3A_52 {
        %mul3A_88 = arith.constant 128 : i32
        %mul3A_89 = arith.muli %add3A_47, %mul3A_88 : i32
        %dma_wait3A = arith.constant 0 : i32
        %dma_wait3A_90 = arith.constant 0 : i32
        %dma_wait3A_91 = tpu.memref_slice %arg4[%dma_wait3A, %dma_wait3A_90] : memref<160000x128xf32, #tpu.memory_space<hbm>> -> memref<160000x128xf32, #tpu.memory_space<hbm>>
        tpu.wait_indirect_dma semaphore(%arg16 : memref<!tpu.dma_semaphore, #tpu.memory_space<semaphore_mem>>) src(%dma_wait3A_91 : memref<160000x128xf32, #tpu.memory_space<hbm>>) dst(%arg10 : memref<128x128xf32, #tpu.memory_space<vmem>>)
        %dma_wait3A_92 = arith.constant 0 : i32
        %dma_wait3A_93 = arith.constant 0 : i32
        %dma_wait3A_94 = tpu.memref_slice %arg5[%dma_wait3A_92, %dma_wait3A_93] : memref<10000x128xi32, #tpu.memory_space<hbm>> -> memref<10000x128xi32, #tpu.memory_space<hbm>>
        tpu.wait_indirect_dma semaphore(%arg17 : memref<!tpu.dma_semaphore, #tpu.memory_space<semaphore_mem>>) src(%dma_wait3A_94 : memref<10000x128xi32, #tpu.memory_space<hbm>>) dst(%arg11 : memref<128x128xi32, #tpu.memory_space<vmem>>)
        %dma_start3A = arith.constant 0 : i32
        %dma_start3A_95 = tpu.memref_slice %arg6[%mul3A_89, %dma_start3A] : memref<32000x128xf32, #tpu.memory_space<hbm>> -> memref<128x128xf32, #tpu.memory_space<hbm>>
        %dma_start3A_96 = arith.constant 0 : i32
        %dma_start3A_97 = tpu.memref_slice %arg6[%mul3A_89, %dma_start3A_96] : memref<32000x128xf32, #tpu.memory_space<hbm>> -> memref<128x128xf32, #tpu.memory_space<hbm>>
        tpu.enqueue_dma source(%arg10 : memref<128x128xf32, #tpu.memory_space<vmem>>) target(%dma_start3A_97 : memref<128x128xf32, #tpu.memory_space<hbm>>) target_semaphore(%arg18 : memref<!tpu.dma_semaphore, #tpu.memory_space<semaphore_mem>>)
        %dma_start3A_98 = arith.constant 0 : i32
        %dma_start3A_99 = tpu.memref_slice %arg7[%mul3A_89, %dma_start3A_98] : memref<32000x128xi32, #tpu.memory_space<hbm>> -> memref<128x128xi32, #tpu.memory_space<hbm>>
        %dma_start3A_100 = arith.constant 0 : i32
        %dma_start3A_101 = tpu.memref_slice %arg7[%mul3A_89, %dma_start3A_100] : memref<32000x128xi32, #tpu.memory_space<hbm>> -> memref<128x128xi32, #tpu.memory_space<hbm>>
        tpu.enqueue_dma source(%arg11 : memref<128x128xi32, #tpu.memory_space<vmem>>) target(%dma_start3A_101 : memref<128x128xi32, #tpu.memory_space<hbm>>) target_semaphore(%arg19 : memref<!tpu.dma_semaphore, #tpu.memory_space<semaphore_mem>>)
      } else {
      }
      %mul3A_53 = arith.constant 2 : i32
      %mul3A_54 = arith.muli %scan3A_18, %mul3A_53 : i32
      %add3A_55 = arith.constant 1 : i32
      %add3A_56 = arith.addi %mul3A_54, %add3A_55 : i32
      %sub3A_57 = arith.constant 1 : i32
      %sub3A_58 = arith.subi %add3A_56, %sub3A_57 : i32
      %mul3A_59 = arith.constant 32 : i32
      %mul3A_60 = arith.muli %sub3A_58, %mul3A_59 : i32
      %add3A_61 = arith.addi %add3A, %mul3A_60 : i32
      %ge3A_62 = arith.constant 0 : i32
      %ge3A_63 = arith.cmpi sge, %add3A_61, %ge3A_62 : i32
      %lt3A_64 = arith.constant 250 : i32
      %lt3A_65 = arith.cmpi slt, %add3A_61, %lt3A_64 : i32
      %and3A_66 = arith.andi %ge3A_63, %lt3A_65 : i1
      %convert_element_type3A_67 = arith.extui %and3A_66 : i1 to i32
      %cond3A_68 = arith.constant 0 : i32
      %cond3A_69 = arith.cmpi ne, %convert_element_type3A_67, %cond3A_68 : i32
      scf.if %cond3A_69 {
        %mul3A_88 = arith.constant 128 : i32
        %mul3A_89 = arith.muli %add3A_61, %mul3A_88 : i32
        %dma_wait3A = arith.constant 0 : i32
        %dma_wait3A_90 = tpu.memref_slice %arg6[%mul3A_89, %dma_wait3A] : memref<32000x128xf32, #tpu.memory_space<hbm>> -> memref<128x128xf32, #tpu.memory_space<hbm>>
        %dma_wait3A_91 = arith.constant 0 : i32
        %dma_wait3A_92 = tpu.memref_slice %arg6[%mul3A_89, %dma_wait3A_91] : memref<32000x128xf32, #tpu.memory_space<hbm>> -> memref<128x128xf32, #tpu.memory_space<hbm>>
        tpu.wait_dma2 semaphore(%arg18 : memref<!tpu.dma_semaphore, #tpu.memory_space<semaphore_mem>>) src(%arg10 : memref<128x128xf32, #tpu.memory_space<vmem>>) dst(%dma_wait3A_92 : memref<128x128xf32, #tpu.memory_space<hbm>>)
        %dma_wait3A_93 = arith.constant 0 : i32
        %dma_wait3A_94 = tpu.memref_slice %arg7[%mul3A_89, %dma_wait3A_93] : memref<32000x128xi32, #tpu.memory_space<hbm>> -> memref<128x128xi32, #tpu.memory_space<hbm>>
        %dma_wait3A_95 = arith.constant 0 : i32
        %dma_wait3A_96 = tpu.memref_slice %arg7[%mul3A_89, %dma_wait3A_95] : memref<32000x128xi32, #tpu.memory_space<hbm>> -> memref<128x128xi32, #tpu.memory_space<hbm>>
        tpu.wait_dma2 semaphore(%arg19 : memref<!tpu.dma_semaphore, #tpu.memory_space<semaphore_mem>>) src(%arg11 : memref<128x128xi32, #tpu.memory_space<vmem>>) dst(%dma_wait3A_96 : memref<128x128xi32, #tpu.memory_space<hbm>>)
      } else {
      }
      %add3A_70 = arith.constant 1 : i32
      %add3A_71 = arith.addi %add3A_56, %add3A_70 : i32
      %mul3A_72 = arith.constant 32 : i32
      %mul3A_73 = arith.muli %add3A_71, %mul3A_72 : i32
      %add3A_74 = arith.addi %add3A, %mul3A_73 : i32
      %lt3A_75 = arith.constant 250 : i32
      %lt3A_76 = arith.cmpi slt, %add3A_74, %lt3A_75 : i32
      %convert_element_type3A_77 = arith.extui %lt3A_76 : i1 to i32
      %cond3A_78 = arith.constant 0 : i32
      %cond3A_79 = arith.cmpi ne, %convert_element_type3A_77, %cond3A_78 : i32
      scf.if %cond3A_79 {
        %mul3A_88 = arith.constant 128 : i32
        %mul3A_89 = arith.muli %add3A_74, %mul3A_88 : i32
        "tpu.region"() ({
          %run_scoped3A = tpu.sem_alloc : memref<!tpu.dma_semaphore, #tpu.memory_space<semaphore_mem>>
          %dma_start3A_95 = tpu.memref_slice %arg2[%mul3A_89] : memref<32000xi32, #tpu.memory_space<hbm>> -> memref<128xi32, #tpu.memory_space<hbm>>
          %dma_start3A_96 = tpu.memref_slice %arg2[%mul3A_89] : memref<32000xi32, #tpu.memory_space<hbm>> -> memref<128xi32, #tpu.memory_space<hbm>>
          tpu.enqueue_dma source(%dma_start3A_96 : memref<128xi32, #tpu.memory_space<hbm>>) target(%arg8 : memref<128xi32, #tpu.memory_space<vmem>>) target_semaphore(%run_scoped3A : memref<!tpu.dma_semaphore, #tpu.memory_space<semaphore_mem>>)
          %dma_wait3A = tpu.memref_slice %arg2[%mul3A_89] : memref<32000xi32, #tpu.memory_space<hbm>> -> memref<128xi32, #tpu.memory_space<hbm>>
          %dma_wait3A_97 = tpu.memref_slice %arg2[%mul3A_89] : memref<32000xi32, #tpu.memory_space<hbm>> -> memref<128xi32, #tpu.memory_space<hbm>>
          tpu.wait_dma2 semaphore(%run_scoped3A : memref<!tpu.dma_semaphore, #tpu.memory_space<semaphore_mem>>) src(%dma_wait3A_97 : memref<128xi32, #tpu.memory_space<hbm>>) dst(%arg8 : memref<128xi32, #tpu.memory_space<vmem>>)
          tpu.yield
        }) : () -> ()
        "tpu.region"() ({
          %run_scoped3A = tpu.sem_alloc : memref<!tpu.dma_semaphore, #tpu.memory_space<semaphore_mem>>
          %dma_start3A_95 = tpu.memref_slice %arg3[%mul3A_89] : memref<32000xi32, #tpu.memory_space<hbm>> -> memref<128xi32, #tpu.memory_space<hbm>>
          %dma_start3A_96 = tpu.memref_slice %arg3[%mul3A_89] : memref<32000xi32, #tpu.memory_space<hbm>> -> memref<128xi32, #tpu.memory_space<hbm>>
          tpu.enqueue_dma source(%dma_start3A_96 : memref<128xi32, #tpu.memory_space<hbm>>) target(%arg9 : memref<128xi32, #tpu.memory_space<vmem>>) target_semaphore(%run_scoped3A : memref<!tpu.dma_semaphore, #tpu.memory_space<semaphore_mem>>)
          %dma_wait3A = tpu.memref_slice %arg3[%mul3A_89] : memref<32000xi32, #tpu.memory_space<hbm>> -> memref<128xi32, #tpu.memory_space<hbm>>
          %dma_wait3A_97 = tpu.memref_slice %arg3[%mul3A_89] : memref<32000xi32, #tpu.memory_space<hbm>> -> memref<128xi32, #tpu.memory_space<hbm>>
          tpu.wait_dma2 semaphore(%run_scoped3A : memref<!tpu.dma_semaphore, #tpu.memory_space<semaphore_mem>>) src(%dma_wait3A_97 : memref<128xi32, #tpu.memory_space<hbm>>) dst(%arg9 : memref<128xi32, #tpu.memory_space<vmem>>)
          tpu.yield
        }) : () -> ()
        %dma_start3A = arith.constant 0 : i32
        %dma_start3A_90 = arith.constant 0 : i32
        %dma_start3A_91 = tpu.memref_slice %arg4[%dma_start3A, %dma_start3A_90] : memref<160000x128xf32, #tpu.memory_space<hbm>> -> memref<160000x128xf32, #tpu.memory_space<hbm>>
        tpu.enqueue_indirect_dma source(%dma_start3A_91 : memref<160000x128xf32, #tpu.memory_space<hbm>>) target(%arg10 : memref<128x128xf32, #tpu.memory_space<vmem>>) offsets(%arg9 : memref<128xi32, #tpu.memory_space<vmem>>) semaphore(%arg16 : memref<!tpu.dma_semaphore, #tpu.memory_space<semaphore_mem>>)
        %dma_start3A_92 = arith.constant 0 : i32
        %dma_start3A_93 = arith.constant 0 : i32
        %dma_start3A_94 = tpu.memref_slice %arg5[%dma_start3A_92, %dma_start3A_93] : memref<10000x128xi32, #tpu.memory_space<hbm>> -> memref<10000x128xi32, #tpu.memory_space<hbm>>
        tpu.enqueue_indirect_dma source(%dma_start3A_94 : memref<10000x128xi32, #tpu.memory_space<hbm>>) target(%arg11 : memref<128x128xi32, #tpu.memory_space<vmem>>) offsets(%arg8 : memref<128xi32, #tpu.memory_space<vmem>>) semaphore(%arg17 : memref<!tpu.dma_semaphore, #tpu.memory_space<semaphore_mem>>)
      } else {
      }
      %mul3A_80 = arith.constant 32 : i32
      %mul3A_81 = arith.muli %add3A_56, %mul3A_80 : i32
      %add3A_82 = arith.addi %add3A, %mul3A_81 : i32
      %lt3A_83 = arith.constant 250 : i32
      %lt3A_84 = arith.cmpi slt, %add3A_82, %lt3A_83 : i32
      %convert_element_type3A_85 = arith.extui %lt3A_84 : i1 to i32
      %cond3A_86 = arith.constant 0 : i32
      %cond3A_87 = arith.cmpi ne, %convert_element_type3A_85, %cond3A_86 : i32
      scf.if %cond3A_87 {
        %mul3A_88 = arith.constant 128 : i32
        %mul3A_89 = arith.muli %add3A_82, %mul3A_88 : i32
        %dma_wait3A = arith.constant 0 : i32
        %dma_wait3A_90 = arith.constant 0 : i32
        %dma_wait3A_91 = tpu.memref_slice %arg4[%dma_wait3A, %dma_wait3A_90] : memref<160000x128xf32, #tpu.memory_space<hbm>> -> memref<160000x128xf32, #tpu.memory_space<hbm>>
        tpu.wait_indirect_dma semaphore(%arg20 : memref<!tpu.dma_semaphore, #tpu.memory_space<semaphore_mem>>) src(%dma_wait3A_91 : memref<160000x128xf32, #tpu.memory_space<hbm>>) dst(%arg14 : memref<128x128xf32, #tpu.memory_space<vmem>>)
        %dma_wait3A_92 = arith.constant 0 : i32
        %dma_wait3A_93 = arith.constant 0 : i32
        %dma_wait3A_94 = tpu.memref_slice %arg5[%dma_wait3A_92, %dma_wait3A_93] : memref<10000x128xi32, #tpu.memory_space<hbm>> -> memref<10000x128xi32, #tpu.memory_space<hbm>>
        tpu.wait_indirect_dma semaphore(%arg21 : memref<!tpu.dma_semaphore, #tpu.memory_space<semaphore_mem>>) src(%dma_wait3A_94 : memref<10000x128xi32, #tpu.memory_space<hbm>>) dst(%arg15 : memref<128x128xi32, #tpu.memory_space<vmem>>)
        %dma_start3A = arith.constant 0 : i32
        %dma_start3A_95 = tpu.memref_slice %arg6[%mul3A_89, %dma_start3A] : memref<32000x128xf32, #tpu.memory_space<hbm>> -> memref<128x128xf32, #tpu.memory_space<hbm>>
        %dma_start3A_96 = arith.constant 0 : i32
        %dma_start3A_97 = tpu.memref_slice %arg6[%mul3A_89, %dma_start3A_96] : memref<32000x128xf32, #tpu.memory_space<hbm>> -> memref<128x128xf32, #tpu.memory_space<hbm>>
        tpu.enqueue_dma source(%arg14 : memref<128x128xf32, #tpu.memory_space<vmem>>) target(%dma_start3A_97 : memref<128x128xf32, #tpu.memory_space<hbm>>) target_semaphore(%arg22 : memref<!tpu.dma_semaphore, #tpu.memory_space<semaphore_mem>>)
        %dma_start3A_98 = arith.constant 0 : i32
        %dma_start3A_99 = tpu.memref_slice %arg7[%mul3A_89, %dma_start3A_98] : memref<32000x128xi32, #tpu.memory_space<hbm>> -> memref<128x128xi32, #tpu.memory_space<hbm>>
        %dma_start3A_100 = arith.constant 0 : i32
        %dma_start3A_101 = tpu.memref_slice %arg7[%mul3A_89, %dma_start3A_100] : memref<32000x128xi32, #tpu.memory_space<hbm>> -> memref<128x128xi32, #tpu.memory_space<hbm>>
        tpu.enqueue_dma source(%arg15 : memref<128x128xi32, #tpu.memory_space<vmem>>) target(%dma_start3A_101 : memref<128x128xi32, #tpu.memory_space<hbm>>) target_semaphore(%arg23 : memref<!tpu.dma_semaphore, #tpu.memory_space<semaphore_mem>>)
      } else {
      }
    }
    %scan3A_9 = arith.constant 4 : i32
    %add3A_10 = arith.constant 224 : i32
    %add3A_11 = arith.addi %add3A, %add3A_10 : i32
    %ge3A = arith.constant 0 : i32
    %ge3A_12 = arith.cmpi sge, %add3A_11, %ge3A : i32
    %lt3A_13 = arith.constant 250 : i32
    %lt3A_14 = arith.cmpi slt, %add3A_11, %lt3A_13 : i32
    %and3A = arith.andi %ge3A_12, %lt3A_14 : i1
    %convert_element_type3A_15 = arith.extui %and3A : i1 to i32
    %cond3A_16 = arith.constant 0 : i32
    %cond3A_17 = arith.cmpi ne, %convert_element_type3A_15, %cond3A_16 : i32
    scf.if %cond3A_17 {
      %mul3A_18 = arith.constant 128 : i32
      %mul3A_19 = arith.muli %add3A_11, %mul3A_18 : i32
      %dma_wait3A = arith.constant 0 : i32
      %dma_wait3A_20 = tpu.memref_slice %arg6[%mul3A_19, %dma_wait3A] : memref<32000x128xf32, #tpu.memory_space<hbm>> -> memref<128x128xf32, #tpu.memory_space<hbm>>
      %dma_wait3A_21 = arith.constant 0 : i32
      %dma_wait3A_22 = tpu.memref_slice %arg6[%mul3A_19, %dma_wait3A_21] : memref<32000x128xf32, #tpu.memory_space<hbm>> -> memref<128x128xf32, #tpu.memory_space<hbm>>
      tpu.wait_dma2 semaphore(%arg22 : memref<!tpu.dma_semaphore, #tpu.memory_space<semaphore_mem>>) src(%arg14 : memref<128x128xf32, #tpu.memory_space<vmem>>) dst(%dma_wait3A_22 : memref<128x128xf32, #tpu.memory_space<hbm>>)
      %dma_wait3A_23 = arith.constant 0 : i32
      %dma_wait3A_24 = tpu.memref_slice %arg7[%mul3A_19, %dma_wait3A_23] : memref<32000x128xi32, #tpu.memory_space<hbm>> -> memref<128x128xi32, #tpu.memory_space<hbm>>
      %dma_wait3A_25 = arith.constant 0 : i32
      %dma_wait3A_26 = tpu.memref_slice %arg7[%mul3A_19, %dma_wait3A_25] : memref<32000x128xi32, #tpu.memory_space<hbm>> -> memref<128x128xi32, #tpu.memory_space<hbm>>
      tpu.wait_dma2 semaphore(%arg23 : memref<!tpu.dma_semaphore, #tpu.memory_space<semaphore_mem>>) src(%arg15 : memref<128x128xi32, #tpu.memory_space<vmem>>) dst(%dma_wait3A_26 : memref<128x128xi32, #tpu.memory_space<hbm>>)
    } else {
    }
    return
  }
}

#map = affine_map<(d0, d1) -> (0)>
#map1 = affine_map<(d0, d1) -> (0, 0)>
module attributes {stable_mosaic.version = 14 : i64} {
  func.func @gather_k(%arg0: i32, %arg1: i32, %arg2: memref<32000xi32, #tpu.memory_space<hbm>>, %arg3: memref<32000xi32, #tpu.memory_space<hbm>>, %arg4: memref<160000x128xf32, #tpu.memory_space<hbm>>, %arg5: memref<10000x128xi32, #tpu.memory_space<hbm>>, %arg6: memref<32000x128xf32, #tpu.memory_space<hbm>>, %arg7: memref<32000x128xi32, #tpu.memory_space<hbm>>, %arg8: memref<128xi32, #tpu.memory_space<vmem>>, %arg9: memref<128xi32, #tpu.memory_space<vmem>>, %arg10: memref<128x128xf32, #tpu.memory_space<vmem>>, %arg11: memref<128x128xi32, #tpu.memory_space<vmem>>, %arg12: memref<128xi32, #tpu.memory_space<vmem>>, %arg13: memref<128xi32, #tpu.memory_space<vmem>>, %arg14: memref<128x128xf32, #tpu.memory_space<vmem>>, %arg15: memref<128x128xi32, #tpu.memory_space<vmem>>, %arg16: memref<!tpu.dma_semaphore, #tpu.memory_space<semaphore_mem>>, %arg17: memref<!tpu.dma_semaphore, #tpu.memory_space<semaphore_mem>>, %arg18: memref<!tpu.dma_semaphore, #tpu.memory_space<semaphore_mem>>, %arg19: memref<!tpu.dma_semaphore, #tpu.memory_space<semaphore_mem>>, %arg20: memref<!tpu.dma_semaphore, #tpu.memory_space<semaphore_mem>>, %arg21: memref<!tpu.dma_semaphore, #tpu.memory_space<semaphore_mem>>, %arg22: memref<!tpu.dma_semaphore, #tpu.memory_space<semaphore_mem>>, %arg23: memref<!tpu.dma_semaphore, #tpu.memory_space<semaphore_mem>>) attributes {dimension_semantics = [#tpu.dimension_semantics<core_parallel>, #tpu.dimension_semantics<subcore_parallel>], iteration_bounds = array<i64: 2, 16>, scalar_prefetch = 0 : i64, scratch_operands = 16 : i64, tpu.core_type = #tpu.core_type<sc_vector_subcore>, window_params = [{transform_indices = #map}, {transform_indices = #map}, {transform_indices = #map1}, {transform_indices = #map1}, {transform_indices = #map1}, {transform_indices = #map1}]} {
    %mul3A = arith.constant 2 : i32
    %mul3A_0 = arith.muli %arg1, %mul3A : i32
    %add3A = arith.addi %mul3A_0, %arg0 : i32
    %add3A_1 = arith.constant 0 : i32
    %add3A_2 = arith.addi %add3A, %add3A_1 : i32
    %lt3A = arith.constant 250 : i32
    %lt3A_3 = arith.cmpi slt, %add3A_2, %lt3A : i32
    %convert_element_type3A = arith.extui %lt3A_3 : i1 to i32
    %cond3A = arith.constant 0 : i32
    %cond3A_4 = arith.cmpi ne, %convert_element_type3A, %cond3A : i32
    scf.if %cond3A_4 {
      %mul3A_18 = arith.constant 128 : i32
      %mul3A_19 = arith.muli %add3A_2, %mul3A_18 : i32
      "tpu.region"() ({
        %run_scoped3A = tpu.sem_alloc : memref<!tpu.dma_semaphore, #tpu.memory_space<semaphore_mem>>
        %dma_start3A_25 = tpu.memref_slice %arg2[%mul3A_19] : memref<32000xi32, #tpu.memory_space<hbm>> -> memref<128xi32, #tpu.memory_space<hbm>>
        %dma_start3A_26 = tpu.memref_slice %arg2[%mul3A_19] : memref<32000xi32, #tpu.memory_space<hbm>> -> memref<128xi32, #tpu.memory_space<hbm>>
        tpu.enqueue_dma source(%dma_start3A_26 : memref<128xi32, #tpu.memory_space<hbm>>) target(%arg8 : memref<128xi32, #tpu.memory_space<vmem>>) target_semaphore(%run_scoped3A : memref<!tpu.dma_semaphore, #tpu.memory_space<semaphore_mem>>)
        %dma_wait3A = tpu.memref_slice %arg2[%mul3A_19] : memref<32000xi32, #tpu.memory_space<hbm>> -> memref<128xi32, #tpu.memory_space<hbm>>
        %dma_wait3A_27 = tpu.memref_slice %arg2[%mul3A_19] : memref<32000xi32, #tpu.memory_space<hbm>> -> memref<128xi32, #tpu.memory_space<hbm>>
        tpu.wait_dma2 semaphore(%run_scoped3A : memref<!tpu.dma_semaphore, #tpu.memory_space<semaphore_mem>>) src(%dma_wait3A_27 : memref<128xi32, #tpu.memory_space<hbm>>) dst(%arg8 : memref<128xi32, #tpu.memory_space<vmem>>)
        tpu.yield
      }) : () -> ()
      "tpu.region"() ({
        %run_scoped3A = tpu.sem_alloc : memref<!tpu.dma_semaphore, #tpu.memory_space<semaphore_mem>>
        %dma_start3A_25 = tpu.memref_slice %arg3[%mul3A_19] : memref<32000xi32, #tpu.memory_space<hbm>> -> memref<128xi32, #tpu.memory_space<hbm>>
        %dma_start3A_26 = tpu.memref_slice %arg3[%mul3A_19] : memref<32000xi32, #tpu.memory_space<hbm>> -> memref<128xi32, #tpu.memory_space<hbm>>
        tpu.enqueue_dma source(%dma_start3A_26 : memref<128xi32, #tpu.memory_space<hbm>>) target(%arg9 : memref<128xi32, #tpu.memory_space<vmem>>) target_semaphore(%run_scoped3A : memref<!tpu.dma_semaphore, #tpu.memory_space<semaphore_mem>>)
        %dma_wait3A = tpu.memref_slice %arg3[%mul3A_19] : memref<32000xi32, #tpu.memory_space<hbm>> -> memref<128xi32, #tpu.memory_space<hbm>>
        %dma_wait3A_27 = tpu.memref_slice %arg3[%mul3A_19] : memref<32000xi32, #tpu.memory_space<hbm>> -> memref<128xi32, #tpu.memory_space<hbm>>
        tpu.wait_dma2 semaphore(%run_scoped3A : memref<!tpu.dma_semaphore, #tpu.memory_space<semaphore_mem>>) src(%dma_wait3A_27 : memref<128xi32, #tpu.memory_space<hbm>>) dst(%arg9 : memref<128xi32, #tpu.memory_space<vmem>>)
        tpu.yield
      }) : () -> ()
      %dma_start3A = arith.constant 0 : i32
      %dma_start3A_20 = arith.constant 0 : i32
      %dma_start3A_21 = tpu.memref_slice %arg4[%dma_start3A, %dma_start3A_20] : memref<160000x128xf32, #tpu.memory_space<hbm>> -> memref<160000x128xf32, #tpu.memory_space<hbm>>
      tpu.enqueue_indirect_dma source(%dma_start3A_21 : memref<160000x128xf32, #tpu.memory_space<hbm>>) target(%arg10 : memref<128x128xf32, #tpu.memory_space<vmem>>) offsets(%arg9 : memref<128xi32, #tpu.memory_space<vmem>>) semaphore(%arg16 : memref<!tpu.dma_semaphore, #tpu.memory_space<semaphore_mem>>)
      %dma_start3A_22 = arith.constant 0 : i32
      %dma_start3A_23 = arith.constant 0 : i32
      %dma_start3A_24 = tpu.memref_slice %arg5[%dma_start3A_22, %dma_start3A_23] : memref<10000x128xi32, #tpu.memory_space<hbm>> -> memref<10000x128xi32, #tpu.memory_space<hbm>>
      tpu.enqueue_indirect_dma source(%dma_start3A_24 : memref<10000x128xi32, #tpu.memory_space<hbm>>) target(%arg11 : memref<128x128xi32, #tpu.memory_space<vmem>>) offsets(%arg8 : memref<128xi32, #tpu.memory_space<vmem>>) semaphore(%arg17 : memref<!tpu.dma_semaphore, #tpu.memory_space<semaphore_mem>>)
    } else {
    }
    %scan3A = arith.constant 0 : i32
    %scan3A_5 = arith.constant 0 : i32
    %scan3A_6 = arith.constant 4 : i32
    %scan3A_7 = arith.addi %scan3A_5, %scan3A_6 : i32
    %scan3A_8 = arith.constant 1 : i32
    scf.for %scan3A_18 = %scan3A_5 to %scan3A_7 step %scan3A_8  : i32 {
      %mul3A_19 = arith.constant 2 : i32
      %mul3A_20 = arith.muli %scan3A_18, %mul3A_19 : i32
      %add3A_21 = arith.constant 0 : i32
      %add3A_22 = arith.addi %mul3A_20, %add3A_21 : i32
      %sub3A = arith.constant 1 : i32
      %sub3A_23 = arith.subi %add3A_22, %sub3A : i32
      %mul3A_24 = arith.constant 32 : i32
      %mul3A_25 = arith.muli %sub3A_23, %mul3A_24 : i32
      %add3A_26 = arith.addi %add3A, %mul3A_25 : i32
      %ge3A_27 = arith.constant 0 : i32
      %ge3A_28 = arith.cmpi sge, %add3A_26, %ge3A_27 : i32
      %lt3A_29 = arith.constant 250 : i32
      %lt3A_30 = arith.cmpi slt, %add3A_26, %lt3A_29 : i32
      %and3A_31 = arith.andi %ge3A_28, %lt3A_30 : i1
      %convert_element_type3A_32 = arith.extui %and3A_31 : i1 to i32
      %cond3A_33 = arith.constant 0 : i32
      %cond3A_34 = arith.cmpi ne, %convert_element_type3A_32, %cond3A_33 : i32
      scf.if %cond3A_34 {
        %mul3A_88 = arith.constant 128 : i32
        %mul3A_89 = arith.muli %add3A_26, %mul3A_88 : i32
        %dma_wait3A = arith.constant 0 : i32
        %dma_wait3A_90 = tpu.memref_slice %arg6[%mul3A_89, %dma_wait3A] : memref<32000x128xf32, #tpu.memory_space<hbm>> -> memref<128x128xf32, #tpu.memory_space<hbm>>
        %dma_wait3A_91 = arith.constant 0 : i32
        %dma_wait3A_92 = tpu.memref_slice %arg6[%mul3A_89, %dma_wait3A_91] : memref<32000x128xf32, #tpu.memory_space<hbm>> -> memref<128x128xf32, #tpu.memory_space<hbm>>
        tpu.wait_dma2 semaphore(%arg22 : memref<!tpu.dma_semaphore, #tpu.memory_space<semaphore_mem>>) src(%arg14 : memref<128x128xf32, #tpu.memory_space<vmem>>) dst(%dma_wait3A_92 : memref<128x128xf32, #tpu.memory_space<hbm>>)
        %dma_wait3A_93 = arith.constant 0 : i32
        %dma_wait3A_94 = tpu.memref_slice %arg7[%mul3A_89, %dma_wait3A_93] : memref<32000x128xi32, #tpu.memory_space<hbm>> -> memref<128x128xi32, #tpu.memory_space<hbm>>
        %dma_wait3A_95 = arith.constant 0 : i32
        %dma_wait3A_96 = tpu.memref_slice %arg7[%mul3A_89, %dma_wait3A_95] : memref<32000x128xi32, #tpu.memory_space<hbm>> -> memref<128x128xi32, #tpu.memory_space<hbm>>
        tpu.wait_dma2 semaphore(%arg23 : memref<!tpu.dma_semaphore, #tpu.memory_space<semaphore_mem>>) src(%arg15 : memref<128x128xi32, #tpu.memory_space<vmem>>) dst(%dma_wait3A_96 : memref<128x128xi32, #tpu.memory_space<hbm>>)
      } else {
      }
      %add3A_35 = arith.constant 1 : i32
      %add3A_36 = arith.addi %add3A_22, %add3A_35 : i32
      %mul3A_37 = arith.constant 32 : i32
      %mul3A_38 = arith.muli %add3A_36, %mul3A_37 : i32
      %add3A_39 = arith.addi %add3A, %mul3A_38 : i32
      %lt3A_40 = arith.constant 250 : i32
      %lt3A_41 = arith.cmpi slt, %add3A_39, %lt3A_40 : i32
      %convert_element_type3A_42 = arith.extui %lt3A_41 : i1 to i32
      %cond3A_43 = arith.constant 0 : i32
      %cond3A_44 = arith.cmpi ne, %convert_element_type3A_42, %cond3A_43 : i32
      scf.if %cond3A_44 {
        %mul3A_88 = arith.constant 128 : i32
        %mul3A_89 = arith.muli %add3A_39, %mul3A_88 : i32
        "tpu.region"() ({
          %run_scoped3A = tpu.sem_alloc : memref<!tpu.dma_semaphore, #tpu.memory_space<semaphore_mem>>
          %dma_start3A_95 = tpu.memref_slice %arg2[%mul3A_89] : memref<32000xi32, #tpu.memory_space<hbm>> -> memref<128xi32, #tpu.memory_space<hbm>>
          %dma_start3A_96 = tpu.memref_slice %arg2[%mul3A_89] : memref<32000xi32, #tpu.memory_space<hbm>> -> memref<128xi32, #tpu.memory_space<hbm>>
          tpu.enqueue_dma source(%dma_start3A_96 : memref<128xi32, #tpu.memory_space<hbm>>) target(%arg12 : memref<128xi32, #tpu.memory_space<vmem>>) target_semaphore(%run_scoped3A : memref<!tpu.dma_semaphore, #tpu.memory_space<semaphore_mem>>)
          %dma_wait3A = tpu.memref_slice %arg2[%mul3A_89] : memref<32000xi32, #tpu.memory_space<hbm>> -> memref<128xi32, #tpu.memory_space<hbm>>
          %dma_wait3A_97 = tpu.memref_slice %arg2[%mul3A_89] : memref<32000xi32, #tpu.memory_space<hbm>> -> memref<128xi32, #tpu.memory_space<hbm>>
          tpu.wait_dma2 semaphore(%run_scoped3A : memref<!tpu.dma_semaphore, #tpu.memory_space<semaphore_mem>>) src(%dma_wait3A_97 : memref<128xi32, #tpu.memory_space<hbm>>) dst(%arg12 : memref<128xi32, #tpu.memory_space<vmem>>)
          tpu.yield
        }) : () -> ()
        "tpu.region"() ({
          %run_scoped3A = tpu.sem_alloc : memref<!tpu.dma_semaphore, #tpu.memory_space<semaphore_mem>>
          %dma_start3A_95 = tpu.memref_slice %arg3[%mul3A_89] : memref<32000xi32, #tpu.memory_space<hbm>> -> memref<128xi32, #tpu.memory_space<hbm>>
          %dma_start3A_96 = tpu.memref_slice %arg3[%mul3A_89] : memref<32000xi32, #tpu.memory_space<hbm>> -> memref<128xi32, #tpu.memory_space<hbm>>
          tpu.enqueue_dma source(%dma_start3A_96 : memref<128xi32, #tpu.memory_space<hbm>>) target(%arg13 : memref<128xi32, #tpu.memory_space<vmem>>) target_semaphore(%run_scoped3A : memref<!tpu.dma_semaphore, #tpu.memory_space<semaphore_mem>>)
          %dma_wait3A = tpu.memref_slice %arg3[%mul3A_89] : memref<32000xi32, #tpu.memory_space<hbm>> -> memref<128xi32, #tpu.memory_space<hbm>>
          %dma_wait3A_97 = tpu.memref_slice %arg3[%mul3A_89] : memref<32000xi32, #tpu.memory_space<hbm>> -> memref<128xi32, #tpu.memory_space<hbm>>
          tpu.wait_dma2 semaphore(%run_scoped3A : memref<!tpu.dma_semaphore, #tpu.memory_space<semaphore_mem>>) src(%dma_wait3A_97 : memref<128xi32, #tpu.memory_space<hbm>>) dst(%arg13 : memref<128xi32, #tpu.memory_space<vmem>>)
          tpu.yield
        }) : () -> ()
        %dma_start3A = arith.constant 0 : i32
        %dma_start3A_90 = arith.constant 0 : i32
        %dma_start3A_91 = tpu.memref_slice %arg4[%dma_start3A, %dma_start3A_90] : memref<160000x128xf32, #tpu.memory_space<hbm>> -> memref<160000x128xf32, #tpu.memory_space<hbm>>
        tpu.enqueue_indirect_dma source(%dma_start3A_91 : memref<160000x128xf32, #tpu.memory_space<hbm>>) target(%arg14 : memref<128x128xf32, #tpu.memory_space<vmem>>) offsets(%arg13 : memref<128xi32, #tpu.memory_space<vmem>>) semaphore(%arg20 : memref<!tpu.dma_semaphore, #tpu.memory_space<semaphore_mem>>)
        %dma_start3A_92 = arith.constant 0 : i32
        %dma_start3A_93 = arith.constant 0 : i32
        %dma_start3A_94 = tpu.memref_slice %arg5[%dma_start3A_92, %dma_start3A_93] : memref<10000x128xi32, #tpu.memory_space<hbm>> -> memref<10000x128xi32, #tpu.memory_space<hbm>>
        tpu.enqueue_indirect_dma source(%dma_start3A_94 : memref<10000x128xi32, #tpu.memory_space<hbm>>) target(%arg15 : memref<128x128xi32, #tpu.memory_space<vmem>>) offsets(%arg12 : memref<128xi32, #tpu.memory_space<vmem>>) semaphore(%arg21 : memref<!tpu.dma_semaphore, #tpu.memory_space<semaphore_mem>>)
      } else {
      }
      %mul3A_45 = arith.constant 32 : i32
      %mul3A_46 = arith.muli %add3A_22, %mul3A_45 : i32
      %add3A_47 = arith.addi %add3A, %mul3A_46 : i32
      %lt3A_48 = arith.constant 250 : i32
      %lt3A_49 = arith.cmpi slt, %add3A_47, %lt3A_48 : i32
      %convert_element_type3A_50 = arith.extui %lt3A_49 : i1 to i32
      %cond3A_51 = arith.constant 0 : i32
      %cond3A_52 = arith.cmpi ne, %convert_element_type3A_50, %cond3A_51 : i32
      scf.if %cond3A_52 {
        %mul3A_88 = arith.constant 128 : i32
        %mul3A_89 = arith.muli %add3A_47, %mul3A_88 : i32
        %dma_wait3A = arith.constant 0 : i32
        %dma_wait3A_90 = arith.constant 0 : i32
        %dma_wait3A_91 = tpu.memref_slice %arg4[%dma_wait3A, %dma_wait3A_90] : memref<160000x128xf32, #tpu.memory_space<hbm>> -> memref<160000x128xf32, #tpu.memory_space<hbm>>
        tpu.wait_indirect_dma semaphore(%arg16 : memref<!tpu.dma_semaphore, #tpu.memory_space<semaphore_mem>>) src(%dma_wait3A_91 : memref<160000x128xf32, #tpu.memory_space<hbm>>) dst(%arg10 : memref<128x128xf32, #tpu.memory_space<vmem>>)
        %dma_wait3A_92 = arith.constant 0 : i32
        %dma_wait3A_93 = arith.constant 0 : i32
        %dma_wait3A_94 = tpu.memref_slice %arg5[%dma_wait3A_92, %dma_wait3A_93] : memref<10000x128xi32, #tpu.memory_space<hbm>> -> memref<10000x128xi32, #tpu.memory_space<hbm>>
        tpu.wait_indirect_dma semaphore(%arg17 : memref<!tpu.dma_semaphore, #tpu.memory_space<semaphore_mem>>) src(%dma_wait3A_94 : memref<10000x128xi32, #tpu.memory_space<hbm>>) dst(%arg11 : memref<128x128xi32, #tpu.memory_space<vmem>>)
        %dma_start3A = arith.constant 0 : i32
        %dma_start3A_95 = tpu.memref_slice %arg6[%mul3A_89, %dma_start3A] : memref<32000x128xf32, #tpu.memory_space<hbm>> -> memref<128x128xf32, #tpu.memory_space<hbm>>
        %dma_start3A_96 = arith.constant 0 : i32
        %dma_start3A_97 = tpu.memref_slice %arg6[%mul3A_89, %dma_start3A_96] : memref<32000x128xf32, #tpu.memory_space<hbm>> -> memref<128x128xf32, #tpu.memory_space<hbm>>
        tpu.enqueue_dma source(%arg10 : memref<128x128xf32, #tpu.memory_space<vmem>>) target(%dma_start3A_97 : memref<128x128xf32, #tpu.memory_space<hbm>>) target_semaphore(%arg18 : memref<!tpu.dma_semaphore, #tpu.memory_space<semaphore_mem>>)
        %dma_start3A_98 = arith.constant 0 : i32
        %dma_start3A_99 = tpu.memref_slice %arg7[%mul3A_89, %dma_start3A_98] : memref<32000x128xi32, #tpu.memory_space<hbm>> -> memref<128x128xi32, #tpu.memory_space<hbm>>
        %dma_start3A_100 = arith.constant 0 : i32
        %dma_start3A_101 = tpu.memref_slice %arg7[%mul3A_89, %dma_start3A_100] : memref<32000x128xi32, #tpu.memory_space<hbm>> -> memref<128x128xi32, #tpu.memory_space<hbm>>
        tpu.enqueue_dma source(%arg11 : memref<128x128xi32, #tpu.memory_space<vmem>>) target(%dma_start3A_101 : memref<128x128xi32, #tpu.memory_space<hbm>>) target_semaphore(%arg19 : memref<!tpu.dma_semaphore, #tpu.memory_space<semaphore_mem>>)
      } else {
      }
      %mul3A_53 = arith.constant 2 : i32
      %mul3A_54 = arith.muli %scan3A_18, %mul3A_53 : i32
      %add3A_55 = arith.constant 1 : i32
      %add3A_56 = arith.addi %mul3A_54, %add3A_55 : i32
      %sub3A_57 = arith.constant 1 : i32
      %sub3A_58 = arith.subi %add3A_56, %sub3A_57 : i32
      %mul3A_59 = arith.constant 32 : i32
      %mul3A_60 = arith.muli %sub3A_58, %mul3A_59 : i32
      %add3A_61 = arith.addi %add3A, %mul3A_60 : i32
      %ge3A_62 = arith.constant 0 : i32
      %ge3A_63 = arith.cmpi sge, %add3A_61, %ge3A_62 : i32
      %lt3A_64 = arith.constant 250 : i32
      %lt3A_65 = arith.cmpi slt, %add3A_61, %lt3A_64 : i32
      %and3A_66 = arith.andi %ge3A_63, %lt3A_65 : i1
      %convert_element_type3A_67 = arith.extui %and3A_66 : i1 to i32
      %cond3A_68 = arith.constant 0 : i32
      %cond3A_69 = arith.cmpi ne, %convert_element_type3A_67, %cond3A_68 : i32
      scf.if %cond3A_69 {
        %mul3A_88 = arith.constant 128 : i32
        %mul3A_89 = arith.muli %add3A_61, %mul3A_88 : i32
        %dma_wait3A = arith.constant 0 : i32
        %dma_wait3A_90 = tpu.memref_slice %arg6[%mul3A_89, %dma_wait3A] : memref<32000x128xf32, #tpu.memory_space<hbm>> -> memref<128x128xf32, #tpu.memory_space<hbm>>
        %dma_wait3A_91 = arith.constant 0 : i32
        %dma_wait3A_92 = tpu.memref_slice %arg6[%mul3A_89, %dma_wait3A_91] : memref<32000x128xf32, #tpu.memory_space<hbm>> -> memref<128x128xf32, #tpu.memory_space<hbm>>
        tpu.wait_dma2 semaphore(%arg18 : memref<!tpu.dma_semaphore, #tpu.memory_space<semaphore_mem>>) src(%arg10 : memref<128x128xf32, #tpu.memory_space<vmem>>) dst(%dma_wait3A_92 : memref<128x128xf32, #tpu.memory_space<hbm>>)
        %dma_wait3A_93 = arith.constant 0 : i32
        %dma_wait3A_94 = tpu.memref_slice %arg7[%mul3A_89, %dma_wait3A_93] : memref<32000x128xi32, #tpu.memory_space<hbm>> -> memref<128x128xi32, #tpu.memory_space<hbm>>
        %dma_wait3A_95 = arith.constant 0 : i32
        %dma_wait3A_96 = tpu.memref_slice %arg7[%mul3A_89, %dma_wait3A_95] : memref<32000x128xi32, #tpu.memory_space<hbm>> -> memref<128x128xi32, #tpu.memory_space<hbm>>
        tpu.wait_dma2 semaphore(%arg19 : memref<!tpu.dma_semaphore, #tpu.memory_space<semaphore_mem>>) src(%arg11 : memref<128x128xi32, #tpu.memory_space<vmem>>) dst(%dma_wait3A_96 : memref<128x128xi32, #tpu.memory_space<hbm>>)
      } else {
      }
      %add3A_70 = arith.constant 1 : i32
      %add3A_71 = arith.addi %add3A_56, %add3A_70 : i32
      %mul3A_72 = arith.constant 32 : i32
      %mul3A_73 = arith.muli %add3A_71, %mul3A_72 : i32
      %add3A_74 = arith.addi %add3A, %mul3A_73 : i32
      %lt3A_75 = arith.constant 250 : i32
      %lt3A_76 = arith.cmpi slt, %add3A_74, %lt3A_75 : i32
      %convert_element_type3A_77 = arith.extui %lt3A_76 : i1 to i32
      %cond3A_78 = arith.constant 0 : i32
      %cond3A_79 = arith.cmpi ne, %convert_element_type3A_77, %cond3A_78 : i32
      scf.if %cond3A_79 {
        %mul3A_88 = arith.constant 128 : i32
        %mul3A_89 = arith.muli %add3A_74, %mul3A_88 : i32
        "tpu.region"() ({
          %run_scoped3A = tpu.sem_alloc : memref<!tpu.dma_semaphore, #tpu.memory_space<semaphore_mem>>
          %dma_start3A_95 = tpu.memref_slice %arg2[%mul3A_89] : memref<32000xi32, #tpu.memory_space<hbm>> -> memref<128xi32, #tpu.memory_space<hbm>>
          %dma_start3A_96 = tpu.memref_slice %arg2[%mul3A_89] : memref<32000xi32, #tpu.memory_space<hbm>> -> memref<128xi32, #tpu.memory_space<hbm>>
          tpu.enqueue_dma source(%dma_start3A_96 : memref<128xi32, #tpu.memory_space<hbm>>) target(%arg8 : memref<128xi32, #tpu.memory_space<vmem>>) target_semaphore(%run_scoped3A : memref<!tpu.dma_semaphore, #tpu.memory_space<semaphore_mem>>)
          %dma_wait3A = tpu.memref_slice %arg2[%mul3A_89] : memref<32000xi32, #tpu.memory_space<hbm>> -> memref<128xi32, #tpu.memory_space<hbm>>
          %dma_wait3A_97 = tpu.memref_slice %arg2[%mul3A_89] : memref<32000xi32, #tpu.memory_space<hbm>> -> memref<128xi32, #tpu.memory_space<hbm>>
          tpu.wait_dma2 semaphore(%run_scoped3A : memref<!tpu.dma_semaphore, #tpu.memory_space<semaphore_mem>>) src(%dma_wait3A_97 : memref<128xi32, #tpu.memory_space<hbm>>) dst(%arg8 : memref<128xi32, #tpu.memory_space<vmem>>)
          tpu.yield
        }) : () -> ()
        "tpu.region"() ({
          %run_scoped3A = tpu.sem_alloc : memref<!tpu.dma_semaphore, #tpu.memory_space<semaphore_mem>>
          %dma_start3A_95 = tpu.memref_slice %arg3[%mul3A_89] : memref<32000xi32, #tpu.memory_space<hbm>> -> memref<128xi32, #tpu.memory_space<hbm>>
          %dma_start3A_96 = tpu.memref_slice %arg3[%mul3A_89] : memref<32000xi32, #tpu.memory_space<hbm>> -> memref<128xi32, #tpu.memory_space<hbm>>
          tpu.enqueue_dma source(%dma_start3A_96 : memref<128xi32, #tpu.memory_space<hbm>>) target(%arg9 : memref<128xi32, #tpu.memory_space<vmem>>) target_semaphore(%run_scoped3A : memref<!tpu.dma_semaphore, #tpu.memory_space<semaphore_mem>>)
          %dma_wait3A = tpu.memref_slice %arg3[%mul3A_89] : memref<32000xi32, #tpu.memory_space<hbm>> -> memref<128xi32, #tpu.memory_space<hbm>>
          %dma_wait3A_97 = tpu.memref_slice %arg3[%mul3A_89] : memref<32000xi32, #tpu.memory_space<hbm>> -> memref<128xi32, #tpu.memory_space<hbm>>
          tpu.wait_dma2 semaphore(%run_scoped3A : memref<!tpu.dma_semaphore, #tpu.memory_space<semaphore_mem>>) src(%dma_wait3A_97 : memref<128xi32, #tpu.memory_space<hbm>>) dst(%arg9 : memref<128xi32, #tpu.memory_space<vmem>>)
          tpu.yield
        }) : () -> ()
        %dma_start3A = arith.constant 0 : i32
        %dma_start3A_90 = arith.constant 0 : i32
        %dma_start3A_91 = tpu.memref_slice %arg4[%dma_start3A, %dma_start3A_90] : memref<160000x128xf32, #tpu.memory_space<hbm>> -> memref<160000x128xf32, #tpu.memory_space<hbm>>
        tpu.enqueue_indirect_dma source(%dma_start3A_91 : memref<160000x128xf32, #tpu.memory_space<hbm>>) target(%arg10 : memref<128x128xf32, #tpu.memory_space<vmem>>) offsets(%arg9 : memref<128xi32, #tpu.memory_space<vmem>>) semaphore(%arg16 : memref<!tpu.dma_semaphore, #tpu.memory_space<semaphore_mem>>)
        %dma_start3A_92 = arith.constant 0 : i32
        %dma_start3A_93 = arith.constant 0 : i32
        %dma_start3A_94 = tpu.memref_slice %arg5[%dma_start3A_92, %dma_start3A_93] : memref<10000x128xi32, #tpu.memory_space<hbm>> -> memref<10000x128xi32, #tpu.memory_space<hbm>>
        tpu.enqueue_indirect_dma source(%dma_start3A_94 : memref<10000x128xi32, #tpu.memory_space<hbm>>) target(%arg11 : memref<128x128xi32, #tpu.memory_space<vmem>>) offsets(%arg8 : memref<128xi32, #tpu.memory_space<vmem>>) semaphore(%arg17 : memref<!tpu.dma_semaphore, #tpu.memory_space<semaphore_mem>>)
      } else {
      }
      %mul3A_80 = arith.constant 32 : i32
      %mul3A_81 = arith.muli %add3A_56, %mul3A_80 : i32
      %add3A_82 = arith.addi %add3A, %mul3A_81 : i32
      %lt3A_83 = arith.constant 250 : i32
      %lt3A_84 = arith.cmpi slt, %add3A_82, %lt3A_83 : i32
      %convert_element_type3A_85 = arith.extui %lt3A_84 : i1 to i32
      %cond3A_86 = arith.constant 0 : i32
      %cond3A_87 = arith.cmpi ne, %convert_element_type3A_85, %cond3A_86 : i32
      scf.if %cond3A_87 {
        %mul3A_88 = arith.constant 128 : i32
        %mul3A_89 = arith.muli %add3A_82, %mul3A_88 : i32
        %dma_wait3A = arith.constant 0 : i32
        %dma_wait3A_90 = arith.constant 0 : i32
        %dma_wait3A_91 = tpu.memref_slice %arg4[%dma_wait3A, %dma_wait3A_90] : memref<160000x128xf32, #tpu.memory_space<hbm>> -> memref<160000x128xf32, #tpu.memory_space<hbm>>
        tpu.wait_indirect_dma semaphore(%arg20 : memref<!tpu.dma_semaphore, #tpu.memory_space<semaphore_mem>>) src(%dma_wait3A_91 : memref<160000x128xf32, #tpu.memory_space<hbm>>) dst(%arg14 : memref<128x128xf32, #tpu.memory_space<vmem>>)
        %dma_wait3A_92 = arith.constant 0 : i32
        %dma_wait3A_93 = arith.constant 0 : i32
        %dma_wait3A_94 = tpu.memref_slice %arg5[%dma_wait3A_92, %dma_wait3A_93] : memref<10000x128xi32, #tpu.memory_space<hbm>> -> memref<10000x128xi32, #tpu.memory_space<hbm>>
        tpu.wait_indirect_dma semaphore(%arg21 : memref<!tpu.dma_semaphore, #tpu.memory_space<semaphore_mem>>) src(%dma_wait3A_94 : memref<10000x128xi32, #tpu.memory_space<hbm>>) dst(%arg15 : memref<128x128xi32, #tpu.memory_space<vmem>>)
        %dma_start3A = arith.constant 0 : i32
        %dma_start3A_95 = tpu.memref_slice %arg6[%mul3A_89, %dma_start3A] : memref<32000x128xf32, #tpu.memory_space<hbm>> -> memref<128x128xf32, #tpu.memory_space<hbm>>
        %dma_start3A_96 = arith.constant 0 : i32
        %dma_start3A_97 = tpu.memref_slice %arg6[%mul3A_89, %dma_start3A_96] : memref<32000x128xf32, #tpu.memory_space<hbm>> -> memref<128x128xf32, #tpu.memory_space<hbm>>
        tpu.enqueue_dma source(%arg14 : memref<128x128xf32, #tpu.memory_space<vmem>>) target(%dma_start3A_97 : memref<128x128xf32, #tpu.memory_space<hbm>>) target_semaphore(%arg22 : memref<!tpu.dma_semaphore, #tpu.memory_space<semaphore_mem>>)
        %dma_start3A_98 = arith.constant 0 : i32
        %dma_start3A_99 = tpu.memref_slice %arg7[%mul3A_89, %dma_start3A_98] : memref<32000x128xi32, #tpu.memory_space<hbm>> -> memref<128x128xi32, #tpu.memory_space<hbm>>
        %dma_start3A_100 = arith.constant 0 : i32
        %dma_start3A_101 = tpu.memref_slice %arg7[%mul3A_89, %dma_start3A_100] : memref<32000x128xi32, #tpu.memory_space<hbm>> -> memref<128x128xi32, #tpu.memory_space<hbm>>
        tpu.enqueue_dma source(%arg15 : memref<128x128xi32, #tpu.memory_space<vmem>>) target(%dma_start3A_101 : memref<128x128xi32, #tpu.memory_space<hbm>>) target_semaphore(%arg23 : memref<!tpu.dma_semaphore, #tpu.memory_space<semaphore_mem>>)
      } else {
      }
    }
    %scan3A_9 = arith.constant 4 : i32
    %add3A_10 = arith.constant 224 : i32
    %add3A_11 = arith.addi %add3A, %add3A_10 : i32
    %ge3A = arith.constant 0 : i32
    %ge3A_12 = arith.cmpi sge, %add3A_11, %ge3A : i32
    %lt3A_13 = arith.constant 250 : i32
    %lt3A_14 = arith.cmpi slt, %add3A_11, %lt3A_13 : i32
    %and3A = arith.andi %ge3A_12, %lt3A_14 : i1
    %convert_element_type3A_15 = arith.extui %and3A : i1 to i32
    %cond3A_16 = arith.constant 0 : i32
    %cond3A_17 = arith.cmpi ne, %convert_element_type3A_15, %cond3A_16 : i32
    scf.if %cond3A_17 {
      %mul3A_18 = arith.constant 128 : i32
      %mul3A_19 = arith.muli %add3A_11, %mul3A_18 : i32
      %dma_wait3A = arith.constant 0 : i32
      %dma_wait3A_20 = tpu.memref_slice %arg6[%mul3A_19, %dma_wait3A] : memref<32000x128xf32, #tpu.memory_space<hbm>> -> memref<128x128xf32, #tpu.memory_space<hbm>>
      %dma_wait3A_21 = arith.constant 0 : i32
      %dma_wait3A_22 = tpu.memref_slice %arg6[%mul3A_19, %dma_wait3A_21] : memref<32000x128xf32, #tpu.memory_space<hbm>> -> memref<128x128xf32, #tpu.memory_space<hbm>>
      tpu.wait_dma2 semaphore(%arg22 : memref<!tpu.dma_semaphore, #tpu.memory_space<semaphore_mem>>) src(%arg14 : memref<128x128xf32, #tpu.memory_space<vmem>>) dst(%dma_wait3A_22 : memref<128x128xf32, #tpu.memory_space<hbm>>)
      %dma_wait3A_23 = arith.constant 0 : i32
      %dma_wait3A_24 = tpu.memref_slice %arg7[%mul3A_19, %dma_wait3A_23] : memref<32000x128xi32, #tpu.memory_space<hbm>> -> memref<128x128xi32, #tpu.memory_space<hbm>>
      %dma_wait3A_25 = arith.constant 0 : i32
      %dma_wait3A_26 = tpu.memref_slice %arg7[%mul3A_19, %dma_wait3A_25] : memref<32000x128xi32, #tpu.memory_space<hbm>> -> memref<128x128xi32, #tpu.memory_space<hbm>>
      tpu.wait_dma2 semaphore(%arg23 : memref<!tpu.dma_semaphore, #tpu.memory_space<semaphore_mem>>) src(%arg15 : memref<128x128xi32, #tpu.memory_space<vmem>>) dst(%dma_wait3A_26 : memref<128x128xi32, #tpu.memory_space<hbm>>)
    } else {
    }
    return
  }
}

#map = affine_map<(d0, d1) -> (0)>
#map1 = affine_map<(d0, d1) -> (0, 0)>
module attributes {stable_mosaic.version = 14 : i64} {
  func.func @gather_k(%arg0: i32, %arg1: i32, %arg2: memref<32000xi32, #tpu.memory_space<hbm>>, %arg3: memref<32000xi32, #tpu.memory_space<hbm>>, %arg4: memref<160000x128xf32, #tpu.memory_space<hbm>>, %arg5: memref<10000x128xi32, #tpu.memory_space<hbm>>, %arg6: memref<32000x128xf32, #tpu.memory_space<hbm>>, %arg7: memref<32000x128xi32, #tpu.memory_space<hbm>>, %arg8: memref<128xi32, #tpu.memory_space<vmem>>, %arg9: memref<128xi32, #tpu.memory_space<vmem>>, %arg10: memref<128x128xf32, #tpu.memory_space<vmem>>, %arg11: memref<128x128xi32, #tpu.memory_space<vmem>>, %arg12: memref<128xi32, #tpu.memory_space<vmem>>, %arg13: memref<128xi32, #tpu.memory_space<vmem>>, %arg14: memref<128x128xf32, #tpu.memory_space<vmem>>, %arg15: memref<128x128xi32, #tpu.memory_space<vmem>>, %arg16: memref<!tpu.dma_semaphore, #tpu.memory_space<semaphore_mem>>, %arg17: memref<!tpu.dma_semaphore, #tpu.memory_space<semaphore_mem>>, %arg18: memref<!tpu.dma_semaphore, #tpu.memory_space<semaphore_mem>>, %arg19: memref<!tpu.dma_semaphore, #tpu.memory_space<semaphore_mem>>, %arg20: memref<!tpu.dma_semaphore, #tpu.memory_space<semaphore_mem>>, %arg21: memref<!tpu.dma_semaphore, #tpu.memory_space<semaphore_mem>>, %arg22: memref<!tpu.dma_semaphore, #tpu.memory_space<semaphore_mem>>, %arg23: memref<!tpu.dma_semaphore, #tpu.memory_space<semaphore_mem>>) attributes {dimension_semantics = [#tpu.dimension_semantics<core_parallel>, #tpu.dimension_semantics<subcore_parallel>], iteration_bounds = array<i64: 2, 16>, scalar_prefetch = 0 : i64, scratch_operands = 16 : i64, tpu.core_type = #tpu.core_type<sc_vector_subcore>, window_params = [{transform_indices = #map}, {transform_indices = #map}, {transform_indices = #map1}, {transform_indices = #map1}, {transform_indices = #map1}, {transform_indices = #map1}]} {
    %mul3A = arith.constant 2 : i32
    %mul3A_0 = arith.muli %arg1, %mul3A : i32
    %add3A = arith.addi %mul3A_0, %arg0 : i32
    %add3A_1 = arith.constant 0 : i32
    %add3A_2 = arith.addi %add3A, %add3A_1 : i32
    %lt3A = arith.constant 250 : i32
    %lt3A_3 = arith.cmpi slt, %add3A_2, %lt3A : i32
    %convert_element_type3A = arith.extui %lt3A_3 : i1 to i32
    %cond3A = arith.constant 0 : i32
    %cond3A_4 = arith.cmpi ne, %convert_element_type3A, %cond3A : i32
    scf.if %cond3A_4 {
      %mul3A_18 = arith.constant 128 : i32
      %mul3A_19 = arith.muli %add3A_2, %mul3A_18 : i32
      "tpu.region"() ({
        %run_scoped3A = tpu.sem_alloc : memref<!tpu.dma_semaphore, #tpu.memory_space<semaphore_mem>>
        %dma_start3A_25 = tpu.memref_slice %arg2[%mul3A_19] : memref<32000xi32, #tpu.memory_space<hbm>> -> memref<128xi32, #tpu.memory_space<hbm>>
        %dma_start3A_26 = tpu.memref_slice %arg2[%mul3A_19] : memref<32000xi32, #tpu.memory_space<hbm>> -> memref<128xi32, #tpu.memory_space<hbm>>
        tpu.enqueue_dma source(%dma_start3A_26 : memref<128xi32, #tpu.memory_space<hbm>>) target(%arg8 : memref<128xi32, #tpu.memory_space<vmem>>) target_semaphore(%run_scoped3A : memref<!tpu.dma_semaphore, #tpu.memory_space<semaphore_mem>>)
        %dma_wait3A = tpu.memref_slice %arg2[%mul3A_19] : memref<32000xi32, #tpu.memory_space<hbm>> -> memref<128xi32, #tpu.memory_space<hbm>>
        %dma_wait3A_27 = tpu.memref_slice %arg2[%mul3A_19] : memref<32000xi32, #tpu.memory_space<hbm>> -> memref<128xi32, #tpu.memory_space<hbm>>
        tpu.wait_dma2 semaphore(%run_scoped3A : memref<!tpu.dma_semaphore, #tpu.memory_space<semaphore_mem>>) src(%dma_wait3A_27 : memref<128xi32, #tpu.memory_space<hbm>>) dst(%arg8 : memref<128xi32, #tpu.memory_space<vmem>>)
        tpu.yield
      }) : () -> ()
      "tpu.region"() ({
        %run_scoped3A = tpu.sem_alloc : memref<!tpu.dma_semaphore, #tpu.memory_space<semaphore_mem>>
        %dma_start3A_25 = tpu.memref_slice %arg3[%mul3A_19] : memref<32000xi32, #tpu.memory_space<hbm>> -> memref<128xi32, #tpu.memory_space<hbm>>
        %dma_start3A_26 = tpu.memref_slice %arg3[%mul3A_19] : memref<32000xi32, #tpu.memory_space<hbm>> -> memref<128xi32, #tpu.memory_space<hbm>>
        tpu.enqueue_dma source(%dma_start3A_26 : memref<128xi32, #tpu.memory_space<hbm>>) target(%arg9 : memref<128xi32, #tpu.memory_space<vmem>>) target_semaphore(%run_scoped3A : memref<!tpu.dma_semaphore, #tpu.memory_space<semaphore_mem>>)
        %dma_wait3A = tpu.memref_slice %arg3[%mul3A_19] : memref<32000xi32, #tpu.memory_space<hbm>> -> memref<128xi32, #tpu.memory_space<hbm>>
        %dma_wait3A_27 = tpu.memref_slice %arg3[%mul3A_19] : memref<32000xi32, #tpu.memory_space<hbm>> -> memref<128xi32, #tpu.memory_space<hbm>>
        tpu.wait_dma2 semaphore(%run_scoped3A : memref<!tpu.dma_semaphore, #tpu.memory_space<semaphore_mem>>) src(%dma_wait3A_27 : memref<128xi32, #tpu.memory_space<hbm>>) dst(%arg9 : memref<128xi32, #tpu.memory_space<vmem>>)
        tpu.yield
      }) : () -> ()
      %dma_start3A = arith.constant 0 : i32
      %dma_start3A_20 = arith.constant 0 : i32
      %dma_start3A_21 = tpu.memref_slice %arg4[%dma_start3A, %dma_start3A_20] : memref<160000x128xf32, #tpu.memory_space<hbm>> -> memref<160000x128xf32, #tpu.memory_space<hbm>>
      tpu.enqueue_indirect_dma source(%dma_start3A_21 : memref<160000x128xf32, #tpu.memory_space<hbm>>) target(%arg10 : memref<128x128xf32, #tpu.memory_space<vmem>>) offsets(%arg9 : memref<128xi32, #tpu.memory_space<vmem>>) semaphore(%arg16 : memref<!tpu.dma_semaphore, #tpu.memory_space<semaphore_mem>>)
      %dma_start3A_22 = arith.constant 0 : i32
      %dma_start3A_23 = arith.constant 0 : i32
      %dma_start3A_24 = tpu.memref_slice %arg5[%dma_start3A_22, %dma_start3A_23] : memref<10000x128xi32, #tpu.memory_space<hbm>> -> memref<10000x128xi32, #tpu.memory_space<hbm>>
      tpu.enqueue_indirect_dma source(%dma_start3A_24 : memref<10000x128xi32, #tpu.memory_space<hbm>>) target(%arg11 : memref<128x128xi32, #tpu.memory_space<vmem>>) offsets(%arg8 : memref<128xi32, #tpu.memory_space<vmem>>) semaphore(%arg17 : memref<!tpu.dma_semaphore, #tpu.memory_space<semaphore_mem>>)
    } else {
    }
    %scan3A = arith.constant 0 : i32
    %scan3A_5 = arith.constant 0 : i32
    %scan3A_6 = arith.constant 4 : i32
    %scan3A_7 = arith.addi %scan3A_5, %scan3A_6 : i32
    %scan3A_8 = arith.constant 1 : i32
    scf.for %scan3A_18 = %scan3A_5 to %scan3A_7 step %scan3A_8  : i32 {
      %mul3A_19 = arith.constant 2 : i32
      %mul3A_20 = arith.muli %scan3A_18, %mul3A_19 : i32
      %add3A_21 = arith.constant 0 : i32
      %add3A_22 = arith.addi %mul3A_20, %add3A_21 : i32
      %sub3A = arith.constant 1 : i32
      %sub3A_23 = arith.subi %add3A_22, %sub3A : i32
      %mul3A_24 = arith.constant 32 : i32
      %mul3A_25 = arith.muli %sub3A_23, %mul3A_24 : i32
      %add3A_26 = arith.addi %add3A, %mul3A_25 : i32
      %ge3A_27 = arith.constant 0 : i32
      %ge3A_28 = arith.cmpi sge, %add3A_26, %ge3A_27 : i32
      %lt3A_29 = arith.constant 250 : i32
      %lt3A_30 = arith.cmpi slt, %add3A_26, %lt3A_29 : i32
      %and3A_31 = arith.andi %ge3A_28, %lt3A_30 : i1
      %convert_element_type3A_32 = arith.extui %and3A_31 : i1 to i32
      %cond3A_33 = arith.constant 0 : i32
      %cond3A_34 = arith.cmpi ne, %convert_element_type3A_32, %cond3A_33 : i32
      scf.if %cond3A_34 {
        %mul3A_88 = arith.constant 128 : i32
        %mul3A_89 = arith.muli %add3A_26, %mul3A_88 : i32
        %dma_wait3A = arith.constant 0 : i32
        %dma_wait3A_90 = tpu.memref_slice %arg6[%mul3A_89, %dma_wait3A] : memref<32000x128xf32, #tpu.memory_space<hbm>> -> memref<128x128xf32, #tpu.memory_space<hbm>>
        %dma_wait3A_91 = arith.constant 0 : i32
        %dma_wait3A_92 = tpu.memref_slice %arg6[%mul3A_89, %dma_wait3A_91] : memref<32000x128xf32, #tpu.memory_space<hbm>> -> memref<128x128xf32, #tpu.memory_space<hbm>>
        tpu.wait_dma2 semaphore(%arg22 : memref<!tpu.dma_semaphore, #tpu.memory_space<semaphore_mem>>) src(%arg14 : memref<128x128xf32, #tpu.memory_space<vmem>>) dst(%dma_wait3A_92 : memref<128x128xf32, #tpu.memory_space<hbm>>)
        %dma_wait3A_93 = arith.constant 0 : i32
        %dma_wait3A_94 = tpu.memref_slice %arg7[%mul3A_89, %dma_wait3A_93] : memref<32000x128xi32, #tpu.memory_space<hbm>> -> memref<128x128xi32, #tpu.memory_space<hbm>>
        %dma_wait3A_95 = arith.constant 0 : i32
        %dma_wait3A_96 = tpu.memref_slice %arg7[%mul3A_89, %dma_wait3A_95] : memref<32000x128xi32, #tpu.memory_space<hbm>> -> memref<128x128xi32, #tpu.memory_space<hbm>>
        tpu.wait_dma2 semaphore(%arg23 : memref<!tpu.dma_semaphore, #tpu.memory_space<semaphore_mem>>) src(%arg15 : memref<128x128xi32, #tpu.memory_space<vmem>>) dst(%dma_wait3A_96 : memref<128x128xi32, #tpu.memory_space<hbm>>)
      } else {
      }
      %add3A_35 = arith.constant 1 : i32
      %add3A_36 = arith.addi %add3A_22, %add3A_35 : i32
      %mul3A_37 = arith.constant 32 : i32
      %mul3A_38 = arith.muli %add3A_36, %mul3A_37 : i32
      %add3A_39 = arith.addi %add3A, %mul3A_38 : i32
      %lt3A_40 = arith.constant 250 : i32
      %lt3A_41 = arith.cmpi slt, %add3A_39, %lt3A_40 : i32
      %convert_element_type3A_42 = arith.extui %lt3A_41 : i1 to i32
      %cond3A_43 = arith.constant 0 : i32
      %cond3A_44 = arith.cmpi ne, %convert_element_type3A_42, %cond3A_43 : i32
      scf.if %cond3A_44 {
        %mul3A_88 = arith.constant 128 : i32
        %mul3A_89 = arith.muli %add3A_39, %mul3A_88 : i32
        "tpu.region"() ({
          %run_scoped3A = tpu.sem_alloc : memref<!tpu.dma_semaphore, #tpu.memory_space<semaphore_mem>>
          %dma_start3A_95 = tpu.memref_slice %arg2[%mul3A_89] : memref<32000xi32, #tpu.memory_space<hbm>> -> memref<128xi32, #tpu.memory_space<hbm>>
          %dma_start3A_96 = tpu.memref_slice %arg2[%mul3A_89] : memref<32000xi32, #tpu.memory_space<hbm>> -> memref<128xi32, #tpu.memory_space<hbm>>
          tpu.enqueue_dma source(%dma_start3A_96 : memref<128xi32, #tpu.memory_space<hbm>>) target(%arg12 : memref<128xi32, #tpu.memory_space<vmem>>) target_semaphore(%run_scoped3A : memref<!tpu.dma_semaphore, #tpu.memory_space<semaphore_mem>>)
          %dma_wait3A = tpu.memref_slice %arg2[%mul3A_89] : memref<32000xi32, #tpu.memory_space<hbm>> -> memref<128xi32, #tpu.memory_space<hbm>>
          %dma_wait3A_97 = tpu.memref_slice %arg2[%mul3A_89] : memref<32000xi32, #tpu.memory_space<hbm>> -> memref<128xi32, #tpu.memory_space<hbm>>
          tpu.wait_dma2 semaphore(%run_scoped3A : memref<!tpu.dma_semaphore, #tpu.memory_space<semaphore_mem>>) src(%dma_wait3A_97 : memref<128xi32, #tpu.memory_space<hbm>>) dst(%arg12 : memref<128xi32, #tpu.memory_space<vmem>>)
          tpu.yield
        }) : () -> ()
        "tpu.region"() ({
          %run_scoped3A = tpu.sem_alloc : memref<!tpu.dma_semaphore, #tpu.memory_space<semaphore_mem>>
          %dma_start3A_95 = tpu.memref_slice %arg3[%mul3A_89] : memref<32000xi32, #tpu.memory_space<hbm>> -> memref<128xi32, #tpu.memory_space<hbm>>
          %dma_start3A_96 = tpu.memref_slice %arg3[%mul3A_89] : memref<32000xi32, #tpu.memory_space<hbm>> -> memref<128xi32, #tpu.memory_space<hbm>>
          tpu.enqueue_dma source(%dma_start3A_96 : memref<128xi32, #tpu.memory_space<hbm>>) target(%arg13 : memref<128xi32, #tpu.memory_space<vmem>>) target_semaphore(%run_scoped3A : memref<!tpu.dma_semaphore, #tpu.memory_space<semaphore_mem>>)
          %dma_wait3A = tpu.memref_slice %arg3[%mul3A_89] : memref<32000xi32, #tpu.memory_space<hbm>> -> memref<128xi32, #tpu.memory_space<hbm>>
          %dma_wait3A_97 = tpu.memref_slice %arg3[%mul3A_89] : memref<32000xi32, #tpu.memory_space<hbm>> -> memref<128xi32, #tpu.memory_space<hbm>>
          tpu.wait_dma2 semaphore(%run_scoped3A : memref<!tpu.dma_semaphore, #tpu.memory_space<semaphore_mem>>) src(%dma_wait3A_97 : memref<128xi32, #tpu.memory_space<hbm>>) dst(%arg13 : memref<128xi32, #tpu.memory_space<vmem>>)
          tpu.yield
        }) : () -> ()
        %dma_start3A = arith.constant 0 : i32
        %dma_start3A_90 = arith.constant 0 : i32
        %dma_start3A_91 = tpu.memref_slice %arg4[%dma_start3A, %dma_start3A_90] : memref<160000x128xf32, #tpu.memory_space<hbm>> -> memref<160000x128xf32, #tpu.memory_space<hbm>>
        tpu.enqueue_indirect_dma source(%dma_start3A_91 : memref<160000x128xf32, #tpu.memory_space<hbm>>) target(%arg14 : memref<128x128xf32, #tpu.memory_space<vmem>>) offsets(%arg13 : memref<128xi32, #tpu.memory_space<vmem>>) semaphore(%arg20 : memref<!tpu.dma_semaphore, #tpu.memory_space<semaphore_mem>>)
        %dma_start3A_92 = arith.constant 0 : i32
        %dma_start3A_93 = arith.constant 0 : i32
        %dma_start3A_94 = tpu.memref_slice %arg5[%dma_start3A_92, %dma_start3A_93] : memref<10000x128xi32, #tpu.memory_space<hbm>> -> memref<10000x128xi32, #tpu.memory_space<hbm>>
        tpu.enqueue_indirect_dma source(%dma_start3A_94 : memref<10000x128xi32, #tpu.memory_space<hbm>>) target(%arg15 : memref<128x128xi32, #tpu.memory_space<vmem>>) offsets(%arg12 : memref<128xi32, #tpu.memory_space<vmem>>) semaphore(%arg21 : memref<!tpu.dma_semaphore, #tpu.memory_space<semaphore_mem>>)
      } else {
      }
      %mul3A_45 = arith.constant 32 : i32
      %mul3A_46 = arith.muli %add3A_22, %mul3A_45 : i32
      %add3A_47 = arith.addi %add3A, %mul3A_46 : i32
      %lt3A_48 = arith.constant 250 : i32
      %lt3A_49 = arith.cmpi slt, %add3A_47, %lt3A_48 : i32
      %convert_element_type3A_50 = arith.extui %lt3A_49 : i1 to i32
      %cond3A_51 = arith.constant 0 : i32
      %cond3A_52 = arith.cmpi ne, %convert_element_type3A_50, %cond3A_51 : i32
      scf.if %cond3A_52 {
        %mul3A_88 = arith.constant 128 : i32
        %mul3A_89 = arith.muli %add3A_47, %mul3A_88 : i32
        %dma_wait3A = arith.constant 0 : i32
        %dma_wait3A_90 = arith.constant 0 : i32
        %dma_wait3A_91 = tpu.memref_slice %arg4[%dma_wait3A, %dma_wait3A_90] : memref<160000x128xf32, #tpu.memory_space<hbm>> -> memref<160000x128xf32, #tpu.memory_space<hbm>>
        tpu.wait_indirect_dma semaphore(%arg16 : memref<!tpu.dma_semaphore, #tpu.memory_space<semaphore_mem>>) src(%dma_wait3A_91 : memref<160000x128xf32, #tpu.memory_space<hbm>>) dst(%arg10 : memref<128x128xf32, #tpu.memory_space<vmem>>)
        %dma_wait3A_92 = arith.constant 0 : i32
        %dma_wait3A_93 = arith.constant 0 : i32
        %dma_wait3A_94 = tpu.memref_slice %arg5[%dma_wait3A_92, %dma_wait3A_93] : memref<10000x128xi32, #tpu.memory_space<hbm>> -> memref<10000x128xi32, #tpu.memory_space<hbm>>
        tpu.wait_indirect_dma semaphore(%arg17 : memref<!tpu.dma_semaphore, #tpu.memory_space<semaphore_mem>>) src(%dma_wait3A_94 : memref<10000x128xi32, #tpu.memory_space<hbm>>) dst(%arg11 : memref<128x128xi32, #tpu.memory_space<vmem>>)
        %dma_start3A = arith.constant 0 : i32
        %dma_start3A_95 = tpu.memref_slice %arg6[%mul3A_89, %dma_start3A] : memref<32000x128xf32, #tpu.memory_space<hbm>> -> memref<128x128xf32, #tpu.memory_space<hbm>>
        %dma_start3A_96 = arith.constant 0 : i32
        %dma_start3A_97 = tpu.memref_slice %arg6[%mul3A_89, %dma_start3A_96] : memref<32000x128xf32, #tpu.memory_space<hbm>> -> memref<128x128xf32, #tpu.memory_space<hbm>>
        tpu.enqueue_dma source(%arg10 : memref<128x128xf32, #tpu.memory_space<vmem>>) target(%dma_start3A_97 : memref<128x128xf32, #tpu.memory_space<hbm>>) target_semaphore(%arg18 : memref<!tpu.dma_semaphore, #tpu.memory_space<semaphore_mem>>)
        %dma_start3A_98 = arith.constant 0 : i32
        %dma_start3A_99 = tpu.memref_slice %arg7[%mul3A_89, %dma_start3A_98] : memref<32000x128xi32, #tpu.memory_space<hbm>> -> memref<128x128xi32, #tpu.memory_space<hbm>>
        %dma_start3A_100 = arith.constant 0 : i32
        %dma_start3A_101 = tpu.memref_slice %arg7[%mul3A_89, %dma_start3A_100] : memref<32000x128xi32, #tpu.memory_space<hbm>> -> memref<128x128xi32, #tpu.memory_space<hbm>>
        tpu.enqueue_dma source(%arg11 : memref<128x128xi32, #tpu.memory_space<vmem>>) target(%dma_start3A_101 : memref<128x128xi32, #tpu.memory_space<hbm>>) target_semaphore(%arg19 : memref<!tpu.dma_semaphore, #tpu.memory_space<semaphore_mem>>)
      } else {
      }
      %mul3A_53 = arith.constant 2 : i32
      %mul3A_54 = arith.muli %scan3A_18, %mul3A_53 : i32
      %add3A_55 = arith.constant 1 : i32
      %add3A_56 = arith.addi %mul3A_54, %add3A_55 : i32
      %sub3A_57 = arith.constant 1 : i32
      %sub3A_58 = arith.subi %add3A_56, %sub3A_57 : i32
      %mul3A_59 = arith.constant 32 : i32
      %mul3A_60 = arith.muli %sub3A_58, %mul3A_59 : i32
      %add3A_61 = arith.addi %add3A, %mul3A_60 : i32
      %ge3A_62 = arith.constant 0 : i32
      %ge3A_63 = arith.cmpi sge, %add3A_61, %ge3A_62 : i32
      %lt3A_64 = arith.constant 250 : i32
      %lt3A_65 = arith.cmpi slt, %add3A_61, %lt3A_64 : i32
      %and3A_66 = arith.andi %ge3A_63, %lt3A_65 : i1
      %convert_element_type3A_67 = arith.extui %and3A_66 : i1 to i32
      %cond3A_68 = arith.constant 0 : i32
      %cond3A_69 = arith.cmpi ne, %convert_element_type3A_67, %cond3A_68 : i32
      scf.if %cond3A_69 {
        %mul3A_88 = arith.constant 128 : i32
        %mul3A_89 = arith.muli %add3A_61, %mul3A_88 : i32
        %dma_wait3A = arith.constant 0 : i32
        %dma_wait3A_90 = tpu.memref_slice %arg6[%mul3A_89, %dma_wait3A] : memref<32000x128xf32, #tpu.memory_space<hbm>> -> memref<128x128xf32, #tpu.memory_space<hbm>>
        %dma_wait3A_91 = arith.constant 0 : i32
        %dma_wait3A_92 = tpu.memref_slice %arg6[%mul3A_89, %dma_wait3A_91] : memref<32000x128xf32, #tpu.memory_space<hbm>> -> memref<128x128xf32, #tpu.memory_space<hbm>>
        tpu.wait_dma2 semaphore(%arg18 : memref<!tpu.dma_semaphore, #tpu.memory_space<semaphore_mem>>) src(%arg10 : memref<128x128xf32, #tpu.memory_space<vmem>>) dst(%dma_wait3A_92 : memref<128x128xf32, #tpu.memory_space<hbm>>)
        %dma_wait3A_93 = arith.constant 0 : i32
        %dma_wait3A_94 = tpu.memref_slice %arg7[%mul3A_89, %dma_wait3A_93] : memref<32000x128xi32, #tpu.memory_space<hbm>> -> memref<128x128xi32, #tpu.memory_space<hbm>>
        %dma_wait3A_95 = arith.constant 0 : i32
        %dma_wait3A_96 = tpu.memref_slice %arg7[%mul3A_89, %dma_wait3A_95] : memref<32000x128xi32, #tpu.memory_space<hbm>> -> memref<128x128xi32, #tpu.memory_space<hbm>>
        tpu.wait_dma2 semaphore(%arg19 : memref<!tpu.dma_semaphore, #tpu.memory_space<semaphore_mem>>) src(%arg11 : memref<128x128xi32, #tpu.memory_space<vmem>>) dst(%dma_wait3A_96 : memref<128x128xi32, #tpu.memory_space<hbm>>)
      } else {
      }
      %add3A_70 = arith.constant 1 : i32
      %add3A_71 = arith.addi %add3A_56, %add3A_70 : i32
      %mul3A_72 = arith.constant 32 : i32
      %mul3A_73 = arith.muli %add3A_71, %mul3A_72 : i32
      %add3A_74 = arith.addi %add3A, %mul3A_73 : i32
      %lt3A_75 = arith.constant 250 : i32
      %lt3A_76 = arith.cmpi slt, %add3A_74, %lt3A_75 : i32
      %convert_element_type3A_77 = arith.extui %lt3A_76 : i1 to i32
      %cond3A_78 = arith.constant 0 : i32
      %cond3A_79 = arith.cmpi ne, %convert_element_type3A_77, %cond3A_78 : i32
      scf.if %cond3A_79 {
        %mul3A_88 = arith.constant 128 : i32
        %mul3A_89 = arith.muli %add3A_74, %mul3A_88 : i32
        "tpu.region"() ({
          %run_scoped3A = tpu.sem_alloc : memref<!tpu.dma_semaphore, #tpu.memory_space<semaphore_mem>>
          %dma_start3A_95 = tpu.memref_slice %arg2[%mul3A_89] : memref<32000xi32, #tpu.memory_space<hbm>> -> memref<128xi32, #tpu.memory_space<hbm>>
          %dma_start3A_96 = tpu.memref_slice %arg2[%mul3A_89] : memref<32000xi32, #tpu.memory_space<hbm>> -> memref<128xi32, #tpu.memory_space<hbm>>
          tpu.enqueue_dma source(%dma_start3A_96 : memref<128xi32, #tpu.memory_space<hbm>>) target(%arg8 : memref<128xi32, #tpu.memory_space<vmem>>) target_semaphore(%run_scoped3A : memref<!tpu.dma_semaphore, #tpu.memory_space<semaphore_mem>>)
          %dma_wait3A = tpu.memref_slice %arg2[%mul3A_89] : memref<32000xi32, #tpu.memory_space<hbm>> -> memref<128xi32, #tpu.memory_space<hbm>>
          %dma_wait3A_97 = tpu.memref_slice %arg2[%mul3A_89] : memref<32000xi32, #tpu.memory_space<hbm>> -> memref<128xi32, #tpu.memory_space<hbm>>
          tpu.wait_dma2 semaphore(%run_scoped3A : memref<!tpu.dma_semaphore, #tpu.memory_space<semaphore_mem>>) src(%dma_wait3A_97 : memref<128xi32, #tpu.memory_space<hbm>>) dst(%arg8 : memref<128xi32, #tpu.memory_space<vmem>>)
          tpu.yield
        }) : () -> ()
        "tpu.region"() ({
          %run_scoped3A = tpu.sem_alloc : memref<!tpu.dma_semaphore, #tpu.memory_space<semaphore_mem>>
          %dma_start3A_95 = tpu.memref_slice %arg3[%mul3A_89] : memref<32000xi32, #tpu.memory_space<hbm>> -> memref<128xi32, #tpu.memory_space<hbm>>
          %dma_start3A_96 = tpu.memref_slice %arg3[%mul3A_89] : memref<32000xi32, #tpu.memory_space<hbm>> -> memref<128xi32, #tpu.memory_space<hbm>>
          tpu.enqueue_dma source(%dma_start3A_96 : memref<128xi32, #tpu.memory_space<hbm>>) target(%arg9 : memref<128xi32, #tpu.memory_space<vmem>>) target_semaphore(%run_scoped3A : memref<!tpu.dma_semaphore, #tpu.memory_space<semaphore_mem>>)
          %dma_wait3A = tpu.memref_slice %arg3[%mul3A_89] : memref<32000xi32, #tpu.memory_space<hbm>> -> memref<128xi32, #tpu.memory_space<hbm>>
          %dma_wait3A_97 = tpu.memref_slice %arg3[%mul3A_89] : memref<32000xi32, #tpu.memory_space<hbm>> -> memref<128xi32, #tpu.memory_space<hbm>>
          tpu.wait_dma2 semaphore(%run_scoped3A : memref<!tpu.dma_semaphore, #tpu.memory_space<semaphore_mem>>) src(%dma_wait3A_97 : memref<128xi32, #tpu.memory_space<hbm>>) dst(%arg9 : memref<128xi32, #tpu.memory_space<vmem>>)
          tpu.yield
        }) : () -> ()
        %dma_start3A = arith.constant 0 : i32
        %dma_start3A_90 = arith.constant 0 : i32
        %dma_start3A_91 = tpu.memref_slice %arg4[%dma_start3A, %dma_start3A_90] : memref<160000x128xf32, #tpu.memory_space<hbm>> -> memref<160000x128xf32, #tpu.memory_space<hbm>>
        tpu.enqueue_indirect_dma source(%dma_start3A_91 : memref<160000x128xf32, #tpu.memory_space<hbm>>) target(%arg10 : memref<128x128xf32, #tpu.memory_space<vmem>>) offsets(%arg9 : memref<128xi32, #tpu.memory_space<vmem>>) semaphore(%arg16 : memref<!tpu.dma_semaphore, #tpu.memory_space<semaphore_mem>>)
        %dma_start3A_92 = arith.constant 0 : i32
        %dma_start3A_93 = arith.constant 0 : i32
        %dma_start3A_94 = tpu.memref_slice %arg5[%dma_start3A_92, %dma_start3A_93] : memref<10000x128xi32, #tpu.memory_space<hbm>> -> memref<10000x128xi32, #tpu.memory_space<hbm>>
        tpu.enqueue_indirect_dma source(%dma_start3A_94 : memref<10000x128xi32, #tpu.memory_space<hbm>>) target(%arg11 : memref<128x128xi32, #tpu.memory_space<vmem>>) offsets(%arg8 : memref<128xi32, #tpu.memory_space<vmem>>) semaphore(%arg17 : memref<!tpu.dma_semaphore, #tpu.memory_space<semaphore_mem>>)
      } else {
      }
      %mul3A_80 = arith.constant 32 : i32
      %mul3A_81 = arith.muli %add3A_56, %mul3A_80 : i32
      %add3A_82 = arith.addi %add3A, %mul3A_81 : i32
      %lt3A_83 = arith.constant 250 : i32
      %lt3A_84 = arith.cmpi slt, %add3A_82, %lt3A_83 : i32
      %convert_element_type3A_85 = arith.extui %lt3A_84 : i1 to i32
      %cond3A_86 = arith.constant 0 : i32
      %cond3A_87 = arith.cmpi ne, %convert_element_type3A_85, %cond3A_86 : i32
      scf.if %cond3A_87 {
        %mul3A_88 = arith.constant 128 : i32
        %mul3A_89 = arith.muli %add3A_82, %mul3A_88 : i32
        %dma_wait3A = arith.constant 0 : i32
        %dma_wait3A_90 = arith.constant 0 : i32
        %dma_wait3A_91 = tpu.memref_slice %arg4[%dma_wait3A, %dma_wait3A_90] : memref<160000x128xf32, #tpu.memory_space<hbm>> -> memref<160000x128xf32, #tpu.memory_space<hbm>>
        tpu.wait_indirect_dma semaphore(%arg20 : memref<!tpu.dma_semaphore, #tpu.memory_space<semaphore_mem>>) src(%dma_wait3A_91 : memref<160000x128xf32, #tpu.memory_space<hbm>>) dst(%arg14 : memref<128x128xf32, #tpu.memory_space<vmem>>)
        %dma_wait3A_92 = arith.constant 0 : i32
        %dma_wait3A_93 = arith.constant 0 : i32
        %dma_wait3A_94 = tpu.memref_slice %arg5[%dma_wait3A_92, %dma_wait3A_93] : memref<10000x128xi32, #tpu.memory_space<hbm>> -> memref<10000x128xi32, #tpu.memory_space<hbm>>
        tpu.wait_indirect_dma semaphore(%arg21 : memref<!tpu.dma_semaphore, #tpu.memory_space<semaphore_mem>>) src(%dma_wait3A_94 : memref<10000x128xi32, #tpu.memory_space<hbm>>) dst(%arg15 : memref<128x128xi32, #tpu.memory_space<vmem>>)
        %dma_start3A = arith.constant 0 : i32
        %dma_start3A_95 = tpu.memref_slice %arg6[%mul3A_89, %dma_start3A] : memref<32000x128xf32, #tpu.memory_space<hbm>> -> memref<128x128xf32, #tpu.memory_space<hbm>>
        %dma_start3A_96 = arith.constant 0 : i32
        %dma_start3A_97 = tpu.memref_slice %arg6[%mul3A_89, %dma_start3A_96] : memref<32000x128xf32, #tpu.memory_space<hbm>> -> memref<128x128xf32, #tpu.memory_space<hbm>>
        tpu.enqueue_dma source(%arg14 : memref<128x128xf32, #tpu.memory_space<vmem>>) target(%dma_start3A_97 : memref<128x128xf32, #tpu.memory_space<hbm>>) target_semaphore(%arg22 : memref<!tpu.dma_semaphore, #tpu.memory_space<semaphore_mem>>)
        %dma_start3A_98 = arith.constant 0 : i32
        %dma_start3A_99 = tpu.memref_slice %arg7[%mul3A_89, %dma_start3A_98] : memref<32000x128xi32, #tpu.memory_space<hbm>> -> memref<128x128xi32, #tpu.memory_space<hbm>>
        %dma_start3A_100 = arith.constant 0 : i32
        %dma_start3A_101 = tpu.memref_slice %arg7[%mul3A_89, %dma_start3A_100] : memref<32000x128xi32, #tpu.memory_space<hbm>> -> memref<128x128xi32, #tpu.memory_space<hbm>>
        tpu.enqueue_dma source(%arg15 : memref<128x128xi32, #tpu.memory_space<vmem>>) target(%dma_start3A_101 : memref<128x128xi32, #tpu.memory_space<hbm>>) target_semaphore(%arg23 : memref<!tpu.dma_semaphore, #tpu.memory_space<semaphore_mem>>)
      } else {
      }
    }
    %scan3A_9 = arith.constant 4 : i32
    %add3A_10 = arith.constant 224 : i32
    %add3A_11 = arith.addi %add3A, %add3A_10 : i32
    %ge3A = arith.constant 0 : i32
    %ge3A_12 = arith.cmpi sge, %add3A_11, %ge3A : i32
    %lt3A_13 = arith.constant 250 : i32
    %lt3A_14 = arith.cmpi slt, %add3A_11, %lt3A_13 : i32
    %and3A = arith.andi %ge3A_12, %lt3A_14 : i1
    %convert_element_type3A_15 = arith.extui %and3A : i1 to i32
    %cond3A_16 = arith.constant 0 : i32
    %cond3A_17 = arith.cmpi ne, %convert_element_type3A_15, %cond3A_16 : i32
    scf.if %cond3A_17 {
      %mul3A_18 = arith.constant 128 : i32
      %mul3A_19 = arith.muli %add3A_11, %mul3A_18 : i32
      %dma_wait3A = arith.constant 0 : i32
      %dma_wait3A_20 = tpu.memref_slice %arg6[%mul3A_19, %dma_wait3A] : memref<32000x128xf32, #tpu.memory_space<hbm>> -> memref<128x128xf32, #tpu.memory_space<hbm>>
      %dma_wait3A_21 = arith.constant 0 : i32
      %dma_wait3A_22 = tpu.memref_slice %arg6[%mul3A_19, %dma_wait3A_21] : memref<32000x128xf32, #tpu.memory_space<hbm>> -> memref<128x128xf32, #tpu.memory_space<hbm>>
      tpu.wait_dma2 semaphore(%arg22 : memref<!tpu.dma_semaphore, #tpu.memory_space<semaphore_mem>>) src(%arg14 : memref<128x128xf32, #tpu.memory_space<vmem>>) dst(%dma_wait3A_22 : memref<128x128xf32, #tpu.memory_space<hbm>>)
      %dma_wait3A_23 = arith.constant 0 : i32
      %dma_wait3A_24 = tpu.memref_slice %arg7[%mul3A_19, %dma_wait3A_23] : memref<32000x128xi32, #tpu.memory_space<hbm>> -> memref<128x128xi32, #tpu.memory_space<hbm>>
      %dma_wait3A_25 = arith.constant 0 : i32
      %dma_wait3A_26 = tpu.memref_slice %arg7[%mul3A_19, %dma_wait3A_25] : memref<32000x128xi32, #tpu.memory_space<hbm>> -> memref<128x128xi32, #tpu.memory_space<hbm>>
      tpu.wait_dma2 semaphore(%arg23 : memref<!tpu.dma_semaphore, #tpu.memory_space<semaphore_mem>>) src(%arg15 : memref<128x128xi32, #tpu.memory_space<vmem>>) dst(%dma_wait3A_26 : memref<128x128xi32, #tpu.memory_space<hbm>>)
    } else {
    }
    return
  }
}

#map = affine_map<(d0, d1) -> (0)>
#map1 = affine_map<(d0, d1) -> (0, 0)>
module attributes {stable_mosaic.version = 14 : i64} {
  func.func @gather_k(%arg0: i32, %arg1: i32, %arg2: memref<32000xi32, #tpu.memory_space<hbm>>, %arg3: memref<32000xi32, #tpu.memory_space<hbm>>, %arg4: memref<160000x128xf32, #tpu.memory_space<hbm>>, %arg5: memref<10000x128xi32, #tpu.memory_space<hbm>>, %arg6: memref<32000x128xf32, #tpu.memory_space<hbm>>, %arg7: memref<32000x128xi32, #tpu.memory_space<hbm>>, %arg8: memref<128xi32, #tpu.memory_space<vmem>>, %arg9: memref<128xi32, #tpu.memory_space<vmem>>, %arg10: memref<128x128xf32, #tpu.memory_space<vmem>>, %arg11: memref<128x128xi32, #tpu.memory_space<vmem>>, %arg12: memref<128xi32, #tpu.memory_space<vmem>>, %arg13: memref<128xi32, #tpu.memory_space<vmem>>, %arg14: memref<128x128xf32, #tpu.memory_space<vmem>>, %arg15: memref<128x128xi32, #tpu.memory_space<vmem>>, %arg16: memref<!tpu.dma_semaphore, #tpu.memory_space<semaphore_mem>>, %arg17: memref<!tpu.dma_semaphore, #tpu.memory_space<semaphore_mem>>, %arg18: memref<!tpu.dma_semaphore, #tpu.memory_space<semaphore_mem>>, %arg19: memref<!tpu.dma_semaphore, #tpu.memory_space<semaphore_mem>>, %arg20: memref<!tpu.dma_semaphore, #tpu.memory_space<semaphore_mem>>, %arg21: memref<!tpu.dma_semaphore, #tpu.memory_space<semaphore_mem>>, %arg22: memref<!tpu.dma_semaphore, #tpu.memory_space<semaphore_mem>>, %arg23: memref<!tpu.dma_semaphore, #tpu.memory_space<semaphore_mem>>) attributes {dimension_semantics = [#tpu.dimension_semantics<core_parallel>, #tpu.dimension_semantics<subcore_parallel>], iteration_bounds = array<i64: 2, 16>, scalar_prefetch = 0 : i64, scratch_operands = 16 : i64, tpu.core_type = #tpu.core_type<sc_vector_subcore>, window_params = [{transform_indices = #map}, {transform_indices = #map}, {transform_indices = #map1}, {transform_indices = #map1}, {transform_indices = #map1}, {transform_indices = #map1}]} {
    %mul3A = arith.constant 2 : i32
    %mul3A_0 = arith.muli %arg1, %mul3A : i32
    %add3A = arith.addi %mul3A_0, %arg0 : i32
    %add3A_1 = arith.constant 0 : i32
    %add3A_2 = arith.addi %add3A, %add3A_1 : i32
    %lt3A = arith.constant 250 : i32
    %lt3A_3 = arith.cmpi slt, %add3A_2, %lt3A : i32
    %convert_element_type3A = arith.extui %lt3A_3 : i1 to i32
    %cond3A = arith.constant 0 : i32
    %cond3A_4 = arith.cmpi ne, %convert_element_type3A, %cond3A : i32
    scf.if %cond3A_4 {
      %mul3A_18 = arith.constant 128 : i32
      %mul3A_19 = arith.muli %add3A_2, %mul3A_18 : i32
      "tpu.region"() ({
        %run_scoped3A = tpu.sem_alloc : memref<!tpu.dma_semaphore, #tpu.memory_space<semaphore_mem>>
        %dma_start3A_25 = tpu.memref_slice %arg2[%mul3A_19] : memref<32000xi32, #tpu.memory_space<hbm>> -> memref<128xi32, #tpu.memory_space<hbm>>
        %dma_start3A_26 = tpu.memref_slice %arg2[%mul3A_19] : memref<32000xi32, #tpu.memory_space<hbm>> -> memref<128xi32, #tpu.memory_space<hbm>>
        tpu.enqueue_dma source(%dma_start3A_26 : memref<128xi32, #tpu.memory_space<hbm>>) target(%arg8 : memref<128xi32, #tpu.memory_space<vmem>>) target_semaphore(%run_scoped3A : memref<!tpu.dma_semaphore, #tpu.memory_space<semaphore_mem>>)
        %dma_wait3A = tpu.memref_slice %arg2[%mul3A_19] : memref<32000xi32, #tpu.memory_space<hbm>> -> memref<128xi32, #tpu.memory_space<hbm>>
        %dma_wait3A_27 = tpu.memref_slice %arg2[%mul3A_19] : memref<32000xi32, #tpu.memory_space<hbm>> -> memref<128xi32, #tpu.memory_space<hbm>>
        tpu.wait_dma2 semaphore(%run_scoped3A : memref<!tpu.dma_semaphore, #tpu.memory_space<semaphore_mem>>) src(%dma_wait3A_27 : memref<128xi32, #tpu.memory_space<hbm>>) dst(%arg8 : memref<128xi32, #tpu.memory_space<vmem>>)
        tpu.yield
      }) : () -> ()
      "tpu.region"() ({
        %run_scoped3A = tpu.sem_alloc : memref<!tpu.dma_semaphore, #tpu.memory_space<semaphore_mem>>
        %dma_start3A_25 = tpu.memref_slice %arg3[%mul3A_19] : memref<32000xi32, #tpu.memory_space<hbm>> -> memref<128xi32, #tpu.memory_space<hbm>>
        %dma_start3A_26 = tpu.memref_slice %arg3[%mul3A_19] : memref<32000xi32, #tpu.memory_space<hbm>> -> memref<128xi32, #tpu.memory_space<hbm>>
        tpu.enqueue_dma source(%dma_start3A_26 : memref<128xi32, #tpu.memory_space<hbm>>) target(%arg9 : memref<128xi32, #tpu.memory_space<vmem>>) target_semaphore(%run_scoped3A : memref<!tpu.dma_semaphore, #tpu.memory_space<semaphore_mem>>)
        %dma_wait3A = tpu.memref_slice %arg3[%mul3A_19] : memref<32000xi32, #tpu.memory_space<hbm>> -> memref<128xi32, #tpu.memory_space<hbm>>
        %dma_wait3A_27 = tpu.memref_slice %arg3[%mul3A_19] : memref<32000xi32, #tpu.memory_space<hbm>> -> memref<128xi32, #tpu.memory_space<hbm>>
        tpu.wait_dma2 semaphore(%run_scoped3A : memref<!tpu.dma_semaphore, #tpu.memory_space<semaphore_mem>>) src(%dma_wait3A_27 : memref<128xi32, #tpu.memory_space<hbm>>) dst(%arg9 : memref<128xi32, #tpu.memory_space<vmem>>)
        tpu.yield
      }) : () -> ()
      %dma_start3A = arith.constant 0 : i32
      %dma_start3A_20 = arith.constant 0 : i32
      %dma_start3A_21 = tpu.memref_slice %arg4[%dma_start3A, %dma_start3A_20] : memref<160000x128xf32, #tpu.memory_space<hbm>> -> memref<160000x128xf32, #tpu.memory_space<hbm>>
      tpu.enqueue_indirect_dma source(%dma_start3A_21 : memref<160000x128xf32, #tpu.memory_space<hbm>>) target(%arg10 : memref<128x128xf32, #tpu.memory_space<vmem>>) offsets(%arg9 : memref<128xi32, #tpu.memory_space<vmem>>) semaphore(%arg16 : memref<!tpu.dma_semaphore, #tpu.memory_space<semaphore_mem>>)
      %dma_start3A_22 = arith.constant 0 : i32
      %dma_start3A_23 = arith.constant 0 : i32
      %dma_start3A_24 = tpu.memref_slice %arg5[%dma_start3A_22, %dma_start3A_23] : memref<10000x128xi32, #tpu.memory_space<hbm>> -> memref<10000x128xi32, #tpu.memory_space<hbm>>
      tpu.enqueue_indirect_dma source(%dma_start3A_24 : memref<10000x128xi32, #tpu.memory_space<hbm>>) target(%arg11 : memref<128x128xi32, #tpu.memory_space<vmem>>) offsets(%arg8 : memref<128xi32, #tpu.memory_space<vmem>>) semaphore(%arg17 : memref<!tpu.dma_semaphore, #tpu.memory_space<semaphore_mem>>)
    } else {
    }
    %scan3A = arith.constant 0 : i32
    %scan3A_5 = arith.constant 0 : i32
    %scan3A_6 = arith.constant 4 : i32
    %scan3A_7 = arith.addi %scan3A_5, %scan3A_6 : i32
    %scan3A_8 = arith.constant 1 : i32
    scf.for %scan3A_18 = %scan3A_5 to %scan3A_7 step %scan3A_8  : i32 {
      %mul3A_19 = arith.constant 2 : i32
      %mul3A_20 = arith.muli %scan3A_18, %mul3A_19 : i32
      %add3A_21 = arith.constant 0 : i32
      %add3A_22 = arith.addi %mul3A_20, %add3A_21 : i32
      %sub3A = arith.constant 1 : i32
      %sub3A_23 = arith.subi %add3A_22, %sub3A : i32
      %mul3A_24 = arith.constant 32 : i32
      %mul3A_25 = arith.muli %sub3A_23, %mul3A_24 : i32
      %add3A_26 = arith.addi %add3A, %mul3A_25 : i32
      %ge3A_27 = arith.constant 0 : i32
      %ge3A_28 = arith.cmpi sge, %add3A_26, %ge3A_27 : i32
      %lt3A_29 = arith.constant 250 : i32
      %lt3A_30 = arith.cmpi slt, %add3A_26, %lt3A_29 : i32
      %and3A_31 = arith.andi %ge3A_28, %lt3A_30 : i1
      %convert_element_type3A_32 = arith.extui %and3A_31 : i1 to i32
      %cond3A_33 = arith.constant 0 : i32
      %cond3A_34 = arith.cmpi ne, %convert_element_type3A_32, %cond3A_33 : i32
      scf.if %cond3A_34 {
        %mul3A_88 = arith.constant 128 : i32
        %mul3A_89 = arith.muli %add3A_26, %mul3A_88 : i32
        %dma_wait3A = arith.constant 0 : i32
        %dma_wait3A_90 = tpu.memref_slice %arg6[%mul3A_89, %dma_wait3A] : memref<32000x128xf32, #tpu.memory_space<hbm>> -> memref<128x128xf32, #tpu.memory_space<hbm>>
        %dma_wait3A_91 = arith.constant 0 : i32
        %dma_wait3A_92 = tpu.memref_slice %arg6[%mul3A_89, %dma_wait3A_91] : memref<32000x128xf32, #tpu.memory_space<hbm>> -> memref<128x128xf32, #tpu.memory_space<hbm>>
        tpu.wait_dma2 semaphore(%arg22 : memref<!tpu.dma_semaphore, #tpu.memory_space<semaphore_mem>>) src(%arg14 : memref<128x128xf32, #tpu.memory_space<vmem>>) dst(%dma_wait3A_92 : memref<128x128xf32, #tpu.memory_space<hbm>>)
        %dma_wait3A_93 = arith.constant 0 : i32
        %dma_wait3A_94 = tpu.memref_slice %arg7[%mul3A_89, %dma_wait3A_93] : memref<32000x128xi32, #tpu.memory_space<hbm>> -> memref<128x128xi32, #tpu.memory_space<hbm>>
        %dma_wait3A_95 = arith.constant 0 : i32
        %dma_wait3A_96 = tpu.memref_slice %arg7[%mul3A_89, %dma_wait3A_95] : memref<32000x128xi32, #tpu.memory_space<hbm>> -> memref<128x128xi32, #tpu.memory_space<hbm>>
        tpu.wait_dma2 semaphore(%arg23 : memref<!tpu.dma_semaphore, #tpu.memory_space<semaphore_mem>>) src(%arg15 : memref<128x128xi32, #tpu.memory_space<vmem>>) dst(%dma_wait3A_96 : memref<128x128xi32, #tpu.memory_space<hbm>>)
      } else {
      }
      %add3A_35 = arith.constant 1 : i32
      %add3A_36 = arith.addi %add3A_22, %add3A_35 : i32
      %mul3A_37 = arith.constant 32 : i32
      %mul3A_38 = arith.muli %add3A_36, %mul3A_37 : i32
      %add3A_39 = arith.addi %add3A, %mul3A_38 : i32
      %lt3A_40 = arith.constant 250 : i32
      %lt3A_41 = arith.cmpi slt, %add3A_39, %lt3A_40 : i32
      %convert_element_type3A_42 = arith.extui %lt3A_41 : i1 to i32
      %cond3A_43 = arith.constant 0 : i32
      %cond3A_44 = arith.cmpi ne, %convert_element_type3A_42, %cond3A_43 : i32
      scf.if %cond3A_44 {
        %mul3A_88 = arith.constant 128 : i32
        %mul3A_89 = arith.muli %add3A_39, %mul3A_88 : i32
        "tpu.region"() ({
          %run_scoped3A = tpu.sem_alloc : memref<!tpu.dma_semaphore, #tpu.memory_space<semaphore_mem>>
          %dma_start3A_95 = tpu.memref_slice %arg2[%mul3A_89] : memref<32000xi32, #tpu.memory_space<hbm>> -> memref<128xi32, #tpu.memory_space<hbm>>
          %dma_start3A_96 = tpu.memref_slice %arg2[%mul3A_89] : memref<32000xi32, #tpu.memory_space<hbm>> -> memref<128xi32, #tpu.memory_space<hbm>>
          tpu.enqueue_dma source(%dma_start3A_96 : memref<128xi32, #tpu.memory_space<hbm>>) target(%arg12 : memref<128xi32, #tpu.memory_space<vmem>>) target_semaphore(%run_scoped3A : memref<!tpu.dma_semaphore, #tpu.memory_space<semaphore_mem>>)
          %dma_wait3A = tpu.memref_slice %arg2[%mul3A_89] : memref<32000xi32, #tpu.memory_space<hbm>> -> memref<128xi32, #tpu.memory_space<hbm>>
          %dma_wait3A_97 = tpu.memref_slice %arg2[%mul3A_89] : memref<32000xi32, #tpu.memory_space<hbm>> -> memref<128xi32, #tpu.memory_space<hbm>>
          tpu.wait_dma2 semaphore(%run_scoped3A : memref<!tpu.dma_semaphore, #tpu.memory_space<semaphore_mem>>) src(%dma_wait3A_97 : memref<128xi32, #tpu.memory_space<hbm>>) dst(%arg12 : memref<128xi32, #tpu.memory_space<vmem>>)
          tpu.yield
        }) : () -> ()
        "tpu.region"() ({
          %run_scoped3A = tpu.sem_alloc : memref<!tpu.dma_semaphore, #tpu.memory_space<semaphore_mem>>
          %dma_start3A_95 = tpu.memref_slice %arg3[%mul3A_89] : memref<32000xi32, #tpu.memory_space<hbm>> -> memref<128xi32, #tpu.memory_space<hbm>>
          %dma_start3A_96 = tpu.memref_slice %arg3[%mul3A_89] : memref<32000xi32, #tpu.memory_space<hbm>> -> memref<128xi32, #tpu.memory_space<hbm>>
          tpu.enqueue_dma source(%dma_start3A_96 : memref<128xi32, #tpu.memory_space<hbm>>) target(%arg13 : memref<128xi32, #tpu.memory_space<vmem>>) target_semaphore(%run_scoped3A : memref<!tpu.dma_semaphore, #tpu.memory_space<semaphore_mem>>)
          %dma_wait3A = tpu.memref_slice %arg3[%mul3A_89] : memref<32000xi32, #tpu.memory_space<hbm>> -> memref<128xi32, #tpu.memory_space<hbm>>
          %dma_wait3A_97 = tpu.memref_slice %arg3[%mul3A_89] : memref<32000xi32, #tpu.memory_space<hbm>> -> memref<128xi32, #tpu.memory_space<hbm>>
          tpu.wait_dma2 semaphore(%run_scoped3A : memref<!tpu.dma_semaphore, #tpu.memory_space<semaphore_mem>>) src(%dma_wait3A_97 : memref<128xi32, #tpu.memory_space<hbm>>) dst(%arg13 : memref<128xi32, #tpu.memory_space<vmem>>)
          tpu.yield
        }) : () -> ()
        %dma_start3A = arith.constant 0 : i32
        %dma_start3A_90 = arith.constant 0 : i32
        %dma_start3A_91 = tpu.memref_slice %arg4[%dma_start3A, %dma_start3A_90] : memref<160000x128xf32, #tpu.memory_space<hbm>> -> memref<160000x128xf32, #tpu.memory_space<hbm>>
        tpu.enqueue_indirect_dma source(%dma_start3A_91 : memref<160000x128xf32, #tpu.memory_space<hbm>>) target(%arg14 : memref<128x128xf32, #tpu.memory_space<vmem>>) offsets(%arg13 : memref<128xi32, #tpu.memory_space<vmem>>) semaphore(%arg20 : memref<!tpu.dma_semaphore, #tpu.memory_space<semaphore_mem>>)
        %dma_start3A_92 = arith.constant 0 : i32
        %dma_start3A_93 = arith.constant 0 : i32
        %dma_start3A_94 = tpu.memref_slice %arg5[%dma_start3A_92, %dma_start3A_93] : memref<10000x128xi32, #tpu.memory_space<hbm>> -> memref<10000x128xi32, #tpu.memory_space<hbm>>
        tpu.enqueue_indirect_dma source(%dma_start3A_94 : memref<10000x128xi32, #tpu.memory_space<hbm>>) target(%arg15 : memref<128x128xi32, #tpu.memory_space<vmem>>) offsets(%arg12 : memref<128xi32, #tpu.memory_space<vmem>>) semaphore(%arg21 : memref<!tpu.dma_semaphore, #tpu.memory_space<semaphore_mem>>)
      } else {
      }
      %mul3A_45 = arith.constant 32 : i32
      %mul3A_46 = arith.muli %add3A_22, %mul3A_45 : i32
      %add3A_47 = arith.addi %add3A, %mul3A_46 : i32
      %lt3A_48 = arith.constant 250 : i32
      %lt3A_49 = arith.cmpi slt, %add3A_47, %lt3A_48 : i32
      %convert_element_type3A_50 = arith.extui %lt3A_49 : i1 to i32
      %cond3A_51 = arith.constant 0 : i32
      %cond3A_52 = arith.cmpi ne, %convert_element_type3A_50, %cond3A_51 : i32
      scf.if %cond3A_52 {
        %mul3A_88 = arith.constant 128 : i32
        %mul3A_89 = arith.muli %add3A_47, %mul3A_88 : i32
        %dma_wait3A = arith.constant 0 : i32
        %dma_wait3A_90 = arith.constant 0 : i32
        %dma_wait3A_91 = tpu.memref_slice %arg4[%dma_wait3A, %dma_wait3A_90] : memref<160000x128xf32, #tpu.memory_space<hbm>> -> memref<160000x128xf32, #tpu.memory_space<hbm>>
        tpu.wait_indirect_dma semaphore(%arg16 : memref<!tpu.dma_semaphore, #tpu.memory_space<semaphore_mem>>) src(%dma_wait3A_91 : memref<160000x128xf32, #tpu.memory_space<hbm>>) dst(%arg10 : memref<128x128xf32, #tpu.memory_space<vmem>>)
        %dma_wait3A_92 = arith.constant 0 : i32
        %dma_wait3A_93 = arith.constant 0 : i32
        %dma_wait3A_94 = tpu.memref_slice %arg5[%dma_wait3A_92, %dma_wait3A_93] : memref<10000x128xi32, #tpu.memory_space<hbm>> -> memref<10000x128xi32, #tpu.memory_space<hbm>>
        tpu.wait_indirect_dma semaphore(%arg17 : memref<!tpu.dma_semaphore, #tpu.memory_space<semaphore_mem>>) src(%dma_wait3A_94 : memref<10000x128xi32, #tpu.memory_space<hbm>>) dst(%arg11 : memref<128x128xi32, #tpu.memory_space<vmem>>)
        %dma_start3A = arith.constant 0 : i32
        %dma_start3A_95 = tpu.memref_slice %arg6[%mul3A_89, %dma_start3A] : memref<32000x128xf32, #tpu.memory_space<hbm>> -> memref<128x128xf32, #tpu.memory_space<hbm>>
        %dma_start3A_96 = arith.constant 0 : i32
        %dma_start3A_97 = tpu.memref_slice %arg6[%mul3A_89, %dma_start3A_96] : memref<32000x128xf32, #tpu.memory_space<hbm>> -> memref<128x128xf32, #tpu.memory_space<hbm>>
        tpu.enqueue_dma source(%arg10 : memref<128x128xf32, #tpu.memory_space<vmem>>) target(%dma_start3A_97 : memref<128x128xf32, #tpu.memory_space<hbm>>) target_semaphore(%arg18 : memref<!tpu.dma_semaphore, #tpu.memory_space<semaphore_mem>>)
        %dma_start3A_98 = arith.constant 0 : i32
        %dma_start3A_99 = tpu.memref_slice %arg7[%mul3A_89, %dma_start3A_98] : memref<32000x128xi32, #tpu.memory_space<hbm>> -> memref<128x128xi32, #tpu.memory_space<hbm>>
        %dma_start3A_100 = arith.constant 0 : i32
        %dma_start3A_101 = tpu.memref_slice %arg7[%mul3A_89, %dma_start3A_100] : memref<32000x128xi32, #tpu.memory_space<hbm>> -> memref<128x128xi32, #tpu.memory_space<hbm>>
        tpu.enqueue_dma source(%arg11 : memref<128x128xi32, #tpu.memory_space<vmem>>) target(%dma_start3A_101 : memref<128x128xi32, #tpu.memory_space<hbm>>) target_semaphore(%arg19 : memref<!tpu.dma_semaphore, #tpu.memory_space<semaphore_mem>>)
      } else {
      }
      %mul3A_53 = arith.constant 2 : i32
      %mul3A_54 = arith.muli %scan3A_18, %mul3A_53 : i32
      %add3A_55 = arith.constant 1 : i32
      %add3A_56 = arith.addi %mul3A_54, %add3A_55 : i32
      %sub3A_57 = arith.constant 1 : i32
      %sub3A_58 = arith.subi %add3A_56, %sub3A_57 : i32
      %mul3A_59 = arith.constant 32 : i32
      %mul3A_60 = arith.muli %sub3A_58, %mul3A_59 : i32
      %add3A_61 = arith.addi %add3A, %mul3A_60 : i32
      %ge3A_62 = arith.constant 0 : i32
      %ge3A_63 = arith.cmpi sge, %add3A_61, %ge3A_62 : i32
      %lt3A_64 = arith.constant 250 : i32
      %lt3A_65 = arith.cmpi slt, %add3A_61, %lt3A_64 : i32
      %and3A_66 = arith.andi %ge3A_63, %lt3A_65 : i1
      %convert_element_type3A_67 = arith.extui %and3A_66 : i1 to i32
      %cond3A_68 = arith.constant 0 : i32
      %cond3A_69 = arith.cmpi ne, %convert_element_type3A_67, %cond3A_68 : i32
      scf.if %cond3A_69 {
        %mul3A_88 = arith.constant 128 : i32
        %mul3A_89 = arith.muli %add3A_61, %mul3A_88 : i32
        %dma_wait3A = arith.constant 0 : i32
        %dma_wait3A_90 = tpu.memref_slice %arg6[%mul3A_89, %dma_wait3A] : memref<32000x128xf32, #tpu.memory_space<hbm>> -> memref<128x128xf32, #tpu.memory_space<hbm>>
        %dma_wait3A_91 = arith.constant 0 : i32
        %dma_wait3A_92 = tpu.memref_slice %arg6[%mul3A_89, %dma_wait3A_91] : memref<32000x128xf32, #tpu.memory_space<hbm>> -> memref<128x128xf32, #tpu.memory_space<hbm>>
        tpu.wait_dma2 semaphore(%arg18 : memref<!tpu.dma_semaphore, #tpu.memory_space<semaphore_mem>>) src(%arg10 : memref<128x128xf32, #tpu.memory_space<vmem>>) dst(%dma_wait3A_92 : memref<128x128xf32, #tpu.memory_space<hbm>>)
        %dma_wait3A_93 = arith.constant 0 : i32
        %dma_wait3A_94 = tpu.memref_slice %arg7[%mul3A_89, %dma_wait3A_93] : memref<32000x128xi32, #tpu.memory_space<hbm>> -> memref<128x128xi32, #tpu.memory_space<hbm>>
        %dma_wait3A_95 = arith.constant 0 : i32
        %dma_wait3A_96 = tpu.memref_slice %arg7[%mul3A_89, %dma_wait3A_95] : memref<32000x128xi32, #tpu.memory_space<hbm>> -> memref<128x128xi32, #tpu.memory_space<hbm>>
        tpu.wait_dma2 semaphore(%arg19 : memref<!tpu.dma_semaphore, #tpu.memory_space<semaphore_mem>>) src(%arg11 : memref<128x128xi32, #tpu.memory_space<vmem>>) dst(%dma_wait3A_96 : memref<128x128xi32, #tpu.memory_space<hbm>>)
      } else {
      }
      %add3A_70 = arith.constant 1 : i32
      %add3A_71 = arith.addi %add3A_56, %add3A_70 : i32
      %mul3A_72 = arith.constant 32 : i32
      %mul3A_73 = arith.muli %add3A_71, %mul3A_72 : i32
      %add3A_74 = arith.addi %add3A, %mul3A_73 : i32
      %lt3A_75 = arith.constant 250 : i32
      %lt3A_76 = arith.cmpi slt, %add3A_74, %lt3A_75 : i32
      %convert_element_type3A_77 = arith.extui %lt3A_76 : i1 to i32
      %cond3A_78 = arith.constant 0 : i32
      %cond3A_79 = arith.cmpi ne, %convert_element_type3A_77, %cond3A_78 : i32
      scf.if %cond3A_79 {
        %mul3A_88 = arith.constant 128 : i32
        %mul3A_89 = arith.muli %add3A_74, %mul3A_88 : i32
        "tpu.region"() ({
          %run_scoped3A = tpu.sem_alloc : memref<!tpu.dma_semaphore, #tpu.memory_space<semaphore_mem>>
          %dma_start3A_95 = tpu.memref_slice %arg2[%mul3A_89] : memref<32000xi32, #tpu.memory_space<hbm>> -> memref<128xi32, #tpu.memory_space<hbm>>
          %dma_start3A_96 = tpu.memref_slice %arg2[%mul3A_89] : memref<32000xi32, #tpu.memory_space<hbm>> -> memref<128xi32, #tpu.memory_space<hbm>>
          tpu.enqueue_dma source(%dma_start3A_96 : memref<128xi32, #tpu.memory_space<hbm>>) target(%arg8 : memref<128xi32, #tpu.memory_space<vmem>>) target_semaphore(%run_scoped3A : memref<!tpu.dma_semaphore, #tpu.memory_space<semaphore_mem>>)
          %dma_wait3A = tpu.memref_slice %arg2[%mul3A_89] : memref<32000xi32, #tpu.memory_space<hbm>> -> memref<128xi32, #tpu.memory_space<hbm>>
          %dma_wait3A_97 = tpu.memref_slice %arg2[%mul3A_89] : memref<32000xi32, #tpu.memory_space<hbm>> -> memref<128xi32, #tpu.memory_space<hbm>>
          tpu.wait_dma2 semaphore(%run_scoped3A : memref<!tpu.dma_semaphore, #tpu.memory_space<semaphore_mem>>) src(%dma_wait3A_97 : memref<128xi32, #tpu.memory_space<hbm>>) dst(%arg8 : memref<128xi32, #tpu.memory_space<vmem>>)
          tpu.yield
        }) : () -> ()
        "tpu.region"() ({
          %run_scoped3A = tpu.sem_alloc : memref<!tpu.dma_semaphore, #tpu.memory_space<semaphore_mem>>
          %dma_start3A_95 = tpu.memref_slice %arg3[%mul3A_89] : memref<32000xi32, #tpu.memory_space<hbm>> -> memref<128xi32, #tpu.memory_space<hbm>>
          %dma_start3A_96 = tpu.memref_slice %arg3[%mul3A_89] : memref<32000xi32, #tpu.memory_space<hbm>> -> memref<128xi32, #tpu.memory_space<hbm>>
          tpu.enqueue_dma source(%dma_start3A_96 : memref<128xi32, #tpu.memory_space<hbm>>) target(%arg9 : memref<128xi32, #tpu.memory_space<vmem>>) target_semaphore(%run_scoped3A : memref<!tpu.dma_semaphore, #tpu.memory_space<semaphore_mem>>)
          %dma_wait3A = tpu.memref_slice %arg3[%mul3A_89] : memref<32000xi32, #tpu.memory_space<hbm>> -> memref<128xi32, #tpu.memory_space<hbm>>
          %dma_wait3A_97 = tpu.memref_slice %arg3[%mul3A_89] : memref<32000xi32, #tpu.memory_space<hbm>> -> memref<128xi32, #tpu.memory_space<hbm>>
          tpu.wait_dma2 semaphore(%run_scoped3A : memref<!tpu.dma_semaphore, #tpu.memory_space<semaphore_mem>>) src(%dma_wait3A_97 : memref<128xi32, #tpu.memory_space<hbm>>) dst(%arg9 : memref<128xi32, #tpu.memory_space<vmem>>)
          tpu.yield
        }) : () -> ()
        %dma_start3A = arith.constant 0 : i32
        %dma_start3A_90 = arith.constant 0 : i32
        %dma_start3A_91 = tpu.memref_slice %arg4[%dma_start3A, %dma_start3A_90] : memref<160000x128xf32, #tpu.memory_space<hbm>> -> memref<160000x128xf32, #tpu.memory_space<hbm>>
        tpu.enqueue_indirect_dma source(%dma_start3A_91 : memref<160000x128xf32, #tpu.memory_space<hbm>>) target(%arg10 : memref<128x128xf32, #tpu.memory_space<vmem>>) offsets(%arg9 : memref<128xi32, #tpu.memory_space<vmem>>) semaphore(%arg16 : memref<!tpu.dma_semaphore, #tpu.memory_space<semaphore_mem>>)
        %dma_start3A_92 = arith.constant 0 : i32
        %dma_start3A_93 = arith.constant 0 : i32
        %dma_start3A_94 = tpu.memref_slice %arg5[%dma_start3A_92, %dma_start3A_93] : memref<10000x128xi32, #tpu.memory_space<hbm>> -> memref<10000x128xi32, #tpu.memory_space<hbm>>
        tpu.enqueue_indirect_dma source(%dma_start3A_94 : memref<10000x128xi32, #tpu.memory_space<hbm>>) target(%arg11 : memref<128x128xi32, #tpu.memory_space<vmem>>) offsets(%arg8 : memref<128xi32, #tpu.memory_space<vmem>>) semaphore(%arg17 : memref<!tpu.dma_semaphore, #tpu.memory_space<semaphore_mem>>)
      } else {
      }
      %mul3A_80 = arith.constant 32 : i32
      %mul3A_81 = arith.muli %add3A_56, %mul3A_80 : i32
      %add3A_82 = arith.addi %add3A, %mul3A_81 : i32
      %lt3A_83 = arith.constant 250 : i32
      %lt3A_84 = arith.cmpi slt, %add3A_82, %lt3A_83 : i32
      %convert_element_type3A_85 = arith.extui %lt3A_84 : i1 to i32
      %cond3A_86 = arith.constant 0 : i32
      %cond3A_87 = arith.cmpi ne, %convert_element_type3A_85, %cond3A_86 : i32
      scf.if %cond3A_87 {
        %mul3A_88 = arith.constant 128 : i32
        %mul3A_89 = arith.muli %add3A_82, %mul3A_88 : i32
        %dma_wait3A = arith.constant 0 : i32
        %dma_wait3A_90 = arith.constant 0 : i32
        %dma_wait3A_91 = tpu.memref_slice %arg4[%dma_wait3A, %dma_wait3A_90] : memref<160000x128xf32, #tpu.memory_space<hbm>> -> memref<160000x128xf32, #tpu.memory_space<hbm>>
        tpu.wait_indirect_dma semaphore(%arg20 : memref<!tpu.dma_semaphore, #tpu.memory_space<semaphore_mem>>) src(%dma_wait3A_91 : memref<160000x128xf32, #tpu.memory_space<hbm>>) dst(%arg14 : memref<128x128xf32, #tpu.memory_space<vmem>>)
        %dma_wait3A_92 = arith.constant 0 : i32
        %dma_wait3A_93 = arith.constant 0 : i32
        %dma_wait3A_94 = tpu.memref_slice %arg5[%dma_wait3A_92, %dma_wait3A_93] : memref<10000x128xi32, #tpu.memory_space<hbm>> -> memref<10000x128xi32, #tpu.memory_space<hbm>>
        tpu.wait_indirect_dma semaphore(%arg21 : memref<!tpu.dma_semaphore, #tpu.memory_space<semaphore_mem>>) src(%dma_wait3A_94 : memref<10000x128xi32, #tpu.memory_space<hbm>>) dst(%arg15 : memref<128x128xi32, #tpu.memory_space<vmem>>)
        %dma_start3A = arith.constant 0 : i32
        %dma_start3A_95 = tpu.memref_slice %arg6[%mul3A_89, %dma_start3A] : memref<32000x128xf32, #tpu.memory_space<hbm>> -> memref<128x128xf32, #tpu.memory_space<hbm>>
        %dma_start3A_96 = arith.constant 0 : i32
        %dma_start3A_97 = tpu.memref_slice %arg6[%mul3A_89, %dma_start3A_96] : memref<32000x128xf32, #tpu.memory_space<hbm>> -> memref<128x128xf32, #tpu.memory_space<hbm>>
        tpu.enqueue_dma source(%arg14 : memref<128x128xf32, #tpu.memory_space<vmem>>) target(%dma_start3A_97 : memref<128x128xf32, #tpu.memory_space<hbm>>) target_semaphore(%arg22 : memref<!tpu.dma_semaphore, #tpu.memory_space<semaphore_mem>>)
        %dma_start3A_98 = arith.constant 0 : i32
        %dma_start3A_99 = tpu.memref_slice %arg7[%mul3A_89, %dma_start3A_98] : memref<32000x128xi32, #tpu.memory_space<hbm>> -> memref<128x128xi32, #tpu.memory_space<hbm>>
        %dma_start3A_100 = arith.constant 0 : i32
        %dma_start3A_101 = tpu.memref_slice %arg7[%mul3A_89, %dma_start3A_100] : memref<32000x128xi32, #tpu.memory_space<hbm>> -> memref<128x128xi32, #tpu.memory_space<hbm>>
        tpu.enqueue_dma source(%arg15 : memref<128x128xi32, #tpu.memory_space<vmem>>) target(%dma_start3A_101 : memref<128x128xi32, #tpu.memory_space<hbm>>) target_semaphore(%arg23 : memref<!tpu.dma_semaphore, #tpu.memory_space<semaphore_mem>>)
      } else {
      }
    }
    %scan3A_9 = arith.constant 4 : i32
    %add3A_10 = arith.constant 224 : i32
    %add3A_11 = arith.addi %add3A, %add3A_10 : i32
    %ge3A = arith.constant 0 : i32
    %ge3A_12 = arith.cmpi sge, %add3A_11, %ge3A : i32
    %lt3A_13 = arith.constant 250 : i32
    %lt3A_14 = arith.cmpi slt, %add3A_11, %lt3A_13 : i32
    %and3A = arith.andi %ge3A_12, %lt3A_14 : i1
    %convert_element_type3A_15 = arith.extui %and3A : i1 to i32
    %cond3A_16 = arith.constant 0 : i32
    %cond3A_17 = arith.cmpi ne, %convert_element_type3A_15, %cond3A_16 : i32
    scf.if %cond3A_17 {
      %mul3A_18 = arith.constant 128 : i32
      %mul3A_19 = arith.muli %add3A_11, %mul3A_18 : i32
      %dma_wait3A = arith.constant 0 : i32
      %dma_wait3A_20 = tpu.memref_slice %arg6[%mul3A_19, %dma_wait3A] : memref<32000x128xf32, #tpu.memory_space<hbm>> -> memref<128x128xf32, #tpu.memory_space<hbm>>
      %dma_wait3A_21 = arith.constant 0 : i32
      %dma_wait3A_22 = tpu.memref_slice %arg6[%mul3A_19, %dma_wait3A_21] : memref<32000x128xf32, #tpu.memory_space<hbm>> -> memref<128x128xf32, #tpu.memory_space<hbm>>
      tpu.wait_dma2 semaphore(%arg22 : memref<!tpu.dma_semaphore, #tpu.memory_space<semaphore_mem>>) src(%arg14 : memref<128x128xf32, #tpu.memory_space<vmem>>) dst(%dma_wait3A_22 : memref<128x128xf32, #tpu.memory_space<hbm>>)
      %dma_wait3A_23 = arith.constant 0 : i32
      %dma_wait3A_24 = tpu.memref_slice %arg7[%mul3A_19, %dma_wait3A_23] : memref<32000x128xi32, #tpu.memory_space<hbm>> -> memref<128x128xi32, #tpu.memory_space<hbm>>
      %dma_wait3A_25 = arith.constant 0 : i32
      %dma_wait3A_26 = tpu.memref_slice %arg7[%mul3A_19, %dma_wait3A_25] : memref<32000x128xi32, #tpu.memory_space<hbm>> -> memref<128x128xi32, #tpu.memory_space<hbm>>
      tpu.wait_dma2 semaphore(%arg23 : memref<!tpu.dma_semaphore, #tpu.memory_space<semaphore_mem>>) src(%arg15 : memref<128x128xi32, #tpu.memory_space<vmem>>) dst(%dma_wait3A_26 : memref<128x128xi32, #tpu.memory_space<hbm>>)
    } else {
    }
    return
  }
}

module attributes {stable_mosaic.version = 14 : i64} {
  func.func @_mlp_body(%arg0: i32, %arg1: memref<2000x128xf32, #tpu.memory_space<vmem>>, %arg2: memref<2000x128xi32, #tpu.memory_space<vmem>>, %arg3: memref<128x64xf32, #tpu.memory_space<vmem>>, %arg4: memref<1x64xf32, #tpu.memory_space<vmem>>, %arg5: memref<64x64xf32, #tpu.memory_space<vmem>>, %arg6: memref<64x64xf32, #tpu.memory_space<vmem>>, %arg7: memref<64x64xf32, #tpu.memory_space<vmem>>, %arg8: memref<64x64xf32, #tpu.memory_space<vmem>>, %arg9: memref<1x64xf32, #tpu.memory_space<vmem>>, %arg10: memref<64x64xf32, #tpu.memory_space<vmem>>, %arg11: memref<1x64xf32, #tpu.memory_space<vmem>>, %arg12: memref<64x1xf32, #tpu.memory_space<vmem>>, %arg13: memref<1x1xf32, #tpu.memory_space<vmem>>, %arg14: memref<2000x1xf32, #tpu.memory_space<vmem>>, %arg15: memref<1x256xf32, #tpu.memory_space<vmem>>, %arg16: memref<1x256xf32, #tpu.memory_space<vmem>>) attributes {dimension_semantics = [#tpu.dimension_semantics<arbitrary>], iteration_bounds = array<i64: 16>, scalar_prefetch = 0 : i64, scratch_operands = 1 : i64, tpu.core_type = #tpu.core_type<tc>, window_params = [{transform_indices = @transform_0, window_bounds = array<i64: 2000, 128>}, {transform_indices = @transform_1, window_bounds = array<i64: 2000, 128>}, {pipeline_mode = #tpu.pipeline_mode<synchronous>, transform_indices = @transform_2, window_bounds = array<i64: 128, 64>}, {pipeline_mode = #tpu.pipeline_mode<synchronous>, transform_indices = @transform_3, window_bounds = array<i64: 1, 64>}, {pipeline_mode = #tpu.pipeline_mode<synchronous>, transform_indices = @transform_4, window_bounds = array<i64: 64, 64>}, {pipeline_mode = #tpu.pipeline_mode<synchronous>, transform_indices = @transform_5, window_bounds = array<i64: 64, 64>}, {pipeline_mode = #tpu.pipeline_mode<synchronous>, transform_indices = @transform_6, window_bounds = array<i64: 64, 64>}, {pipeline_mode = #tpu.pipeline_mode<synchronous>, transform_indices = @transform_7, window_bounds = array<i64: 64, 64>}, {pipeline_mode = #tpu.pipeline_mode<synchronous>, transform_indices = @transform_8, window_bounds = array<i64: 1, 64>}, {pipeline_mode = #tpu.pipeline_mode<synchronous>, transform_indices = @transform_9, window_bounds = array<i64: 64, 64>}, {pipeline_mode = #tpu.pipeline_mode<synchronous>, transform_indices = @transform_10, window_bounds = array<i64: 1, 64>}, {pipeline_mode = #tpu.pipeline_mode<synchronous>, transform_indices = @transform_11, window_bounds = array<i64: 64, 1>}, {pipeline_mode = #tpu.pipeline_mode<synchronous>, transform_indices = @transform_12, window_bounds = array<i64: 1, 1>}, {transform_indices = @transform_13, window_bounds = array<i64: 2000, 1>}, {pipeline_mode = #tpu.pipeline_mode<synchronous>, transform_indices = @transform_14, window_bounds = array<i64: 1, 256>}]} {
    %eq3A = arith.constant 0 : i32
    %eq3A_0 = arith.cmpi eq, %arg0, %eq3A : i32
    %convert_element_type3A = arith.extui %eq3A_0 : i1 to i32
    %cond3A = arith.constant 0 : i32
    %cond3A_1 = arith.cmpi ne, %convert_element_type3A, %cond3A : i32
    scf.if %cond3A_1 {
      %broadcast_in_dim3A_110 = arith.constant 0.000000e+00 : f32
      %broadcast_in_dim3A_111 = vector.broadcast %broadcast_in_dim3A_110 : f32 to vector<1x256xf32>
      %swap3A_112 = arith.constant 0 : index
      %swap3A_113 = arith.constant 0 : index
      %swap3A_114 = vector.load %arg16[%swap3A_112, %swap3A_113] : memref<1x256xf32, #tpu.memory_space<vmem>>, vector<1x256xf32>
      tpu.vector_store %arg16[%swap3A_112, %swap3A_113], %broadcast_in_dim3A_111 {strides = array<i32>} : memref<1x256xf32, #tpu.memory_space<vmem>>, vector<1x256xf32>,
    } else {
    }
    %get3A = arith.constant 0 : index
    %get3A_2 = arith.constant 0 : index
    %get3A_3 = vector.load %arg1[%get3A, %get3A_2] : memref<2000x128xf32, #tpu.memory_space<vmem>>, vector<2000x128xf32>
    %get3A_4 = arith.constant 0 : index
    %get3A_5 = arith.constant 0 : index
    %get3A_6 = vector.load %arg3[%get3A_4, %get3A_5] : memref<128x64xf32, #tpu.memory_space<vmem>>, vector<128x64xf32>
    %dot_general3A = arith.constant dense<0.000000e+00> : vector<2000x64xf32>
    %dot_general3A_7 = tpu.matmul %get3A_3, %get3A_6, %dot_general3A {dimension_numbers = #tpu.dot_dimension_numbers<[1], [0], [0], [1], [0, 0, 1, 1], [], []>, transpose_lhs_hint = false} : vector<2000x128xf32>, vector<128x64xf32>, vector<2000x64xf32> -> vector<2000x64xf32>
    %get3A_8 = arith.constant 0 : index
    %get3A_9 = arith.constant 0 : index
    %get3A_10 = vector.load %arg4[%get3A_8, %get3A_9] : memref<1x64xf32, #tpu.memory_space<vmem>>, vector<1x64xf32>
    %add3A = vector.broadcast %get3A_10 : vector<1x64xf32> to vector<2000x64xf32>
    %add3A_11 = arith.addf %dot_general3A_7, %add3A : vector<2000x64xf32>
    %get3A_12 = arith.constant 0 : index
    %get3A_13 = arith.constant 0 : index
    %get3A_14 = vector.load %arg2[%get3A_12, %get3A_13] : memref<2000x128xi32, #tpu.memory_space<vmem>>, vector<2000x128xi32>
    %bitcast_convert_type3A = tpu.bitcast %get3A_14 : vector<2000x128xi32> -> vector<2000x128xf32>
    %slice3A = vector.extract_strided_slice %bitcast_convert_type3A {offsets = [0, 0], sizes = [2000, 64], strides = [1, 1]} : vector<2000x128xf32> to vector<2000x64xf32>
    %slice3A_15 = vector.extract_strided_slice %get3A_14 {offsets = [0, 64], sizes = [2000, 64], strides = [1, 1]} : vector<2000x128xi32> to vector<2000x64xi32>
    %shift_left3A = arith.constant 16 : i32
    %shift_left3A_16 = vector.broadcast %shift_left3A : i32 to vector<2000x64xi32>
    %shift_left3A_17 = arith.shli %slice3A_15, %shift_left3A_16 : vector<2000x64xi32>
    %bitcast_convert_type3A_18 = tpu.bitcast %shift_left3A_17 : vector<2000x64xi32> -> vector<2000x64xf32>
    %and3A = arith.constant -65536 : i32
    %and3A_19 = vector.broadcast %and3A : i32 to vector<2000x64xi32>
    %and3A_20 = arith.andi %slice3A_15, %and3A_19 : vector<2000x64xi32>
    %bitcast_convert_type3A_21 = tpu.bitcast %and3A_20 : vector<2000x64xi32> -> vector<2000x64xf32>
    %max3A = arith.constant 0.000000e+00 : f32
    %max3A_22 = vector.broadcast %max3A : f32 to vector<2000x64xf32>
    %max3A_23 = arith.maximumf %add3A_11, %max3A_22 : vector<2000x64xf32>
    %mul3A = arith.mulf %add3A_11, %slice3A : vector<2000x64xf32>
    %mul3A_24 = arith.mulf %mul3A, %mul3A : vector<2000x64xf32>
    %reduce_sum3A = arith.constant dense<0.000000e+00> : vector<2000xf32>
    %reduce_sum3A_25 = vector.multi_reduction <add>, %mul3A_24, %reduce_sum3A [1] : vector<2000x64xf32> to vector<2000xf32>
    %broadcast_in_dim3A = vector.shape_cast %reduce_sum3A_25 : vector<2000xf32> to vector<2000x1xf32>
    %sqrt3A = math.sqrt %broadcast_in_dim3A : vector<2000x1xf32>
    %max3A_26 = arith.constant 9.99999996E-13 : f32
    %max3A_27 = vector.broadcast %max3A_26 : f32 to vector<2000x1xf32>
    %max3A_28 = arith.maximumf %sqrt3A, %max3A_27 : vector<2000x1xf32>
    %div3A = vector.broadcast %max3A_28 : vector<2000x1xf32> to vector<2000x64xf32>
    %div3A_29 = arith.divf %mul3A, %div3A : vector<2000x64xf32>
    %get3A_30 = arith.constant 0 : index
    %get3A_31 = arith.constant 0 : index
    %get3A_32 = vector.load %arg16[%get3A_30, %get3A_31] : memref<1x256xf32, #tpu.memory_space<vmem>>, vector<1x256xf32>
    %reduce_sum3A_33 = arith.constant dense<0.000000e+00> : vector<64xf32>
    %reduce_sum3A_34 = vector.multi_reduction <add>, %max3A_23, %reduce_sum3A_33 [0] : vector<2000x64xf32> to vector<64xf32>
    %broadcast_in_dim3A_35 = vector.shape_cast %reduce_sum3A_34 : vector<64xf32> to vector<1x64xf32>
    %reduce_sum3A_36 = arith.constant dense<0.000000e+00> : vector<64xf32>
    %reduce_sum3A_37 = vector.multi_reduction <add>, %div3A_29, %reduce_sum3A_36 [0] : vector<2000x64xf32> to vector<64xf32>
    %broadcast_in_dim3A_38 = vector.shape_cast %reduce_sum3A_37 : vector<64xf32> to vector<1x64xf32>
    %reduce_sum3A_39 = arith.constant dense<0.000000e+00> : vector<64xf32>
    %reduce_sum3A_40 = vector.multi_reduction <add>, %bitcast_convert_type3A_18, %reduce_sum3A_39 [0] : vector<2000x64xf32> to vector<64xf32>
    %broadcast_in_dim3A_41 = vector.shape_cast %reduce_sum3A_40 : vector<64xf32> to vector<1x64xf32>
    %reduce_sum3A_42 = arith.constant dense<0.000000e+00> : vector<64xf32>
    %reduce_sum3A_43 = vector.multi_reduction <add>, %bitcast_convert_type3A_21, %reduce_sum3A_42 [0] : vector<2000x64xf32> to vector<64xf32>
    %broadcast_in_dim3A_44 = vector.shape_cast %reduce_sum3A_43 : vector<64xf32> to vector<1x64xf32>
    %concatenate3A = tpu.concatenate %broadcast_in_dim3A_35, %broadcast_in_dim3A_38, %broadcast_in_dim3A_41, %broadcast_in_dim3A_44 in 1 : vector<1x64xf32>, vector<1x64xf32>, vector<1x64xf32>, vector<1x64xf32> -> vector<1x256xf32>
    %add3A_45 = arith.addf %get3A_32, %concatenate3A : vector<1x256xf32>
    %swap3A = arith.constant 0 : index
    %swap3A_46 = arith.constant 0 : index
    %swap3A_47 = vector.load %arg16[%swap3A, %swap3A_46] : memref<1x256xf32, #tpu.memory_space<vmem>>, vector<1x256xf32>
    tpu.vector_store %arg16[%swap3A, %swap3A_46], %add3A_45 {strides = array<i32>} : memref<1x256xf32, #tpu.memory_space<vmem>>, vector<1x256xf32>,
    %get3A_48 = arith.constant 0 : index
    %get3A_49 = arith.constant 0 : index
    %get3A_50 = vector.load %arg5[%get3A_48, %get3A_49] : memref<64x64xf32, #tpu.memory_space<vmem>>, vector<64x64xf32>
    %dot_general3A_51 = arith.constant dense<0.000000e+00> : vector<2000x64xf32>
    %dot_general3A_52 = tpu.matmul %max3A_23, %get3A_50, %dot_general3A_51 {dimension_numbers = #tpu.dot_dimension_numbers<[1], [0], [0], [1], [0, 0, 1, 1], [], []>, transpose_lhs_hint = false} : vector<2000x64xf32>, vector<64x64xf32>, vector<2000x64xf32> -> vector<2000x64xf32>
    %get3A_53 = arith.constant 0 : index
    %get3A_54 = arith.constant 0 : index
    %get3A_55 = vector.load %arg6[%get3A_53, %get3A_54] : memref<64x64xf32, #tpu.memory_space<vmem>>, vector<64x64xf32>
    %dot_general3A_56 = arith.constant dense<0.000000e+00> : vector<2000x64xf32>
    %dot_general3A_57 = tpu.matmul %div3A_29, %get3A_55, %dot_general3A_56 {dimension_numbers = #tpu.dot_dimension_numbers<[1], [0], [0], [1], [0, 0, 1, 1], [], []>, transpose_lhs_hint = false} : vector<2000x64xf32>, vector<64x64xf32>, vector<2000x64xf32> -> vector<2000x64xf32>
    %add3A_58 = arith.addf %dot_general3A_52, %dot_general3A_57 : vector<2000x64xf32>
    %get3A_59 = arith.constant 0 : index
    %get3A_60 = arith.constant 0 : index
    %get3A_61 = vector.load %arg7[%get3A_59, %get3A_60] : memref<64x64xf32, #tpu.memory_space<vmem>>, vector<64x64xf32>
    %dot_general3A_62 = arith.constant dense<0.000000e+00> : vector<2000x64xf32>
    %dot_general3A_63 = tpu.matmul %bitcast_convert_type3A_18, %get3A_61, %dot_general3A_62 {dimension_numbers = #tpu.dot_dimension_numbers<[1], [0], [0], [1], [0, 0, 1, 1], [], []>, transpose_lhs_hint = false} : vector<2000x64xf32>, vector<64x64xf32>, vector<2000x64xf32> -> vector<2000x64xf32>
    %add3A_64 = arith.addf %add3A_58, %dot_general3A_63 : vector<2000x64xf32>
    %get3A_65 = arith.constant 0 : index
    %get3A_66 = arith.constant 0 : index
    %get3A_67 = vector.load %arg8[%get3A_65, %get3A_66] : memref<64x64xf32, #tpu.memory_space<vmem>>, vector<64x64xf32>
    %dot_general3A_68 = arith.constant dense<0.000000e+00> : vector<2000x64xf32>
    %dot_general3A_69 = tpu.matmul %bitcast_convert_type3A_21, %get3A_67, %dot_general3A_68 {dimension_numbers = #tpu.dot_dimension_numbers<[1], [0], [0], [1], [0, 0, 1, 1], [], []>, transpose_lhs_hint = false} : vector<2000x64xf32>, vector<64x64xf32>, vector<2000x64xf32> -> vector<2000x64xf32>
    %add3A_70 = arith.addf %add3A_64, %dot_general3A_69 : vector<2000x64xf32>
    %get3A_71 = arith.constant 0 : index
    %get3A_72 = arith.constant 0 : index
    %get3A_73 = vector.load %arg9[%get3A_71, %get3A_72] : memref<1x64xf32, #tpu.memory_space<vmem>>, vector<1x64xf32>
    %add3A_74 = vector.broadcast %get3A_73 : vector<1x64xf32> to vector<2000x64xf32>
    %add3A_75 = arith.addf %add3A_70, %add3A_74 : vector<2000x64xf32>
    %max3A_76 = arith.constant 0.000000e+00 : f32
    %max3A_77 = vector.broadcast %max3A_76 : f32 to vector<2000x64xf32>
    %max3A_78 = arith.maximumf %add3A_75, %max3A_77 : vector<2000x64xf32>
    %get3A_79 = arith.constant 0 : index
    %get3A_80 = arith.constant 0 : index
    %get3A_81 = vector.load %arg10[%get3A_79, %get3A_80] : memref<64x64xf32, #tpu.memory_space<vmem>>, vector<64x64xf32>
    %dot_general3A_82 = arith.constant dense<0.000000e+00> : vector<2000x64xf32>
    %dot_general3A_83 = tpu.matmul %max3A_78, %get3A_81, %dot_general3A_82 {dimension_numbers = #tpu.dot_dimension_numbers<[1], [0], [0], [1], [0, 0, 1, 1], [], []>, transpose_lhs_hint = false} : vector<2000x64xf32>, vector<64x64xf32>, vector<2000x64xf32> -> vector<2000x64xf32>
    %get3A_84 = arith.constant 0 : index
    %get3A_85 = arith.constant 0 : index
    %get3A_86 = vector.load %arg11[%get3A_84, %get3A_85] : memref<1x64xf32, #tpu.memory_space<vmem>>, vector<1x64xf32>
    %add3A_87 = vector.broadcast %get3A_86 : vector<1x64xf32> to vector<2000x64xf32>
    %add3A_88 = arith.addf %dot_general3A_83, %add3A_87 : vector<2000x64xf32>
    %max3A_89 = arith.constant 0.000000e+00 : f32
    %max3A_90 = vector.broadcast %max3A_89 : f32 to vector<2000x64xf32>
    %max3A_91 = arith.maximumf %add3A_88, %max3A_90 : vector<2000x64xf32>
    %get3A_92 = arith.constant 0 : index
    %get3A_93 = arith.constant 0 : index
    %get3A_94 = vector.load %arg12[%get3A_92, %get3A_93] : memref<64x1xf32, #tpu.memory_space<vmem>>, vector<64x1xf32>
    %dot_general3A_95 = arith.constant dense<0.000000e+00> : vector<2000x1xf32>
    %dot_general3A_96 = tpu.matmul %max3A_91, %get3A_94, %dot_general3A_95 {dimension_numbers = #tpu.dot_dimension_numbers<[1], [0], [0], [1], [0, 0, 1, 1], [], []>, transpose_lhs_hint = false} : vector<2000x64xf32>, vector<64x1xf32>, vector<2000x1xf32> -> vector<2000x1xf32>
    %get3A_97 = arith.constant 0 : index
    %get3A_98 = arith.constant 0 : index
    %get3A_99 = vector.load %arg13[%get3A_97, %get3A_98] : memref<1x1xf32, #tpu.memory_space<vmem>>, vector<1x1xf32>
    %add3A_100 = vector.broadcast %get3A_99 : vector<1x1xf32> to vector<2000x1xf32>
    %add3A_101 = arith.addf %dot_general3A_96, %add3A_100 : vector<2000x1xf32>
    %swap3A_102 = arith.constant 0 : index
    %swap3A_103 = arith.constant 0 : index
    %swap3A_104 = vector.load %arg14[%swap3A_102, %swap3A_103] : memref<2000x1xf32, #tpu.memory_space<vmem>>, vector<2000x1xf32>
    tpu.vector_store %arg14[%swap3A_102, %swap3A_103], %add3A_101 {strides = array<i32>} : memref<2000x1xf32, #tpu.memory_space<vmem>>, vector<2000x1xf32>,
    %eq3A_105 = arith.constant 15 : i32
    %eq3A_106 = arith.cmpi eq, %arg0, %eq3A_105 : i32
    %convert_element_type3A_107 = arith.extui %eq3A_106 : i1 to i32
    %cond3A_108 = arith.constant 0 : i32
    %cond3A_109 = arith.cmpi ne, %convert_element_type3A_107, %cond3A_108 : i32
    scf.if %cond3A_109 {
      %get3A_110 = arith.constant 0 : index
      %get3A_111 = arith.constant 0 : index
      %get3A_112 = vector.load %arg16[%get3A_110, %get3A_111] : memref<1x256xf32, #tpu.memory_space<vmem>>, vector<1x256xf32>
      %swap3A_113 = arith.constant 0 : index
      %swap3A_114 = arith.constant 0 : index
      %swap3A_115 = vector.load %arg15[%swap3A_113, %swap3A_114] : memref<1x256xf32, #tpu.memory_space<vmem>>, vector<1x256xf32>
      tpu.vector_store %arg15[%swap3A_113, %swap3A_114], %get3A_112 {strides = array<i32>} : memref<1x256xf32, #tpu.memory_space<vmem>>, vector<1x256xf32>,
    } else {
    }
    return
  }
  func.func @transform_0(%arg0: i32) -> (i32, i32) {
    %c0_i32 = arith.constant 0 : i32
    %c0_i32_0 = arith.constant 0 : i32
    return %arg0, %c0_i32 : i32, i32
  }
  func.func @transform_1(%arg0: i32) -> (i32, i32) {
    %c0_i32 = arith.constant 0 : i32
    %c0_i32_0 = arith.constant 0 : i32
    return %arg0, %c0_i32 : i32, i32
  }
  func.func @transform_2(%arg0: i32) -> (i32, i32) {
    %c0_i32 = arith.constant 0 : i32
    %c0_i32_0 = arith.constant 0 : i32
    %c0_i32_1 = arith.constant 0 : i32
    return %c0_i32, %c0_i32_0 : i32, i32
  }
  func.func @transform_3(%arg0: i32) -> (i32, i32) {
    %c0_i32 = arith.constant 0 : i32
    %c0_i32_0 = arith.constant 0 : i32
    %c0_i32_1 = arith.constant 0 : i32
    return %c0_i32, %c0_i32_0 : i32, i32
  }
  func.func @transform_4(%arg0: i32) -> (i32, i32) {
    %c0_i32 = arith.constant 0 : i32
    %c0_i32_0 = arith.constant 0 : i32
    %c0_i32_1 = arith.constant 0 : i32
    return %c0_i32, %c0_i32_0 : i32, i32
  }
  func.func @transform_5(%arg0: i32) -> (i32, i32) {
    %c0_i32 = arith.constant 0 : i32
    %c0_i32_0 = arith.constant 0 : i32
    %c0_i32_1 = arith.constant 0 : i32
    return %c0_i32, %c0_i32_0 : i32, i32
  }
  func.func @transform_6(%arg0: i32) -> (i32, i32) {
    %c0_i32 = arith.constant 0 : i32
    %c0_i32_0 = arith.constant 0 : i32
    %c0_i32_1 = arith.constant 0 : i32
    return %c0_i32, %c0_i32_0 : i32, i32
  }
  func.func @transform_7(%arg0: i32) -> (i32, i32) {
    %c0_i32 = arith.constant 0 : i32
    %c0_i32_0 = arith.constant 0 : i32
    %c0_i32_1 = arith.constant 0 : i32
    return %c0_i32, %c0_i32_0 : i32, i32
  }
  func.func @transform_8(%arg0: i32) -> (i32, i32) {
    %c0_i32 = arith.constant 0 : i32
    %c0_i32_0 = arith.constant 0 : i32
    %c0_i32_1 = arith.constant 0 : i32
    return %c0_i32, %c0_i32_0 : i32, i32
  }
  func.func @transform_9(%arg0: i32) -> (i32, i32) {
    %c0_i32 = arith.constant 0 : i32
    %c0_i32_0 = arith.constant 0 : i32
    %c0_i32_1 = arith.constant 0 : i32
    return %c0_i32, %c0_i32_0 : i32, i32
  }
  func.func @transform_10(%arg0: i32) -> (i32, i32) {
    %c0_i32 = arith.constant 0 : i32
    %c0_i32_0 = arith.constant 0 : i32
    %c0_i32_1 = arith.constant 0 : i32
    return %c0_i32, %c0_i32_0 : i32, i32
  }
  func.func @transform_11(%arg0: i32) -> (i32, i32) {
    %c0_i32 = arith.constant 0 : i32
    %c0_i32_0 = arith.constant 0 : i32
    %c0_i32_1 = arith.constant 0 : i32
    return %c0_i32, %c0_i32_0 : i32, i32
  }
  func.func @transform_12(%arg0: i32) -> (i32, i32) {
    %c0_i32 = arith.constant 0 : i32
    %c0_i32_0 = arith.constant 0 : i32
    %c0_i32_1 = arith.constant 0 : i32
    return %c0_i32, %c0_i32_0 : i32, i32
  }
  func.func @transform_13(%arg0: i32) -> (i32, i32) {
    %c0_i32 = arith.constant 0 : i32
    %c0_i32_0 = arith.constant 0 : i32
    return %arg0, %c0_i32 : i32, i32
  }
  func.func @transform_14(%arg0: i32) -> (i32, i32) {
    %c0_i32 = arith.constant 0 : i32
    %c0_i32_0 = arith.constant 0 : i32
    %c0_i32_1 = arith.constant 0 : i32
    return %c0_i32, %c0_i32_0 : i32, i32
  }
}

module attributes {stable_mosaic.version = 14 : i64} {
  func.func @_value_body(%arg0: memref<5x256xf32, #tpu.memory_space<vmem>>, %arg1: memref<256x1xf32, #tpu.memory_space<vmem>>, %arg2: memref<1x1xf32, #tpu.memory_space<vmem>>, %arg3: memref<1x1xf32, #tpu.memory_space<vmem>>) attributes {dimension_semantics = [], scalar_prefetch = 0 : i64, scratch_operands = 0 : i64, tpu.core_type = #tpu.core_type<tc>} {
    %get3A = arith.constant 0 : index
    %get3A_0 = arith.constant 0 : index
    %get3A_1 = vector.load %arg0[%get3A, %get3A_0] : memref<5x256xf32, #tpu.memory_space<vmem>>, vector<5x256xf32>
    %reduce_sum3A = arith.constant dense<0.000000e+00> : vector<256xf32>
    %reduce_sum3A_2 = vector.multi_reduction <add>, %get3A_1, %reduce_sum3A [0] : vector<5x256xf32> to vector<256xf32>
    %broadcast_in_dim3A = vector.shape_cast %reduce_sum3A_2 : vector<256xf32> to vector<1x256xf32>
    %mul3A = arith.constant 6.250000e-06 : f32
    %mul3A_3 = vector.broadcast %mul3A : f32 to vector<1x256xf32>
    %mul3A_4 = arith.mulf %broadcast_in_dim3A, %mul3A_3 : vector<1x256xf32>
    %get3A_5 = arith.constant 0 : index
    %get3A_6 = arith.constant 0 : index
    %get3A_7 = vector.load %arg1[%get3A_5, %get3A_6] : memref<256x1xf32, #tpu.memory_space<vmem>>, vector<256x1xf32>
    %dot_general3A = arith.constant dense<0.000000e+00> : vector<1x1xf32>
    %dot_general3A_8 = tpu.matmul %mul3A_4, %get3A_7, %dot_general3A {dimension_numbers = #tpu.dot_dimension_numbers<[1], [0], [0], [1], [0, 0, 1, 1], [], []>, transpose_lhs_hint = false} : vector<1x256xf32>, vector<256x1xf32>, vector<1x1xf32> -> vector<1x1xf32>
    %get3A_9 = arith.constant 0 : index
    %get3A_10 = arith.constant 0 : index
    %get3A_11 = vector.load %arg2[%get3A_9, %get3A_10] : memref<1x1xf32, #tpu.memory_space<vmem>>, vector<1x1xf32>
    %add3A = arith.addf %dot_general3A_8, %get3A_11 : vector<1x1xf32>
    %swap3A = arith.constant 0 : index
    %swap3A_12 = arith.constant 0 : index
    %swap3A_13 = vector.load %arg3[%swap3A, %swap3A_12] : memref<1x1xf32, #tpu.memory_space<vmem>>, vector<1x1xf32>
    tpu.vector_store %arg3[%swap3A, %swap3A_12], %add3A {strides = array<i32>} : memref<1x1xf32, #tpu.memory_space<vmem>>, vector<1x1xf32>,
    return
  }
}

</mosaic_0001>

<sc_bundles>
// kernel: kernel.13.cloned.1.call-start
scs
__scs_entry_jumppad:
0x0: {  	(pc) =	sbr.rel $0x88, $3  }
0x1: {  	(tag) =	ssettag $0x0;
	lr =	simm.s32 $0x1  }
0x2: {  	[smem:$0x3F92] =	sst lr;
	_ =	strace $0xD0000000  }
0x3: {  	_ = 	snop  }
0x4: {  	_ = 	snop  }
0x5: {  	_ = 	snop  }
0x6: {  	_ = 	snop  }
0x7: {  	_ = 	snop  }
__scs_overlays_trampoline_lowered:
0x8: {  	[smem:$0x3FA1] =	sst s0  }
0x9: {  	[smem:$0x3FA2] =	sst s1  }
0xa: {  	[smem:$0x3FA3] =	sst s2  }
0xb: {  	[smem:$0x3FA4] =	sst s3  }
0xc: {  	[smem:$0x3FA5] =	sst s4  }
0xd: {  	[smem:$0x3FA6] =	sst s5  }
0xe: {  	[smem:$0x3FA7] =	sst s6  }
0xf: {  	[smem:$0x3FA8] =	sst s7  }
0x10: {  	[smem:$0x3FA9] =	sst s8  }
0x11: {  	[smem:$0x3FAA] =	sst s9;
	s0 =	simm.s32 @!p0 $0x0  }
0x12: {  	s1 =	sld [smem:$0x3F90];
	s0 =	simm.s32 @p0 $0x1  }
0x13: {  	[smem:$0x3FAB] =	sst s0;
	s0 =	simm.s32 @!p1 $0x0  }
0x14: {  	s2 =	sld [smem:$0x3F8F];
	s0 =	simm.s32 @p1 $0x1  }
0x15: {  	[smem:$0x3FAC] =	sst s0;
	s0 =	simm.s32 @!p2 $0x0  }
0x16: {  	s3 =	sld [smem:$0x3FDB];
	s0 =	simm.s32 @p2 $0x1  }
0x17: {  	s4 =	simm.s32 $0x1BF5;
	[smem:$0x3FAE] =	sst s0  }
0x18: {  	s0 =	sld [smem:$0x3F91];
	_ =	swait.ge [sflag:s4], $0x0  }
0x19: {  	s7 =	sld [smem:$0x3F92]  }
0x1a: {  	s8 =	sadd.s32 $0xFFFFE003, lr  }
0x1b: {  	s9 =	sadd.s32 $0xFFFFFEF7, lr;
	s5 =	simm.s32 $0xFFFFFFFF;
	p2 =	slt.u32 s8, $0xFFFFF086  }
0x1c: {  	p1 =	slt.u32 s9, $0xF7A;
	s5 =	simm.s32 @!p2 $0x0  }
0x1d: {  	s5 =	simm.s32 @p1 $0x1;
	p0 =	seq.s32 s7, s2  }
0x1e: {  	s7 =	smul.u32 @!p0 $0xF7A, s2;
	p2 =	seq.s32 @!p0 s5, $0x0  }
0x1f: {  	s9 =	smul.u32 $0xF7A, s1;
	s8 =	simm.s32 @!p0 $0x1BF5;
	p2 =	por !p2, p0  }
0x20: {  	[sflag:s8] =	ssyncset.s32 @!p0 $0xFFFFF086;
	s6 =	sadd.s32 @!p0 s3, s7;
	s7 =	simm.s32 @!p0 $0x108  }
0x21: {  	s3 =	sadd.s32 s3, s9;
	s6 =	sadd.s32 @!p0 $0x88, s6;
	s7 =	simm.s32 @p2 $0x1082  }
0x22: {  	[simem:s7], [sflag:s8] =	dma.local @!p0 [hbm:s6], $0xF7A  }
0x23: {  	s9 =	sor.u32 $0xD0000000, s2;
	s6 =	simm.s32 $0x108;
	_ =	swait.ge @!p0 [sflag:s8], $0x0  }
0x24: {  	s3 =	sadd.s32 $0x88, s3;
	s6 =	simm.s32 @!p1 $0x1082;
	[sflag:s4] =	ssyncset.s32 $0xFFFFF086  }
0x25: {  	[simem:s6], [sflag:s4] =	dma.local [hbm:s3], $0xF7A  }
0x26: {  	[smem:$0x3F92] =	sst s1;
	(tag) =	ssettag s2;
	_ =	strace s9  }
0x27: {  	s1 =	sld [smem:$0x3FA2]  }
0x28: {  	s2 =	sld [smem:$0x3FA3]  }
0x29: {  	s4 =	sld [smem:$0x3FA5]  }
0x2a: {  	p0 =	seq.s32 s5, $0x0;
	s5 =	sld [smem:$0x3FA6]  }
0x2b: {  	s6 =	sld [smem:$0x3FA7]  }
0x2c: {  	s7 =	sld [smem:$0x3FA8]  }
0x2d: {  	s3 =	simm.s32 $0x108;
	s8 =	sld [smem:$0x3FA9]  }
0x2e: {  	s3 =	simm.s32 @!p0 $0x1082;
	s9 =	sld [smem:$0x3FAA]  }
0x2f: {  	lr =	sadd.s32 s0, s3;
	s0 =	sld [smem:$0x3FA1]  }
0x30: {  	s3 =	sld [smem:$0x3FA4]  }
0x31: {  	[smem:$0x3FAD] =	sst s10  }
0x32: {  	s10 =	sld [smem:$0x3FAB];
	_ =	sdelay $0x3  }
0x33: {  	p0 =	seq.s32 s10, $0x1;
	s10 =	sld [smem:$0x3FAD];
	_ =	sdelay $0x3  }
0x34: {  	[smem:$0x3FAD] =	sst s10  }
0x35: {  	s10 =	sld [smem:$0x3FAC];
	_ =	sdelay $0x3  }
0x36: {  	p1 =	seq.s32 s10, $0x1;
	s10 =	sld [smem:$0x3FAD];
	_ =	sdelay $0x3  }
0x37: {  	[smem:$0x3FAD] =	sst s10  }
0x38: {  	s10 =	sld [smem:$0x3FAE]  }
0x39: {  	_ = 	snop;
	(pc) =	sbr.ind lr, $3  }
0x3a: {  	_ = 	snop  }
0x3b: {  	_ = 	snop  }
0x3c: {  	p2 =	seq.s32 s10, $0x1;
	s10 =	sld [smem:$0x3FAD]  }
0x3d: {  	_ =	shalt  }
0x3e: {  	_ =	shalt  }
0x3f: {  	_ =	shalt  }
0x40: {  	_ =	shalt  }
0x41: {  	_ =	shalt  }
0x42: {  	_ =	shalt  }
0x43: {  	_ =	shalt  }
0x44: {  	_ =	shalt  }
0x45: {  	_ =	shalt  }
0x46: {  	_ =	shalt  }
0x47: {  	_ =	shalt  }
0x48: {  	_ =	shalt  }
0x49: {  	_ =	shalt  }
0x4a: {  	_ =	shalt  }
0x4b: {  	_ =	shalt  }
0x4c: {  	_ =	shalt  }
0x4d: {  	_ =	shalt  }
0x4e: {  	_ =	shalt  }
0x4f: {  	_ =	shalt  }
0x50: {  	_ =	shalt  }
0x51: {  	_ =	shalt  }
0x52: {  	_ =	shalt  }
0x53: {  	_ =	shalt  }
0x54: {  	_ =	shalt  }
0x55: {  	_ =	shalt  }
0x56: {  	_ =	shalt  }
0x57: {  	_ =	shalt  }
0x58: {  	_ =	shalt  }
0x59: {  	_ =	shalt  }
0x5a: {  	_ =	shalt  }
0x5b: {  	_ =	shalt  }
0x5c: {  	_ =	shalt  }
0x5d: {  	_ =	shalt  }
0x5e: {  	_ =	shalt  }
0x5f: {  	_ =	shalt  }
0x60: {  	_ =	shalt  }
0x61: {  	_ =	shalt  }
0x62: {  	_ =	shalt  }
0x63: {  	_ =	shalt  }
0x64: {  	_ =	shalt  }
0x65: {  	_ =	shalt  }
0x66: {  	_ =	shalt  }
0x67: {  	_ =	shalt  }
0x68: {  	_ =	shalt  }
0x69: {  	_ =	shalt  }
0x6a: {  	_ =	shalt  }
0x6b: {  	_ =	shalt  }
0x6c: {  	_ =	shalt  }
0x6d: {  	_ =	shalt  }
0x6e: {  	_ =	shalt  }
0x6f: {  	_ =	shalt  }
0x70: {  	_ =	shalt  }
0x71: {  	_ =	shalt  }
0x72: {  	_ =	shalt  }
0x73: {  	_ =	shalt  }
0x74: {  	_ =	shalt  }
0x75: {  	_ =	shalt  }
0x76: {  	_ =	shalt  }
0x77: {  	_ =	shalt  }
0x78: {  	_ =	shalt  }
0x79: {  	_ =	shalt  }
0x7a: {  	_ =	shalt  }
0x7b: {  	_ =	shalt  }
0x7c: {  	_ =	shalt  }
0x7d: {  	_ =	shalt  }
0x7e: {  	_ =	shalt  }
0x7f: {  	_ =	shalt  }
0x80: {  	_ =	shalt  }
0x81: {  	_ =	shalt  }
0x82: {  	_ =	shalt  }
0x83: {  	_ =	shalt  }
0x84: {  	_ =	shalt  }
0x85: {  	_ =	shalt  }
0x86: {  	_ =	shalt  }
0x87: {  	_ =	shalt  }
.Lfunc_end0:
.L_simem_size_0:
called_computation_lowered:
.L_overlay_start_0:
0x88: {  	s2 =	sld [smem:$0x3FD9]  }
0x89: {  	s3 =	sld [smem:$0x3FFE];
	_ =	sdelay $0x1  }
0x8a: {  	s1 =	srdreg.scid  }
0x8b: {  	s0 =	sand.u32 $0x1, s1  }
0x8c: {  	s17 =	sshll.u32 s0, $0xA;
	s2 =	sadd.s32 s3, s2  }
0x8d: {  	s2 =	sadd.s32 s2, s17  }
0x8e: {  	[smem:$0x3FB9] =	sst s2  }
0x8f: {  	_ = 	snop  }
0x90: {  	s18 =	sld [smem:$0x3FC8];
	(tm) =	ssettm $0x1  }
0x91: {  	s19 =	sld [smem:$0x3FFB];
	_ =	sdelay $0x3  }
0x92: {  	_ =	strace s19  }
0x93: {  	s2 =	sld [smem:$0x3FFC];
	_ =	sdelay $0x3  }
0x94: {  	_ =	strace s2  }
0x95: {  	s2 =	sld [smem:$0x3FFD];
	_ =	sdelay $0x3  }
0x96: {  	_ =	strace s2  }
0x97: {  	_ =	strace $0x8FFFFFFF  }
0x98: {  	s20 =	sld [smem:$0x3FDB];
	_ =	sdelay $0x1  }
0x99: {  	s4 =	simm.s32 $_scs_section_size  }
0x9a: {  	s5 =	simm.s32 $_size__tile_overlayer_lowered;
	s6 =	simm.s32 $_tile_overlayer_lowered  }
0x9b: {  	s7 =	simm.s32 $0x1BFF;
	s21 =	sshll.u32 s6, $0x1;
	s4 =	sadd.s32 s4, s20  }
0x9c: {  	s22 =	simm.s32 $0x0;
	s5 =	sshll.u32 s5, $0x1;
	s6 =	sadd.s32 s21, s4  }
0x9d: {  	[timem:s22], [sflag:s7] =	dma.local [hbm:s6], s5  }
0x9e: {  	_ =	swait.ge [sflag:s7], s5  }
0x9f: {  	s5 =	ssub.s32 $0x0, s5;
	[sflag:s7] =	ssyncset.done $0x0  }
0xa0: {  	[sflag:s7] =	ssyncadd.s32 s5;
	_ =	sdelay $0x1  }
0xa1: {  	s23 =	simm.s32 $0x1B8B  }
0xa2: {  	_ =	swait.ge [sflag:s23], $0x1  }
0xa3: {  	[sflag:s23] =	ssyncset.done $0x0  }
0xa4: {  	[sflag:s23] =	ssyncadd.s32 $0xFFFFFFFF  }
0xa5: {  	s5 =	sld [smem:$0x0]  }
0xa6: {  	s6 =	sand.u32 $0xFFFFFFFE, s1  }
0xa7: {  	p0 =	sne.s32 s1, s6  }
0xa8: {  	s6 =	sshll.u32 @p0 s6, $0xE  }
0xa9: {  	s6 =	sadd.s32 @p0 $0x11B8D, s6;
	s7 =	sshll.u32 @p0 s5, $0x11  }
0xaa: {  	s6 =	sor.u32 @p0 s7, s6  }
0xab: {  	[sflag:s6] =	ssyncadd.remote.s32 @p0 $0x1;
	_ =	sdelay $0x1  }
0xac: {  	s6 =	simm.s32 @p0 $0x1B8D  }
0xad: {  	_ =	swait.eq @p0 [sflag:s6], $0x1  }
0xae: {  	[sflag:s6] =	ssyncadd.s32 @p0 $0xFFFFFFFF  }
0xaf: {  	s7 =	sshll.u32 @!p0 s1, $0xE  }
0xb0: {  	s7 =	sor.u32 @!p0 $0x4000, s7;
	s6 =	simm.s32 @!p0 $0x1B8D  }
0xb1: {  	s5 =	sshll.u32 @!p0 s5, $0x11;
	s7 =	sadd.s32 @!p0 $0x11B8D, s7;
	_ =	swait.eq @!p0 [sflag:s6], $0x1  }
0xb2: {  	s5 =	sor.u32 @!p0 s5, s7;
	[sflag:s6] =	ssyncadd.s32 @!p0 $0xFFFFFFFF  }
0xb3: {  	s25 =	simm.s32 $0x1B8E;
	s24 =	sld [smem:$0x3FFE];
	[sflag:s5] =	ssyncadd.remote.s32 @!p0 $0x1  }
0xb4: {  	s26 =	simm.s32 $execute0_lowered;
	[smem:$0x3FD2] =	sst s25  }
0xb5: {  	s6 =	sshll.u32 s26, $0x1;
	_ =	strace $0x80000052;
	[dreg:$0x1] =	wrdreg $0xFFFFFFFF  }
0xb6: {  	s28 =	simm.s32 $_size_execute0_lowered;
	s4 =	sadd.s32 s4, s6;
	[dreg:$0x0] =	wrdreg $0x0  }
0xb7: {  	s6 =	sshll.u32 s28, $0x1;
	[dreg:$0x2] =	wrdreg s4  }
0xb8: {  	[dreg:$0x3] =	wrdreg s6  }
0xb9: {  	[dreg:$0x4] =	wrdreg $0xC0  }
0xba: {  	_ =	task [dreg:s22], $0x5FFFF  }
0xbb: {  	[dreg:$0x1] =	wrdreg $0xFFFFFFFF  }
0xbc: {  	[dreg:$0x0] =	wrdreg $0x60  }
0xbd: {  	[dreg:$0x2] =	wrdreg s24  }
0xbe: {  	[dreg:$0x3] =	wrdreg s18  }
0xbf: {  	[dreg:$0x4] =	wrdreg $0x9  }
0xc0: {  	_ =	task.clear_ibuf [dreg:s22], $0x5FFFF;
	_ =	strace $0x90000052  }
0xc1: {  	s29 =	simm.s32 $0x9;
	_ =	strace $0x80000054  }
0xc2: {  	_ =	swait.ge [sflag:s29], $0x1  }
0xc3: {  	[sflag:s29] =	ssyncadd.s32 $0xFFFFFFFF  }
0xc4: {  	_ =	strace $0x90000054  }
0xc5: {  	_ =	sfence  }
0xc6: {  	s30 =	sld [smem:$0x0];
	_ =	sdelay $0x2  }
0xc7: {  	s31 =	sshll.u32 s1, $0xD;
	s1 =	sshrl.u32 s1, $0x2  }
0xc8: {  	s4 =	sand.u32 $0x4000, s31;
	s1 =	sadd.s32 s1, s30  }
0xc9: {  	s0 =	sor.u32 s4, s0;
	s1 =	sshll.u32 s1, $0x11  }
0xca: {  	s0 =	sor.u32 s1, s0  }
0xcb: {  	s0 =	sadd.s32 $0x8F2B, s0  }
0xcc: {  	[sflag:s0] =	ssyncadd.remote.s32 $0x1  }
0xcd: {  	_ =	sfence.sel $0xFFFF  }
0xce: {  	[dreg:$0x0] =	wrdreg $0xFFFFFFFF;
	(pc) =	sbr.abs _section_cstart, $3  }
0xcf: {  	[dreg:$0x1] =	wrdreg $0xFFFFFFFF  }
0xd0: {  	_ =	task.clear_ibuf [dreg:s22], $0x2FFFF;
	_ =	strace $0x9FFFFFFF  }
0xd1: {  	(tm) =	ssettm $0x7FFFFFFF  }
tec
execute0_lowered:
.L_overlay_start_1:
0x0: {  	(tag) =	ssettag $0x1  }
0x1: {  	s0 =	rddreg [dreg:$0x0]  }
0x2: {  	s1 =	rddreg [dreg:$0x1];
	s2 =	simm.s32 $0x0  }
0x3: {  	s5 =	srdreg.scid;
	s12 =	stileid.u32;
	s15 =	simm.s32 $0x9  }
0x4: {  	s17 =	simm.s32 $0x100;
	s18 =	simm.s32 $0x4100;
	s19 =	simm.s32 $0x1  }
0x5: {  	s20 =	simm.s32 $0x2;
	s21 =	simm.s32 $0x3;
	s22 =	simm.s32 $0x4  }
0x6: {  	s23 =	simm.s32 $0x0;
	[smem:$0x7FF] =	sst s2;
	s3 =	sadd.s32 $0x41BC00, s0  }
0x7: {  	s6 =	sadd.s32 $0x41AC00, s0;
	s4 =	sadd.s32 $0xBA00, s0;
	s5 =	sand.u32 $0x1, s5  }
0x8: {  	s7 =	sshll.u32 s12, $0xC;
	s14 =	sshll.u32 s12, $0x1;
	s29 =	sshll.u32 s12, $0x5  }
0x9: {  	p0 =	sgt.u32 s12, $0xC;
	_ =	strace $0x80000053;
	s8 =	ssub.s32 $0x2, s5  }
0xa: {  	s0 =	sadd.s32 s7, s0;
	s9 =	sor.u32 s5, s14;
	s28 =	sshll.u32 s5, $0xB  }
0xb: {  	s11 =	sshll.u32 s5, $0x4;
	s30 =	sadd.s32 s29, s6;
	s31 =	sadd.s32 s29, s3  }
0xc: {  	s14 =	sor.u32 $0xFFFFFFE0, s14;
	s26 =	sshll.u32 s9, $0x4;
	[dreg:$0x6] =	wrdreg s30  }
0xd: {  	s25 =	sshrl.u32 s8, $0x1;
	[dreg:$0x7] =	wrdreg s31;
	s10 =	sadd.s32 s3, s26  }
0xe: {  	s7 =	ssub.s32 s8, s25;
	s8 =	sadd.s32 s6, s26;
	[dreg:$0x3] =	wrdreg s10  }
0xf: {  	s0 =	sadd.s32 s28, s0;
	[dreg:$0x4] =	wrdreg s8;
	s7 =	smax.u32 s7, $0x1  }
0x10: {  	s9 =	sadd.s32 $0x499C00, s0;
	s10 =	sadd.s32 $0x41CC00, s0;
	[dreg:$0x5] =	wrdreg s7  }
.LBB2_1:
0x11: {  	s0 =	rddreg [dreg:$0x3]  }
0x12: {  	[tilespmem:s2], [sflag:$0x9] =	stream.linear.gather [hbm4b:s0+s2], $0x80, $0x38;
	[tilespmem:$0x10200] =	vst v63  }
0x13: {  	_ =	swait.ge [sflag:s15], $0x80  }
0x14: {  	[sflag:s15] =	ssyncset.done $0x0  }
0x15: {  	s3 =	simm.s32 $0x80;
	s13 =	rddreg [dreg:$0x4];
	[sflag:s15] =	ssyncadd.s32 $0xFFFFFF80  }
0x16: {  	[tilespmem:s3], [sflag:$0x9] =	stream.linear.gather [hbm4b:s13+s2], $0x80, $0x38;
	[tilespmem:$0x10200] =	vst v63  }
0x17: {  	_ =	swait.ge [sflag:s15], $0x80  }
0x18: {  	[sflag:s15] =	ssyncset.done $0x0  }
0x19: {  	p2 =	sgt.u32 s14, $0xF9;
	[sflag:s15] =	ssyncadd.s32 $0xFFFFFF80  }
0x1a: {  	[tilespmem:s17], [sflag:$0x1] =	stream.indirect.gather [hbm4b:s1+s3], $0x80, s3, s3, $0xb8;
	[tilespmem:$0x10200] =	vst v63  }
0x1b: {  	s0 =	simm.s32 @!p2 $0x7  }
0x1c: {  	[tilespmem:s18], [sflag:$0x2] =	stream.indirect.gather [hbm4b:s4+s3], $0x80, s2, s3, $0xb8;
	[tilespmem:$0x10200] =	vst v63  }
0x1d: {  	_ =	swait.ge @!p2 [sflag:s0], $0x4000  }
0x1e: {  	s16 =	sadd.s32 s14, s5;
	[sflag:s0] =	ssyncset.done @!p2 $0x0  }
0x1f: {  	s6 =	sadd.s32 $0x40, s16;
	s7 =	simm.s32 @!p2 $0x8;
	[sflag:s0] =	ssyncadd.s32 @!p2 $0xFFFFC000  }
0x20: {  	p1 =	sgt.u32 s6, $0xF9;
	_ =	swait.ge @!p2 [sflag:s7], $0x4000  }
0x21: {  	s25 =	simm.s32 @!p1 $0x0;
	s13 =	rddreg [dreg:$0x7]  }
0x22: {  	s6 =	simm.s32 @!p1 $0x8100;
	[sflag:s7] =	ssyncset.done @!p2 $0x0;
	s0 =	sadd.s32 @!p1 s13, s11  }
0x23: {  	[sflag:s7] =	ssyncadd.s32 @!p2 $0xFFFFC000;
	s7 =	simm.s32 @!p1 $0x9;
	s0 =	sadd.s32 @!p1 $0x200, s0  }
0x24: {  	[tilespmem:s6], [sflag:$0x9] =	stream.linear.gather @!p1 [hbm4b:s0+s25], $0x80, $0x38;
	[tilespmem:$0x10200] =	vst v63  }
0x25: {  	_ =	swait.ge @!p1 [sflag:s7], $0x80  }
0x26: {  	s12 =	rddreg [dreg:$0x6]  }
0x27: {  	[sflag:s7] =	ssyncset.done @!p1 $0x0;
	s0 =	sadd.s32 @!p1 s12, s11  }
0x28: {  	s8 =	simm.s32 @!p1 $0x8180;
	[sflag:s7] =	ssyncadd.s32 @!p1 $0xFFFFFF80;
	s0 =	sadd.s32 @!p1 $0x200, s0  }
0x29: {  	[tilespmem:s8], [sflag:$0x9] =	stream.linear.gather @!p1 [hbm4b:s0+s25], $0x80, $0x38;
	[tilespmem:$0x10200] =	vst v63  }
0x2a: {  	_ =	swait.ge @!p1 [sflag:s7], $0x80  }
0x2b: {  	[sflag:s7] =	ssyncset.done @!p1 $0x0  }
0x2c: {  	s24 =	simm.s32 @!p1 $0x80;
	s0 =	simm.s32 @!p1 $0x8200;
	[sflag:s7] =	ssyncadd.s32 @!p1 $0xFFFFFF80  }
0x2d: {  	[tilespmem:s0], [sflag:$0x5] =	stream.indirect.gather @!p1 [hbm4b:s1+s24], $0x80, s8, s24, $0xb8;
	[tilespmem:$0x10200] =	vst v63  }
0x2e: {  	s31 =	simm.s32 @!p1 $0xC200  }
0x2f: {  	[tilespmem:s31], [sflag:$0x6] =	stream.indirect.gather @!p1 [hbm4b:s4+s24], $0x80, s6, s24, $0xb8;
	[tilespmem:$0x10200] =	vst v63  }
0x30: {  	_ =	swait.ge [sflag:s19], $0x4000  }
0x31: {  	[sflag:s19] =	ssyncset.done $0x0  }
0x32: {  	[sflag:s19] =	ssyncadd.s32 $0xFFFFC000  }
0x33: {  	_ =	swait.ge [sflag:s20], $0x4000  }
0x34: {  	[sflag:s20] =	ssyncset.done $0x0  }
0x35: {  	s24 =	sadd.s32 $0x0, s10;
	[sflag:s20] =	ssyncadd.s32 $0xFFFFC000  }
0x36: {  	[hbm4b:s24+s2] =	stream.linear.scatter [tilespmem:s17], [sflag:$0x3], $0x4000, $0x38;
	[tilespmem:$0x10200] =	vst v63  }
0x37: {  	s26 =	sadd.s32 $0x0, s9  }
0x38: {  	[hbm4b:s26+s2] =	stream.linear.scatter [tilespmem:s18], [sflag:$0x4], $0x4000, $0x38;
	[tilespmem:$0x10200] =	vst v63  }
0x39: {  	_ =	swait.ge [sflag:s21], $0x4000  }
0x3a: {  	s3 =	sadd.s32 $0x60, s16;
	[sflag:s21] =	ssyncset.done $0x0  }
0x3b: {  	p2 =	sgt.u32 s3, $0xF9;
	[sflag:s21] =	ssyncadd.s32 $0xFFFFC000  }
0x3c: {  	s3 =	sadd.s32 @!p2 s13, s11;
	_ =	swait.ge [sflag:s22], $0x4000  }
0x3d: {  	s3 =	sadd.s32 @!p2 $0x400, s3;
	[sflag:s22] =	ssyncset.done $0x0  }
0x3e: {  	s7 =	simm.s32 @!p2 $0x9;
	s6 =	simm.s32 @!p2 $0x0;
	[sflag:s22] =	ssyncadd.s32 $0xFFFFC000  }
0x3f: {  	[tilespmem:s6], [sflag:$0x9] =	stream.linear.gather @!p2 [hbm4b:s3+s6], $0x80, $0x38;
	[tilespmem:$0x10200] =	vst v63  }
0x40: {  	_ =	swait.ge @!p2 [sflag:s7], $0x80  }
0x41: {  	s3 =	sadd.s32 @!p2 s12, s11;
	[sflag:s7] =	ssyncset.done @!p2 $0x0  }
0x42: {  	s8 =	simm.s32 @!p2 $0x80;
	s3 =	sadd.s32 @!p2 $0x400, s3;
	[sflag:s7] =	ssyncadd.s32 @!p2 $0xFFFFFF80  }
0x43: {  	[tilespmem:s8], [sflag:$0x9] =	stream.linear.gather @!p2 [hbm4b:s3+s6], $0x80, $0x38;
	[tilespmem:$0x10200] =	vst v63  }
0x44: {  	_ =	swait.ge @!p2 [sflag:s7], $0x80  }
0x45: {  	[sflag:s7] =	ssyncset.done @!p2 $0x0  }
0x46: {  	s3 =	simm.s32 @!p2 $0x100;
	[sflag:s7] =	ssyncadd.s32 @!p2 $0xFFFFFF80  }
0x47: {  	[tilespmem:s3], [sflag:$0x1] =	stream.indirect.gather @!p2 [hbm4b:s1+s8], $0x80, s8, s8, $0xb8;
	[tilespmem:$0x10200] =	vst v63  }
0x48: {  	s7 =	simm.s32 @!p1 $0x5;
	s3 =	simm.s32 @!p2 $0x4100  }
0x49: {  	[tilespmem:s3], [sflag:$0x2] =	stream.indirect.gather @!p2 [hbm4b:s4+s8], $0x80, s6, s8, $0xb8;
	[tilespmem:$0x10200] =	vst v63  }
0x4a: {  	s30 =	sadd.s32 $0x40, s14;
	_ =	swait.ge @!p1 [sflag:s7], $0x4000  }
0x4b: {  	s29 =	simm.s32 $0x40000;
	p3 =	sgt.u32 s30, $0xF9;
	[sflag:s7] =	ssyncset.done @!p1 $0x0  }
0x4c: {  	s28 =	sadd.s32 $0x400, s13;
	s8 =	simm.s32 @!p1 $0x6;
	[sflag:s7] =	ssyncadd.s32 @!p1 $0xFFFFC000  }
0x4d: {  	s24 =	simm.s32 $0x20000;
	s26 =	sadd.s32 $0x400, s12;
	_ =	swait.ge @!p1 [sflag:s8], $0x4000  }
0x4e: {  	s3 =	sadd.s32 @!p1 $0x0, s10;
	s6 =	sadd.s32 @!p1 $0x0, s9;
	[sflag:s8] =	ssyncset.done @!p1 $0x0  }
0x4f: {  	s3 =	sadd.s32 @!p1 $0x10000, s3;
	s6 =	sadd.s32 @!p1 $0x10000, s6;
	[sflag:s8] =	ssyncadd.s32 @!p1 $0xFFFFC000  }
.LBB2_2:
0x50: {  	[hbm4b:s3+s25] =	stream.linear.scatter @!p1 [tilespmem:s0], [sflag:$0x7], $0x4000, $0x38;
	[tilespmem:$0x10200] =	vst v63  }
0x51: {  	s0 =	simm.s32 @!p3 $0x7;
	s7 =	smov.u32 s29;
	s29 =	sadd.s32 $0x20000, s29  }
0x52: {  	[hbm4b:s6+s25] =	stream.linear.scatter @!p1 [tilespmem:s31], [sflag:$0x8], $0x4000, $0x38;
	[tilespmem:$0x10200] =	vst v63  }
0x53: {  	s3 =	sadd.s32 s30, s5;
	p2 =	sne.s32 s29, $0x80000;
	_ =	swait.ge @!p3 [sflag:s0], $0x4000  }
0x54: {  	s8 =	sadd.s32 $0x40, s3;
	s6 =	simm.s32 @!p3 $0x8;
	[sflag:s0] =	ssyncset.done @!p3 $0x0  }
0x55: {  	p1 =	sgt.u32 s8, $0xF9;
	s8 =	sadd.s32 $0x60, s3;
	[sflag:s0] =	ssyncadd.s32 @!p3 $0xFFFFC000  }
0x56: {  	s25 =	simm.s32 @!p1 $0x0;
	s0 =	sadd.s32 @!p1 s28, s11;
	_ =	swait.ge @!p3 [sflag:s6], $0x4000  }
0x57: {  	s16 =	simm.s32 @!p1 $0x8100;
	s0 =	sadd.s32 @!p1 $0x200, s0;
	[sflag:s6] =	ssyncset.done @!p3 $0x0  }
0x58: {  	s31 =	simm.s32 @!p1 $0x9;
	s3 =	sadd.s32 @!p1 s26, s11;
	[sflag:s6] =	ssyncadd.s32 @!p3 $0xFFFFC000  }
0x59: {  	[tilespmem:s16], [sflag:$0x9] =	stream.linear.gather @!p1 [hbm4b:s0+s25], $0x80, $0x38;
	[tilespmem:$0x10200] =	vst v63  }
0x5a: {  	s0 =	sadd.s32 @!p1 $0x200, s3;
	s3 =	sadd.s32 @!p1 s24, s10;
	_ =	swait.ge @!p1 [sflag:s31], $0x80  }
0x5b: {  	s12 =	simm.s32 @!p1 $0x8180;
	s3 =	sadd.s32 @!p1 $0x10000, s3;
	[sflag:s31] =	ssyncset.done @!p1 $0x0  }
0x5c: {  	s6 =	sadd.s32 @!p1 s24, s9;
	[sflag:s31] =	ssyncadd.s32 @!p1 $0xFFFFFF80  }
0x5d: {  	[tilespmem:s12], [sflag:$0x9] =	stream.linear.gather @!p1 [hbm4b:s0+s25], $0x80, $0x38;
	[tilespmem:$0x10200] =	vst v63  }
0x5e: {  	s6 =	sadd.s32 @!p1 $0x10000, s6;
	_ =	swait.ge @!p1 [sflag:s31], $0x80  }
0x5f: {  	s13 =	simm.s32 @!p1 $0x80;
	s0 =	simm.s32 @!p1 $0x8200;
	[sflag:s31] =	ssyncset.done @!p1 $0x0  }
0x60: {  	[sflag:s31] =	ssyncadd.s32 @!p1 $0xFFFFFF80;
	s31 =	simm.s32 @!p1 $0xC200  }
0x61: {  	[tilespmem:s0], [sflag:$0x5] =	stream.indirect.gather @!p1 [hbm4b:s1+s13], $0x80, s12, s13, $0xb8;
	[tilespmem:$0x10200] =	vst v63  }
0x62: {  	_ = 	snop  }
0x63: {  	[tilespmem:s31], [sflag:$0x6] =	stream.indirect.gather @!p1 [hbm4b:s4+s13], $0x80, s16, s13, $0xb8;
	[tilespmem:$0x10200] =	vst v63  }
0x64: {  	_ =	swait.ge [sflag:s19], $0x4000  }
0x65: {  	[sflag:s19] =	ssyncset.done $0x0  }
0x66: {  	[sflag:s19] =	ssyncadd.s32 $0xFFFFC000  }
0x67: {  	_ =	swait.ge [sflag:s20], $0x4000  }
0x68: {  	s12 =	sadd.s32 s24, s10;
	[sflag:s20] =	ssyncset.done $0x0  }
0x69: {  	s13 =	sadd.s32 s24, s9;
	s24 =	smov.u32 s7;
	[sflag:s20] =	ssyncadd.s32 $0xFFFFC000  }
0x6a: {  	[hbm4b:s12+s2] =	stream.linear.scatter [tilespmem:s17], [sflag:$0x3], $0x4000, $0x38;
	[tilespmem:$0x10200] =	vst v63  }
0x6b: {  	_ = 	snop  }
0x6c: {  	[hbm4b:s13+s2] =	stream.linear.scatter [tilespmem:s18], [sflag:$0x4], $0x4000, $0x38;
	[tilespmem:$0x10200] =	vst v63  }
0x6d: {  	_ =	swait.ge [sflag:s21], $0x4000  }
0x6e: {  	[sflag:s21] =	ssyncset.done $0x0  }
0x6f: {  	p3 =	sgt.u32 s8, $0xF9;
	[sflag:s21] =	ssyncadd.s32 $0xFFFFC000  }
0x70: {  	s8 =	sadd.s32 @!p3 s26, s11;
	s7 =	sadd.s32 @!p3 s28, s11;
	_ =	swait.ge [sflag:s22], $0x4000  }
0x71: {  	s7 =	sadd.s32 @!p3 $0x400, s7;
	s12 =	simm.s32 @!p3 $0x0;
	[sflag:s22] =	ssyncset.done $0x0  }
0x72: {  	s8 =	sadd.s32 @!p3 $0x400, s8;
	s13 =	simm.s32 @!p3 $0x9;
	[sflag:s22] =	ssyncadd.s32 $0xFFFFC000  }
0x73: {  	[tilespmem:s12], [sflag:$0x9] =	stream.linear.gather @!p3 [hbm4b:s7+s12], $0x80, $0x38;
	[tilespmem:$0x10200] =	vst v63  }
0x74: {  	_ =	swait.ge @!p3 [sflag:s13], $0x80  }
0x75: {  	s7 =	simm.s32 @!p3 $0x80;
	[sflag:s13] =	ssyncset.done @!p3 $0x0  }
0x76: {  	[sflag:s13] =	ssyncadd.s32 @!p3 $0xFFFFFF80  }
0x77: {  	[tilespmem:s7], [sflag:$0x9] =	stream.linear.gather @!p3 [hbm4b:s8+s12], $0x80, $0x38;
	[tilespmem:$0x10200] =	vst v63  }
0x78: {  	_ =	swait.ge @!p3 [sflag:s13], $0x80  }
0x79: {  	s8 =	simm.s32 @!p3 $0x100;
	[sflag:s13] =	ssyncset.done @!p3 $0x0  }
0x7a: {  	[sflag:s13] =	ssyncadd.s32 @!p3 $0xFFFFFF80;
	s13 =	simm.s32 @!p3 $0x4100  }
0x7b: {  	[tilespmem:s8], [sflag:$0x1] =	stream.indirect.gather @!p3 [hbm4b:s1+s7], $0x80, s7, s7, $0xb8;
	[tilespmem:$0x10200] =	vst v63  }
0x7c: {  	s8 =	simm.s32 @!p1 $0x5  }
0x7d: {  	[tilespmem:s13], [sflag:$0x2] =	stream.indirect.gather @!p3 [hbm4b:s4+s7], $0x80, s12, s7, $0xb8;
	[tilespmem:$0x10200] =	vst v63  }
0x7e: {  	_ =	swait.ge @!p1 [sflag:s8], $0x4000  }
.Ltmp0:
0x7f: {  	s7 =	simm.s32 @!p1 $0x6;
	[sflag:s8] =	ssyncset.done @!p1 $0x0;
	(pc) =	sbr.rel @p2 .LBB2_2-.Ltmp0, $4  }
0x80: {  	[sflag:s8] =	ssyncadd.s32 @!p1 $0xFFFFC000  }
0x81: {  	s30 =	sadd.s32 $0x40, s30;
	_ =	swait.ge @!p1 [sflag:s7], $0x4000  }
0x82: {  	p3 =	sgt.u32 s30, $0xF9;
	[sflag:s7] =	ssyncset.done @!p1 $0x0  }
0x83: {  	s26 =	sadd.s32 $0x400, s26;
	s28 =	sadd.s32 $0x400, s28;
	[sflag:s7] =	ssyncadd.s32 @!p1 $0xFFFFC000  }
0x84: {  	[hbm4b:s3+s25] =	stream.linear.scatter @!p1 [tilespmem:s0], [sflag:$0x7], $0x4000, $0x38;
	[tilespmem:$0x10200] =	vst v63  }
0x85: {  	s0 =	simm.s32 @!p3 $0x7  }
0x86: {  	[hbm4b:s6+s25] =	stream.linear.scatter @!p1 [tilespmem:s31], [sflag:$0x8], $0x4000, $0x38;
	[tilespmem:$0x10200] =	vst v63  }
0x87: {  	s16 =	sadd.s32 s30, s5;
	_ =	swait.ge @!p3 [sflag:s0], $0x4000  }
0x88: {  	s25 =	sadd.s32 $0x40, s16;
	[sflag:s0] =	ssyncset.done @!p3 $0x0  }
0x89: {  	s7 =	simm.s32 @!p3 $0x8;
	p1 =	sgt.u32 s25, $0xF9;
	[sflag:s0] =	ssyncadd.s32 @!p3 $0xFFFFC000  }
0x8a: {  	s6 =	sadd.s32 @!p1 s28, s11;
	_ =	swait.ge @!p3 [sflag:s7], $0x4000  }
0x8b: {  	s8 =	simm.s32 @!p1 $0x8100;
	s0 =	simm.s32 @!p1 $0x0;
	[sflag:s7] =	ssyncset.done @!p3 $0x0  }
0x8c: {  	s6 =	sadd.s32 @!p1 $0x200, s6;
	[sflag:s7] =	ssyncadd.s32 @!p3 $0xFFFFC000;
	s7 =	simm.s32 @!p1 $0x9  }
0x8d: {  	[tilespmem:s8], [sflag:$0x9] =	stream.linear.gather @!p1 [hbm4b:s6+s0], $0x80, $0x38;
	[tilespmem:$0x10200] =	vst v63  }
0x8e: {  	_ =	swait.ge @!p1 [sflag:s7], $0x80  }
0x8f: {  	s6 =	sadd.s32 @!p1 s26, s11;
	[sflag:s7] =	ssyncset.done @!p1 $0x0  }
0x90: {  	s12 =	simm.s32 @!p1 $0x8180;
	s6 =	sadd.s32 @!p1 $0x200, s6;
	[sflag:s7] =	ssyncadd.s32 @!p1 $0xFFFFFF80  }
0x91: {  	[tilespmem:s12], [sflag:$0x9] =	stream.linear.gather @!p1 [hbm4b:s6+s0], $0x80, $0x38;
	[tilespmem:$0x10200] =	vst v63  }
0x92: {  	_ =	swait.ge @!p1 [sflag:s7], $0x80  }
0x93: {  	[sflag:s7] =	ssyncset.done @!p1 $0x0  }
0x94: {  	s6 =	simm.s32 @!p1 $0x80;
	[sflag:s7] =	ssyncadd.s32 @!p1 $0xFFFFFF80;
	s7 =	simm.s32 @!p1 $0x8200  }
0x95: {  	[tilespmem:s7], [sflag:$0x5] =	stream.indirect.gather @!p1 [hbm4b:s1+s6], $0x80, s12, s6, $0xb8;
	[tilespmem:$0x10200] =	vst v63  }
0x96: {  	s12 =	simm.s32 @!p1 $0xC200  }
0x97: {  	[tilespmem:s12], [sflag:$0x6] =	stream.indirect.gather @!p1 [hbm4b:s4+s6], $0x80, s8, s6, $0xb8;
	[tilespmem:$0x10200] =	vst v63  }
0x98: {  	_ =	swait.ge [sflag:s19], $0x4000  }
0x99: {  	[sflag:s19] =	ssyncset.done $0x0  }
0x9a: {  	[sflag:s19] =	ssyncadd.s32 $0xFFFFC000  }
0x9b: {  	_ =	swait.ge [sflag:s20], $0x4000  }
0x9c: {  	[sflag:s20] =	ssyncset.done $0x0  }
0x9d: {  	s29 =	sadd.s32 s24, s10;
	[sflag:s20] =	ssyncadd.s32 $0xFFFFC000  }
0x9e: {  	[hbm4b:s29+s2] =	stream.linear.scatter [tilespmem:s17], [sflag:$0x3], $0x4000, $0x38;
	[tilespmem:$0x10200] =	vst v63  }
0x9f: {  	s30 =	sadd.s32 s24, s9  }
0xa0: {  	[hbm4b:s30+s2] =	stream.linear.scatter [tilespmem:s18], [sflag:$0x4], $0x4000, $0x38;
	[tilespmem:$0x10200] =	vst v63  }
0xa1: {  	_ =	swait.ge [sflag:s21], $0x4000  }
0xa2: {  	s3 =	sadd.s32 $0x60, s16;
	[sflag:s21] =	ssyncset.done $0x0  }
0xa3: {  	p2 =	sgt.u32 s3, $0xF9;
	[sflag:s21] =	ssyncadd.s32 $0xFFFFC000  }
0xa4: {  	s3 =	sadd.s32 @!p2 s28, s11;
	_ =	swait.ge [sflag:s22], $0x4000  }
0xa5: {  	s3 =	sadd.s32 @!p2 $0x400, s3;
	[sflag:s22] =	ssyncset.done $0x0  }
0xa6: {  	s6 =	simm.s32 @!p2 $0x0;
	s8 =	simm.s32 @!p2 $0x9;
	[sflag:s22] =	ssyncadd.s32 $0xFFFFC000  }
0xa7: {  	[tilespmem:s6], [sflag:$0x9] =	stream.linear.gather @!p2 [hbm4b:s3+s6], $0x80, $0x38;
	[tilespmem:$0x10200] =	vst v63  }
0xa8: {  	_ =	swait.ge @!p2 [sflag:s8], $0x80  }
0xa9: {  	s3 =	sadd.s32 @!p2 s26, s11;
	[sflag:s8] =	ssyncset.done @!p2 $0x0  }
0xaa: {  	s13 =	simm.s32 @!p2 $0x80;
	s3 =	sadd.s32 @!p2 $0x400, s3;
	[sflag:s8] =	ssyncadd.s32 @!p2 $0xFFFFFF80  }
0xab: {  	[tilespmem:s13], [sflag:$0x9] =	stream.linear.gather @!p2 [hbm4b:s3+s6], $0x80, $0x38;
	[tilespmem:$0x10200] =	vst v63  }
0xac: {  	_ =	swait.ge @!p2 [sflag:s8], $0x80  }
0xad: {  	[sflag:s8] =	ssyncset.done @!p2 $0x0  }
0xae: {  	s3 =	simm.s32 @!p2 $0x100;
	[sflag:s8] =	ssyncadd.s32 @!p2 $0xFFFFFF80  }
0xaf: {  	[tilespmem:s3], [sflag:$0x1] =	stream.indirect.gather @!p2 [hbm4b:s1+s13], $0x80, s13, s13, $0xb8;
	[tilespmem:$0x10200] =	vst v63  }
0xb0: {  	s3 =	simm.s32 @!p2 $0x4100  }
0xb1: {  	[tilespmem:s3], [sflag:$0x2] =	stream.indirect.gather @!p2 [hbm4b:s4+s13], $0x80, s6, s13, $0xb8;
	[tilespmem:$0x10200] =	vst v63  }
0xb2: {  	s3 =	simm.s32 @!p1 $0x5  }
0xb3: {  	_ =	swait.ge @!p1 [sflag:s3], $0x4000  }
0xb4: {  	[sflag:s3] =	ssyncset.done @!p1 $0x0  }
0xb5: {  	s6 =	simm.s32 @!p1 $0x6;
	[sflag:s3] =	ssyncadd.s32 @!p1 $0xFFFFC000  }
0xb6: {  	_ =	swait.ge @!p1 [sflag:s6], $0x4000  }
0xb7: {  	s3 =	sadd.s32 @!p1 s24, s10;
	[sflag:s6] =	ssyncset.done @!p1 $0x0  }
0xb8: {  	s3 =	sadd.s32 @!p1 $0x10000, s3;
	[sflag:s6] =	ssyncadd.s32 @!p1 $0xFFFFC000  }
0xb9: {  	[hbm4b:s3+s0] =	stream.linear.scatter @!p1 [tilespmem:s7], [sflag:$0x7], $0x4000, $0x38;
	[tilespmem:$0x10200] =	vst v63  }
0xba: {  	s3 =	sadd.s32 @!p1 s24, s9  }
0xbb: {  	s3 =	sadd.s32 @!p1 $0x10000, s3  }
0xbc: {  	[hbm4b:s3+s0] =	stream.linear.scatter @!p1 [tilespmem:s12], [sflag:$0x8], $0x4000, $0x38;
	[tilespmem:$0x10200] =	vst v63  }
0xbd: {  	s0 =	simm.s32 @!p0 $0x7  }
0xbe: {  	_ =	swait.ge @!p0 [sflag:s0], $0x4000  }
0xbf: {  	[sflag:s0] =	ssyncset.done @!p0 $0x0  }
0xc0: {  	[sflag:s0] =	ssyncadd.s32 @!p0 $0xFFFFC000;
	s0 =	simm.s32 @!p0 $0x8  }
0xc1: {  	_ =	swait.ge @!p0 [sflag:s0], $0x4000  }
0xc2: {  	s23 =	sadd.s32 $0x1, s23;
	s31 =	rddreg [dreg:$0x5]  }
0xc3: {  	p1 =	sne.s32 s23, s31  }
.Ltmp1:
0xc4: {  	_ = 	snop;
	(pc) =	sbr.rel @p1 .LBB2_1-.Ltmp1, $3  }
0xc5: {  	_ =	sdelay $0x1  }
0xc6: {  	[sflag:s0] =	ssyncset.done @!p0 $0x0  }
0xc7: {  	[sflag:s0] =	ssyncadd.s32 @!p0 $0xFFFFC000  }
0xc8: {  	_ =	sfence.sel $0x180000  }
0xc9: {  	[bflag:$0x0] =	sbarrier.arrive $0xFFFF  }
0xca: {  	_ =	strace $0x90000053  }
0xcb: {  	s0 =	stileid.u32;
	[bflag:$0x2] =	sbarrier.arrive $0xFFFF  }
0xcc: {  	p0 =	sne.s32 s0, $0x0;
	s0 =	rddreg [dreg:$0x2]  }
0xcd: {  	s0 =	sadd.s32 @!p0 $0x100000, s0  }
0xce: {  	[sflag:s0] =	ssyncadd.tile.s32 @!p0 $0x1;
	_ =	shalt  }
.Lfunc_end2:
_tile_overlayer_lowered:
.L_overlay_start_2:
0xcf: {  	(tag) =	ssettag $0x2  }
0xd0: {  	s0 =	rddreg [dreg:$0x0];
	s2 =	stileid.u32  }
0xd1: {  	s1 =	rddreg [dreg:$0x1];
	p0 =	sne.s32 s2, $0x0  }
0xd2: {  	s3 =	rddreg [dreg:$0x2];
	[bflag:$0x3] =	sbarrier.arrive $0xFFFF;
	s2 =	simm.s32 @!p0 $0x1C09  }
0xd3: {  	[timem:s3], [sflag:s2] =	dma.local @!p0 [hbm:s0], s1  }
0xd4: {  	s0 =	simm.s32 @!p0 $0x9  }
0xd5: {  	_ =	swait.ge @!p0 [sflag:s0], s1  }
0xd6: {  	s1 =	ssub.s32 @!p0 $0x0, s1;
	[sflag:s0] =	ssyncset.done @!p0 $0x0  }
0xd7: {  	[sflag:s0] =	ssyncadd.s32 @!p0 s1  }
0xd8: {  	[bflag:$0x3] =	sbarrier.arrive $0xFFFF  }
0xd9: {  	_ =	shalt  }

// kernel: kernel.16.cloned.1.call-start
scs
__scs_entry_jumppad:
0x0: {  	(pc) =	sbr.rel $0x88, $3  }
0x1: {  	(tag) =	ssettag $0x0;
	lr =	simm.s32 $0x1  }
0x2: {  	[smem:$0x3F92] =	sst lr;
	_ =	strace $0xD0000000  }
0x3: {  	_ = 	snop  }
0x4: {  	_ = 	snop  }
0x5: {  	_ = 	snop  }
0x6: {  	_ = 	snop  }
0x7: {  	_ = 	snop  }
__scs_overlays_trampoline_lowered:
0x8: {  	[smem:$0x3FA1] =	sst s0  }
0x9: {  	[smem:$0x3FA2] =	sst s1  }
0xa: {  	[smem:$0x3FA3] =	sst s2  }
0xb: {  	[smem:$0x3FA4] =	sst s3  }
0xc: {  	[smem:$0x3FA5] =	sst s4  }
0xd: {  	[smem:$0x3FA6] =	sst s5  }
0xe: {  	[smem:$0x3FA7] =	sst s6  }
0xf: {  	[smem:$0x3FA8] =	sst s7  }
0x10: {  	[smem:$0x3FA9] =	sst s8  }
0x11: {  	[smem:$0x3FAA] =	sst s9;
	s0 =	simm.s32 @!p0 $0x0  }
0x12: {  	s1 =	sld [smem:$0x3F90];
	s0 =	simm.s32 @p0 $0x1  }
0x13: {  	[smem:$0x3FAB] =	sst s0;
	s0 =	simm.s32 @!p1 $0x0  }
0x14: {  	s2 =	sld [smem:$0x3F8F];
	s0 =	simm.s32 @p1 $0x1  }
0x15: {  	[smem:$0x3FAC] =	sst s0;
	s0 =	simm.s32 @!p2 $0x0  }
0x16: {  	s3 =	sld [smem:$0x3FDB];
	s0 =	simm.s32 @p2 $0x1  }
0x17: {  	s4 =	simm.s32 $0x1BF5;
	[smem:$0x3FAE] =	sst s0  }
0x18: {  	s0 =	sld [smem:$0x3F91];
	_ =	swait.ge [sflag:s4], $0x0  }
0x19: {  	s7 =	sld [smem:$0x3F92]  }
0x1a: {  	s8 =	sadd.s32 $0xFFFFE003, lr  }
0x1b: {  	s9 =	sadd.s32 $0xFFFFFEF7, lr;
	s5 =	simm.s32 $0xFFFFFFFF;
	p2 =	slt.u32 s8, $0xFFFFF086  }
0x1c: {  	p1 =	slt.u32 s9, $0xF7A;
	s5 =	simm.s32 @!p2 $0x0  }
0x1d: {  	s5 =	simm.s32 @p1 $0x1;
	p0 =	seq.s32 s7, s2  }
0x1e: {  	s7 =	smul.u32 @!p0 $0xF7A, s2;
	p2 =	seq.s32 @!p0 s5, $0x0  }
0x1f: {  	s9 =	smul.u32 $0xF7A, s1;
	s8 =	simm.s32 @!p0 $0x1BF5;
	p2 =	por !p2, p0  }
0x20: {  	[sflag:s8] =	ssyncset.s32 @!p0 $0xFFFFF086;
	s6 =	sadd.s32 @!p0 s3, s7;
	s7 =	simm.s32 @!p0 $0x108  }
0x21: {  	s3 =	sadd.s32 s3, s9;
	s6 =	sadd.s32 @!p0 $0x88, s6;
	s7 =	simm.s32 @p2 $0x1082  }
0x22: {  	[simem:s7], [sflag:s8] =	dma.local @!p0 [hbm:s6], $0xF7A  }
0x23: {  	s9 =	sor.u32 $0xD0000000, s2;
	s6 =	simm.s32 $0x108;
	_ =	swait.ge @!p0 [sflag:s8], $0x0  }
0x24: {  	s3 =	sadd.s32 $0x88, s3;
	s6 =	simm.s32 @!p1 $0x1082;
	[sflag:s4] =	ssyncset.s32 $0xFFFFF086  }
0x25: {  	[simem:s6], [sflag:s4] =	dma.local [hbm:s3], $0xF7A  }
0x26: {  	[smem:$0x3F92] =	sst s1;
	(tag) =	ssettag s2;
	_ =	strace s9  }
0x27: {  	s1 =	sld [smem:$0x3FA2]  }
0x28: {  	s2 =	sld [smem:$0x3FA3]  }
0x29: {  	s4 =	sld [smem:$0x3FA5]  }
0x2a: {  	p0 =	seq.s32 s5, $0x0;
	s5 =	sld [smem:$0x3FA6]  }
0x2b: {  	s6 =	sld [smem:$0x3FA7]  }
0x2c: {  	s7 =	sld [smem:$0x3FA8]  }
0x2d: {  	s3 =	simm.s32 $0x108;
	s8 =	sld [smem:$0x3FA9]  }
0x2e: {  	s3 =	simm.s32 @!p0 $0x1082;
	s9 =	sld [smem:$0x3FAA]  }
0x2f: {  	lr =	sadd.s32 s0, s3;
	s0 =	sld [smem:$0x3FA1]  }
0x30: {  	s3 =	sld [smem:$0x3FA4]  }
0x31: {  	[smem:$0x3FAD] =	sst s10  }
0x32: {  	s10 =	sld [smem:$0x3FAB];
	_ =	sdelay $0x3  }
0x33: {  	p0 =	seq.s32 s10, $0x1;
	s10 =	sld [smem:$0x3FAD];
	_ =	sdelay $0x3  }
0x34: {  	[smem:$0x3FAD] =	sst s10  }
0x35: {  	s10 =	sld [smem:$0x3FAC];
	_ =	sdelay $0x3  }
0x36: {  	p1 =	seq.s32 s10, $0x1;
	s10 =	sld [smem:$0x3FAD];
	_ =	sdelay $0x3  }
0x37: {  	[smem:$0x3FAD] =	sst s10  }
0x38: {  	s10 =	sld [smem:$0x3FAE]  }
0x39: {  	_ = 	snop;
	(pc) =	sbr.ind lr, $3  }
0x3a: {  	_ = 	snop  }
0x3b: {  	_ = 	snop  }
0x3c: {  	p2 =	seq.s32 s10, $0x1;
	s10 =	sld [smem:$0x3FAD]  }
0x3d: {  	_ =	shalt  }
0x3e: {  	_ =	shalt  }
0x3f: {  	_ =	shalt  }
0x40: {  	_ =	shalt  }
0x41: {  	_ =	shalt  }
0x42: {  	_ =	shalt  }
0x43: {  	_ =	shalt  }
0x44: {  	_ =	shalt  }
0x45: {  	_ =	shalt  }
0x46: {  	_ =	shalt  }
0x47: {  	_ =	shalt  }
0x48: {  	_ =	shalt  }
0x49: {  	_ =	shalt  }
0x4a: {  	_ =	shalt  }
0x4b: {  	_ =	shalt  }
0x4c: {  	_ =	shalt  }
0x4d: {  	_ =	shalt  }
0x4e: {  	_ =	shalt  }
0x4f: {  	_ =	shalt  }
0x50: {  	_ =	shalt  }
0x51: {  	_ =	shalt  }
0x52: {  	_ =	shalt  }
0x53: {  	_ =	shalt  }
0x54: {  	_ =	shalt  }
0x55: {  	_ =	shalt  }
0x56: {  	_ =	shalt  }
0x57: {  	_ =	shalt  }
0x58: {  	_ =	shalt  }
0x59: {  	_ =	shalt  }
0x5a: {  	_ =	shalt  }
0x5b: {  	_ =	shalt  }
0x5c: {  	_ =	shalt  }
0x5d: {  	_ =	shalt  }
0x5e: {  	_ =	shalt  }
0x5f: {  	_ =	shalt  }
0x60: {  	_ =	shalt  }
0x61: {  	_ =	shalt  }
0x62: {  	_ =	shalt  }
0x63: {  	_ =	shalt  }
0x64: {  	_ =	shalt  }
0x65: {  	_ =	shalt  }
0x66: {  	_ =	shalt  }
0x67: {  	_ =	shalt  }
0x68: {  	_ =	shalt  }
0x69: {  	_ =	shalt  }
0x6a: {  	_ =	shalt  }
0x6b: {  	_ =	shalt  }
0x6c: {  	_ =	shalt  }
0x6d: {  	_ =	shalt  }
0x6e: {  	_ =	shalt  }
0x6f: {  	_ =	shalt  }
0x70: {  	_ =	shalt  }
0x71: {  	_ =	shalt  }
0x72: {  	_ =	shalt  }
0x73: {  	_ =	shalt  }
0x74: {  	_ =	shalt  }
0x75: {  	_ =	shalt  }
0x76: {  	_ =	shalt  }
0x77: {  	_ =	shalt  }
0x78: {  	_ =	shalt  }
0x79: {  	_ =	shalt  }
0x7a: {  	_ =	shalt  }
0x7b: {  	_ =	shalt  }
0x7c: {  	_ =	shalt  }
0x7d: {  	_ =	shalt  }
0x7e: {  	_ =	shalt  }
0x7f: {  	_ =	shalt  }
0x80: {  	_ =	shalt  }
0x81: {  	_ =	shalt  }
0x82: {  	_ =	shalt  }
0x83: {  	_ =	shalt  }
0x84: {  	_ =	shalt  }
0x85: {  	_ =	shalt  }
0x86: {  	_ =	shalt  }
0x87: {  	_ =	shalt  }
.Lfunc_end0:
.L_simem_size_0:
called_computation.1_lowered:
.L_overlay_start_0:
0x88: {  	s2 =	sld [smem:$0x3FD9]  }
0x89: {  	s3 =	sld [smem:$0x3FFE];
	_ =	sdelay $0x1  }
0x8a: {  	s1 =	srdreg.scid  }
0x8b: {  	s0 =	sand.u32 $0x1, s1  }
0x8c: {  	s17 =	sshll.u32 s0, $0xA;
	s2 =	sadd.s32 s3, s2  }
0x8d: {  	s2 =	sadd.s32 s2, s17  }
0x8e: {  	[smem:$0x3FB9] =	sst s2  }
0x8f: {  	_ = 	snop  }
0x90: {  	s18 =	sld [smem:$0x3FC8];
	(tm) =	ssettm $0x1  }
0x91: {  	s19 =	sld [smem:$0x3FFB];
	_ =	sdelay $0x3  }
0x92: {  	_ =	strace s19  }
0x93: {  	s2 =	sld [smem:$0x3FFC];
	_ =	sdelay $0x3  }
0x94: {  	_ =	strace s2  }
0x95: {  	s2 =	sld [smem:$0x3FFD];
	_ =	sdelay $0x3  }
0x96: {  	_ =	strace s2  }
0x97: {  	_ =	strace $0x8FFFFFFF  }
0x98: {  	s20 =	sld [smem:$0x3FDB];
	_ =	sdelay $0x1  }
0x99: {  	s4 =	simm.s32 $_scs_section_size  }
0x9a: {  	s5 =	simm.s32 $_size__tile_overlayer_lowered;
	s6 =	simm.s32 $_tile_overlayer_lowered  }
0x9b: {  	s7 =	simm.s32 $0x1BFF;
	s21 =	sshll.u32 s6, $0x1;
	s4 =	sadd.s32 s4, s20  }
0x9c: {  	s22 =	simm.s32 $0x0;
	s5 =	sshll.u32 s5, $0x1;
	s6 =	sadd.s32 s21, s4  }
0x9d: {  	[timem:s22], [sflag:s7] =	dma.local [hbm:s6], s5  }
0x9e: {  	_ =	swait.ge [sflag:s7], s5  }
0x9f: {  	s5 =	ssub.s32 $0x0, s5;
	[sflag:s7] =	ssyncset.done $0x0  }
0xa0: {  	[sflag:s7] =	ssyncadd.s32 s5;
	_ =	sdelay $0x1  }
0xa1: {  	s23 =	simm.s32 $0x1B8B  }
0xa2: {  	_ =	swait.ge [sflag:s23], $0x1  }
0xa3: {  	[sflag:s23] =	ssyncset.done $0x0  }
0xa4: {  	[sflag:s23] =	ssyncadd.s32 $0xFFFFFFFF  }
0xa5: {  	s5 =	sld [smem:$0x0]  }
0xa6: {  	s6 =	sand.u32 $0xFFFFFFFE, s1  }
0xa7: {  	p0 =	sne.s32 s1, s6  }
0xa8: {  	s6 =	sshll.u32 @p0 s6, $0xE  }
0xa9: {  	s6 =	sadd.s32 @p0 $0x11B8D, s6;
	s7 =	sshll.u32 @p0 s5, $0x11  }
0xaa: {  	s6 =	sor.u32 @p0 s7, s6  }
0xab: {  	[sflag:s6] =	ssyncadd.remote.s32 @p0 $0x1;
	_ =	sdelay $0x1  }
0xac: {  	s6 =	simm.s32 @p0 $0x1B8D  }
0xad: {  	_ =	swait.eq @p0 [sflag:s6], $0x1  }
0xae: {  	[sflag:s6] =	ssyncadd.s32 @p0 $0xFFFFFFFF  }
0xaf: {  	s7 =	sshll.u32 @!p0 s1, $0xE  }
0xb0: {  	s7 =	sor.u32 @!p0 $0x4000, s7;
	s6 =	simm.s32 @!p0 $0x1B8D  }
0xb1: {  	s5 =	sshll.u32 @!p0 s5, $0x11;
	s7 =	sadd.s32 @!p0 $0x11B8D, s7;
	_ =	swait.eq @!p0 [sflag:s6], $0x1  }
0xb2: {  	s5 =	sor.u32 @!p0 s5, s7;
	[sflag:s6] =	ssyncadd.s32 @!p0 $0xFFFFFFFF  }
0xb3: {  	s25 =	simm.s32 $0x1B8E;
	s24 =	sld [smem:$0x3FFE];
	[sflag:s5] =	ssyncadd.remote.s32 @!p0 $0x1  }
0xb4: {  	s26 =	simm.s32 $execute0_lowered;
	[smem:$0x3FD2] =	sst s25  }
0xb5: {  	s6 =	sshll.u32 s26, $0x1;
	_ =	strace $0x8000004F;
	[dreg:$0x1] =	wrdreg $0xFFFFFFFF  }
0xb6: {  	s28 =	simm.s32 $_size_execute0_lowered;
	s4 =	sadd.s32 s4, s6;
	[dreg:$0x0] =	wrdreg $0x0  }
0xb7: {  	s6 =	sshll.u32 s28, $0x1;
	[dreg:$0x2] =	wrdreg s4  }
0xb8: {  	[dreg:$0x3] =	wrdreg s6  }
0xb9: {  	[dreg:$0x4] =	wrdreg $0xC0  }
0xba: {  	_ =	task [dreg:s22], $0x5FFFF  }
0xbb: {  	[dreg:$0x1] =	wrdreg $0xFFFFFFFF  }
0xbc: {  	[dreg:$0x0] =	wrdreg $0x60  }
0xbd: {  	[dreg:$0x2] =	wrdreg s24  }
0xbe: {  	[dreg:$0x3] =	wrdreg s18  }
0xbf: {  	[dreg:$0x4] =	wrdreg $0xA  }
0xc0: {  	_ =	task.clear_ibuf [dreg:s22], $0x5FFFF;
	_ =	strace $0x9000004F  }
0xc1: {  	s29 =	simm.s32 $0xA;
	_ =	strace $0x80000051  }
0xc2: {  	_ =	swait.ge [sflag:s29], $0x1  }
0xc3: {  	[sflag:s29] =	ssyncadd.s32 $0xFFFFFFFF  }
0xc4: {  	_ =	strace $0x90000051  }
0xc5: {  	_ =	sfence  }
0xc6: {  	s30 =	sld [smem:$0x0];
	_ =	sdelay $0x2  }
0xc7: {  	s31 =	sshll.u32 s1, $0xD;
	s1 =	sshrl.u32 s1, $0x2  }
0xc8: {  	s4 =	sand.u32 $0x4000, s31;
	s1 =	sadd.s32 s1, s30  }
0xc9: {  	s0 =	sor.u32 s4, s0;
	s1 =	sshll.u32 s1, $0x11  }
0xca: {  	s0 =	sor.u32 s1, s0  }
0xcb: {  	s0 =	sadd.s32 $0x8F2B, s0  }
0xcc: {  	[sflag:s0] =	ssyncadd.remote.s32 $0x1  }
0xcd: {  	_ =	sfence.sel $0xFFFF  }
0xce: {  	[dreg:$0x0] =	wrdreg $0xFFFFFFFF;
	(pc) =	sbr.abs _section_cstart, $3  }
0xcf: {  	[dreg:$0x1] =	wrdreg $0xFFFFFFFF  }
0xd0: {  	_ =	task.clear_ibuf [dreg:s22], $0x2FFFF;
	_ =	strace $0x9FFFFFFF  }
0xd1: {  	(tm) =	ssettm $0x7FFFFFFF  }
tec
execute0_lowered:
.L_overlay_start_1:
0x0: {  	(tag) =	ssettag $0x1  }
0x1: {  	s0 =	rddreg [dreg:$0x0]  }
0x2: {  	s1 =	rddreg [dreg:$0x1];
	s2 =	simm.s32 $0x0  }
0x3: {  	s5 =	srdreg.scid;
	s12 =	stileid.u32;
	s15 =	simm.s32 $0x9  }
0x4: {  	s17 =	simm.s32 $0x100;
	s18 =	simm.s32 $0x4100;
	s19 =	simm.s32 $0x1  }
0x5: {  	s20 =	simm.s32 $0x2;
	s21 =	simm.s32 $0x3;
	s22 =	simm.s32 $0x4  }
0x6: {  	s23 =	simm.s32 $0x0;
	[smem:$0x7FF] =	sst s2;
	s3 =	sadd.s32 $0xAA00, s0  }
0x7: {  	s6 =	sadd.s32 $0x9A00, s0;
	s4 =	sadd.s32 $0xBA00, s0;
	s5 =	sand.u32 $0x1, s5  }
0x8: {  	s7 =	sshll.u32 s12, $0xC;
	s14 =	sshll.u32 s12, $0x1;
	s29 =	sshll.u32 s12, $0x5  }
0x9: {  	p0 =	sgt.u32 s12, $0xC;
	_ =	strace $0x80000050;
	s8 =	ssub.s32 $0x2, s5  }
0xa: {  	s0 =	sadd.s32 s7, s0;
	s9 =	sor.u32 s5, s14;
	s28 =	sshll.u32 s5, $0xB  }
0xb: {  	s11 =	sshll.u32 s5, $0x4;
	s30 =	sadd.s32 s29, s6;
	s31 =	sadd.s32 s29, s3  }
0xc: {  	s14 =	sor.u32 $0xFFFFFFE0, s14;
	s26 =	sshll.u32 s9, $0x4;
	[dreg:$0x6] =	wrdreg s30  }
0xd: {  	s25 =	sshrl.u32 s8, $0x1;
	[dreg:$0x7] =	wrdreg s31;
	s10 =	sadd.s32 s3, s26  }
0xe: {  	s7 =	ssub.s32 s8, s25;
	s8 =	sadd.s32 s6, s26;
	[dreg:$0x3] =	wrdreg s10  }
0xf: {  	s0 =	sadd.s32 s28, s0;
	[dreg:$0x4] =	wrdreg s8;
	s7 =	smax.u32 s7, $0x1  }
0x10: {  	s9 =	sadd.s32 $0x39DC00, s0;
	s10 =	sadd.s32 $0x320C00, s0;
	[dreg:$0x5] =	wrdreg s7  }
.LBB2_1:
0x11: {  	s0 =	rddreg [dreg:$0x3]  }
0x12: {  	[tilespmem:s2], [sflag:$0x9] =	stream.linear.gather [hbm4b:s0+s2], $0x80, $0x38;
	[tilespmem:$0x10200] =	vst v63  }
0x13: {  	_ =	swait.ge [sflag:s15], $0x80  }
0x14: {  	[sflag:s15] =	ssyncset.done $0x0  }
0x15: {  	s3 =	simm.s32 $0x80;
	s13 =	rddreg [dreg:$0x4];
	[sflag:s15] =	ssyncadd.s32 $0xFFFFFF80  }
0x16: {  	[tilespmem:s3], [sflag:$0x9] =	stream.linear.gather [hbm4b:s13+s2], $0x80, $0x38;
	[tilespmem:$0x10200] =	vst v63  }
0x17: {  	_ =	swait.ge [sflag:s15], $0x80  }
0x18: {  	[sflag:s15] =	ssyncset.done $0x0  }
0x19: {  	p2 =	sgt.u32 s14, $0xF9;
	[sflag:s15] =	ssyncadd.s32 $0xFFFFFF80  }
0x1a: {  	[tilespmem:s17], [sflag:$0x1] =	stream.indirect.gather [hbm4b:s1+s3], $0x80, s3, s3, $0xb8;
	[tilespmem:$0x10200] =	vst v63  }
0x1b: {  	s0 =	simm.s32 @!p2 $0x7  }
0x1c: {  	[tilespmem:s18], [sflag:$0x2] =	stream.indirect.gather [hbm4b:s4+s3], $0x80, s2, s3, $0xb8;
	[tilespmem:$0x10200] =	vst v63  }
0x1d: {  	_ =	swait.ge @!p2 [sflag:s0], $0x4000  }
0x1e: {  	s16 =	sadd.s32 s14, s5;
	[sflag:s0] =	ssyncset.done @!p2 $0x0  }
0x1f: {  	s6 =	sadd.s32 $0x40, s16;
	s7 =	simm.s32 @!p2 $0x8;
	[sflag:s0] =	ssyncadd.s32 @!p2 $0xFFFFC000  }
0x20: {  	p1 =	sgt.u32 s6, $0xF9;
	_ =	swait.ge @!p2 [sflag:s7], $0x4000  }
0x21: {  	s25 =	simm.s32 @!p1 $0x0;
	s13 =	rddreg [dreg:$0x7]  }
0x22: {  	s6 =	simm.s32 @!p1 $0x8100;
	[sflag:s7] =	ssyncset.done @!p2 $0x0;
	s0 =	sadd.s32 @!p1 s13, s11  }
0x23: {  	[sflag:s7] =	ssyncadd.s32 @!p2 $0xFFFFC000;
	s7 =	simm.s32 @!p1 $0x9;
	s0 =	sadd.s32 @!p1 $0x200, s0  }
0x24: {  	[tilespmem:s6], [sflag:$0x9] =	stream.linear.gather @!p1 [hbm4b:s0+s25], $0x80, $0x38;
	[tilespmem:$0x10200] =	vst v63  }
0x25: {  	_ =	swait.ge @!p1 [sflag:s7], $0x80  }
0x26: {  	s12 =	rddreg [dreg:$0x6]  }
0x27: {  	[sflag:s7] =	ssyncset.done @!p1 $0x0;
	s0 =	sadd.s32 @!p1 s12, s11  }
0x28: {  	s8 =	simm.s32 @!p1 $0x8180;
	[sflag:s7] =	ssyncadd.s32 @!p1 $0xFFFFFF80;
	s0 =	sadd.s32 @!p1 $0x200, s0  }
0x29: {  	[tilespmem:s8], [sflag:$0x9] =	stream.linear.gather @!p1 [hbm4b:s0+s25], $0x80, $0x38;
	[tilespmem:$0x10200] =	vst v63  }
0x2a: {  	_ =	swait.ge @!p1 [sflag:s7], $0x80  }
0x2b: {  	[sflag:s7] =	ssyncset.done @!p1 $0x0  }
0x2c: {  	s24 =	simm.s32 @!p1 $0x80;
	s0 =	simm.s32 @!p1 $0x8200;
	[sflag:s7] =	ssyncadd.s32 @!p1 $0xFFFFFF80  }
0x2d: {  	[tilespmem:s0], [sflag:$0x5] =	stream.indirect.gather @!p1 [hbm4b:s1+s24], $0x80, s8, s24, $0xb8;
	[tilespmem:$0x10200] =	vst v63  }
0x2e: {  	s31 =	simm.s32 @!p1 $0xC200  }
0x2f: {  	[tilespmem:s31], [sflag:$0x6] =	stream.indirect.gather @!p1 [hbm4b:s4+s24], $0x80, s6, s24, $0xb8;
	[tilespmem:$0x10200] =	vst v63  }
0x30: {  	_ =	swait.ge [sflag:s19], $0x4000  }
0x31: {  	[sflag:s19] =	ssyncset.done $0x0  }
0x32: {  	[sflag:s19] =	ssyncadd.s32 $0xFFFFC000  }
0x33: {  	_ =	swait.ge [sflag:s20], $0x4000  }
0x34: {  	[sflag:s20] =	ssyncset.done $0x0  }
0x35: {  	s24 =	sadd.s32 $0x0, s10;
	[sflag:s20] =	ssyncadd.s32 $0xFFFFC000  }
0x36: {  	[hbm4b:s24+s2] =	stream.linear.scatter [tilespmem:s17], [sflag:$0x3], $0x4000, $0x38;
	[tilespmem:$0x10200] =	vst v63  }
0x37: {  	s26 =	sadd.s32 $0x0, s9  }
0x38: {  	[hbm4b:s26+s2] =	stream.linear.scatter [tilespmem:s18], [sflag:$0x4], $0x4000, $0x38;
	[tilespmem:$0x10200] =	vst v63  }
0x39: {  	_ =	swait.ge [sflag:s21], $0x4000  }
0x3a: {  	s3 =	sadd.s32 $0x60, s16;
	[sflag:s21] =	ssyncset.done $0x0  }
0x3b: {  	p2 =	sgt.u32 s3, $0xF9;
	[sflag:s21] =	ssyncadd.s32 $0xFFFFC000  }
0x3c: {  	s3 =	sadd.s32 @!p2 s13, s11;
	_ =	swait.ge [sflag:s22], $0x4000  }
0x3d: {  	s3 =	sadd.s32 @!p2 $0x400, s3;
	[sflag:s22] =	ssyncset.done $0x0  }
0x3e: {  	s7 =	simm.s32 @!p2 $0x9;
	s6 =	simm.s32 @!p2 $0x0;
	[sflag:s22] =	ssyncadd.s32 $0xFFFFC000  }
0x3f: {  	[tilespmem:s6], [sflag:$0x9] =	stream.linear.gather @!p2 [hbm4b:s3+s6], $0x80, $0x38;
	[tilespmem:$0x10200] =	vst v63  }
0x40: {  	_ =	swait.ge @!p2 [sflag:s7], $0x80  }
0x41: {  	s3 =	sadd.s32 @!p2 s12, s11;
	[sflag:s7] =	ssyncset.done @!p2 $0x0  }
0x42: {  	s8 =	simm.s32 @!p2 $0x80;
	s3 =	sadd.s32 @!p2 $0x400, s3;
	[sflag:s7] =	ssyncadd.s32 @!p2 $0xFFFFFF80  }
0x43: {  	[tilespmem:s8], [sflag:$0x9] =	stream.linear.gather @!p2 [hbm4b:s3+s6], $0x80, $0x38;
	[tilespmem:$0x10200] =	vst v63  }
0x44: {  	_ =	swait.ge @!p2 [sflag:s7], $0x80  }
0x45: {  	[sflag:s7] =	ssyncset.done @!p2 $0x0  }
0x46: {  	s3 =	simm.s32 @!p2 $0x100;
	[sflag:s7] =	ssyncadd.s32 @!p2 $0xFFFFFF80  }
0x47: {  	[tilespmem:s3], [sflag:$0x1] =	stream.indirect.gather @!p2 [hbm4b:s1+s8], $0x80, s8, s8, $0xb8;
	[tilespmem:$0x10200] =	vst v63  }
0x48: {  	s7 =	simm.s32 @!p1 $0x5;
	s3 =	simm.s32 @!p2 $0x4100  }
0x49: {  	[tilespmem:s3], [sflag:$0x2] =	stream.indirect.gather @!p2 [hbm4b:s4+s8], $0x80, s6, s8, $0xb8;
	[tilespmem:$0x10200] =	vst v63  }
0x4a: {  	s30 =	sadd.s32 $0x40, s14;
	_ =	swait.ge @!p1 [sflag:s7], $0x4000  }
0x4b: {  	s29 =	simm.s32 $0x40000;
	p3 =	sgt.u32 s30, $0xF9;
	[sflag:s7] =	ssyncset.done @!p1 $0x0  }
0x4c: {  	s28 =	sadd.s32 $0x400, s13;
	s8 =	simm.s32 @!p1 $0x6;
	[sflag:s7] =	ssyncadd.s32 @!p1 $0xFFFFC000  }
0x4d: {  	s24 =	simm.s32 $0x20000;
	s26 =	sadd.s32 $0x400, s12;
	_ =	swait.ge @!p1 [sflag:s8], $0x4000  }
0x4e: {  	s3 =	sadd.s32 @!p1 $0x0, s10;
	s6 =	sadd.s32 @!p1 $0x0, s9;
	[sflag:s8] =	ssyncset.done @!p1 $0x0  }
0x4f: {  	s3 =	sadd.s32 @!p1 $0x10000, s3;
	s6 =	sadd.s32 @!p1 $0x10000, s6;
	[sflag:s8] =	ssyncadd.s32 @!p1 $0xFFFFC000  }
.LBB2_2:
0x50: {  	[hbm4b:s3+s25] =	stream.linear.scatter @!p1 [tilespmem:s0], [sflag:$0x7], $0x4000, $0x38;
	[tilespmem:$0x10200] =	vst v63  }
0x51: {  	s0 =	simm.s32 @!p3 $0x7;
	s7 =	smov.u32 s29;
	s29 =	sadd.s32 $0x20000, s29  }
0x52: {  	[hbm4b:s6+s25] =	stream.linear.scatter @!p1 [tilespmem:s31], [sflag:$0x8], $0x4000, $0x38;
	[tilespmem:$0x10200] =	vst v63  }
0x53: {  	s3 =	sadd.s32 s30, s5;
	p2 =	sne.s32 s29, $0x80000;
	_ =	swait.ge @!p3 [sflag:s0], $0x4000  }
0x54: {  	s8 =	sadd.s32 $0x40, s3;
	s6 =	simm.s32 @!p3 $0x8;
	[sflag:s0] =	ssyncset.done @!p3 $0x0  }
0x55: {  	p1 =	sgt.u32 s8, $0xF9;
	s8 =	sadd.s32 $0x60, s3;
	[sflag:s0] =	ssyncadd.s32 @!p3 $0xFFFFC000  }
0x56: {  	s25 =	simm.s32 @!p1 $0x0;
	s0 =	sadd.s32 @!p1 s28, s11;
	_ =	swait.ge @!p3 [sflag:s6], $0x4000  }
0x57: {  	s16 =	simm.s32 @!p1 $0x8100;
	s0 =	sadd.s32 @!p1 $0x200, s0;
	[sflag:s6] =	ssyncset.done @!p3 $0x0  }
0x58: {  	s31 =	simm.s32 @!p1 $0x9;
	s3 =	sadd.s32 @!p1 s26, s11;
	[sflag:s6] =	ssyncadd.s32 @!p3 $0xFFFFC000  }
0x59: {  	[tilespmem:s16], [sflag:$0x9] =	stream.linear.gather @!p1 [hbm4b:s0+s25], $0x80, $0x38;
	[tilespmem:$0x10200] =	vst v63  }
0x5a: {  	s0 =	sadd.s32 @!p1 $0x200, s3;
	s3 =	sadd.s32 @!p1 s24, s10;
	_ =	swait.ge @!p1 [sflag:s31], $0x80  }
0x5b: {  	s12 =	simm.s32 @!p1 $0x8180;
	s3 =	sadd.s32 @!p1 $0x10000, s3;
	[sflag:s31] =	ssyncset.done @!p1 $0x0  }
0x5c: {  	s6 =	sadd.s32 @!p1 s24, s9;
	[sflag:s31] =	ssyncadd.s32 @!p1 $0xFFFFFF80  }
0x5d: {  	[tilespmem:s12], [sflag:$0x9] =	stream.linear.gather @!p1 [hbm4b:s0+s25], $0x80, $0x38;
	[tilespmem:$0x10200] =	vst v63  }
0x5e: {  	s6 =	sadd.s32 @!p1 $0x10000, s6;
	_ =	swait.ge @!p1 [sflag:s31], $0x80  }
0x5f: {  	s13 =	simm.s32 @!p1 $0x80;
	s0 =	simm.s32 @!p1 $0x8200;
	[sflag:s31] =	ssyncset.done @!p1 $0x0  }
0x60: {  	[sflag:s31] =	ssyncadd.s32 @!p1 $0xFFFFFF80;
	s31 =	simm.s32 @!p1 $0xC200  }
0x61: {  	[tilespmem:s0], [sflag:$0x5] =	stream.indirect.gather @!p1 [hbm4b:s1+s13], $0x80, s12, s13, $0xb8;
	[tilespmem:$0x10200] =	vst v63  }
0x62: {  	_ = 	snop  }
0x63: {  	[tilespmem:s31], [sflag:$0x6] =	stream.indirect.gather @!p1 [hbm4b:s4+s13], $0x80, s16, s13, $0xb8;
	[tilespmem:$0x10200] =	vst v63  }
0x64: {  	_ =	swait.ge [sflag:s19], $0x4000  }
0x65: {  	[sflag:s19] =	ssyncset.done $0x0  }
0x66: {  	[sflag:s19] =	ssyncadd.s32 $0xFFFFC000  }
0x67: {  	_ =	swait.ge [sflag:s20], $0x4000  }
0x68: {  	s12 =	sadd.s32 s24, s10;
	[sflag:s20] =	ssyncset.done $0x0  }
0x69: {  	s13 =	sadd.s32 s24, s9;
	s24 =	smov.u32 s7;
	[sflag:s20] =	ssyncadd.s32 $0xFFFFC000  }
0x6a: {  	[hbm4b:s12+s2] =	stream.linear.scatter [tilespmem:s17], [sflag:$0x3], $0x4000, $0x38;
	[tilespmem:$0x10200] =	vst v63  }
0x6b: {  	_ = 	snop  }
0x6c: {  	[hbm4b:s13+s2] =	stream.linear.scatter [tilespmem:s18], [sflag:$0x4], $0x4000, $0x38;
	[tilespmem:$0x10200] =	vst v63  }
0x6d: {  	_ =	swait.ge [sflag:s21], $0x4000  }
0x6e: {  	[sflag:s21] =	ssyncset.done $0x0  }
0x6f: {  	p3 =	sgt.u32 s8, $0xF9;
	[sflag:s21] =	ssyncadd.s32 $0xFFFFC000  }
0x70: {  	s8 =	sadd.s32 @!p3 s26, s11;
	s7 =	sadd.s32 @!p3 s28, s11;
	_ =	swait.ge [sflag:s22], $0x4000  }
0x71: {  	s7 =	sadd.s32 @!p3 $0x400, s7;
	s12 =	simm.s32 @!p3 $0x0;
	[sflag:s22] =	ssyncset.done $0x0  }
0x72: {  	s8 =	sadd.s32 @!p3 $0x400, s8;
	s13 =	simm.s32 @!p3 $0x9;
	[sflag:s22] =	ssyncadd.s32 $0xFFFFC000  }
0x73: {  	[tilespmem:s12], [sflag:$0x9] =	stream.linear.gather @!p3 [hbm4b:s7+s12], $0x80, $0x38;
	[tilespmem:$0x10200] =	vst v63  }
0x74: {  	_ =	swait.ge @!p3 [sflag:s13], $0x80  }
0x75: {  	s7 =	simm.s32 @!p3 $0x80;
	[sflag:s13] =	ssyncset.done @!p3 $0x0  }
0x76: {  	[sflag:s13] =	ssyncadd.s32 @!p3 $0xFFFFFF80  }
0x77: {  	[tilespmem:s7], [sflag:$0x9] =	stream.linear.gather @!p3 [hbm4b:s8+s12], $0x80, $0x38;
	[tilespmem:$0x10200] =	vst v63  }
0x78: {  	_ =	swait.ge @!p3 [sflag:s13], $0x80  }
0x79: {  	s8 =	simm.s32 @!p3 $0x100;
	[sflag:s13] =	ssyncset.done @!p3 $0x0  }
0x7a: {  	[sflag:s13] =	ssyncadd.s32 @!p3 $0xFFFFFF80;
	s13 =	simm.s32 @!p3 $0x4100  }
0x7b: {  	[tilespmem:s8], [sflag:$0x1] =	stream.indirect.gather @!p3 [hbm4b:s1+s7], $0x80, s7, s7, $0xb8;
	[tilespmem:$0x10200] =	vst v63  }
0x7c: {  	s8 =	simm.s32 @!p1 $0x5  }
0x7d: {  	[tilespmem:s13], [sflag:$0x2] =	stream.indirect.gather @!p3 [hbm4b:s4+s7], $0x80, s12, s7, $0xb8;
	[tilespmem:$0x10200] =	vst v63  }
0x7e: {  	_ =	swait.ge @!p1 [sflag:s8], $0x4000  }
.Ltmp0:
0x7f: {  	s7 =	simm.s32 @!p1 $0x6;
	[sflag:s8] =	ssyncset.done @!p1 $0x0;
	(pc) =	sbr.rel @p2 .LBB2_2-.Ltmp0, $4  }
0x80: {  	[sflag:s8] =	ssyncadd.s32 @!p1 $0xFFFFC000  }
0x81: {  	s30 =	sadd.s32 $0x40, s30;
	_ =	swait.ge @!p1 [sflag:s7], $0x4000  }
0x82: {  	p3 =	sgt.u32 s30, $0xF9;
	[sflag:s7] =	ssyncset.done @!p1 $0x0  }
0x83: {  	s26 =	sadd.s32 $0x400, s26;
	s28 =	sadd.s32 $0x400, s28;
	[sflag:s7] =	ssyncadd.s32 @!p1 $0xFFFFC000  }
0x84: {  	[hbm4b:s3+s25] =	stream.linear.scatter @!p1 [tilespmem:s0], [sflag:$0x7], $0x4000, $0x38;
	[tilespmem:$0x10200] =	vst v63  }
0x85: {  	s0 =	simm.s32 @!p3 $0x7  }
0x86: {  	[hbm4b:s6+s25] =	stream.linear.scatter @!p1 [tilespmem:s31], [sflag:$0x8], $0x4000, $0x38;
	[tilespmem:$0x10200] =	vst v63  }
0x87: {  	s16 =	sadd.s32 s30, s5;
	_ =	swait.ge @!p3 [sflag:s0], $0x4000  }
0x88: {  	s25 =	sadd.s32 $0x40, s16;
	[sflag:s0] =	ssyncset.done @!p3 $0x0  }
0x89: {  	s7 =	simm.s32 @!p3 $0x8;
	p1 =	sgt.u32 s25, $0xF9;
	[sflag:s0] =	ssyncadd.s32 @!p3 $0xFFFFC000  }
0x8a: {  	s6 =	sadd.s32 @!p1 s28, s11;
	_ =	swait.ge @!p3 [sflag:s7], $0x4000  }
0x8b: {  	s8 =	simm.s32 @!p1 $0x8100;
	s0 =	simm.s32 @!p1 $0x0;
	[sflag:s7] =	ssyncset.done @!p3 $0x0  }
0x8c: {  	s6 =	sadd.s32 @!p1 $0x200, s6;
	[sflag:s7] =	ssyncadd.s32 @!p3 $0xFFFFC000;
	s7 =	simm.s32 @!p1 $0x9  }
0x8d: {  	[tilespmem:s8], [sflag:$0x9] =	stream.linear.gather @!p1 [hbm4b:s6+s0], $0x80, $0x38;
	[tilespmem:$0x10200] =	vst v63  }
0x8e: {  	_ =	swait.ge @!p1 [sflag:s7], $0x80  }
0x8f: {  	s6 =	sadd.s32 @!p1 s26, s11;
	[sflag:s7] =	ssyncset.done @!p1 $0x0  }
0x90: {  	s12 =	simm.s32 @!p1 $0x8180;
	s6 =	sadd.s32 @!p1 $0x200, s6;
	[sflag:s7] =	ssyncadd.s32 @!p1 $0xFFFFFF80  }
0x91: {  	[tilespmem:s12], [sflag:$0x9] =	stream.linear.gather @!p1 [hbm4b:s6+s0], $0x80, $0x38;
	[tilespmem:$0x10200] =	vst v63  }
0x92: {  	_ =	swait.ge @!p1 [sflag:s7], $0x80  }
0x93: {  	[sflag:s7] =	ssyncset.done @!p1 $0x0  }
0x94: {  	s6 =	simm.s32 @!p1 $0x80;
	[sflag:s7] =	ssyncadd.s32 @!p1 $0xFFFFFF80;
	s7 =	simm.s32 @!p1 $0x8200  }
0x95: {  	[tilespmem:s7], [sflag:$0x5] =	stream.indirect.gather @!p1 [hbm4b:s1+s6], $0x80, s12, s6, $0xb8;
	[tilespmem:$0x10200] =	vst v63  }
0x96: {  	s12 =	simm.s32 @!p1 $0xC200  }
0x97: {  	[tilespmem:s12], [sflag:$0x6] =	stream.indirect.gather @!p1 [hbm4b:s4+s6], $0x80, s8, s6, $0xb8;
	[tilespmem:$0x10200] =	vst v63  }
0x98: {  	_ =	swait.ge [sflag:s19], $0x4000  }
0x99: {  	[sflag:s19] =	ssyncset.done $0x0  }
0x9a: {  	[sflag:s19] =	ssyncadd.s32 $0xFFFFC000  }
0x9b: {  	_ =	swait.ge [sflag:s20], $0x4000  }
0x9c: {  	[sflag:s20] =	ssyncset.done $0x0  }
0x9d: {  	s29 =	sadd.s32 s24, s10;
	[sflag:s20] =	ssyncadd.s32 $0xFFFFC000  }
0x9e: {  	[hbm4b:s29+s2] =	stream.linear.scatter [tilespmem:s17], [sflag:$0x3], $0x4000, $0x38;
	[tilespmem:$0x10200] =	vst v63  }
0x9f: {  	s30 =	sadd.s32 s24, s9  }
0xa0: {  	[hbm4b:s30+s2] =	stream.linear.scatter [tilespmem:s18], [sflag:$0x4], $0x4000, $0x38;
	[tilespmem:$0x10200] =	vst v63  }
0xa1: {  	_ =	swait.ge [sflag:s21], $0x4000  }
0xa2: {  	s3 =	sadd.s32 $0x60, s16;
	[sflag:s21] =	ssyncset.done $0x0  }
0xa3: {  	p2 =	sgt.u32 s3, $0xF9;
	[sflag:s21] =	ssyncadd.s32 $0xFFFFC000  }
0xa4: {  	s3 =	sadd.s32 @!p2 s28, s11;
	_ =	swait.ge [sflag:s22], $0x4000  }
0xa5: {  	s3 =	sadd.s32 @!p2 $0x400, s3;
	[sflag:s22] =	ssyncset.done $0x0  }
0xa6: {  	s6 =	simm.s32 @!p2 $0x0;
	s8 =	simm.s32 @!p2 $0x9;
	[sflag:s22] =	ssyncadd.s32 $0xFFFFC000  }
0xa7: {  	[tilespmem:s6], [sflag:$0x9] =	stream.linear.gather @!p2 [hbm4b:s3+s6], $0x80, $0x38;
	[tilespmem:$0x10200] =	vst v63  }
0xa8: {  	_ =	swait.ge @!p2 [sflag:s8], $0x80  }
0xa9: {  	s3 =	sadd.s32 @!p2 s26, s11;
	[sflag:s8] =	ssyncset.done @!p2 $0x0  }
0xaa: {  	s13 =	simm.s32 @!p2 $0x80;
	s3 =	sadd.s32 @!p2 $0x400, s3;
	[sflag:s8] =	ssyncadd.s32 @!p2 $0xFFFFFF80  }
0xab: {  	[tilespmem:s13], [sflag:$0x9] =	stream.linear.gather @!p2 [hbm4b:s3+s6], $0x80, $0x38;
	[tilespmem:$0x10200] =	vst v63  }
0xac: {  	_ =	swait.ge @!p2 [sflag:s8], $0x80  }
0xad: {  	[sflag:s8] =	ssyncset.done @!p2 $0x0  }
0xae: {  	s3 =	simm.s32 @!p2 $0x100;
	[sflag:s8] =	ssyncadd.s32 @!p2 $0xFFFFFF80  }
0xaf: {  	[tilespmem:s3], [sflag:$0x1] =	stream.indirect.gather @!p2 [hbm4b:s1+s13], $0x80, s13, s13, $0xb8;
	[tilespmem:$0x10200] =	vst v63  }
0xb0: {  	s3 =	simm.s32 @!p2 $0x4100  }
0xb1: {  	[tilespmem:s3], [sflag:$0x2] =	stream.indirect.gather @!p2 [hbm4b:s4+s13], $0x80, s6, s13, $0xb8;
	[tilespmem:$0x10200] =	vst v63  }
0xb2: {  	s3 =	simm.s32 @!p1 $0x5  }
0xb3: {  	_ =	swait.ge @!p1 [sflag:s3], $0x4000  }
0xb4: {  	[sflag:s3] =	ssyncset.done @!p1 $0x0  }
0xb5: {  	s6 =	simm.s32 @!p1 $0x6;
	[sflag:s3] =	ssyncadd.s32 @!p1 $0xFFFFC000  }
0xb6: {  	_ =	swait.ge @!p1 [sflag:s6], $0x4000  }
0xb7: {  	s3 =	sadd.s32 @!p1 s24, s10;
	[sflag:s6] =	ssyncset.done @!p1 $0x0  }
0xb8: {  	s3 =	sadd.s32 @!p1 $0x10000, s3;
	[sflag:s6] =	ssyncadd.s32 @!p1 $0xFFFFC000  }
0xb9: {  	[hbm4b:s3+s0] =	stream.linear.scatter @!p1 [tilespmem:s7], [sflag:$0x7], $0x4000, $0x38;
	[tilespmem:$0x10200] =	vst v63  }
0xba: {  	s3 =	sadd.s32 @!p1 s24, s9  }
0xbb: {  	s3 =	sadd.s32 @!p1 $0x10000, s3  }
0xbc: {  	[hbm4b:s3+s0] =	stream.linear.scatter @!p1 [tilespmem:s12], [sflag:$0x8], $0x4000, $0x38;
	[tilespmem:$0x10200] =	vst v63  }
0xbd: {  	s0 =	simm.s32 @!p0 $0x7  }
0xbe: {  	_ =	swait.ge @!p0 [sflag:s0], $0x4000  }
0xbf: {  	[sflag:s0] =	ssyncset.done @!p0 $0x0  }
0xc0: {  	[sflag:s0] =	ssyncadd.s32 @!p0 $0xFFFFC000;
	s0 =	simm.s32 @!p0 $0x8  }
0xc1: {  	_ =	swait.ge @!p0 [sflag:s0], $0x4000  }
0xc2: {  	s23 =	sadd.s32 $0x1, s23;
	s31 =	rddreg [dreg:$0x5]  }
0xc3: {  	p1 =	sne.s32 s23, s31  }
.Ltmp1:
0xc4: {  	_ = 	snop;
	(pc) =	sbr.rel @p1 .LBB2_1-.Ltmp1, $3  }
0xc5: {  	_ =	sdelay $0x1  }
0xc6: {  	[sflag:s0] =	ssyncset.done @!p0 $0x0  }
0xc7: {  	[sflag:s0] =	ssyncadd.s32 @!p0 $0xFFFFC000  }
0xc8: {  	_ =	sfence.sel $0x180000  }
0xc9: {  	[bflag:$0x0] =	sbarrier.arrive $0xFFFF  }
0xca: {  	_ =	strace $0x90000050  }
0xcb: {  	s0 =	stileid.u32;
	[bflag:$0x2] =	sbarrier.arrive $0xFFFF  }
0xcc: {  	p0 =	sne.s32 s0, $0x0;
	s0 =	rddreg [dreg:$0x2]  }
0xcd: {  	s0 =	sadd.s32 @!p0 $0x100000, s0  }
0xce: {  	[sflag:s0] =	ssyncadd.tile.s32 @!p0 $0x1;
	_ =	shalt  }
.Lfunc_end2:
_tile_overlayer_lowered:
.L_overlay_start_2:
0xcf: {  	(tag) =	ssettag $0x2  }
0xd0: {  	s0 =	rddreg [dreg:$0x0];
	s2 =	stileid.u32  }
0xd1: {  	s1 =	rddreg [dreg:$0x1];
	p0 =	sne.s32 s2, $0x0  }
0xd2: {  	s3 =	rddreg [dreg:$0x2];
	[bflag:$0x3] =	sbarrier.arrive $0xFFFF;
	s2 =	simm.s32 @!p0 $0x1C09  }
0xd3: {  	[timem:s3], [sflag:s2] =	dma.local @!p0 [hbm:s0], s1  }
0xd4: {  	s0 =	simm.s32 @!p0 $0x9  }
0xd5: {  	_ =	swait.ge @!p0 [sflag:s0], s1  }
0xd6: {  	s1 =	ssub.s32 @!p0 $0x0, s1;
	[sflag:s0] =	ssyncset.done @!p0 $0x0  }
0xd7: {  	[sflag:s0] =	ssyncadd.s32 @!p0 s1  }
0xd8: {  	[bflag:$0x3] =	sbarrier.arrive $0xFFFF  }
0xd9: {  	_ =	shalt  }

// kernel: kernel.19.cloned.1.call-start
scs
__scs_entry_jumppad:
0x0: {  	(pc) =	sbr.rel $0x88, $3  }
0x1: {  	(tag) =	ssettag $0x0;
	lr =	simm.s32 $0x1  }
0x2: {  	[smem:$0x3F92] =	sst lr;
	_ =	strace $0xD0000000  }
0x3: {  	_ = 	snop  }
0x4: {  	_ = 	snop  }
0x5: {  	_ = 	snop  }
0x6: {  	_ = 	snop  }
0x7: {  	_ = 	snop  }
__scs_overlays_trampoline_lowered:
0x8: {  	[smem:$0x3FA1] =	sst s0  }
0x9: {  	[smem:$0x3FA2] =	sst s1  }
0xa: {  	[smem:$0x3FA3] =	sst s2  }
0xb: {  	[smem:$0x3FA4] =	sst s3  }
0xc: {  	[smem:$0x3FA5] =	sst s4  }
0xd: {  	[smem:$0x3FA6] =	sst s5  }
0xe: {  	[smem:$0x3FA7] =	sst s6  }
0xf: {  	[smem:$0x3FA8] =	sst s7  }
0x10: {  	[smem:$0x3FA9] =	sst s8  }
0x11: {  	[smem:$0x3FAA] =	sst s9;
	s0 =	simm.s32 @!p0 $0x0  }
0x12: {  	s1 =	sld [smem:$0x3F90];
	s0 =	simm.s32 @p0 $0x1  }
0x13: {  	[smem:$0x3FAB] =	sst s0;
	s0 =	simm.s32 @!p1 $0x0  }
0x14: {  	s2 =	sld [smem:$0x3F8F];
	s0 =	simm.s32 @p1 $0x1  }
0x15: {  	[smem:$0x3FAC] =	sst s0;
	s0 =	simm.s32 @!p2 $0x0  }
0x16: {  	s3 =	sld [smem:$0x3FDB];
	s0 =	simm.s32 @p2 $0x1  }
0x17: {  	s4 =	simm.s32 $0x1BF5;
	[smem:$0x3FAE] =	sst s0  }
0x18: {  	s0 =	sld [smem:$0x3F91];
	_ =	swait.ge [sflag:s4], $0x0  }
0x19: {  	s7 =	sld [smem:$0x3F92]  }
0x1a: {  	s8 =	sadd.s32 $0xFFFFE003, lr  }
0x1b: {  	s9 =	sadd.s32 $0xFFFFFEF7, lr;
	s5 =	simm.s32 $0xFFFFFFFF;
	p2 =	slt.u32 s8, $0xFFFFF086  }
0x1c: {  	p1 =	slt.u32 s9, $0xF7A;
	s5 =	simm.s32 @!p2 $0x0  }
0x1d: {  	s5 =	simm.s32 @p1 $0x1;
	p0 =	seq.s32 s7, s2  }
0x1e: {  	s7 =	smul.u32 @!p0 $0xF7A, s2;
	p2 =	seq.s32 @!p0 s5, $0x0  }
0x1f: {  	s9 =	smul.u32 $0xF7A, s1;
	s8 =	simm.s32 @!p0 $0x1BF5;
	p2 =	por !p2, p0  }
0x20: {  	[sflag:s8] =	ssyncset.s32 @!p0 $0xFFFFF086;
	s6 =	sadd.s32 @!p0 s3, s7;
	s7 =	simm.s32 @!p0 $0x108  }
0x21: {  	s3 =	sadd.s32 s3, s9;
	s6 =	sadd.s32 @!p0 $0x88, s6;
	s7 =	simm.s32 @p2 $0x1082  }
0x22: {  	[simem:s7], [sflag:s8] =	dma.local @!p0 [hbm:s6], $0xF7A  }
0x23: {  	s9 =	sor.u32 $0xD0000000, s2;
	s6 =	simm.s32 $0x108;
	_ =	swait.ge @!p0 [sflag:s8], $0x0  }
0x24: {  	s3 =	sadd.s32 $0x88, s3;
	s6 =	simm.s32 @!p1 $0x1082;
	[sflag:s4] =	ssyncset.s32 $0xFFFFF086  }
0x25: {  	[simem:s6], [sflag:s4] =	dma.local [hbm:s3], $0xF7A  }
0x26: {  	[smem:$0x3F92] =	sst s1;
	(tag) =	ssettag s2;
	_ =	strace s9  }
0x27: {  	s1 =	sld [smem:$0x3FA2]  }
0x28: {  	s2 =	sld [smem:$0x3FA3]  }
0x29: {  	s4 =	sld [smem:$0x3FA5]  }
0x2a: {  	p0 =	seq.s32 s5, $0x0;
	s5 =	sld [smem:$0x3FA6]  }
0x2b: {  	s6 =	sld [smem:$0x3FA7]  }
0x2c: {  	s7 =	sld [smem:$0x3FA8]  }
0x2d: {  	s3 =	simm.s32 $0x108;
	s8 =	sld [smem:$0x3FA9]  }
0x2e: {  	s3 =	simm.s32 @!p0 $0x1082;
	s9 =	sld [smem:$0x3FAA]  }
0x2f: {  	lr =	sadd.s32 s0, s3;
	s0 =	sld [smem:$0x3FA1]  }
0x30: {  	s3 =	sld [smem:$0x3FA4]  }
0x31: {  	[smem:$0x3FAD] =	sst s10  }
0x32: {  	s10 =	sld [smem:$0x3FAB];
	_ =	sdelay $0x3  }
0x33: {  	p0 =	seq.s32 s10, $0x1;
	s10 =	sld [smem:$0x3FAD];
	_ =	sdelay $0x3  }
0x34: {  	[smem:$0x3FAD] =	sst s10  }
0x35: {  	s10 =	sld [smem:$0x3FAC];
	_ =	sdelay $0x3  }
0x36: {  	p1 =	seq.s32 s10, $0x1;
	s10 =	sld [smem:$0x3FAD];
	_ =	sdelay $0x3  }
0x37: {  	[smem:$0x3FAD] =	sst s10  }
0x38: {  	s10 =	sld [smem:$0x3FAE]  }
0x39: {  	_ = 	snop;
	(pc) =	sbr.ind lr, $3  }
0x3a: {  	_ = 	snop  }
0x3b: {  	_ = 	snop  }
0x3c: {  	p2 =	seq.s32 s10, $0x1;
	s10 =	sld [smem:$0x3FAD]  }
0x3d: {  	_ =	shalt  }
0x3e: {  	_ =	shalt  }
0x3f: {  	_ =	shalt  }
0x40: {  	_ =	shalt  }
0x41: {  	_ =	shalt  }
0x42: {  	_ =	shalt  }
0x43: {  	_ =	shalt  }
0x44: {  	_ =	shalt  }
0x45: {  	_ =	shalt  }
0x46: {  	_ =	shalt  }
0x47: {  	_ =	shalt  }
0x48: {  	_ =	shalt  }
0x49: {  	_ =	shalt  }
0x4a: {  	_ =	shalt  }
0x4b: {  	_ =	shalt  }
0x4c: {  	_ =	shalt  }
0x4d: {  	_ =	shalt  }
0x4e: {  	_ =	shalt  }
0x4f: {  	_ =	shalt  }
0x50: {  	_ =	shalt  }
0x51: {  	_ =	shalt  }
0x52: {  	_ =	shalt  }
0x53: {  	_ =	shalt  }
0x54: {  	_ =	shalt  }
0x55: {  	_ =	shalt  }
0x56: {  	_ =	shalt  }
0x57: {  	_ =	shalt  }
0x58: {  	_ =	shalt  }
0x59: {  	_ =	shalt  }
0x5a: {  	_ =	shalt  }
0x5b: {  	_ =	shalt  }
0x5c: {  	_ =	shalt  }
0x5d: {  	_ =	shalt  }
0x5e: {  	_ =	shalt  }
0x5f: {  	_ =	shalt  }
0x60: {  	_ =	shalt  }
0x61: {  	_ =	shalt  }
0x62: {  	_ =	shalt  }
0x63: {  	_ =	shalt  }
0x64: {  	_ =	shalt  }
0x65: {  	_ =	shalt  }
0x66: {  	_ =	shalt  }
0x67: {  	_ =	shalt  }
0x68: {  	_ =	shalt  }
0x69: {  	_ =	shalt  }
0x6a: {  	_ =	shalt  }
0x6b: {  	_ =	shalt  }
0x6c: {  	_ =	shalt  }
0x6d: {  	_ =	shalt  }
0x6e: {  	_ =	shalt  }
0x6f: {  	_ =	shalt  }
0x70: {  	_ =	shalt  }
0x71: {  	_ =	shalt  }
0x72: {  	_ =	shalt  }
0x73: {  	_ =	shalt  }
0x74: {  	_ =	shalt  }
0x75: {  	_ =	shalt  }
0x76: {  	_ =	shalt  }
0x77: {  	_ =	shalt  }
0x78: {  	_ =	shalt  }
0x79: {  	_ =	shalt  }
0x7a: {  	_ =	shalt  }
0x7b: {  	_ =	shalt  }
0x7c: {  	_ =	shalt  }
0x7d: {  	_ =	shalt  }
0x7e: {  	_ =	shalt  }
0x7f: {  	_ =	shalt  }
0x80: {  	_ =	shalt  }
0x81: {  	_ =	shalt  }
0x82: {  	_ =	shalt  }
0x83: {  	_ =	shalt  }
0x84: {  	_ =	shalt  }
0x85: {  	_ =	shalt  }
0x86: {  	_ =	shalt  }
0x87: {  	_ =	shalt  }
.Lfunc_end0:
.L_simem_size_0:
called_computation.2_lowered:
.L_overlay_start_0:
0x88: {  	s2 =	sld [smem:$0x3FD9]  }
0x89: {  	s3 =	sld [smem:$0x3FFE];
	_ =	sdelay $0x1  }
0x8a: {  	s1 =	srdreg.scid  }
0x8b: {  	s0 =	sand.u32 $0x1, s1  }
0x8c: {  	s17 =	sshll.u32 s0, $0xA;
	s2 =	sadd.s32 s3, s2  }
0x8d: {  	s2 =	sadd.s32 s2, s17  }
0x8e: {  	[smem:$0x3FB9] =	sst s2  }
0x8f: {  	_ = 	snop  }
0x90: {  	s18 =	sld [smem:$0x3FC8];
	(tm) =	ssettm $0x1  }
0x91: {  	s19 =	sld [smem:$0x3FFB];
	_ =	sdelay $0x3  }
0x92: {  	_ =	strace s19  }
0x93: {  	s2 =	sld [smem:$0x3FFC];
	_ =	sdelay $0x3  }
0x94: {  	_ =	strace s2  }
0x95: {  	s2 =	sld [smem:$0x3FFD];
	_ =	sdelay $0x3  }
0x96: {  	_ =	strace s2  }
0x97: {  	_ =	strace $0x8FFFFFFF  }
0x98: {  	s20 =	sld [smem:$0x3FDB];
	_ =	sdelay $0x1  }
0x99: {  	s4 =	simm.s32 $_scs_section_size  }
0x9a: {  	s5 =	simm.s32 $_size__tile_overlayer_lowered;
	s6 =	simm.s32 $_tile_overlayer_lowered  }
0x9b: {  	s7 =	simm.s32 $0x1BFF;
	s21 =	sshll.u32 s6, $0x1;
	s4 =	sadd.s32 s4, s20  }
0x9c: {  	s22 =	simm.s32 $0x0;
	s5 =	sshll.u32 s5, $0x1;
	s6 =	sadd.s32 s21, s4  }
0x9d: {  	[timem:s22], [sflag:s7] =	dma.local [hbm:s6], s5  }
0x9e: {  	_ =	swait.ge [sflag:s7], s5  }
0x9f: {  	s5 =	ssub.s32 $0x0, s5;
	[sflag:s7] =	ssyncset.done $0x0  }
0xa0: {  	[sflag:s7] =	ssyncadd.s32 s5;
	_ =	sdelay $0x1  }
0xa1: {  	s23 =	simm.s32 $0x1B8B  }
0xa2: {  	_ =	swait.ge [sflag:s23], $0x1  }
0xa3: {  	[sflag:s23] =	ssyncset.done $0x0  }
0xa4: {  	[sflag:s23] =	ssyncadd.s32 $0xFFFFFFFF  }
0xa5: {  	s5 =	sld [smem:$0x0]  }
0xa6: {  	s6 =	sand.u32 $0xFFFFFFFE, s1  }
0xa7: {  	p0 =	sne.s32 s1, s6  }
0xa8: {  	s6 =	sshll.u32 @p0 s6, $0xE  }
0xa9: {  	s6 =	sadd.s32 @p0 $0x11B8D, s6;
	s7 =	sshll.u32 @p0 s5, $0x11  }
0xaa: {  	s6 =	sor.u32 @p0 s7, s6  }
0xab: {  	[sflag:s6] =	ssyncadd.remote.s32 @p0 $0x1;
	_ =	sdelay $0x1  }
0xac: {  	s6 =	simm.s32 @p0 $0x1B8D  }
0xad: {  	_ =	swait.eq @p0 [sflag:s6], $0x1  }
0xae: {  	[sflag:s6] =	ssyncadd.s32 @p0 $0xFFFFFFFF  }
0xaf: {  	s7 =	sshll.u32 @!p0 s1, $0xE  }
0xb0: {  	s7 =	sor.u32 @!p0 $0x4000, s7;
	s6 =	simm.s32 @!p0 $0x1B8D  }
0xb1: {  	s5 =	sshll.u32 @!p0 s5, $0x11;
	s7 =	sadd.s32 @!p0 $0x11B8D, s7;
	_ =	swait.eq @!p0 [sflag:s6], $0x1  }
0xb2: {  	s5 =	sor.u32 @!p0 s5, s7;
	[sflag:s6] =	ssyncadd.s32 @!p0 $0xFFFFFFFF  }
0xb3: {  	s25 =	simm.s32 $0x1B8E;
	s24 =	sld [smem:$0x3FFE];
	[sflag:s5] =	ssyncadd.remote.s32 @!p0 $0x1  }
0xb4: {  	s26 =	simm.s32 $execute0_lowered;
	[smem:$0x3FD2] =	sst s25  }
0xb5: {  	s6 =	sshll.u32 s26, $0x1;
	_ =	strace $0x8000004C;
	[dreg:$0x1] =	wrdreg $0xFFFFFFFF  }
0xb6: {  	s28 =	simm.s32 $_size_execute0_lowered;
	s4 =	sadd.s32 s4, s6;
	[dreg:$0x0] =	wrdreg $0x0  }
0xb7: {  	s6 =	sshll.u32 s28, $0x1;
	[dreg:$0x2] =	wrdreg s4  }
0xb8: {  	[dreg:$0x3] =	wrdreg s6  }
0xb9: {  	[dreg:$0x4] =	wrdreg $0xC0  }
0xba: {  	_ =	task [dreg:s22], $0x5FFFF  }
0xbb: {  	[dreg:$0x1] =	wrdreg $0xFFFFFFFF  }
0xbc: {  	[dreg:$0x0] =	wrdreg $0x60  }
0xbd: {  	[dreg:$0x2] =	wrdreg s24  }
0xbe: {  	[dreg:$0x3] =	wrdreg s18  }
0xbf: {  	[dreg:$0x4] =	wrdreg $0xB  }
0xc0: {  	_ =	task.clear_ibuf [dreg:s22], $0x5FFFF;
	_ =	strace $0x9000004C  }
0xc1: {  	s29 =	simm.s32 $0xB;
	_ =	strace $0x8000004E  }
0xc2: {  	_ =	swait.ge [sflag:s29], $0x1  }
0xc3: {  	[sflag:s29] =	ssyncadd.s32 $0xFFFFFFFF  }
0xc4: {  	_ =	strace $0x9000004E  }
0xc5: {  	_ =	sfence  }
0xc6: {  	s30 =	sld [smem:$0x0];
	_ =	sdelay $0x2  }
0xc7: {  	s31 =	sshll.u32 s1, $0xD;
	s1 =	sshrl.u32 s1, $0x2  }
0xc8: {  	s4 =	sand.u32 $0x4000, s31;
	s1 =	sadd.s32 s1, s30  }
0xc9: {  	s0 =	sor.u32 s4, s0;
	s1 =	sshll.u32 s1, $0x11  }
0xca: {  	s0 =	sor.u32 s1, s0  }
0xcb: {  	s0 =	sadd.s32 $0x8F2B, s0  }
0xcc: {  	[sflag:s0] =	ssyncadd.remote.s32 $0x1  }
0xcd: {  	_ =	sfence.sel $0xFFFF  }
0xce: {  	[dreg:$0x0] =	wrdreg $0xFFFFFFFF;
	(pc) =	sbr.abs _section_cstart, $3  }
0xcf: {  	[dreg:$0x1] =	wrdreg $0xFFFFFFFF  }
0xd0: {  	_ =	task.clear_ibuf [dreg:s22], $0x2FFFF;
	_ =	strace $0x9FFFFFFF  }
0xd1: {  	(tm) =	ssettm $0x7FFFFFFF  }
tec
execute0_lowered:
.L_overlay_start_1:
0x0: {  	(tag) =	ssettag $0x1  }
0x1: {  	s0 =	rddreg [dreg:$0x0]  }
0x2: {  	s1 =	rddreg [dreg:$0x1];
	s2 =	simm.s32 $0x0  }
0x3: {  	s5 =	srdreg.scid;
	s12 =	stileid.u32;
	s15 =	simm.s32 $0x9  }
0x4: {  	s17 =	simm.s32 $0x100;
	s18 =	simm.s32 $0x4100;
	s19 =	simm.s32 $0x1  }
0x5: {  	s20 =	simm.s32 $0x2;
	s21 =	simm.s32 $0x3;
	s22 =	simm.s32 $0x4  }
0x6: {  	s23 =	simm.s32 $0x0;
	[smem:$0x7FF] =	sst s2;
	s3 =	sadd.s32 $0x8A00, s0  }
0x7: {  	s6 =	sadd.s32 $0x7A00, s0;
	s4 =	sadd.s32 $0xBA00, s0;
	s5 =	sand.u32 $0x1, s5  }
0x8: {  	s7 =	sshll.u32 s12, $0xC;
	s14 =	sshll.u32 s12, $0x1;
	s29 =	sshll.u32 s12, $0x5  }
0x9: {  	p0 =	sgt.u32 s12, $0xC;
	_ =	strace $0x8000004D;
	s8 =	ssub.s32 $0x2, s5  }
0xa: {  	s0 =	sadd.s32 s7, s0;
	s9 =	sor.u32 s5, s14;
	s28 =	sshll.u32 s5, $0xB  }
0xb: {  	s11 =	sshll.u32 s5, $0x4;
	s30 =	sadd.s32 s29, s6;
	s31 =	sadd.s32 s29, s3  }
0xc: {  	s14 =	sor.u32 $0xFFFFFFE0, s14;
	s26 =	sshll.u32 s9, $0x4;
	[dreg:$0x6] =	wrdreg s30  }
0xd: {  	s25 =	sshrl.u32 s8, $0x1;
	[dreg:$0x7] =	wrdreg s31;
	s10 =	sadd.s32 s3, s26  }
0xe: {  	s7 =	ssub.s32 s8, s25;
	s8 =	sadd.s32 s6, s26;
	[dreg:$0x3] =	wrdreg s10  }
0xf: {  	s0 =	sadd.s32 s28, s0;
	[dreg:$0x4] =	wrdreg s8;
	s7 =	smax.u32 s7, $0x1  }
0x10: {  	s9 =	sadd.s32 $0x2A3C00, s0;
	s10 =	sadd.s32 $0x226C00, s0;
	[dreg:$0x5] =	wrdreg s7  }
.LBB2_1:
0x11: {  	s0 =	rddreg [dreg:$0x3]  }
0x12: {  	[tilespmem:s2], [sflag:$0x9] =	stream.linear.gather [hbm4b:s0+s2], $0x80, $0x38;
	[tilespmem:$0x10200] =	vst v63  }
0x13: {  	_ =	swait.ge [sflag:s15], $0x80  }
0x14: {  	[sflag:s15] =	ssyncset.done $0x0  }
0x15: {  	s3 =	simm.s32 $0x80;
	s13 =	rddreg [dreg:$0x4];
	[sflag:s15] =	ssyncadd.s32 $0xFFFFFF80  }
0x16: {  	[tilespmem:s3], [sflag:$0x9] =	stream.linear.gather [hbm4b:s13+s2], $0x80, $0x38;
	[tilespmem:$0x10200] =	vst v63  }
0x17: {  	_ =	swait.ge [sflag:s15], $0x80  }
0x18: {  	[sflag:s15] =	ssyncset.done $0x0  }
0x19: {  	p2 =	sgt.u32 s14, $0xF9;
	[sflag:s15] =	ssyncadd.s32 $0xFFFFFF80  }
0x1a: {  	[tilespmem:s17], [sflag:$0x1] =	stream.indirect.gather [hbm4b:s1+s3], $0x80, s3, s3, $0xb8;
	[tilespmem:$0x10200] =	vst v63  }
0x1b: {  	s0 =	simm.s32 @!p2 $0x7  }
0x1c: {  	[tilespmem:s18], [sflag:$0x2] =	stream.indirect.gather [hbm4b:s4+s3], $0x80, s2, s3, $0xb8;
	[tilespmem:$0x10200] =	vst v63  }
0x1d: {  	_ =	swait.ge @!p2 [sflag:s0], $0x4000  }
0x1e: {  	s16 =	sadd.s32 s14, s5;
	[sflag:s0] =	ssyncset.done @!p2 $0x0  }
0x1f: {  	s6 =	sadd.s32 $0x40, s16;
	s7 =	simm.s32 @!p2 $0x8;
	[sflag:s0] =	ssyncadd.s32 @!p2 $0xFFFFC000  }
0x20: {  	p1 =	sgt.u32 s6, $0xF9;
	_ =	swait.ge @!p2 [sflag:s7], $0x4000  }
0x21: {  	s25 =	simm.s32 @!p1 $0x0;
	s13 =	rddreg [dreg:$0x7]  }
0x22: {  	s6 =	simm.s32 @!p1 $0x8100;
	[sflag:s7] =	ssyncset.done @!p2 $0x0;
	s0 =	sadd.s32 @!p1 s13, s11  }
0x23: {  	[sflag:s7] =	ssyncadd.s32 @!p2 $0xFFFFC000;
	s7 =	simm.s32 @!p1 $0x9;
	s0 =	sadd.s32 @!p1 $0x200, s0  }
0x24: {  	[tilespmem:s6], [sflag:$0x9] =	stream.linear.gather @!p1 [hbm4b:s0+s25], $0x80, $0x38;
	[tilespmem:$0x10200] =	vst v63  }
0x25: {  	_ =	swait.ge @!p1 [sflag:s7], $0x80  }
0x26: {  	s12 =	rddreg [dreg:$0x6]  }
0x27: {  	[sflag:s7] =	ssyncset.done @!p1 $0x0;
	s0 =	sadd.s32 @!p1 s12, s11  }
0x28: {  	s8 =	simm.s32 @!p1 $0x8180;
	[sflag:s7] =	ssyncadd.s32 @!p1 $0xFFFFFF80;
	s0 =	sadd.s32 @!p1 $0x200, s0  }
0x29: {  	[tilespmem:s8], [sflag:$0x9] =	stream.linear.gather @!p1 [hbm4b:s0+s25], $0x80, $0x38;
	[tilespmem:$0x10200] =	vst v63  }
0x2a: {  	_ =	swait.ge @!p1 [sflag:s7], $0x80  }
0x2b: {  	[sflag:s7] =	ssyncset.done @!p1 $0x0  }
0x2c: {  	s24 =	simm.s32 @!p1 $0x80;
	s0 =	simm.s32 @!p1 $0x8200;
	[sflag:s7] =	ssyncadd.s32 @!p1 $0xFFFFFF80  }
0x2d: {  	[tilespmem:s0], [sflag:$0x5] =	stream.indirect.gather @!p1 [hbm4b:s1+s24], $0x80, s8, s24, $0xb8;
	[tilespmem:$0x10200] =	vst v63  }
0x2e: {  	s31 =	simm.s32 @!p1 $0xC200  }
0x2f: {  	[tilespmem:s31], [sflag:$0x6] =	stream.indirect.gather @!p1 [hbm4b:s4+s24], $0x80, s6, s24, $0xb8;
	[tilespmem:$0x10200] =	vst v63  }
0x30: {  	_ =	swait.ge [sflag:s19], $0x4000  }
0x31: {  	[sflag:s19] =	ssyncset.done $0x0  }
0x32: {  	[sflag:s19] =	ssyncadd.s32 $0xFFFFC000  }
0x33: {  	_ =	swait.ge [sflag:s20], $0x4000  }
0x34: {  	[sflag:s20] =	ssyncset.done $0x0  }
0x35: {  	s24 =	sadd.s32 $0x0, s10;
	[sflag:s20] =	ssyncadd.s32 $0xFFFFC000  }
0x36: {  	[hbm4b:s24+s2] =	stream.linear.scatter [tilespmem:s17], [sflag:$0x3], $0x4000, $0x38;
	[tilespmem:$0x10200] =	vst v63  }
0x37: {  	s26 =	sadd.s32 $0x0, s9  }
0x38: {  	[hbm4b:s26+s2] =	stream.linear.scatter [tilespmem:s18], [sflag:$0x4], $0x4000, $0x38;
	[tilespmem:$0x10200] =	vst v63  }
0x39: {  	_ =	swait.ge [sflag:s21], $0x4000  }
0x3a: {  	s3 =	sadd.s32 $0x60, s16;
	[sflag:s21] =	ssyncset.done $0x0  }
0x3b: {  	p2 =	sgt.u32 s3, $0xF9;
	[sflag:s21] =	ssyncadd.s32 $0xFFFFC000  }
0x3c: {  	s3 =	sadd.s32 @!p2 s13, s11;
	_ =	swait.ge [sflag:s22], $0x4000  }
0x3d: {  	s3 =	sadd.s32 @!p2 $0x400, s3;
	[sflag:s22] =	ssyncset.done $0x0  }
0x3e: {  	s7 =	simm.s32 @!p2 $0x9;
	s6 =	simm.s32 @!p2 $0x0;
	[sflag:s22] =	ssyncadd.s32 $0xFFFFC000  }
0x3f: {  	[tilespmem:s6], [sflag:$0x9] =	stream.linear.gather @!p2 [hbm4b:s3+s6], $0x80, $0x38;
	[tilespmem:$0x10200] =	vst v63  }
0x40: {  	_ =	swait.ge @!p2 [sflag:s7], $0x80  }
0x41: {  	s3 =	sadd.s32 @!p2 s12, s11;
	[sflag:s7] =	ssyncset.done @!p2 $0x0  }
0x42: {  	s8 =	simm.s32 @!p2 $0x80;
	s3 =	sadd.s32 @!p2 $0x400, s3;
	[sflag:s7] =	ssyncadd.s32 @!p2 $0xFFFFFF80  }
0x43: {  	[tilespmem:s8], [sflag:$0x9] =	stream.linear.gather @!p2 [hbm4b:s3+s6], $0x80, $0x38;
	[tilespmem:$0x10200] =	vst v63  }
0x44: {  	_ =	swait.ge @!p2 [sflag:s7], $0x80  }
0x45: {  	[sflag:s7] =	ssyncset.done @!p2 $0x0  }
0x46: {  	s3 =	simm.s32 @!p2 $0x100;
	[sflag:s7] =	ssyncadd.s32 @!p2 $0xFFFFFF80  }
0x47: {  	[tilespmem:s3], [sflag:$0x1] =	stream.indirect.gather @!p2 [hbm4b:s1+s8], $0x80, s8, s8, $0xb8;
	[tilespmem:$0x10200] =	vst v63  }
0x48: {  	s7 =	simm.s32 @!p1 $0x5;
	s3 =	simm.s32 @!p2 $0x4100  }
0x49: {  	[tilespmem:s3], [sflag:$0x2] =	stream.indirect.gather @!p2 [hbm4b:s4+s8], $0x80, s6, s8, $0xb8;
	[tilespmem:$0x10200] =	vst v63  }
0x4a: {  	s30 =	sadd.s32 $0x40, s14;
	_ =	swait.ge @!p1 [sflag:s7], $0x4000  }
0x4b: {  	s29 =	simm.s32 $0x40000;
	p3 =	sgt.u32 s30, $0xF9;
	[sflag:s7] =	ssyncset.done @!p1 $0x0  }
0x4c: {  	s28 =	sadd.s32 $0x400, s13;
	s8 =	simm.s32 @!p1 $0x6;
	[sflag:s7] =	ssyncadd.s32 @!p1 $0xFFFFC000  }
0x4d: {  	s24 =	simm.s32 $0x20000;
	s26 =	sadd.s32 $0x400, s12;
	_ =	swait.ge @!p1 [sflag:s8], $0x4000  }
0x4e: {  	s3 =	sadd.s32 @!p1 $0x0, s10;
	s6 =	sadd.s32 @!p1 $0x0, s9;
	[sflag:s8] =	ssyncset.done @!p1 $0x0  }
0x4f: {  	s3 =	sadd.s32 @!p1 $0x10000, s3;
	s6 =	sadd.s32 @!p1 $0x10000, s6;
	[sflag:s8] =	ssyncadd.s32 @!p1 $0xFFFFC000  }
.LBB2_2:
0x50: {  	[hbm4b:s3+s25] =	stream.linear.scatter @!p1 [tilespmem:s0], [sflag:$0x7], $0x4000, $0x38;
	[tilespmem:$0x10200] =	vst v63  }
0x51: {  	s0 =	simm.s32 @!p3 $0x7;
	s7 =	smov.u32 s29;
	s29 =	sadd.s32 $0x20000, s29  }
0x52: {  	[hbm4b:s6+s25] =	stream.linear.scatter @!p1 [tilespmem:s31], [sflag:$0x8], $0x4000, $0x38;
	[tilespmem:$0x10200] =	vst v63  }
0x53: {  	s3 =	sadd.s32 s30, s5;
	p2 =	sne.s32 s29, $0x80000;
	_ =	swait.ge @!p3 [sflag:s0], $0x4000  }
0x54: {  	s8 =	sadd.s32 $0x40, s3;
	s6 =	simm.s32 @!p3 $0x8;
	[sflag:s0] =	ssyncset.done @!p3 $0x0  }
0x55: {  	p1 =	sgt.u32 s8, $0xF9;
	s8 =	sadd.s32 $0x60, s3;
	[sflag:s0] =	ssyncadd.s32 @!p3 $0xFFFFC000  }
0x56: {  	s25 =	simm.s32 @!p1 $0x0;
	s0 =	sadd.s32 @!p1 s28, s11;
	_ =	swait.ge @!p3 [sflag:s6], $0x4000  }
0x57: {  	s16 =	simm.s32 @!p1 $0x8100;
	s0 =	sadd.s32 @!p1 $0x200, s0;
	[sflag:s6] =	ssyncset.done @!p3 $0x0  }
0x58: {  	s31 =	simm.s32 @!p1 $0x9;
	s3 =	sadd.s32 @!p1 s26, s11;
	[sflag:s6] =	ssyncadd.s32 @!p3 $0xFFFFC000  }
0x59: {  	[tilespmem:s16], [sflag:$0x9] =	stream.linear.gather @!p1 [hbm4b:s0+s25], $0x80, $0x38;
	[tilespmem:$0x10200] =	vst v63  }
0x5a: {  	s0 =	sadd.s32 @!p1 $0x200, s3;
	s3 =	sadd.s32 @!p1 s24, s10;
	_ =	swait.ge @!p1 [sflag:s31], $0x80  }
0x5b: {  	s12 =	simm.s32 @!p1 $0x8180;
	s3 =	sadd.s32 @!p1 $0x10000, s3;
	[sflag:s31] =	ssyncset.done @!p1 $0x0  }
0x5c: {  	s6 =	sadd.s32 @!p1 s24, s9;
	[sflag:s31] =	ssyncadd.s32 @!p1 $0xFFFFFF80  }
0x5d: {  	[tilespmem:s12], [sflag:$0x9] =	stream.linear.gather @!p1 [hbm4b:s0+s25], $0x80, $0x38;
	[tilespmem:$0x10200] =	vst v63  }
0x5e: {  	s6 =	sadd.s32 @!p1 $0x10000, s6;
	_ =	swait.ge @!p1 [sflag:s31], $0x80  }
0x5f: {  	s13 =	simm.s32 @!p1 $0x80;
	s0 =	simm.s32 @!p1 $0x8200;
	[sflag:s31] =	ssyncset.done @!p1 $0x0  }
0x60: {  	[sflag:s31] =	ssyncadd.s32 @!p1 $0xFFFFFF80;
	s31 =	simm.s32 @!p1 $0xC200  }
0x61: {  	[tilespmem:s0], [sflag:$0x5] =	stream.indirect.gather @!p1 [hbm4b:s1+s13], $0x80, s12, s13, $0xb8;
	[tilespmem:$0x10200] =	vst v63  }
0x62: {  	_ = 	snop  }
0x63: {  	[tilespmem:s31], [sflag:$0x6] =	stream.indirect.gather @!p1 [hbm4b:s4+s13], $0x80, s16, s13, $0xb8;
	[tilespmem:$0x10200] =	vst v63  }
0x64: {  	_ =	swait.ge [sflag:s19], $0x4000  }
0x65: {  	[sflag:s19] =	ssyncset.done $0x0  }
0x66: {  	[sflag:s19] =	ssyncadd.s32 $0xFFFFC000  }
0x67: {  	_ =	swait.ge [sflag:s20], $0x4000  }
0x68: {  	s12 =	sadd.s32 s24, s10;
	[sflag:s20] =	ssyncset.done $0x0  }
0x69: {  	s13 =	sadd.s32 s24, s9;
	s24 =	smov.u32 s7;
	[sflag:s20] =	ssyncadd.s32 $0xFFFFC000  }
0x6a: {  	[hbm4b:s12+s2] =	stream.linear.scatter [tilespmem:s17], [sflag:$0x3], $0x4000, $0x38;
	[tilespmem:$0x10200] =	vst v63  }
0x6b: {  	_ = 	snop  }
0x6c: {  	[hbm4b:s13+s2] =	stream.linear.scatter [tilespmem:s18], [sflag:$0x4], $0x4000, $0x38;
	[tilespmem:$0x10200] =	vst v63  }
0x6d: {  	_ =	swait.ge [sflag:s21], $0x4000  }
0x6e: {  	[sflag:s21] =	ssyncset.done $0x0  }
0x6f: {  	p3 =	sgt.u32 s8, $0xF9;
	[sflag:s21] =	ssyncadd.s32 $0xFFFFC000  }
0x70: {  	s8 =	sadd.s32 @!p3 s26, s11;
	s7 =	sadd.s32 @!p3 s28, s11;
	_ =	swait.ge [sflag:s22], $0x4000  }
0x71: {  	s7 =	sadd.s32 @!p3 $0x400, s7;
	s12 =	simm.s32 @!p3 $0x0;
	[sflag:s22] =	ssyncset.done $0x0  }
0x72: {  	s8 =	sadd.s32 @!p3 $0x400, s8;
	s13 =	simm.s32 @!p3 $0x9;
	[sflag:s22] =	ssyncadd.s32 $0xFFFFC000  }
0x73: {  	[tilespmem:s12], [sflag:$0x9] =	stream.linear.gather @!p3 [hbm4b:s7+s12], $0x80, $0x38;
	[tilespmem:$0x10200] =	vst v63  }
0x74: {  	_ =	swait.ge @!p3 [sflag:s13], $0x80  }
0x75: {  	s7 =	simm.s32 @!p3 $0x80;
	[sflag:s13] =	ssyncset.done @!p3 $0x0  }
0x76: {  	[sflag:s13] =	ssyncadd.s32 @!p3 $0xFFFFFF80  }
0x77: {  	[tilespmem:s7], [sflag:$0x9] =	stream.linear.gather @!p3 [hbm4b:s8+s12], $0x80, $0x38;
	[tilespmem:$0x10200] =	vst v63  }
0x78: {  	_ =	swait.ge @!p3 [sflag:s13], $0x80  }
0x79: {  	s8 =	simm.s32 @!p3 $0x100;
	[sflag:s13] =	ssyncset.done @!p3 $0x0  }
0x7a: {  	[sflag:s13] =	ssyncadd.s32 @!p3 $0xFFFFFF80;
	s13 =	simm.s32 @!p3 $0x4100  }
0x7b: {  	[tilespmem:s8], [sflag:$0x1] =	stream.indirect.gather @!p3 [hbm4b:s1+s7], $0x80, s7, s7, $0xb8;
	[tilespmem:$0x10200] =	vst v63  }
0x7c: {  	s8 =	simm.s32 @!p1 $0x5  }
0x7d: {  	[tilespmem:s13], [sflag:$0x2] =	stream.indirect.gather @!p3 [hbm4b:s4+s7], $0x80, s12, s7, $0xb8;
	[tilespmem:$0x10200] =	vst v63  }
0x7e: {  	_ =	swait.ge @!p1 [sflag:s8], $0x4000  }
.Ltmp0:
0x7f: {  	s7 =	simm.s32 @!p1 $0x6;
	[sflag:s8] =	ssyncset.done @!p1 $0x0;
	(pc) =	sbr.rel @p2 .LBB2_2-.Ltmp0, $4  }
0x80: {  	[sflag:s8] =	ssyncadd.s32 @!p1 $0xFFFFC000  }
0x81: {  	s30 =	sadd.s32 $0x40, s30;
	_ =	swait.ge @!p1 [sflag:s7], $0x4000  }
0x82: {  	p3 =	sgt.u32 s30, $0xF9;
	[sflag:s7] =	ssyncset.done @!p1 $0x0  }
0x83: {  	s26 =	sadd.s32 $0x400, s26;
	s28 =	sadd.s32 $0x400, s28;
	[sflag:s7] =	ssyncadd.s32 @!p1 $0xFFFFC000  }
0x84: {  	[hbm4b:s3+s25] =	stream.linear.scatter @!p1 [tilespmem:s0], [sflag:$0x7], $0x4000, $0x38;
	[tilespmem:$0x10200] =	vst v63  }
0x85: {  	s0 =	simm.s32 @!p3 $0x7  }
0x86: {  	[hbm4b:s6+s25] =	stream.linear.scatter @!p1 [tilespmem:s31], [sflag:$0x8], $0x4000, $0x38;
	[tilespmem:$0x10200] =	vst v63  }
0x87: {  	s16 =	sadd.s32 s30, s5;
	_ =	swait.ge @!p3 [sflag:s0], $0x4000  }
0x88: {  	s25 =	sadd.s32 $0x40, s16;
	[sflag:s0] =	ssyncset.done @!p3 $0x0  }
0x89: {  	s7 =	simm.s32 @!p3 $0x8;
	p1 =	sgt.u32 s25, $0xF9;
	[sflag:s0] =	ssyncadd.s32 @!p3 $0xFFFFC000  }
0x8a: {  	s6 =	sadd.s32 @!p1 s28, s11;
	_ =	swait.ge @!p3 [sflag:s7], $0x4000  }
0x8b: {  	s8 =	simm.s32 @!p1 $0x8100;
	s0 =	simm.s32 @!p1 $0x0;
	[sflag:s7] =	ssyncset.done @!p3 $0x0  }
0x8c: {  	s6 =	sadd.s32 @!p1 $0x200, s6;
	[sflag:s7] =	ssyncadd.s32 @!p3 $0xFFFFC000;
	s7 =	simm.s32 @!p1 $0x9  }
0x8d: {  	[tilespmem:s8], [sflag:$0x9] =	stream.linear.gather @!p1 [hbm4b:s6+s0], $0x80, $0x38;
	[tilespmem:$0x10200] =	vst v63  }
0x8e: {  	_ =	swait.ge @!p1 [sflag:s7], $0x80  }
0x8f: {  	s6 =	sadd.s32 @!p1 s26, s11;
	[sflag:s7] =	ssyncset.done @!p1 $0x0  }
0x90: {  	s12 =	simm.s32 @!p1 $0x8180;
	s6 =	sadd.s32 @!p1 $0x200, s6;
	[sflag:s7] =	ssyncadd.s32 @!p1 $0xFFFFFF80  }
0x91: {  	[tilespmem:s12], [sflag:$0x9] =	stream.linear.gather @!p1 [hbm4b:s6+s0], $0x80, $0x38;
	[tilespmem:$0x10200] =	vst v63  }
0x92: {  	_ =	swait.ge @!p1 [sflag:s7], $0x80  }
0x93: {  	[sflag:s7] =	ssyncset.done @!p1 $0x0  }
0x94: {  	s6 =	simm.s32 @!p1 $0x80;
	[sflag:s7] =	ssyncadd.s32 @!p1 $0xFFFFFF80;
	s7 =	simm.s32 @!p1 $0x8200  }
0x95: {  	[tilespmem:s7], [sflag:$0x5] =	stream.indirect.gather @!p1 [hbm4b:s1+s6], $0x80, s12, s6, $0xb8;
	[tilespmem:$0x10200] =	vst v63  }
0x96: {  	s12 =	simm.s32 @!p1 $0xC200  }
0x97: {  	[tilespmem:s12], [sflag:$0x6] =	stream.indirect.gather @!p1 [hbm4b:s4+s6], $0x80, s8, s6, $0xb8;
	[tilespmem:$0x10200] =	vst v63  }
0x98: {  	_ =	swait.ge [sflag:s19], $0x4000  }
0x99: {  	[sflag:s19] =	ssyncset.done $0x0  }
0x9a: {  	[sflag:s19] =	ssyncadd.s32 $0xFFFFC000  }
0x9b: {  	_ =	swait.ge [sflag:s20], $0x4000  }
0x9c: {  	[sflag:s20] =	ssyncset.done $0x0  }
0x9d: {  	s29 =	sadd.s32 s24, s10;
	[sflag:s20] =	ssyncadd.s32 $0xFFFFC000  }
0x9e: {  	[hbm4b:s29+s2] =	stream.linear.scatter [tilespmem:s17], [sflag:$0x3], $0x4000, $0x38;
	[tilespmem:$0x10200] =	vst v63  }
0x9f: {  	s30 =	sadd.s32 s24, s9  }
0xa0: {  	[hbm4b:s30+s2] =	stream.linear.scatter [tilespmem:s18], [sflag:$0x4], $0x4000, $0x38;
	[tilespmem:$0x10200] =	vst v63  }
0xa1: {  	_ =	swait.ge [sflag:s21], $0x4000  }
0xa2: {  	s3 =	sadd.s32 $0x60, s16;
	[sflag:s21] =	ssyncset.done $0x0  }
0xa3: {  	p2 =	sgt.u32 s3, $0xF9;
	[sflag:s21] =	ssyncadd.s32 $0xFFFFC000  }
0xa4: {  	s3 =	sadd.s32 @!p2 s28, s11;
	_ =	swait.ge [sflag:s22], $0x4000  }
0xa5: {  	s3 =	sadd.s32 @!p2 $0x400, s3;
	[sflag:s22] =	ssyncset.done $0x0  }
0xa6: {  	s6 =	simm.s32 @!p2 $0x0;
	s8 =	simm.s32 @!p2 $0x9;
	[sflag:s22] =	ssyncadd.s32 $0xFFFFC000  }
0xa7: {  	[tilespmem:s6], [sflag:$0x9] =	stream.linear.gather @!p2 [hbm4b:s3+s6], $0x80, $0x38;
	[tilespmem:$0x10200] =	vst v63  }
0xa8: {  	_ =	swait.ge @!p2 [sflag:s8], $0x80  }
0xa9: {  	s3 =	sadd.s32 @!p2 s26, s11;
	[sflag:s8] =	ssyncset.done @!p2 $0x0  }
0xaa: {  	s13 =	simm.s32 @!p2 $0x80;
	s3 =	sadd.s32 @!p2 $0x400, s3;
	[sflag:s8] =	ssyncadd.s32 @!p2 $0xFFFFFF80  }
0xab: {  	[tilespmem:s13], [sflag:$0x9] =	stream.linear.gather @!p2 [hbm4b:s3+s6], $0x80, $0x38;
	[tilespmem:$0x10200] =	vst v63  }
0xac: {  	_ =	swait.ge @!p2 [sflag:s8], $0x80  }
0xad: {  	[sflag:s8] =	ssyncset.done @!p2 $0x0  }
0xae: {  	s3 =	simm.s32 @!p2 $0x100;
	[sflag:s8] =	ssyncadd.s32 @!p2 $0xFFFFFF80  }
0xaf: {  	[tilespmem:s3], [sflag:$0x1] =	stream.indirect.gather @!p2 [hbm4b:s1+s13], $0x80, s13, s13, $0xb8;
	[tilespmem:$0x10200] =	vst v63  }
0xb0: {  	s3 =	simm.s32 @!p2 $0x4100  }
0xb1: {  	[tilespmem:s3], [sflag:$0x2] =	stream.indirect.gather @!p2 [hbm4b:s4+s13], $0x80, s6, s13, $0xb8;
	[tilespmem:$0x10200] =	vst v63  }
0xb2: {  	s3 =	simm.s32 @!p1 $0x5  }
0xb3: {  	_ =	swait.ge @!p1 [sflag:s3], $0x4000  }
0xb4: {  	[sflag:s3] =	ssyncset.done @!p1 $0x0  }
0xb5: {  	s6 =	simm.s32 @!p1 $0x6;
	[sflag:s3] =	ssyncadd.s32 @!p1 $0xFFFFC000  }
0xb6: {  	_ =	swait.ge @!p1 [sflag:s6], $0x4000  }
0xb7: {  	s3 =	sadd.s32 @!p1 s24, s10;
	[sflag:s6] =	ssyncset.done @!p1 $0x0  }
0xb8: {  	s3 =	sadd.s32 @!p1 $0x10000, s3;
	[sflag:s6] =	ssyncadd.s32 @!p1 $0xFFFFC000  }
0xb9: {  	[hbm4b:s3+s0] =	stream.linear.scatter @!p1 [tilespmem:s7], [sflag:$0x7], $0x4000, $0x38;
	[tilespmem:$0x10200] =	vst v63  }
0xba: {  	s3 =	sadd.s32 @!p1 s24, s9  }
0xbb: {  	s3 =	sadd.s32 @!p1 $0x10000, s3  }
0xbc: {  	[hbm4b:s3+s0] =	stream.linear.scatter @!p1 [tilespmem:s12], [sflag:$0x8], $0x4000, $0x38;
	[tilespmem:$0x10200] =	vst v63  }
0xbd: {  	s0 =	simm.s32 @!p0 $0x7  }
0xbe: {  	_ =	swait.ge @!p0 [sflag:s0], $0x4000  }
0xbf: {  	[sflag:s0] =	ssyncset.done @!p0 $0x0  }
0xc0: {  	[sflag:s0] =	ssyncadd.s32 @!p0 $0xFFFFC000;
	s0 =	simm.s32 @!p0 $0x8  }
0xc1: {  	_ =	swait.ge @!p0 [sflag:s0], $0x4000  }
0xc2: {  	s23 =	sadd.s32 $0x1, s23;
	s31 =	rddreg [dreg:$0x5]  }
0xc3: {  	p1 =	sne.s32 s23, s31  }
.Ltmp1:
0xc4: {  	_ = 	snop;
	(pc) =	sbr.rel @p1 .LBB2_1-.Ltmp1, $3  }
0xc5: {  	_ =	sdelay $0x1  }
0xc6: {  	[sflag:s0] =	ssyncset.done @!p0 $0x0  }
0xc7: {  	[sflag:s0] =	ssyncadd.s32 @!p0 $0xFFFFC000  }
0xc8: {  	_ =	sfence.sel $0x180000  }
0xc9: {  	[bflag:$0x0] =	sbarrier.arrive $0xFFFF  }
0xca: {  	_ =	strace $0x9000004D  }
0xcb: {  	s0 =	stileid.u32;
	[bflag:$0x2] =	sbarrier.arrive $0xFFFF  }
0xcc: {  	p0 =	sne.s32 s0, $0x0;
	s0 =	rddreg [dreg:$0x2]  }
0xcd: {  	s0 =	sadd.s32 @!p0 $0x100000, s0  }
0xce: {  	[sflag:s0] =	ssyncadd.tile.s32 @!p0 $0x1;
	_ =	shalt  }
.Lfunc_end2:
_tile_overlayer_lowered:
.L_overlay_start_2:
0xcf: {  	(tag) =	ssettag $0x2  }
0xd0: {  	s0 =	rddreg [dreg:$0x0];
	s2 =	stileid.u32  }
0xd1: {  	s1 =	rddreg [dreg:$0x1];
	p0 =	sne.s32 s2, $0x0  }
0xd2: {  	s3 =	rddreg [dreg:$0x2];
	[bflag:$0x3] =	sbarrier.arrive $0xFFFF;
	s2 =	simm.s32 @!p0 $0x1C09  }
0xd3: {  	[timem:s3], [sflag:s2] =	dma.local @!p0 [hbm:s0], s1  }
0xd4: {  	s0 =	simm.s32 @!p0 $0x9  }
0xd5: {  	_ =	swait.ge @!p0 [sflag:s0], s1  }
0xd6: {  	s1 =	ssub.s32 @!p0 $0x0, s1;
	[sflag:s0] =	ssyncset.done @!p0 $0x0  }
0xd7: {  	[sflag:s0] =	ssyncadd.s32 @!p0 s1  }
0xd8: {  	[bflag:$0x3] =	sbarrier.arrive $0xFFFF  }
0xd9: {  	_ =	shalt  }

// kernel: kernel.22.cloned.1.call-start
scs
__scs_entry_jumppad:
0x0: {  	(pc) =	sbr.rel $0x88, $3  }
0x1: {  	(tag) =	ssettag $0x0;
	lr =	simm.s32 $0x1  }
0x2: {  	[smem:$0x3F92] =	sst lr;
	_ =	strace $0xD0000000  }
0x3: {  	_ = 	snop  }
0x4: {  	_ = 	snop  }
0x5: {  	_ = 	snop  }
0x6: {  	_ = 	snop  }
0x7: {  	_ = 	snop  }
__scs_overlays_trampoline_lowered:
0x8: {  	[smem:$0x3FA1] =	sst s0  }
0x9: {  	[smem:$0x3FA2] =	sst s1  }
0xa: {  	[smem:$0x3FA3] =	sst s2  }
0xb: {  	[smem:$0x3FA4] =	sst s3  }
0xc: {  	[smem:$0x3FA5] =	sst s4  }
0xd: {  	[smem:$0x3FA6] =	sst s5  }
0xe: {  	[smem:$0x3FA7] =	sst s6  }
0xf: {  	[smem:$0x3FA8] =	sst s7  }
0x10: {  	[smem:$0x3FA9] =	sst s8  }
0x11: {  	[smem:$0x3FAA] =	sst s9;
	s0 =	simm.s32 @!p0 $0x0  }
0x12: {  	s1 =	sld [smem:$0x3F90];
	s0 =	simm.s32 @p0 $0x1  }
0x13: {  	[smem:$0x3FAB] =	sst s0;
	s0 =	simm.s32 @!p1 $0x0  }
0x14: {  	s2 =	sld [smem:$0x3F8F];
	s0 =	simm.s32 @p1 $0x1  }
0x15: {  	[smem:$0x3FAC] =	sst s0;
	s0 =	simm.s32 @!p2 $0x0  }
0x16: {  	s3 =	sld [smem:$0x3FDB];
	s0 =	simm.s32 @p2 $0x1  }
0x17: {  	s4 =	simm.s32 $0x1BF5;
	[smem:$0x3FAE] =	sst s0  }
0x18: {  	s0 =	sld [smem:$0x3F91];
	_ =	swait.ge [sflag:s4], $0x0  }
0x19: {  	s7 =	sld [smem:$0x3F92]  }
0x1a: {  	s8 =	sadd.s32 $0xFFFFE003, lr  }
0x1b: {  	s9 =	sadd.s32 $0xFFFFFEF7, lr;
	s5 =	simm.s32 $0xFFFFFFFF;
	p2 =	slt.u32 s8, $0xFFFFF086  }
0x1c: {  	p1 =	slt.u32 s9, $0xF7A;
	s5 =	simm.s32 @!p2 $0x0  }
0x1d: {  	s5 =	simm.s32 @p1 $0x1;
	p0 =	seq.s32 s7, s2  }
0x1e: {  	s7 =	smul.u32 @!p0 $0xF7A, s2;
	p2 =	seq.s32 @!p0 s5, $0x0  }
0x1f: {  	s9 =	smul.u32 $0xF7A, s1;
	s8 =	simm.s32 @!p0 $0x1BF5;
	p2 =	por !p2, p0  }
0x20: {  	[sflag:s8] =	ssyncset.s32 @!p0 $0xFFFFF086;
	s6 =	sadd.s32 @!p0 s3, s7;
	s7 =	simm.s32 @!p0 $0x108  }
0x21: {  	s3 =	sadd.s32 s3, s9;
	s6 =	sadd.s32 @!p0 $0x88, s6;
	s7 =	simm.s32 @p2 $0x1082  }
0x22: {  	[simem:s7], [sflag:s8] =	dma.local @!p0 [hbm:s6], $0xF7A  }
0x23: {  	s9 =	sor.u32 $0xD0000000, s2;
	s6 =	simm.s32 $0x108;
	_ =	swait.ge @!p0 [sflag:s8], $0x0  }
0x24: {  	s3 =	sadd.s32 $0x88, s3;
	s6 =	simm.s32 @!p1 $0x1082;
	[sflag:s4] =	ssyncset.s32 $0xFFFFF086  }
0x25: {  	[simem:s6], [sflag:s4] =	dma.local [hbm:s3], $0xF7A  }
0x26: {  	[smem:$0x3F92] =	sst s1;
	(tag) =	ssettag s2;
	_ =	strace s9  }
0x27: {  	s1 =	sld [smem:$0x3FA2]  }
0x28: {  	s2 =	sld [smem:$0x3FA3]  }
0x29: {  	s4 =	sld [smem:$0x3FA5]  }
0x2a: {  	p0 =	seq.s32 s5, $0x0;
	s5 =	sld [smem:$0x3FA6]  }
0x2b: {  	s6 =	sld [smem:$0x3FA7]  }
0x2c: {  	s7 =	sld [smem:$0x3FA8]  }
0x2d: {  	s3 =	simm.s32 $0x108;
	s8 =	sld [smem:$0x3FA9]  }
0x2e: {  	s3 =	simm.s32 @!p0 $0x1082;
	s9 =	sld [smem:$0x3FAA]  }
0x2f: {  	lr =	sadd.s32 s0, s3;
	s0 =	sld [smem:$0x3FA1]  }
0x30: {  	s3 =	sld [smem:$0x3FA4]  }
0x31: {  	[smem:$0x3FAD] =	sst s10  }
0x32: {  	s10 =	sld [smem:$0x3FAB];
	_ =	sdelay $0x3  }
0x33: {  	p0 =	seq.s32 s10, $0x1;
	s10 =	sld [smem:$0x3FAD];
	_ =	sdelay $0x3  }
0x34: {  	[smem:$0x3FAD] =	sst s10  }
0x35: {  	s10 =	sld [smem:$0x3FAC];
	_ =	sdelay $0x3  }
0x36: {  	p1 =	seq.s32 s10, $0x1;
	s10 =	sld [smem:$0x3FAD];
	_ =	sdelay $0x3  }
0x37: {  	[smem:$0x3FAD] =	sst s10  }
0x38: {  	s10 =	sld [smem:$0x3FAE]  }
0x39: {  	_ = 	snop;
	(pc) =	sbr.ind lr, $3  }
0x3a: {  	_ = 	snop  }
0x3b: {  	_ = 	snop  }
0x3c: {  	p2 =	seq.s32 s10, $0x1;
	s10 =	sld [smem:$0x3FAD]  }
0x3d: {  	_ =	shalt  }
0x3e: {  	_ =	shalt  }
0x3f: {  	_ =	shalt  }
0x40: {  	_ =	shalt  }
0x41: {  	_ =	shalt  }
0x42: {  	_ =	shalt  }
0x43: {  	_ =	shalt  }
0x44: {  	_ =	shalt  }
0x45: {  	_ =	shalt  }
0x46: {  	_ =	shalt  }
0x47: {  	_ =	shalt  }
0x48: {  	_ =	shalt  }
0x49: {  	_ =	shalt  }
0x4a: {  	_ =	shalt  }
0x4b: {  	_ =	shalt  }
0x4c: {  	_ =	shalt  }
0x4d: {  	_ =	shalt  }
0x4e: {  	_ =	shalt  }
0x4f: {  	_ =	shalt  }
0x50: {  	_ =	shalt  }
0x51: {  	_ =	shalt  }
0x52: {  	_ =	shalt  }
0x53: {  	_ =	shalt  }
0x54: {  	_ =	shalt  }
0x55: {  	_ =	shalt  }
0x56: {  	_ =	shalt  }
0x57: {  	_ =	shalt  }
0x58: {  	_ =	shalt  }
0x59: {  	_ =	shalt  }
0x5a: {  	_ =	shalt  }
0x5b: {  	_ =	shalt  }
0x5c: {  	_ =	shalt  }
0x5d: {  	_ =	shalt  }
0x5e: {  	_ =	shalt  }
0x5f: {  	_ =	shalt  }
0x60: {  	_ =	shalt  }
0x61: {  	_ =	shalt  }
0x62: {  	_ =	shalt  }
0x63: {  	_ =	shalt  }
0x64: {  	_ =	shalt  }
0x65: {  	_ =	shalt  }
0x66: {  	_ =	shalt  }
0x67: {  	_ =	shalt  }
0x68: {  	_ =	shalt  }
0x69: {  	_ =	shalt  }
0x6a: {  	_ =	shalt  }
0x6b: {  	_ =	shalt  }
0x6c: {  	_ =	shalt  }
0x6d: {  	_ =	shalt  }
0x6e: {  	_ =	shalt  }
0x6f: {  	_ =	shalt  }
0x70: {  	_ =	shalt  }
0x71: {  	_ =	shalt  }
0x72: {  	_ =	shalt  }
0x73: {  	_ =	shalt  }
0x74: {  	_ =	shalt  }
0x75: {  	_ =	shalt  }
0x76: {  	_ =	shalt  }
0x77: {  	_ =	shalt  }
0x78: {  	_ =	shalt  }
0x79: {  	_ =	shalt  }
0x7a: {  	_ =	shalt  }
0x7b: {  	_ =	shalt  }
0x7c: {  	_ =	shalt  }
0x7d: {  	_ =	shalt  }
0x7e: {  	_ =	shalt  }
0x7f: {  	_ =	shalt  }
0x80: {  	_ =	shalt  }
0x81: {  	_ =	shalt  }
0x82: {  	_ =	shalt  }
0x83: {  	_ =	shalt  }
0x84: {  	_ =	shalt  }
0x85: {  	_ =	shalt  }
0x86: {  	_ =	shalt  }
0x87: {  	_ =	shalt  }
.Lfunc_end0:
.L_simem_size_0:
called_computation.3_lowered:
.L_overlay_start_0:
0x88: {  	s2 =	sld [smem:$0x3FD9]  }
0x89: {  	s3 =	sld [smem:$0x3FFE];
	_ =	sdelay $0x1  }
0x8a: {  	s1 =	srdreg.scid  }
0x8b: {  	s0 =	sand.u32 $0x1, s1  }
0x8c: {  	s17 =	sshll.u32 s0, $0xA;
	s2 =	sadd.s32 s3, s2  }
0x8d: {  	s2 =	sadd.s32 s2, s17  }
0x8e: {  	[smem:$0x3FB9] =	sst s2  }
0x8f: {  	_ = 	snop  }
0x90: {  	s18 =	sld [smem:$0x3FC8];
	(tm) =	ssettm $0x1  }
0x91: {  	s19 =	sld [smem:$0x3FFB];
	_ =	sdelay $0x3  }
0x92: {  	_ =	strace s19  }
0x93: {  	s2 =	sld [smem:$0x3FFC];
	_ =	sdelay $0x3  }
0x94: {  	_ =	strace s2  }
0x95: {  	s2 =	sld [smem:$0x3FFD];
	_ =	sdelay $0x3  }
0x96: {  	_ =	strace s2  }
0x97: {  	_ =	strace $0x8FFFFFFF  }
0x98: {  	s20 =	sld [smem:$0x3FDB];
	_ =	sdelay $0x1  }
0x99: {  	s4 =	simm.s32 $_scs_section_size  }
0x9a: {  	s5 =	simm.s32 $_size__tile_overlayer_lowered;
	s6 =	simm.s32 $_tile_overlayer_lowered  }
0x9b: {  	s7 =	simm.s32 $0x1BFF;
	s21 =	sshll.u32 s6, $0x1;
	s4 =	sadd.s32 s4, s20  }
0x9c: {  	s22 =	simm.s32 $0x0;
	s5 =	sshll.u32 s5, $0x1;
	s6 =	sadd.s32 s21, s4  }
0x9d: {  	[timem:s22], [sflag:s7] =	dma.local [hbm:s6], s5  }
0x9e: {  	_ =	swait.ge [sflag:s7], s5  }
0x9f: {  	s5 =	ssub.s32 $0x0, s5;
	[sflag:s7] =	ssyncset.done $0x0  }
0xa0: {  	[sflag:s7] =	ssyncadd.s32 s5;
	_ =	sdelay $0x1  }
0xa1: {  	s23 =	simm.s32 $0x1B8B  }
0xa2: {  	_ =	swait.ge [sflag:s23], $0x1  }
0xa3: {  	[sflag:s23] =	ssyncset.done $0x0  }
0xa4: {  	[sflag:s23] =	ssyncadd.s32 $0xFFFFFFFF  }
0xa5: {  	s5 =	sld [smem:$0x0]  }
0xa6: {  	s6 =	sand.u32 $0xFFFFFFFE, s1  }
0xa7: {  	p0 =	sne.s32 s1, s6  }
0xa8: {  	s6 =	sshll.u32 @p0 s6, $0xE  }
0xa9: {  	s6 =	sadd.s32 @p0 $0x11B8D, s6;
	s7 =	sshll.u32 @p0 s5, $0x11  }
0xaa: {  	s6 =	sor.u32 @p0 s7, s6  }
0xab: {  	[sflag:s6] =	ssyncadd.remote.s32 @p0 $0x1;
	_ =	sdelay $0x1  }
0xac: {  	s6 =	simm.s32 @p0 $0x1B8D  }
0xad: {  	_ =	swait.eq @p0 [sflag:s6], $0x1  }
0xae: {  	[sflag:s6] =	ssyncadd.s32 @p0 $0xFFFFFFFF  }
0xaf: {  	s7 =	sshll.u32 @!p0 s1, $0xE  }
0xb0: {  	s7 =	sor.u32 @!p0 $0x4000, s7;
	s6 =	simm.s32 @!p0 $0x1B8D  }
0xb1: {  	s5 =	sshll.u32 @!p0 s5, $0x11;
	s7 =	sadd.s32 @!p0 $0x11B8D, s7;
	_ =	swait.eq @!p0 [sflag:s6], $0x1  }
0xb2: {  	s5 =	sor.u32 @!p0 s5, s7;
	[sflag:s6] =	ssyncadd.s32 @!p0 $0xFFFFFFFF  }
0xb3: {  	s25 =	simm.s32 $0x1B8E;
	s24 =	sld [smem:$0x3FFE];
	[sflag:s5] =	ssyncadd.remote.s32 @!p0 $0x1  }
0xb4: {  	s26 =	simm.s32 $execute0_lowered;
	[smem:$0x3FD2] =	sst s25  }
0xb5: {  	s6 =	sshll.u32 s26, $0x1;
	_ =	strace $0x80000049;
	[dreg:$0x1] =	wrdreg $0xFFFFFFFF  }
0xb6: {  	s28 =	simm.s32 $_size_execute0_lowered;
	s4 =	sadd.s32 s4, s6;
	[dreg:$0x0] =	wrdreg $0x0  }
0xb7: {  	s6 =	sshll.u32 s28, $0x1;
	[dreg:$0x2] =	wrdreg s4  }
0xb8: {  	[dreg:$0x3] =	wrdreg s6  }
0xb9: {  	[dreg:$0x4] =	wrdreg $0xC0  }
0xba: {  	_ =	task [dreg:s22], $0x5FFFF  }
0xbb: {  	[dreg:$0x1] =	wrdreg $0xFFFFFFFF  }
0xbc: {  	[dreg:$0x0] =	wrdreg $0x60  }
0xbd: {  	[dreg:$0x2] =	wrdreg s24  }
0xbe: {  	[dreg:$0x3] =	wrdreg s18  }
0xbf: {  	[dreg:$0x4] =	wrdreg $0xC  }
0xc0: {  	_ =	task.clear_ibuf [dreg:s22], $0x5FFFF;
	_ =	strace $0x90000049  }
0xc1: {  	s29 =	simm.s32 $0xC;
	_ =	strace $0x8000004B  }
0xc2: {  	_ =	swait.ge [sflag:s29], $0x1  }
0xc3: {  	[sflag:s29] =	ssyncadd.s32 $0xFFFFFFFF  }
0xc4: {  	_ =	strace $0x9000004B  }
0xc5: {  	_ =	sfence  }
0xc6: {  	s30 =	sld [smem:$0x0];
	_ =	sdelay $0x2  }
0xc7: {  	s31 =	sshll.u32 s1, $0xD;
	s1 =	sshrl.u32 s1, $0x2  }
0xc8: {  	s4 =	sand.u32 $0x4000, s31;
	s1 =	sadd.s32 s1, s30  }
0xc9: {  	s0 =	sor.u32 s4, s0;
	s1 =	sshll.u32 s1, $0x11  }
0xca: {  	s0 =	sor.u32 s1, s0  }
0xcb: {  	s0 =	sadd.s32 $0x8F2B, s0  }
0xcc: {  	[sflag:s0] =	ssyncadd.remote.s32 $0x1  }
0xcd: {  	_ =	sfence.sel $0xFFFF  }
0xce: {  	[dreg:$0x0] =	wrdreg $0xFFFFFFFF;
	(pc) =	sbr.abs _section_cstart, $3  }
0xcf: {  	[dreg:$0x1] =	wrdreg $0xFFFFFFFF  }
0xd0: {  	_ =	task.clear_ibuf [dreg:s22], $0x2FFFF;
	_ =	strace $0x9FFFFFFF  }
0xd1: {  	(tm) =	ssettm $0x7FFFFFFF  }
tec
execute0_lowered:
.L_overlay_start_1:
0x0: {  	(tag) =	ssettag $0x1  }
0x1: {  	s0 =	rddreg [dreg:$0x0]  }
0x2: {  	s1 =	rddreg [dreg:$0x1];
	s2 =	simm.s32 $0x0  }
0x3: {  	s5 =	srdreg.scid;
	s12 =	stileid.u32;
	s15 =	simm.s32 $0x9  }
0x4: {  	s17 =	simm.s32 $0x100;
	s18 =	simm.s32 $0x4100;
	s19 =	simm.s32 $0x1  }
0x5: {  	s20 =	simm.s32 $0x2;
	s21 =	simm.s32 $0x3;
	s22 =	simm.s32 $0x4  }
0x6: {  	s23 =	simm.s32 $0x0;
	[smem:$0x7FF] =	sst s2;
	s3 =	sadd.s32 $0x6A00, s0  }
0x7: {  	s6 =	sadd.s32 $0x5A00, s0;
	s4 =	sadd.s32 $0xBA00, s0;
	s5 =	sand.u32 $0x1, s5  }
0x8: {  	s7 =	sshll.u32 s12, $0xC;
	s14 =	sshll.u32 s12, $0x1;
	s29 =	sshll.u32 s12, $0x5  }
0x9: {  	p0 =	sgt.u32 s12, $0xC;
	_ =	strace $0x8000004A;
	s8 =	ssub.s32 $0x2, s5  }
0xa: {  	s0 =	sadd.s32 s7, s0;
	s9 =	sor.u32 s5, s14;
	s28 =	sshll.u32 s5, $0xB  }
0xb: {  	s11 =	sshll.u32 s5, $0x4;
	s30 =	sadd.s32 s29, s6;
	s31 =	sadd.s32 s29, s3  }
0xc: {  	s14 =	sor.u32 $0xFFFFFFE0, s14;
	s26 =	sshll.u32 s9, $0x4;
	[dreg:$0x6] =	wrdreg s30  }
0xd: {  	s25 =	sshrl.u32 s8, $0x1;
	[dreg:$0x7] =	wrdreg s31;
	s10 =	sadd.s32 s3, s26  }
0xe: {  	s7 =	ssub.s32 s8, s25;
	s8 =	sadd.s32 s6, s26;
	[dreg:$0x3] =	wrdreg s10  }
0xf: {  	s0 =	sadd.s32 s28, s0;
	[dreg:$0x4] =	wrdreg s8;
	s7 =	smax.u32 s7, $0x1  }
0x10: {  	s9 =	sadd.s32 $0x1A9C00, s0;
	s10 =	sadd.s32 $0x12CC00, s0;
	[dreg:$0x5] =	wrdreg s7  }
.LBB2_1:
0x11: {  	s0 =	rddreg [dreg:$0x3]  }
0x12: {  	[tilespmem:s2], [sflag:$0x9] =	stream.linear.gather [hbm4b:s0+s2], $0x80, $0x38;
	[tilespmem:$0x10200] =	vst v63  }
0x13: {  	_ =	swait.ge [sflag:s15], $0x80  }
0x14: {  	[sflag:s15] =	ssyncset.done $0x0  }
0x15: {  	s3 =	simm.s32 $0x80;
	s13 =	rddreg [dreg:$0x4];
	[sflag:s15] =	ssyncadd.s32 $0xFFFFFF80  }
0x16: {  	[tilespmem:s3], [sflag:$0x9] =	stream.linear.gather [hbm4b:s13+s2], $0x80, $0x38;
	[tilespmem:$0x10200] =	vst v63  }
0x17: {  	_ =	swait.ge [sflag:s15], $0x80  }
0x18: {  	[sflag:s15] =	ssyncset.done $0x0  }
0x19: {  	p2 =	sgt.u32 s14, $0xF9;
	[sflag:s15] =	ssyncadd.s32 $0xFFFFFF80  }
0x1a: {  	[tilespmem:s17], [sflag:$0x1] =	stream.indirect.gather [hbm4b:s1+s3], $0x80, s3, s3, $0xb8;
	[tilespmem:$0x10200] =	vst v63  }
0x1b: {  	s0 =	simm.s32 @!p2 $0x7  }
0x1c: {  	[tilespmem:s18], [sflag:$0x2] =	stream.indirect.gather [hbm4b:s4+s3], $0x80, s2, s3, $0xb8;
	[tilespmem:$0x10200] =	vst v63  }
0x1d: {  	_ =	swait.ge @!p2 [sflag:s0], $0x4000  }
0x1e: {  	s16 =	sadd.s32 s14, s5;
	[sflag:s0] =	ssyncset.done @!p2 $0x0  }
0x1f: {  	s6 =	sadd.s32 $0x40, s16;
	s7 =	simm.s32 @!p2 $0x8;
	[sflag:s0] =	ssyncadd.s32 @!p2 $0xFFFFC000  }
0x20: {  	p1 =	sgt.u32 s6, $0xF9;
	_ =	swait.ge @!p2 [sflag:s7], $0x4000  }
0x21: {  	s25 =	simm.s32 @!p1 $0x0;
	s13 =	rddreg [dreg:$0x7]  }
0x22: {  	s6 =	simm.s32 @!p1 $0x8100;
	[sflag:s7] =	ssyncset.done @!p2 $0x0;
	s0 =	sadd.s32 @!p1 s13, s11  }
0x23: {  	[sflag:s7] =	ssyncadd.s32 @!p2 $0xFFFFC000;
	s7 =	simm.s32 @!p1 $0x9;
	s0 =	sadd.s32 @!p1 $0x200, s0  }
0x24: {  	[tilespmem:s6], [sflag:$0x9] =	stream.linear.gather @!p1 [hbm4b:s0+s25], $0x80, $0x38;
	[tilespmem:$0x10200] =	vst v63  }
0x25: {  	_ =	swait.ge @!p1 [sflag:s7], $0x80  }
0x26: {  	s12 =	rddreg [dreg:$0x6]  }
0x27: {  	[sflag:s7] =	ssyncset.done @!p1 $0x0;
	s0 =	sadd.s32 @!p1 s12, s11  }
0x28: {  	s8 =	simm.s32 @!p1 $0x8180;
	[sflag:s7] =	ssyncadd.s32 @!p1 $0xFFFFFF80;
	s0 =	sadd.s32 @!p1 $0x200, s0  }
0x29: {  	[tilespmem:s8], [sflag:$0x9] =	stream.linear.gather @!p1 [hbm4b:s0+s25], $0x80, $0x38;
	[tilespmem:$0x10200] =	vst v63  }
0x2a: {  	_ =	swait.ge @!p1 [sflag:s7], $0x80  }
0x2b: {  	[sflag:s7] =	ssyncset.done @!p1 $0x0  }
0x2c: {  	s24 =	simm.s32 @!p1 $0x80;
	s0 =	simm.s32 @!p1 $0x8200;
	[sflag:s7] =	ssyncadd.s32 @!p1 $0xFFFFFF80  }
0x2d: {  	[tilespmem:s0], [sflag:$0x5] =	stream.indirect.gather @!p1 [hbm4b:s1+s24], $0x80, s8, s24, $0xb8;
	[tilespmem:$0x10200] =	vst v63  }
0x2e: {  	s31 =	simm.s32 @!p1 $0xC200  }
0x2f: {  	[tilespmem:s31], [sflag:$0x6] =	stream.indirect.gather @!p1 [hbm4b:s4+s24], $0x80, s6, s24, $0xb8;
	[tilespmem:$0x10200] =	vst v63  }
0x30: {  	_ =	swait.ge [sflag:s19], $0x4000  }
0x31: {  	[sflag:s19] =	ssyncset.done $0x0  }
0x32: {  	[sflag:s19] =	ssyncadd.s32 $0xFFFFC000  }
0x33: {  	_ =	swait.ge [sflag:s20], $0x4000  }
0x34: {  	[sflag:s20] =	ssyncset.done $0x0  }
0x35: {  	s24 =	sadd.s32 $0x0, s10;
	[sflag:s20] =	ssyncadd.s32 $0xFFFFC000  }
0x36: {  	[hbm4b:s24+s2] =	stream.linear.scatter [tilespmem:s17], [sflag:$0x3], $0x4000, $0x38;
	[tilespmem:$0x10200] =	vst v63  }
0x37: {  	s26 =	sadd.s32 $0x0, s9  }
0x38: {  	[hbm4b:s26+s2] =	stream.linear.scatter [tilespmem:s18], [sflag:$0x4], $0x4000, $0x38;
	[tilespmem:$0x10200] =	vst v63  }
0x39: {  	_ =	swait.ge [sflag:s21], $0x4000  }
0x3a: {  	s3 =	sadd.s32 $0x60, s16;
	[sflag:s21] =	ssyncset.done $0x0  }
0x3b: {  	p2 =	sgt.u32 s3, $0xF9;
	[sflag:s21] =	ssyncadd.s32 $0xFFFFC000  }
0x3c: {  	s3 =	sadd.s32 @!p2 s13, s11;
	_ =	swait.ge [sflag:s22], $0x4000  }
0x3d: {  	s3 =	sadd.s32 @!p2 $0x400, s3;
	[sflag:s22] =	ssyncset.done $0x0  }
0x3e: {  	s7 =	simm.s32 @!p2 $0x9;
	s6 =	simm.s32 @!p2 $0x0;
	[sflag:s22] =	ssyncadd.s32 $0xFFFFC000  }
0x3f: {  	[tilespmem:s6], [sflag:$0x9] =	stream.linear.gather @!p2 [hbm4b:s3+s6], $0x80, $0x38;
	[tilespmem:$0x10200] =	vst v63  }
0x40: {  	_ =	swait.ge @!p2 [sflag:s7], $0x80  }
0x41: {  	s3 =	sadd.s32 @!p2 s12, s11;
	[sflag:s7] =	ssyncset.done @!p2 $0x0  }
0x42: {  	s8 =	simm.s32 @!p2 $0x80;
	s3 =	sadd.s32 @!p2 $0x400, s3;
	[sflag:s7] =	ssyncadd.s32 @!p2 $0xFFFFFF80  }
0x43: {  	[tilespmem:s8], [sflag:$0x9] =	stream.linear.gather @!p2 [hbm4b:s3+s6], $0x80, $0x38;
	[tilespmem:$0x10200] =	vst v63  }
0x44: {  	_ =	swait.ge @!p2 [sflag:s7], $0x80  }
0x45: {  	[sflag:s7] =	ssyncset.done @!p2 $0x0  }
0x46: {  	s3 =	simm.s32 @!p2 $0x100;
	[sflag:s7] =	ssyncadd.s32 @!p2 $0xFFFFFF80  }
0x47: {  	[tilespmem:s3], [sflag:$0x1] =	stream.indirect.gather @!p2 [hbm4b:s1+s8], $0x80, s8, s8, $0xb8;
	[tilespmem:$0x10200] =	vst v63  }
0x48: {  	s7 =	simm.s32 @!p1 $0x5;
	s3 =	simm.s32 @!p2 $0x4100  }
0x49: {  	[tilespmem:s3], [sflag:$0x2] =	stream.indirect.gather @!p2 [hbm4b:s4+s8], $0x80, s6, s8, $0xb8;
	[tilespmem:$0x10200] =	vst v63  }
0x4a: {  	s30 =	sadd.s32 $0x40, s14;
	_ =	swait.ge @!p1 [sflag:s7], $0x4000  }
0x4b: {  	s29 =	simm.s32 $0x40000;
	p3 =	sgt.u32 s30, $0xF9;
	[sflag:s7] =	ssyncset.done @!p1 $0x0  }
0x4c: {  	s28 =	sadd.s32 $0x400, s13;
	s8 =	simm.s32 @!p1 $0x6;
	[sflag:s7] =	ssyncadd.s32 @!p1 $0xFFFFC000  }
0x4d: {  	s24 =	simm.s32 $0x20000;
	s26 =	sadd.s32 $0x400, s12;
	_ =	swait.ge @!p1 [sflag:s8], $0x4000  }
0x4e: {  	s3 =	sadd.s32 @!p1 $0x0, s10;
	s6 =	sadd.s32 @!p1 $0x0, s9;
	[sflag:s8] =	ssyncset.done @!p1 $0x0  }
0x4f: {  	s3 =	sadd.s32 @!p1 $0x10000, s3;
	s6 =	sadd.s32 @!p1 $0x10000, s6;
	[sflag:s8] =	ssyncadd.s32 @!p1 $0xFFFFC000  }
.LBB2_2:
0x50: {  	[hbm4b:s3+s25] =	stream.linear.scatter @!p1 [tilespmem:s0], [sflag:$0x7], $0x4000, $0x38;
	[tilespmem:$0x10200] =	vst v63  }
0x51: {  	s0 =	simm.s32 @!p3 $0x7;
	s7 =	smov.u32 s29;
	s29 =	sadd.s32 $0x20000, s29  }
0x52: {  	[hbm4b:s6+s25] =	stream.linear.scatter @!p1 [tilespmem:s31], [sflag:$0x8], $0x4000, $0x38;
	[tilespmem:$0x10200] =	vst v63  }
0x53: {  	s3 =	sadd.s32 s30, s5;
	p2 =	sne.s32 s29, $0x80000;
	_ =	swait.ge @!p3 [sflag:s0], $0x4000  }
0x54: {  	s8 =	sadd.s32 $0x40, s3;
	s6 =	simm.s32 @!p3 $0x8;
	[sflag:s0] =	ssyncset.done @!p3 $0x0  }
0x55: {  	p1 =	sgt.u32 s8, $0xF9;
	s8 =	sadd.s32 $0x60, s3;
	[sflag:s0] =	ssyncadd.s32 @!p3 $0xFFFFC000  }
0x56: {  	s25 =	simm.s32 @!p1 $0x0;
	s0 =	sadd.s32 @!p1 s28, s11;
	_ =	swait.ge @!p3 [sflag:s6], $0x4000  }
0x57: {  	s16 =	simm.s32 @!p1 $0x8100;
	s0 =	sadd.s32 @!p1 $0x200, s0;
	[sflag:s6] =	ssyncset.done @!p3 $0x0  }
0x58: {  	s31 =	simm.s32 @!p1 $0x9;
	s3 =	sadd.s32 @!p1 s26, s11;
	[sflag:s6] =	ssyncadd.s32 @!p3 $0xFFFFC000  }
0x59: {  	[tilespmem:s16], [sflag:$0x9] =	stream.linear.gather @!p1 [hbm4b:s0+s25], $0x80, $0x38;
	[tilespmem:$0x10200] =	vst v63  }
0x5a: {  	s0 =	sadd.s32 @!p1 $0x200, s3;
	s3 =	sadd.s32 @!p1 s24, s10;
	_ =	swait.ge @!p1 [sflag:s31], $0x80  }
0x5b: {  	s12 =	simm.s32 @!p1 $0x8180;
	s3 =	sadd.s32 @!p1 $0x10000, s3;
	[sflag:s31] =	ssyncset.done @!p1 $0x0  }
0x5c: {  	s6 =	sadd.s32 @!p1 s24, s9;
	[sflag:s31] =	ssyncadd.s32 @!p1 $0xFFFFFF80  }
0x5d: {  	[tilespmem:s12], [sflag:$0x9] =	stream.linear.gather @!p1 [hbm4b:s0+s25], $0x80, $0x38;
	[tilespmem:$0x10200] =	vst v63  }
0x5e: {  	s6 =	sadd.s32 @!p1 $0x10000, s6;
	_ =	swait.ge @!p1 [sflag:s31], $0x80  }
0x5f: {  	s13 =	simm.s32 @!p1 $0x80;
	s0 =	simm.s32 @!p1 $0x8200;
	[sflag:s31] =	ssyncset.done @!p1 $0x0  }
0x60: {  	[sflag:s31] =	ssyncadd.s32 @!p1 $0xFFFFFF80;
	s31 =	simm.s32 @!p1 $0xC200  }
0x61: {  	[tilespmem:s0], [sflag:$0x5] =	stream.indirect.gather @!p1 [hbm4b:s1+s13], $0x80, s12, s13, $0xb8;
	[tilespmem:$0x10200] =	vst v63  }
0x62: {  	_ = 	snop  }
0x63: {  	[tilespmem:s31], [sflag:$0x6] =	stream.indirect.gather @!p1 [hbm4b:s4+s13], $0x80, s16, s13, $0xb8;
	[tilespmem:$0x10200] =	vst v63  }
0x64: {  	_ =	swait.ge [sflag:s19], $0x4000  }
0x65: {  	[sflag:s19] =	ssyncset.done $0x0  }
0x66: {  	[sflag:s19] =	ssyncadd.s32 $0xFFFFC000  }
0x67: {  	_ =	swait.ge [sflag:s20], $0x4000  }
0x68: {  	s12 =	sadd.s32 s24, s10;
	[sflag:s20] =	ssyncset.done $0x0  }
0x69: {  	s13 =	sadd.s32 s24, s9;
	s24 =	smov.u32 s7;
	[sflag:s20] =	ssyncadd.s32 $0xFFFFC000  }
0x6a: {  	[hbm4b:s12+s2] =	stream.linear.scatter [tilespmem:s17], [sflag:$0x3], $0x4000, $0x38;
	[tilespmem:$0x10200] =	vst v63  }
0x6b: {  	_ = 	snop  }
0x6c: {  	[hbm4b:s13+s2] =	stream.linear.scatter [tilespmem:s18], [sflag:$0x4], $0x4000, $0x38;
	[tilespmem:$0x10200] =	vst v63  }
0x6d: {  	_ =	swait.ge [sflag:s21], $0x4000  }
0x6e: {  	[sflag:s21] =	ssyncset.done $0x0  }
0x6f: {  	p3 =	sgt.u32 s8, $0xF9;
	[sflag:s21] =	ssyncadd.s32 $0xFFFFC000  }
0x70: {  	s8 =	sadd.s32 @!p3 s26, s11;
	s7 =	sadd.s32 @!p3 s28, s11;
	_ =	swait.ge [sflag:s22], $0x4000  }
0x71: {  	s7 =	sadd.s32 @!p3 $0x400, s7;
	s12 =	simm.s32 @!p3 $0x0;
	[sflag:s22] =	ssyncset.done $0x0  }
0x72: {  	s8 =	sadd.s32 @!p3 $0x400, s8;
	s13 =	simm.s32 @!p3 $0x9;
	[sflag:s22] =	ssyncadd.s32 $0xFFFFC000  }
0x73: {  	[tilespmem:s12], [sflag:$0x9] =	stream.linear.gather @!p3 [hbm4b:s7+s12], $0x80, $0x38;
	[tilespmem:$0x10200] =	vst v63  }
0x74: {  	_ =	swait.ge @!p3 [sflag:s13], $0x80  }
0x75: {  	s7 =	simm.s32 @!p3 $0x80;
	[sflag:s13] =	ssyncset.done @!p3 $0x0  }
0x76: {  	[sflag:s13] =	ssyncadd.s32 @!p3 $0xFFFFFF80  }
0x77: {  	[tilespmem:s7], [sflag:$0x9] =	stream.linear.gather @!p3 [hbm4b:s8+s12], $0x80, $0x38;
	[tilespmem:$0x10200] =	vst v63  }
0x78: {  	_ =	swait.ge @!p3 [sflag:s13], $0x80  }
0x79: {  	s8 =	simm.s32 @!p3 $0x100;
	[sflag:s13] =	ssyncset.done @!p3 $0x0  }
0x7a: {  	[sflag:s13] =	ssyncadd.s32 @!p3 $0xFFFFFF80;
	s13 =	simm.s32 @!p3 $0x4100  }
0x7b: {  	[tilespmem:s8], [sflag:$0x1] =	stream.indirect.gather @!p3 [hbm4b:s1+s7], $0x80, s7, s7, $0xb8;
	[tilespmem:$0x10200] =	vst v63  }
0x7c: {  	s8 =	simm.s32 @!p1 $0x5  }
0x7d: {  	[tilespmem:s13], [sflag:$0x2] =	stream.indirect.gather @!p3 [hbm4b:s4+s7], $0x80, s12, s7, $0xb8;
	[tilespmem:$0x10200] =	vst v63  }
0x7e: {  	_ =	swait.ge @!p1 [sflag:s8], $0x4000  }
.Ltmp0:
0x7f: {  	s7 =	simm.s32 @!p1 $0x6;
	[sflag:s8] =	ssyncset.done @!p1 $0x0;
	(pc) =	sbr.rel @p2 .LBB2_2-.Ltmp0, $4  }
0x80: {  	[sflag:s8] =	ssyncadd.s32 @!p1 $0xFFFFC000  }
0x81: {  	s30 =	sadd.s32 $0x40, s30;
	_ =	swait.ge @!p1 [sflag:s7], $0x4000  }
0x82: {  	p3 =	sgt.u32 s30, $0xF9;
	[sflag:s7] =	ssyncset.done @!p1 $0x0  }
0x83: {  	s26 =	sadd.s32 $0x400, s26;
	s28 =	sadd.s32 $0x400, s28;
	[sflag:s7] =	ssyncadd.s32 @!p1 $0xFFFFC000  }
0x84: {  	[hbm4b:s3+s25] =	stream.linear.scatter @!p1 [tilespmem:s0], [sflag:$0x7], $0x4000, $0x38;
	[tilespmem:$0x10200] =	vst v63  }
0x85: {  	s0 =	simm.s32 @!p3 $0x7  }
0x86: {  	[hbm4b:s6+s25] =	stream.linear.scatter @!p1 [tilespmem:s31], [sflag:$0x8], $0x4000, $0x38;
	[tilespmem:$0x10200] =	vst v63  }
0x87: {  	s16 =	sadd.s32 s30, s5;
	_ =	swait.ge @!p3 [sflag:s0], $0x4000  }
0x88: {  	s25 =	sadd.s32 $0x40, s16;
	[sflag:s0] =	ssyncset.done @!p3 $0x0  }
0x89: {  	s7 =	simm.s32 @!p3 $0x8;
	p1 =	sgt.u32 s25, $0xF9;
	[sflag:s0] =	ssyncadd.s32 @!p3 $0xFFFFC000  }
0x8a: {  	s6 =	sadd.s32 @!p1 s28, s11;
	_ =	swait.ge @!p3 [sflag:s7], $0x4000  }
0x8b: {  	s8 =	simm.s32 @!p1 $0x8100;
	s0 =	simm.s32 @!p1 $0x0;
	[sflag:s7] =	ssyncset.done @!p3 $0x0  }
0x8c: {  	s6 =	sadd.s32 @!p1 $0x200, s6;
	[sflag:s7] =	ssyncadd.s32 @!p3 $0xFFFFC000;
	s7 =	simm.s32 @!p1 $0x9  }
0x8d: {  	[tilespmem:s8], [sflag:$0x9] =	stream.linear.gather @!p1 [hbm4b:s6+s0], $0x80, $0x38;
	[tilespmem:$0x10200] =	vst v63  }
0x8e: {  	_ =	swait.ge @!p1 [sflag:s7], $0x80  }
0x8f: {  	s6 =	sadd.s32 @!p1 s26, s11;
	[sflag:s7] =	ssyncset.done @!p1 $0x0  }
0x90: {  	s12 =	simm.s32 @!p1 $0x8180;
	s6 =	sadd.s32 @!p1 $0x200, s6;
	[sflag:s7] =	ssyncadd.s32 @!p1 $0xFFFFFF80  }
0x91: {  	[tilespmem:s12], [sflag:$0x9] =	stream.linear.gather @!p1 [hbm4b:s6+s0], $0x80, $0x38;
	[tilespmem:$0x10200] =	vst v63  }
0x92: {  	_ =	swait.ge @!p1 [sflag:s7], $0x80  }
0x93: {  	[sflag:s7] =	ssyncset.done @!p1 $0x0  }
0x94: {  	s6 =	simm.s32 @!p1 $0x80;
	[sflag:s7] =	ssyncadd.s32 @!p1 $0xFFFFFF80;
	s7 =	simm.s32 @!p1 $0x8200  }
0x95: {  	[tilespmem:s7], [sflag:$0x5] =	stream.indirect.gather @!p1 [hbm4b:s1+s6], $0x80, s12, s6, $0xb8;
	[tilespmem:$0x10200] =	vst v63  }
0x96: {  	s12 =	simm.s32 @!p1 $0xC200  }
0x97: {  	[tilespmem:s12], [sflag:$0x6] =	stream.indirect.gather @!p1 [hbm4b:s4+s6], $0x80, s8, s6, $0xb8;
	[tilespmem:$0x10200] =	vst v63  }
0x98: {  	_ =	swait.ge [sflag:s19], $0x4000  }
0x99: {  	[sflag:s19] =	ssyncset.done $0x0  }
0x9a: {  	[sflag:s19] =	ssyncadd.s32 $0xFFFFC000  }
0x9b: {  	_ =	swait.ge [sflag:s20], $0x4000  }
0x9c: {  	[sflag:s20] =	ssyncset.done $0x0  }
0x9d: {  	s29 =	sadd.s32 s24, s10;
	[sflag:s20] =	ssyncadd.s32 $0xFFFFC000  }
0x9e: {  	[hbm4b:s29+s2] =	stream.linear.scatter [tilespmem:s17], [sflag:$0x3], $0x4000, $0x38;
	[tilespmem:$0x10200] =	vst v63  }
0x9f: {  	s30 =	sadd.s32 s24, s9  }
0xa0: {  	[hbm4b:s30+s2] =	stream.linear.scatter [tilespmem:s18], [sflag:$0x4], $0x4000, $0x38;
	[tilespmem:$0x10200] =	vst v63  }
0xa1: {  	_ =	swait.ge [sflag:s21], $0x4000  }
0xa2: {  	s3 =	sadd.s32 $0x60, s16;
	[sflag:s21] =	ssyncset.done $0x0  }
0xa3: {  	p2 =	sgt.u32 s3, $0xF9;
	[sflag:s21] =	ssyncadd.s32 $0xFFFFC000  }
0xa4: {  	s3 =	sadd.s32 @!p2 s28, s11;
	_ =	swait.ge [sflag:s22], $0x4000  }
0xa5: {  	s3 =	sadd.s32 @!p2 $0x400, s3;
	[sflag:s22] =	ssyncset.done $0x0  }
0xa6: {  	s6 =	simm.s32 @!p2 $0x0;
	s8 =	simm.s32 @!p2 $0x9;
	[sflag:s22] =	ssyncadd.s32 $0xFFFFC000  }
0xa7: {  	[tilespmem:s6], [sflag:$0x9] =	stream.linear.gather @!p2 [hbm4b:s3+s6], $0x80, $0x38;
	[tilespmem:$0x10200] =	vst v63  }
0xa8: {  	_ =	swait.ge @!p2 [sflag:s8], $0x80  }
0xa9: {  	s3 =	sadd.s32 @!p2 s26, s11;
	[sflag:s8] =	ssyncset.done @!p2 $0x0  }
0xaa: {  	s13 =	simm.s32 @!p2 $0x80;
	s3 =	sadd.s32 @!p2 $0x400, s3;
	[sflag:s8] =	ssyncadd.s32 @!p2 $0xFFFFFF80  }
0xab: {  	[tilespmem:s13], [sflag:$0x9] =	stream.linear.gather @!p2 [hbm4b:s3+s6], $0x80, $0x38;
	[tilespmem:$0x10200] =	vst v63  }
0xac: {  	_ =	swait.ge @!p2 [sflag:s8], $0x80  }
0xad: {  	[sflag:s8] =	ssyncset.done @!p2 $0x0  }
0xae: {  	s3 =	simm.s32 @!p2 $0x100;
	[sflag:s8] =	ssyncadd.s32 @!p2 $0xFFFFFF80  }
0xaf: {  	[tilespmem:s3], [sflag:$0x1] =	stream.indirect.gather @!p2 [hbm4b:s1+s13], $0x80, s13, s13, $0xb8;
	[tilespmem:$0x10200] =	vst v63  }
0xb0: {  	s3 =	simm.s32 @!p2 $0x4100  }
0xb1: {  	[tilespmem:s3], [sflag:$0x2] =	stream.indirect.gather @!p2 [hbm4b:s4+s13], $0x80, s6, s13, $0xb8;
	[tilespmem:$0x10200] =	vst v63  }
0xb2: {  	s3 =	simm.s32 @!p1 $0x5  }
0xb3: {  	_ =	swait.ge @!p1 [sflag:s3], $0x4000  }
0xb4: {  	[sflag:s3] =	ssyncset.done @!p1 $0x0  }
0xb5: {  	s6 =	simm.s32 @!p1 $0x6;
	[sflag:s3] =	ssyncadd.s32 @!p1 $0xFFFFC000  }
0xb6: {  	_ =	swait.ge @!p1 [sflag:s6], $0x4000  }
0xb7: {  	s3 =	sadd.s32 @!p1 s24, s10;
	[sflag:s6] =	ssyncset.done @!p1 $0x0  }
0xb8: {  	s3 =	sadd.s32 @!p1 $0x10000, s3;
	[sflag:s6] =	ssyncadd.s32 @!p1 $0xFFFFC000  }
0xb9: {  	[hbm4b:s3+s0] =	stream.linear.scatter @!p1 [tilespmem:s7], [sflag:$0x7], $0x4000, $0x38;
	[tilespmem:$0x10200] =	vst v63  }
0xba: {  	s3 =	sadd.s32 @!p1 s24, s9  }
0xbb: {  	s3 =	sadd.s32 @!p1 $0x10000, s3  }
0xbc: {  	[hbm4b:s3+s0] =	stream.linear.scatter @!p1 [tilespmem:s12], [sflag:$0x8], $0x4000, $0x38;
	[tilespmem:$0x10200] =	vst v63  }
0xbd: {  	s0 =	simm.s32 @!p0 $0x7  }
0xbe: {  	_ =	swait.ge @!p0 [sflag:s0], $0x4000  }
0xbf: {  	[sflag:s0] =	ssyncset.done @!p0 $0x0  }
0xc0: {  	[sflag:s0] =	ssyncadd.s32 @!p0 $0xFFFFC000;
	s0 =	simm.s32 @!p0 $0x8  }
0xc1: {  	_ =	swait.ge @!p0 [sflag:s0], $0x4000  }
0xc2: {  	s23 =	sadd.s32 $0x1, s23;
	s31 =	rddreg [dreg:$0x5]  }
0xc3: {  	p1 =	sne.s32 s23, s31  }
.Ltmp1:
0xc4: {  	_ = 	snop;
	(pc) =	sbr.rel @p1 .LBB2_1-.Ltmp1, $3  }
0xc5: {  	_ =	sdelay $0x1  }
0xc6: {  	[sflag:s0] =	ssyncset.done @!p0 $0x0  }
0xc7: {  	[sflag:s0] =	ssyncadd.s32 @!p0 $0xFFFFC000  }
0xc8: {  	_ =	sfence.sel $0x180000  }
0xc9: {  	[bflag:$0x0] =	sbarrier.arrive $0xFFFF  }
0xca: {  	_ =	strace $0x9000004A  }
0xcb: {  	s0 =	stileid.u32;
	[bflag:$0x2] =	sbarrier.arrive $0xFFFF  }
0xcc: {  	p0 =	sne.s32 s0, $0x0;
	s0 =	rddreg [dreg:$0x2]  }
0xcd: {  	s0 =	sadd.s32 @!p0 $0x100000, s0  }
0xce: {  	[sflag:s0] =	ssyncadd.tile.s32 @!p0 $0x1;
	_ =	shalt  }
.Lfunc_end2:
_tile_overlayer_lowered:
.L_overlay_start_2:
0xcf: {  	(tag) =	ssettag $0x2  }
0xd0: {  	s0 =	rddreg [dreg:$0x0];
	s2 =	stileid.u32  }
0xd1: {  	s1 =	rddreg [dreg:$0x1];
	p0 =	sne.s32 s2, $0x0  }
0xd2: {  	s3 =	rddreg [dreg:$0x2];
	[bflag:$0x3] =	sbarrier.arrive $0xFFFF;
	s2 =	simm.s32 @!p0 $0x1C09  }
0xd3: {  	[timem:s3], [sflag:s2] =	dma.local @!p0 [hbm:s0], s1  }
0xd4: {  	s0 =	simm.s32 @!p0 $0x9  }
0xd5: {  	_ =	swait.ge @!p0 [sflag:s0], s1  }
0xd6: {  	s1 =	ssub.s32 @!p0 $0x0, s1;
	[sflag:s0] =	ssyncset.done @!p0 $0x0  }
0xd7: {  	[sflag:s0] =	ssyncadd.s32 @!p0 s1  }
0xd8: {  	[bflag:$0x3] =	sbarrier.arrive $0xFFFF  }
0xd9: {  	_ =	shalt  }

// kernel: kernel.25.cloned.1.call-start
scs
__scs_entry_jumppad:
0x0: {  	(pc) =	sbr.rel $0x88, $3  }
0x1: {  	(tag) =	ssettag $0x0;
	lr =	simm.s32 $0x1  }
0x2: {  	[smem:$0x3F92] =	sst lr;
	_ =	strace $0xD0000000  }
0x3: {  	_ = 	snop  }
0x4: {  	_ = 	snop  }
0x5: {  	_ = 	snop  }
0x6: {  	_ = 	snop  }
0x7: {  	_ = 	snop  }
__scs_overlays_trampoline_lowered:
0x8: {  	[smem:$0x3FA1] =	sst s0  }
0x9: {  	[smem:$0x3FA2] =	sst s1  }
0xa: {  	[smem:$0x3FA3] =	sst s2  }
0xb: {  	[smem:$0x3FA4] =	sst s3  }
0xc: {  	[smem:$0x3FA5] =	sst s4  }
0xd: {  	[smem:$0x3FA6] =	sst s5  }
0xe: {  	[smem:$0x3FA7] =	sst s6  }
0xf: {  	[smem:$0x3FA8] =	sst s7  }
0x10: {  	[smem:$0x3FA9] =	sst s8  }
0x11: {  	[smem:$0x3FAA] =	sst s9;
	s0 =	simm.s32 @!p0 $0x0  }
0x12: {  	s1 =	sld [smem:$0x3F90];
	s0 =	simm.s32 @p0 $0x1  }
0x13: {  	[smem:$0x3FAB] =	sst s0;
	s0 =	simm.s32 @!p1 $0x0  }
0x14: {  	s2 =	sld [smem:$0x3F8F];
	s0 =	simm.s32 @p1 $0x1  }
0x15: {  	[smem:$0x3FAC] =	sst s0;
	s0 =	simm.s32 @!p2 $0x0  }
0x16: {  	s3 =	sld [smem:$0x3FDB];
	s0 =	simm.s32 @p2 $0x1  }
0x17: {  	s4 =	simm.s32 $0x1BF5;
	[smem:$0x3FAE] =	sst s0  }
0x18: {  	s0 =	sld [smem:$0x3F91];
	_ =	swait.ge [sflag:s4], $0x0  }
0x19: {  	s7 =	sld [smem:$0x3F92]  }
0x1a: {  	s8 =	sadd.s32 $0xFFFFE003, lr  }
0x1b: {  	s9 =	sadd.s32 $0xFFFFFEF7, lr;
	s5 =	simm.s32 $0xFFFFFFFF;
	p2 =	slt.u32 s8, $0xFFFFF086  }
0x1c: {  	p1 =	slt.u32 s9, $0xF7A;
	s5 =	simm.s32 @!p2 $0x0  }
0x1d: {  	s5 =	simm.s32 @p1 $0x1;
	p0 =	seq.s32 s7, s2  }
0x1e: {  	s7 =	smul.u32 @!p0 $0xF7A, s2;
	p2 =	seq.s32 @!p0 s5, $0x0  }
0x1f: {  	s9 =	smul.u32 $0xF7A, s1;
	s8 =	simm.s32 @!p0 $0x1BF5;
	p2 =	por !p2, p0  }
0x20: {  	[sflag:s8] =	ssyncset.s32 @!p0 $0xFFFFF086;
	s6 =	sadd.s32 @!p0 s3, s7;
	s7 =	simm.s32 @!p0 $0x108  }
0x21: {  	s3 =	sadd.s32 s3, s9;
	s6 =	sadd.s32 @!p0 $0x88, s6;
	s7 =	simm.s32 @p2 $0x1082  }
0x22: {  	[simem:s7], [sflag:s8] =	dma.local @!p0 [hbm:s6], $0xF7A  }
0x23: {  	s9 =	sor.u32 $0xD0000000, s2;
	s6 =	simm.s32 $0x108;
	_ =	swait.ge @!p0 [sflag:s8], $0x0  }
0x24: {  	s3 =	sadd.s32 $0x88, s3;
	s6 =	simm.s32 @!p1 $0x1082;
	[sflag:s4] =	ssyncset.s32 $0xFFFFF086  }
0x25: {  	[simem:s6], [sflag:s4] =	dma.local [hbm:s3], $0xF7A  }
0x26: {  	[smem:$0x3F92] =	sst s1;
	(tag) =	ssettag s2;
	_ =	strace s9  }
0x27: {  	s1 =	sld [smem:$0x3FA2]  }
0x28: {  	s2 =	sld [smem:$0x3FA3]  }
0x29: {  	s4 =	sld [smem:$0x3FA5]  }
0x2a: {  	p0 =	seq.s32 s5, $0x0;
	s5 =	sld [smem:$0x3FA6]  }
0x2b: {  	s6 =	sld [smem:$0x3FA7]  }
0x2c: {  	s7 =	sld [smem:$0x3FA8]  }
0x2d: {  	s3 =	simm.s32 $0x108;
	s8 =	sld [smem:$0x3FA9]  }
0x2e: {  	s3 =	simm.s32 @!p0 $0x1082;
	s9 =	sld [smem:$0x3FAA]  }
0x2f: {  	lr =	sadd.s32 s0, s3;
	s0 =	sld [smem:$0x3FA1]  }
0x30: {  	s3 =	sld [smem:$0x3FA4]  }
0x31: {  	[smem:$0x3FAD] =	sst s10  }
0x32: {  	s10 =	sld [smem:$0x3FAB];
	_ =	sdelay $0x3  }
0x33: {  	p0 =	seq.s32 s10, $0x1;
	s10 =	sld [smem:$0x3FAD];
	_ =	sdelay $0x3  }
0x34: {  	[smem:$0x3FAD] =	sst s10  }
0x35: {  	s10 =	sld [smem:$0x3FAC];
	_ =	sdelay $0x3  }
0x36: {  	p1 =	seq.s32 s10, $0x1;
	s10 =	sld [smem:$0x3FAD];
	_ =	sdelay $0x3  }
0x37: {  	[smem:$0x3FAD] =	sst s10  }
0x38: {  	s10 =	sld [smem:$0x3FAE]  }
0x39: {  	_ = 	snop;
	(pc) =	sbr.ind lr, $3  }
0x3a: {  	_ = 	snop  }
0x3b: {  	_ = 	snop  }
0x3c: {  	p2 =	seq.s32 s10, $0x1;
	s10 =	sld [smem:$0x3FAD]  }
0x3d: {  	_ =	shalt  }
0x3e: {  	_ =	shalt  }
0x3f: {  	_ =	shalt  }
0x40: {  	_ =	shalt  }
0x41: {  	_ =	shalt  }
0x42: {  	_ =	shalt  }
0x43: {  	_ =	shalt  }
0x44: {  	_ =	shalt  }
0x45: {  	_ =	shalt  }
0x46: {  	_ =	shalt  }
0x47: {  	_ =	shalt  }
0x48: {  	_ =	shalt  }
0x49: {  	_ =	shalt  }
0x4a: {  	_ =	shalt  }
0x4b: {  	_ =	shalt  }
0x4c: {  	_ =	shalt  }
0x4d: {  	_ =	shalt  }
0x4e: {  	_ =	shalt  }
0x4f: {  	_ =	shalt  }
0x50: {  	_ =	shalt  }
0x51: {  	_ =	shalt  }
0x52: {  	_ =	shalt  }
0x53: {  	_ =	shalt  }
0x54: {  	_ =	shalt  }
0x55: {  	_ =	shalt  }
0x56: {  	_ =	shalt  }
0x57: {  	_ =	shalt  }
0x58: {  	_ =	shalt  }
0x59: {  	_ =	shalt  }
0x5a: {  	_ =	shalt  }
0x5b: {  	_ =	shalt  }
0x5c: {  	_ =	shalt  }
0x5d: {  	_ =	shalt  }
0x5e: {  	_ =	shalt  }
0x5f: {  	_ =	shalt  }
0x60: {  	_ =	shalt  }
0x61: {  	_ =	shalt  }
0x62: {  	_ =	shalt  }
0x63: {  	_ =	shalt  }
0x64: {  	_ =	shalt  }
0x65: {  	_ =	shalt  }
0x66: {  	_ =	shalt  }
0x67: {  	_ =	shalt  }
0x68: {  	_ =	shalt  }
0x69: {  	_ =	shalt  }
0x6a: {  	_ =	shalt  }
0x6b: {  	_ =	shalt  }
0x6c: {  	_ =	shalt  }
0x6d: {  	_ =	shalt  }
0x6e: {  	_ =	shalt  }
0x6f: {  	_ =	shalt  }
0x70: {  	_ =	shalt  }
0x71: {  	_ =	shalt  }
0x72: {  	_ =	shalt  }
0x73: {  	_ =	shalt  }
0x74: {  	_ =	shalt  }
0x75: {  	_ =	shalt  }
0x76: {  	_ =	shalt  }
0x77: {  	_ =	shalt  }
0x78: {  	_ =	shalt  }
0x79: {  	_ =	shalt  }
0x7a: {  	_ =	shalt  }
0x7b: {  	_ =	shalt  }
0x7c: {  	_ =	shalt  }
0x7d: {  	_ =	shalt  }
0x7e: {  	_ =	shalt  }
0x7f: {  	_ =	shalt  }
0x80: {  	_ =	shalt  }
0x81: {  	_ =	shalt  }
0x82: {  	_ =	shalt  }
0x83: {  	_ =	shalt  }
0x84: {  	_ =	shalt  }
0x85: {  	_ =	shalt  }
0x86: {  	_ =	shalt  }
0x87: {  	_ =	shalt  }
.Lfunc_end0:
.L_simem_size_0:
called_computation.4_lowered:
.L_overlay_start_0:
0x88: {  	s2 =	sld [smem:$0x3FD9]  }
0x89: {  	s3 =	sld [smem:$0x3FFE];
	_ =	sdelay $0x1  }
0x8a: {  	s1 =	srdreg.scid  }
0x8b: {  	s0 =	sand.u32 $0x1, s1  }
0x8c: {  	s17 =	sshll.u32 s0, $0xA;
	s2 =	sadd.s32 s3, s2  }
0x8d: {  	s2 =	sadd.s32 s2, s17  }
0x8e: {  	[smem:$0x3FB9] =	sst s2  }
0x8f: {  	_ = 	snop  }
0x90: {  	s2 =	sld [smem:$0x3FC8];
	(tm) =	ssettm $0x1  }
0x91: {  	s18 =	sld [smem:$0x3FFB];
	_ =	sdelay $0x3  }
0x92: {  	_ =	strace s18  }
0x93: {  	s3 =	sld [smem:$0x3FFC];
	_ =	sdelay $0x3  }
0x94: {  	_ =	strace s3  }
0x95: {  	s3 =	sld [smem:$0x3FFD];
	_ =	sdelay $0x3  }
0x96: {  	_ =	strace s3  }
0x97: {  	_ =	strace $0x8FFFFFFF  }
0x98: {  	s19 =	sld [smem:$0x3FDB];
	_ =	sdelay $0x1  }
0x99: {  	s4 =	simm.s32 $_scs_section_size  }
0x9a: {  	s5 =	simm.s32 $_size__tile_overlayer_lowered;
	s6 =	simm.s32 $_tile_overlayer_lowered  }
0x9b: {  	s22 =	simm.s32 $0x1BFF;
	s21 =	sshll.u32 s6, $0x1;
	s3 =	sadd.s32 s4, s19  }
0x9c: {  	s7 =	simm.s32 $0x0;
	s20 =	sshll.u32 s5, $0x1;
	s5 =	sadd.s32 s21, s3  }
0x9d: {  	[timem:s7], [sflag:s22] =	dma.local [hbm:s5], s20  }
0x9e: {  	_ =	swait.ge [sflag:s22], s20  }
0x9f: {  	s4 =	ssub.s32 $0x0, s20;
	[sflag:s22] =	ssyncset.done $0x0  }
0xa0: {  	[sflag:s22] =	ssyncadd.s32 s4;
	_ =	sdelay $0x1  }
0xa1: {  	s23 =	simm.s32 $0x1B8B  }
0xa2: {  	_ =	swait.ge [sflag:s23], $0x1  }
0xa3: {  	[sflag:s23] =	ssyncset.done $0x0  }
0xa4: {  	s25 =	simm.s32 $0x1B8E;
	s24 =	sld [smem:$0x3FFE];
	[sflag:s23] =	ssyncadd.s32 $0xFFFFFFFF  }
0xa5: {  	s26 =	simm.s32 $execute0_lowered;
	[smem:$0x3FD2] =	sst s25  }
0xa6: {  	s5 =	sshll.u32 s26, $0x1;
	_ =	strace $0x80000046;
	[dreg:$0x1] =	wrdreg $0xFFFFFFFF  }
0xa7: {  	s28 =	simm.s32 $_size_execute0_lowered;
	s3 =	sadd.s32 s3, s5;
	[dreg:$0x0] =	wrdreg $0x0  }
0xa8: {  	s5 =	sshll.u32 s28, $0x1;
	[dreg:$0x2] =	wrdreg s3  }
0xa9: {  	[dreg:$0x3] =	wrdreg s5  }
0xaa: {  	[dreg:$0x4] =	wrdreg $0xC0  }
0xab: {  	_ =	task [dreg:s7], $0x5FFFF  }
0xac: {  	[dreg:$0x1] =	wrdreg $0xFFFFFFFF  }
0xad: {  	[dreg:$0x0] =	wrdreg $0x60  }
0xae: {  	[dreg:$0x2] =	wrdreg s24  }
0xaf: {  	[dreg:$0x3] =	wrdreg s2  }
0xb0: {  	[dreg:$0x4] =	wrdreg $0xD  }
0xb1: {  	_ =	task.clear_ibuf [dreg:s7], $0x5FFFF;
	_ =	strace $0x90000046  }
0xb2: {  	s29 =	simm.s32 $0xD;
	_ =	strace $0x80000048  }
0xb3: {  	_ =	swait.ge [sflag:s29], $0x1  }
0xb4: {  	[sflag:s29] =	ssyncadd.s32 $0xFFFFFFFF  }
0xb5: {  	_ =	strace $0x90000048  }
0xb6: {  	_ =	sfence  }
0xb7: {  	s30 =	sld [smem:$0x0];
	_ =	sdelay $0x2  }
0xb8: {  	s31 =	sshll.u32 s1, $0xD;
	s1 =	sshrl.u32 s1, $0x2  }
0xb9: {  	s3 =	sand.u32 $0x4000, s31;
	s1 =	sadd.s32 s1, s30  }
0xba: {  	s0 =	sor.u32 s3, s0;
	s1 =	sshll.u32 s1, $0x11  }
0xbb: {  	s0 =	sor.u32 s1, s0  }
0xbc: {  	s0 =	sadd.s32 $0x8F2B, s0  }
0xbd: {  	[sflag:s0] =	ssyncadd.remote.s32 $0x1  }
0xbe: {  	_ =	sfence.sel $0xFFFF  }
0xbf: {  	[dreg:$0x0] =	wrdreg $0xFFFFFFFF;
	(pc) =	sbr.abs _section_cstart, $3  }
0xc0: {  	[dreg:$0x1] =	wrdreg $0xFFFFFFFF  }
0xc1: {  	_ =	task.clear_ibuf [dreg:s7], $0x2FFFF;
	_ =	strace $0x9FFFFFFF  }
0xc2: {  	(tm) =	ssettm $0x7FFFFFFF  }
0xc3: {  	_ =	shalt  }
tec
execute0_lowered:
.L_overlay_start_1:
0x0: {  	(tag) =	ssettag $0x1  }
0x1: {  	s0 =	rddreg [dreg:$0x0]  }
0x2: {  	s1 =	rddreg [dreg:$0x1];
	s2 =	simm.s32 $0x0  }
0x3: {  	s5 =	srdreg.scid;
	s12 =	stileid.u32;
	s15 =	simm.s32 $0x9  }
0x4: {  	s17 =	simm.s32 $0x100;
	s18 =	simm.s32 $0x4100;
	s19 =	simm.s32 $0x1  }
0x5: {  	s20 =	simm.s32 $0x2;
	s21 =	simm.s32 $0x3;
	s22 =	simm.s32 $0x4  }
0x6: {  	s23 =	simm.s32 $0x0;
	[smem:$0x7FF] =	sst s2;
	s3 =	sadd.s32 $0x4A00, s0  }
0x7: {  	s6 =	sadd.s32 $0x3A00, s0;
	s4 =	sadd.s32 $0xBA00, s0;
	s5 =	sand.u32 $0x1, s5  }
0x8: {  	s7 =	sshll.u32 s12, $0xC;
	s14 =	sshll.u32 s12, $0x1;
	s29 =	sshll.u32 s12, $0x5  }
0x9: {  	p0 =	sgt.u32 s12, $0xC;
	_ =	strace $0x80000047;
	s8 =	ssub.s32 $0x2, s5  }
0xa: {  	s0 =	sadd.s32 s7, s0;
	s9 =	sor.u32 s5, s14;
	s28 =	sshll.u32 s5, $0xB  }
0xb: {  	s11 =	sshll.u32 s5, $0x4;
	s30 =	sadd.s32 s29, s6;
	s31 =	sadd.s32 s29, s3  }
0xc: {  	s14 =	sor.u32 $0xFFFFFFE0, s14;
	s26 =	sshll.u32 s9, $0x4;
	[dreg:$0x6] =	wrdreg s30  }
0xd: {  	s25 =	sshrl.u32 s8, $0x1;
	[dreg:$0x7] =	wrdreg s31;
	s10 =	sadd.s32 s3, s26  }
0xe: {  	s7 =	ssub.s32 s8, s25;
	s8 =	sadd.s32 s6, s26;
	[dreg:$0x3] =	wrdreg s10  }
0xf: {  	s0 =	sadd.s32 s28, s0;
	[dreg:$0x4] =	wrdreg s8;
	s7 =	smax.u32 s7, $0x1  }
0x10: {  	s9 =	sadd.s32 $0xAFC00, s0;
	s10 =	sadd.s32 $0x32C00, s0;
	[dreg:$0x5] =	wrdreg s7  }
.LBB2_1:
0x11: {  	s0 =	rddreg [dreg:$0x3]  }
0x12: {  	[tilespmem:s2], [sflag:$0x9] =	stream.linear.gather [hbm4b:s0+s2], $0x80, $0x38;
	[tilespmem:$0x10200] =	vst v63  }
0x13: {  	_ =	swait.ge [sflag:s15], $0x80  }
0x14: {  	[sflag:s15] =	ssyncset.done $0x0  }
0x15: {  	s3 =	simm.s32 $0x80;
	s13 =	rddreg [dreg:$0x4];
	[sflag:s15] =	ssyncadd.s32 $0xFFFFFF80  }
0x16: {  	[tilespmem:s3], [sflag:$0x9] =	stream.linear.gather [hbm4b:s13+s2], $0x80, $0x38;
	[tilespmem:$0x10200] =	vst v63  }
0x17: {  	_ =	swait.ge [sflag:s15], $0x80  }
0x18: {  	[sflag:s15] =	ssyncset.done $0x0  }
0x19: {  	p2 =	sgt.u32 s14, $0xF9;
	[sflag:s15] =	ssyncadd.s32 $0xFFFFFF80  }
0x1a: {  	[tilespmem:s17], [sflag:$0x1] =	stream.indirect.gather [hbm4b:s1+s3], $0x80, s3, s3, $0xb8;
	[tilespmem:$0x10200] =	vst v63  }
0x1b: {  	s0 =	simm.s32 @!p2 $0x7  }
0x1c: {  	[tilespmem:s18], [sflag:$0x2] =	stream.indirect.gather [hbm4b:s4+s3], $0x80, s2, s3, $0xb8;
	[tilespmem:$0x10200] =	vst v63  }
0x1d: {  	_ =	swait.ge @!p2 [sflag:s0], $0x4000  }
0x1e: {  	s16 =	sadd.s32 s14, s5;
	[sflag:s0] =	ssyncset.done @!p2 $0x0  }
0x1f: {  	s6 =	sadd.s32 $0x40, s16;
	s7 =	simm.s32 @!p2 $0x8;
	[sflag:s0] =	ssyncadd.s32 @!p2 $0xFFFFC000  }
0x20: {  	p1 =	sgt.u32 s6, $0xF9;
	_ =	swait.ge @!p2 [sflag:s7], $0x4000  }
0x21: {  	s25 =	simm.s32 @!p1 $0x0;
	s13 =	rddreg [dreg:$0x7]  }
0x22: {  	s6 =	simm.s32 @!p1 $0x8100;
	[sflag:s7] =	ssyncset.done @!p2 $0x0;
	s0 =	sadd.s32 @!p1 s13, s11  }
0x23: {  	[sflag:s7] =	ssyncadd.s32 @!p2 $0xFFFFC000;
	s7 =	simm.s32 @!p1 $0x9;
	s0 =	sadd.s32 @!p1 $0x200, s0  }
0x24: {  	[tilespmem:s6], [sflag:$0x9] =	stream.linear.gather @!p1 [hbm4b:s0+s25], $0x80, $0x38;
	[tilespmem:$0x10200] =	vst v63  }
0x25: {  	_ =	swait.ge @!p1 [sflag:s7], $0x80  }
0x26: {  	s12 =	rddreg [dreg:$0x6]  }
0x27: {  	[sflag:s7] =	ssyncset.done @!p1 $0x0;
	s0 =	sadd.s32 @!p1 s12, s11  }
0x28: {  	s8 =	simm.s32 @!p1 $0x8180;
	[sflag:s7] =	ssyncadd.s32 @!p1 $0xFFFFFF80;
	s0 =	sadd.s32 @!p1 $0x200, s0  }
0x29: {  	[tilespmem:s8], [sflag:$0x9] =	stream.linear.gather @!p1 [hbm4b:s0+s25], $0x80, $0x38;
	[tilespmem:$0x10200] =	vst v63  }
0x2a: {  	_ =	swait.ge @!p1 [sflag:s7], $0x80  }
0x2b: {  	[sflag:s7] =	ssyncset.done @!p1 $0x0  }
0x2c: {  	s24 =	simm.s32 @!p1 $0x80;
	s0 =	simm.s32 @!p1 $0x8200;
	[sflag:s7] =	ssyncadd.s32 @!p1 $0xFFFFFF80  }
0x2d: {  	[tilespmem:s0], [sflag:$0x5] =	stream.indirect.gather @!p1 [hbm4b:s1+s24], $0x80, s8, s24, $0xb8;
	[tilespmem:$0x10200] =	vst v63  }
0x2e: {  	s31 =	simm.s32 @!p1 $0xC200  }
0x2f: {  	[tilespmem:s31], [sflag:$0x6] =	stream.indirect.gather @!p1 [hbm4b:s4+s24], $0x80, s6, s24, $0xb8;
	[tilespmem:$0x10200] =	vst v63  }
0x30: {  	_ =	swait.ge [sflag:s19], $0x4000  }
0x31: {  	[sflag:s19] =	ssyncset.done $0x0  }
0x32: {  	[sflag:s19] =	ssyncadd.s32 $0xFFFFC000  }
0x33: {  	_ =	swait.ge [sflag:s20], $0x4000  }
0x34: {  	[sflag:s20] =	ssyncset.done $0x0  }
0x35: {  	s24 =	sadd.s32 $0x0, s10;
	[sflag:s20] =	ssyncadd.s32 $0xFFFFC000  }
0x36: {  	[hbm4b:s24+s2] =	stream.linear.scatter [tilespmem:s17], [sflag:$0x3], $0x4000, $0x38;
	[tilespmem:$0x10200] =	vst v63  }
0x37: {  	s26 =	sadd.s32 $0x0, s9  }
0x38: {  	[hbm4b:s26+s2] =	stream.linear.scatter [tilespmem:s18], [sflag:$0x4], $0x4000, $0x38;
	[tilespmem:$0x10200] =	vst v63  }
0x39: {  	_ =	swait.ge [sflag:s21], $0x4000  }
0x3a: {  	s3 =	sadd.s32 $0x60, s16;
	[sflag:s21] =	ssyncset.done $0x0  }
0x3b: {  	p2 =	sgt.u32 s3, $0xF9;
	[sflag:s21] =	ssyncadd.s32 $0xFFFFC000  }
0x3c: {  	s3 =	sadd.s32 @!p2 s13, s11;
	_ =	swait.ge [sflag:s22], $0x4000  }
0x3d: {  	s3 =	sadd.s32 @!p2 $0x400, s3;
	[sflag:s22] =	ssyncset.done $0x0  }
0x3e: {  	s7 =	simm.s32 @!p2 $0x9;
	s6 =	simm.s32 @!p2 $0x0;
	[sflag:s22] =	ssyncadd.s32 $0xFFFFC000  }
0x3f: {  	[tilespmem:s6], [sflag:$0x9] =	stream.linear.gather @!p2 [hbm4b:s3+s6], $0x80, $0x38;
	[tilespmem:$0x10200] =	vst v63  }
0x40: {  	_ =	swait.ge @!p2 [sflag:s7], $0x80  }
0x41: {  	s3 =	sadd.s32 @!p2 s12, s11;
	[sflag:s7] =	ssyncset.done @!p2 $0x0  }
0x42: {  	s8 =	simm.s32 @!p2 $0x80;
	s3 =	sadd.s32 @!p2 $0x400, s3;
	[sflag:s7] =	ssyncadd.s32 @!p2 $0xFFFFFF80  }
0x43: {  	[tilespmem:s8], [sflag:$0x9] =	stream.linear.gather @!p2 [hbm4b:s3+s6], $0x80, $0x38;
	[tilespmem:$0x10200] =	vst v63  }
0x44: {  	_ =	swait.ge @!p2 [sflag:s7], $0x80  }
0x45: {  	[sflag:s7] =	ssyncset.done @!p2 $0x0  }
0x46: {  	s3 =	simm.s32 @!p2 $0x100;
	[sflag:s7] =	ssyncadd.s32 @!p2 $0xFFFFFF80  }
0x47: {  	[tilespmem:s3], [sflag:$0x1] =	stream.indirect.gather @!p2 [hbm4b:s1+s8], $0x80, s8, s8, $0xb8;
	[tilespmem:$0x10200] =	vst v63  }
0x48: {  	s7 =	simm.s32 @!p1 $0x5;
	s3 =	simm.s32 @!p2 $0x4100  }
0x49: {  	[tilespmem:s3], [sflag:$0x2] =	stream.indirect.gather @!p2 [hbm4b:s4+s8], $0x80, s6, s8, $0xb8;
	[tilespmem:$0x10200] =	vst v63  }
0x4a: {  	s30 =	sadd.s32 $0x40, s14;
	_ =	swait.ge @!p1 [sflag:s7], $0x4000  }
0x4b: {  	s29 =	simm.s32 $0x40000;
	p3 =	sgt.u32 s30, $0xF9;
	[sflag:s7] =	ssyncset.done @!p1 $0x0  }
0x4c: {  	s28 =	sadd.s32 $0x400, s13;
	s8 =	simm.s32 @!p1 $0x6;
	[sflag:s7] =	ssyncadd.s32 @!p1 $0xFFFFC000  }
0x4d: {  	s24 =	simm.s32 $0x20000;
	s26 =	sadd.s32 $0x400, s12;
	_ =	swait.ge @!p1 [sflag:s8], $0x4000  }
0x4e: {  	s3 =	sadd.s32 @!p1 $0x0, s10;
	s6 =	sadd.s32 @!p1 $0x0, s9;
	[sflag:s8] =	ssyncset.done @!p1 $0x0  }
0x4f: {  	s3 =	sadd.s32 @!p1 $0x10000, s3;
	s6 =	sadd.s32 @!p1 $0x10000, s6;
	[sflag:s8] =	ssyncadd.s32 @!p1 $0xFFFFC000  }
.LBB2_2:
0x50: {  	[hbm4b:s3+s25] =	stream.linear.scatter @!p1 [tilespmem:s0], [sflag:$0x7], $0x4000, $0x38;
	[tilespmem:$0x10200] =	vst v63  }
0x51: {  	s0 =	simm.s32 @!p3 $0x7;
	s7 =	smov.u32 s29;
	s29 =	sadd.s32 $0x20000, s29  }
0x52: {  	[hbm4b:s6+s25] =	stream.linear.scatter @!p1 [tilespmem:s31], [sflag:$0x8], $0x4000, $0x38;
	[tilespmem:$0x10200] =	vst v63  }
0x53: {  	s3 =	sadd.s32 s30, s5;
	p2 =	sne.s32 s29, $0x80000;
	_ =	swait.ge @!p3 [sflag:s0], $0x4000  }
0x54: {  	s8 =	sadd.s32 $0x40, s3;
	s6 =	simm.s32 @!p3 $0x8;
	[sflag:s0] =	ssyncset.done @!p3 $0x0  }
0x55: {  	p1 =	sgt.u32 s8, $0xF9;
	s8 =	sadd.s32 $0x60, s3;
	[sflag:s0] =	ssyncadd.s32 @!p3 $0xFFFFC000  }
0x56: {  	s25 =	simm.s32 @!p1 $0x0;
	s0 =	sadd.s32 @!p1 s28, s11;
	_ =	swait.ge @!p3 [sflag:s6], $0x4000  }
0x57: {  	s16 =	simm.s32 @!p1 $0x8100;
	s0 =	sadd.s32 @!p1 $0x200, s0;
	[sflag:s6] =	ssyncset.done @!p3 $0x0  }
0x58: {  	s31 =	simm.s32 @!p1 $0x9;
	s3 =	sadd.s32 @!p1 s26, s11;
	[sflag:s6] =	ssyncadd.s32 @!p3 $0xFFFFC000  }
0x59: {  	[tilespmem:s16], [sflag:$0x9] =	stream.linear.gather @!p1 [hbm4b:s0+s25], $0x80, $0x38;
	[tilespmem:$0x10200] =	vst v63  }
0x5a: {  	s0 =	sadd.s32 @!p1 $0x200, s3;
	s3 =	sadd.s32 @!p1 s24, s10;
	_ =	swait.ge @!p1 [sflag:s31], $0x80  }
0x5b: {  	s12 =	simm.s32 @!p1 $0x8180;
	s3 =	sadd.s32 @!p1 $0x10000, s3;
	[sflag:s31] =	ssyncset.done @!p1 $0x0  }
0x5c: {  	s6 =	sadd.s32 @!p1 s24, s9;
	[sflag:s31] =	ssyncadd.s32 @!p1 $0xFFFFFF80  }
0x5d: {  	[tilespmem:s12], [sflag:$0x9] =	stream.linear.gather @!p1 [hbm4b:s0+s25], $0x80, $0x38;
	[tilespmem:$0x10200] =	vst v63  }
0x5e: {  	s6 =	sadd.s32 @!p1 $0x10000, s6;
	_ =	swait.ge @!p1 [sflag:s31], $0x80  }
0x5f: {  	s13 =	simm.s32 @!p1 $0x80;
	s0 =	simm.s32 @!p1 $0x8200;
	[sflag:s31] =	ssyncset.done @!p1 $0x0  }
0x60: {  	[sflag:s31] =	ssyncadd.s32 @!p1 $0xFFFFFF80;
	s31 =	simm.s32 @!p1 $0xC200  }
0x61: {  	[tilespmem:s0], [sflag:$0x5] =	stream.indirect.gather @!p1 [hbm4b:s1+s13], $0x80, s12, s13, $0xb8;
	[tilespmem:$0x10200] =	vst v63  }
0x62: {  	_ = 	snop  }
0x63: {  	[tilespmem:s31], [sflag:$0x6] =	stream.indirect.gather @!p1 [hbm4b:s4+s13], $0x80, s16, s13, $0xb8;
	[tilespmem:$0x10200] =	vst v63  }
0x64: {  	_ =	swait.ge [sflag:s19], $0x4000  }
0x65: {  	[sflag:s19] =	ssyncset.done $0x0  }
0x66: {  	[sflag:s19] =	ssyncadd.s32 $0xFFFFC000  }
0x67: {  	_ =	swait.ge [sflag:s20], $0x4000  }
0x68: {  	s12 =	sadd.s32 s24, s10;
	[sflag:s20] =	ssyncset.done $0x0  }
0x69: {  	s13 =	sadd.s32 s24, s9;
	s24 =	smov.u32 s7;
	[sflag:s20] =	ssyncadd.s32 $0xFFFFC000  }
0x6a: {  	[hbm4b:s12+s2] =	stream.linear.scatter [tilespmem:s17], [sflag:$0x3], $0x4000, $0x38;
	[tilespmem:$0x10200] =	vst v63  }
0x6b: {  	_ = 	snop  }
0x6c: {  	[hbm4b:s13+s2] =	stream.linear.scatter [tilespmem:s18], [sflag:$0x4], $0x4000, $0x38;
	[tilespmem:$0x10200] =	vst v63  }
0x6d: {  	_ =	swait.ge [sflag:s21], $0x4000  }
0x6e: {  	[sflag:s21] =	ssyncset.done $0x0  }
0x6f: {  	p3 =	sgt.u32 s8, $0xF9;
	[sflag:s21] =	ssyncadd.s32 $0xFFFFC000  }
0x70: {  	s8 =	sadd.s32 @!p3 s26, s11;
	s7 =	sadd.s32 @!p3 s28, s11;
	_ =	swait.ge [sflag:s22], $0x4000  }
0x71: {  	s7 =	sadd.s32 @!p3 $0x400, s7;
	s12 =	simm.s32 @!p3 $0x0;
	[sflag:s22] =	ssyncset.done $0x0  }
0x72: {  	s8 =	sadd.s32 @!p3 $0x400, s8;
	s13 =	simm.s32 @!p3 $0x9;
	[sflag:s22] =	ssyncadd.s32 $0xFFFFC000  }
0x73: {  	[tilespmem:s12], [sflag:$0x9] =	stream.linear.gather @!p3 [hbm4b:s7+s12], $0x80, $0x38;
	[tilespmem:$0x10200] =	vst v63  }
0x74: {  	_ =	swait.ge @!p3 [sflag:s13], $0x80  }
0x75: {  	s7 =	simm.s32 @!p3 $0x80;
	[sflag:s13] =	ssyncset.done @!p3 $0x0  }
0x76: {  	[sflag:s13] =	ssyncadd.s32 @!p3 $0xFFFFFF80  }
0x77: {  	[tilespmem:s7], [sflag:$0x9] =	stream.linear.gather @!p3 [hbm4b:s8+s12], $0x80, $0x38;
	[tilespmem:$0x10200] =	vst v63  }
0x78: {  	_ =	swait.ge @!p3 [sflag:s13], $0x80  }
0x79: {  	s8 =	simm.s32 @!p3 $0x100;
	[sflag:s13] =	ssyncset.done @!p3 $0x0  }
0x7a: {  	[sflag:s13] =	ssyncadd.s32 @!p3 $0xFFFFFF80;
	s13 =	simm.s32 @!p3 $0x4100  }
0x7b: {  	[tilespmem:s8], [sflag:$0x1] =	stream.indirect.gather @!p3 [hbm4b:s1+s7], $0x80, s7, s7, $0xb8;
	[tilespmem:$0x10200] =	vst v63  }
0x7c: {  	s8 =	simm.s32 @!p1 $0x5  }
0x7d: {  	[tilespmem:s13], [sflag:$0x2] =	stream.indirect.gather @!p3 [hbm4b:s4+s7], $0x80, s12, s7, $0xb8;
	[tilespmem:$0x10200] =	vst v63  }
0x7e: {  	_ =	swait.ge @!p1 [sflag:s8], $0x4000  }
.Ltmp0:
0x7f: {  	s7 =	simm.s32 @!p1 $0x6;
	[sflag:s8] =	ssyncset.done @!p1 $0x0;
	(pc) =	sbr.rel @p2 .LBB2_2-.Ltmp0, $4  }
0x80: {  	[sflag:s8] =	ssyncadd.s32 @!p1 $0xFFFFC000  }
0x81: {  	s30 =	sadd.s32 $0x40, s30;
	_ =	swait.ge @!p1 [sflag:s7], $0x4000  }
0x82: {  	p3 =	sgt.u32 s30, $0xF9;
	[sflag:s7] =	ssyncset.done @!p1 $0x0  }
0x83: {  	s26 =	sadd.s32 $0x400, s26;
	s28 =	sadd.s32 $0x400, s28;
	[sflag:s7] =	ssyncadd.s32 @!p1 $0xFFFFC000  }
0x84: {  	[hbm4b:s3+s25] =	stream.linear.scatter @!p1 [tilespmem:s0], [sflag:$0x7], $0x4000, $0x38;
	[tilespmem:$0x10200] =	vst v63  }
0x85: {  	s0 =	simm.s32 @!p3 $0x7  }
0x86: {  	[hbm4b:s6+s25] =	stream.linear.scatter @!p1 [tilespmem:s31], [sflag:$0x8], $0x4000, $0x38;
	[tilespmem:$0x10200] =	vst v63  }
0x87: {  	s16 =	sadd.s32 s30, s5;
	_ =	swait.ge @!p3 [sflag:s0], $0x4000  }
0x88: {  	s25 =	sadd.s32 $0x40, s16;
	[sflag:s0] =	ssyncset.done @!p3 $0x0  }
0x89: {  	s7 =	simm.s32 @!p3 $0x8;
	p1 =	sgt.u32 s25, $0xF9;
	[sflag:s0] =	ssyncadd.s32 @!p3 $0xFFFFC000  }
0x8a: {  	s6 =	sadd.s32 @!p1 s28, s11;
	_ =	swait.ge @!p3 [sflag:s7], $0x4000  }
0x8b: {  	s8 =	simm.s32 @!p1 $0x8100;
	s0 =	simm.s32 @!p1 $0x0;
	[sflag:s7] =	ssyncset.done @!p3 $0x0  }
0x8c: {  	s6 =	sadd.s32 @!p1 $0x200, s6;
	[sflag:s7] =	ssyncadd.s32 @!p3 $0xFFFFC000;
	s7 =	simm.s32 @!p1 $0x9  }
0x8d: {  	[tilespmem:s8], [sflag:$0x9] =	stream.linear.gather @!p1 [hbm4b:s6+s0], $0x80, $0x38;
	[tilespmem:$0x10200] =	vst v63  }
0x8e: {  	_ =	swait.ge @!p1 [sflag:s7], $0x80  }
0x8f: {  	s6 =	sadd.s32 @!p1 s26, s11;
	[sflag:s7] =	ssyncset.done @!p1 $0x0  }
0x90: {  	s12 =	simm.s32 @!p1 $0x8180;
	s6 =	sadd.s32 @!p1 $0x200, s6;
	[sflag:s7] =	ssyncadd.s32 @!p1 $0xFFFFFF80  }
0x91: {  	[tilespmem:s12], [sflag:$0x9] =	stream.linear.gather @!p1 [hbm4b:s6+s0], $0x80, $0x38;
	[tilespmem:$0x10200] =	vst v63  }
0x92: {  	_ =	swait.ge @!p1 [sflag:s7], $0x80  }
0x93: {  	[sflag:s7] =	ssyncset.done @!p1 $0x0  }
0x94: {  	s6 =	simm.s32 @!p1 $0x80;
	[sflag:s7] =	ssyncadd.s32 @!p1 $0xFFFFFF80;
	s7 =	simm.s32 @!p1 $0x8200  }
0x95: {  	[tilespmem:s7], [sflag:$0x5] =	stream.indirect.gather @!p1 [hbm4b:s1+s6], $0x80, s12, s6, $0xb8;
	[tilespmem:$0x10200] =	vst v63  }
0x96: {  	s12 =	simm.s32 @!p1 $0xC200  }
0x97: {  	[tilespmem:s12], [sflag:$0x6] =	stream.indirect.gather @!p1 [hbm4b:s4+s6], $0x80, s8, s6, $0xb8;
	[tilespmem:$0x10200] =	vst v63  }
0x98: {  	_ =	swait.ge [sflag:s19], $0x4000  }
0x99: {  	[sflag:s19] =	ssyncset.done $0x0  }
0x9a: {  	[sflag:s19] =	ssyncadd.s32 $0xFFFFC000  }
0x9b: {  	_ =	swait.ge [sflag:s20], $0x4000  }
0x9c: {  	[sflag:s20] =	ssyncset.done $0x0  }
0x9d: {  	s29 =	sadd.s32 s24, s10;
	[sflag:s20] =	ssyncadd.s32 $0xFFFFC000  }
0x9e: {  	[hbm4b:s29+s2] =	stream.linear.scatter [tilespmem:s17], [sflag:$0x3], $0x4000, $0x38;
	[tilespmem:$0x10200] =	vst v63  }
0x9f: {  	s30 =	sadd.s32 s24, s9  }
0xa0: {  	[hbm4b:s30+s2] =	stream.linear.scatter [tilespmem:s18], [sflag:$0x4], $0x4000, $0x38;
	[tilespmem:$0x10200] =	vst v63  }
0xa1: {  	_ =	swait.ge [sflag:s21], $0x4000  }
0xa2: {  	s3 =	sadd.s32 $0x60, s16;
	[sflag:s21] =	ssyncset.done $0x0  }
0xa3: {  	p2 =	sgt.u32 s3, $0xF9;
	[sflag:s21] =	ssyncadd.s32 $0xFFFFC000  }
0xa4: {  	s3 =	sadd.s32 @!p2 s28, s11;
	_ =	swait.ge [sflag:s22], $0x4000  }
0xa5: {  	s3 =	sadd.s32 @!p2 $0x400, s3;
	[sflag:s22] =	ssyncset.done $0x0  }
0xa6: {  	s6 =	simm.s32 @!p2 $0x0;
	s8 =	simm.s32 @!p2 $0x9;
	[sflag:s22] =	ssyncadd.s32 $0xFFFFC000  }
0xa7: {  	[tilespmem:s6], [sflag:$0x9] =	stream.linear.gather @!p2 [hbm4b:s3+s6], $0x80, $0x38;
	[tilespmem:$0x10200] =	vst v63  }
0xa8: {  	_ =	swait.ge @!p2 [sflag:s8], $0x80  }
0xa9: {  	s3 =	sadd.s32 @!p2 s26, s11;
	[sflag:s8] =	ssyncset.done @!p2 $0x0  }
0xaa: {  	s13 =	simm.s32 @!p2 $0x80;
	s3 =	sadd.s32 @!p2 $0x400, s3;
	[sflag:s8] =	ssyncadd.s32 @!p2 $0xFFFFFF80  }
0xab: {  	[tilespmem:s13], [sflag:$0x9] =	stream.linear.gather @!p2 [hbm4b:s3+s6], $0x80, $0x38;
	[tilespmem:$0x10200] =	vst v63  }
0xac: {  	_ =	swait.ge @!p2 [sflag:s8], $0x80  }
0xad: {  	[sflag:s8] =	ssyncset.done @!p2 $0x0  }
0xae: {  	s3 =	simm.s32 @!p2 $0x100;
	[sflag:s8] =	ssyncadd.s32 @!p2 $0xFFFFFF80  }
0xaf: {  	[tilespmem:s3], [sflag:$0x1] =	stream.indirect.gather @!p2 [hbm4b:s1+s13], $0x80, s13, s13, $0xb8;
	[tilespmem:$0x10200] =	vst v63  }
0xb0: {  	s3 =	simm.s32 @!p2 $0x4100  }
0xb1: {  	[tilespmem:s3], [sflag:$0x2] =	stream.indirect.gather @!p2 [hbm4b:s4+s13], $0x80, s6, s13, $0xb8;
	[tilespmem:$0x10200] =	vst v63  }
0xb2: {  	s3 =	simm.s32 @!p1 $0x5  }
0xb3: {  	_ =	swait.ge @!p1 [sflag:s3], $0x4000  }
0xb4: {  	[sflag:s3] =	ssyncset.done @!p1 $0x0  }
0xb5: {  	s6 =	simm.s32 @!p1 $0x6;
	[sflag:s3] =	ssyncadd.s32 @!p1 $0xFFFFC000  }
0xb6: {  	_ =	swait.ge @!p1 [sflag:s6], $0x4000  }
0xb7: {  	s3 =	sadd.s32 @!p1 s24, s10;
	[sflag:s6] =	ssyncset.done @!p1 $0x0  }
0xb8: {  	s3 =	sadd.s32 @!p1 $0x10000, s3;
	[sflag:s6] =	ssyncadd.s32 @!p1 $0xFFFFC000  }
0xb9: {  	[hbm4b:s3+s0] =	stream.linear.scatter @!p1 [tilespmem:s7], [sflag:$0x7], $0x4000, $0x38;
	[tilespmem:$0x10200] =	vst v63  }
0xba: {  	s3 =	sadd.s32 @!p1 s24, s9  }
0xbb: {  	s3 =	sadd.s32 @!p1 $0x10000, s3  }
0xbc: {  	[hbm4b:s3+s0] =	stream.linear.scatter @!p1 [tilespmem:s12], [sflag:$0x8], $0x4000, $0x38;
	[tilespmem:$0x10200] =	vst v63  }
0xbd: {  	s0 =	simm.s32 @!p0 $0x7  }
0xbe: {  	_ =	swait.ge @!p0 [sflag:s0], $0x4000  }
0xbf: {  	[sflag:s0] =	ssyncset.done @!p0 $0x0  }
0xc0: {  	[sflag:s0] =	ssyncadd.s32 @!p0 $0xFFFFC000;
	s0 =	simm.s32 @!p0 $0x8  }
0xc1: {  	_ =	swait.ge @!p0 [sflag:s0], $0x4000  }
0xc2: {  	s23 =	sadd.s32 $0x1, s23;
	s31 =	rddreg [dreg:$0x5]  }
0xc3: {  	p1 =	sne.s32 s23, s31  }
.Ltmp1:
0xc4: {  	_ = 	snop;
	(pc) =	sbr.rel @p1 .LBB2_1-.Ltmp1, $3  }
0xc5: {  	_ =	sdelay $0x1  }
0xc6: {  	[sflag:s0] =	ssyncset.done @!p0 $0x0  }
0xc7: {  	[sflag:s0] =	ssyncadd.s32 @!p0 $0xFFFFC000  }
0xc8: {  	_ =	sfence.sel $0x180000  }
0xc9: {  	[bflag:$0x0] =	sbarrier.arrive $0xFFFF  }
0xca: {  	_ =	strace $0x90000047  }
0xcb: {  	s0 =	stileid.u32;
	[bflag:$0x2] =	sbarrier.arrive $0xFFFF  }
0xcc: {  	p0 =	sne.s32 s0, $0x0;
	s0 =	rddreg [dreg:$0x2]  }
0xcd: {  	s0 =	sadd.s32 @!p0 $0x100000, s0  }
0xce: {  	[sflag:s0] =	ssyncadd.tile.s32 @!p0 $0x1;
	_ =	shalt  }
.Lfunc_end2:
_tile_overlayer_lowered:
.L_overlay_start_2:
0xcf: {  	(tag) =	ssettag $0x2  }
0xd0: {  	s0 =	rddreg [dreg:$0x0];
	s2 =	stileid.u32  }
0xd1: {  	s1 =	rddreg [dreg:$0x1];
	p0 =	sne.s32 s2, $0x0  }
0xd2: {  	s3 =	rddreg [dreg:$0x2];
	[bflag:$0x3] =	sbarrier.arrive $0xFFFF;
	s2 =	simm.s32 @!p0 $0x1C09  }
0xd3: {  	[timem:s3], [sflag:s2] =	dma.local @!p0 [hbm:s0], s1  }
0xd4: {  	s0 =	simm.s32 @!p0 $0x9  }
0xd5: {  	_ =	swait.ge @!p0 [sflag:s0], s1  }
0xd6: {  	s1 =	ssub.s32 @!p0 $0x0, s1;
	[sflag:s0] =	ssyncset.done @!p0 $0x0  }
0xd7: {  	[sflag:s0] =	ssyncadd.s32 @!p0 s1  }
0xd8: {  	[bflag:$0x3] =	sbarrier.arrive $0xFFFF  }
0xd9: {  	_ =	shalt  }

</sc_bundles>
